<compile_context>
chip_gen: v7x
topology: tpu7x:2x2x1
jax: 0.10.2.dev20260603
libtpu: 0.0.44.dev20260713+nightly
codegen_flags: <defaults>
</compile_context>

<pallas_src>
import jax
import jax.numpy as jnp
from jax import lax
from jax.experimental import pallas as pl
from jax.experimental.pallas import tpu as pltpu
from jax.experimental.pallas import tpu_sc as plsc

N = 10000
NS = 10000
E = 160000
ECG = 160000
D = 256
DE = 16
DEO = 128
DU = 64
DA = 64
B = 4

BM = 2000
BE = 2000
DAP = 128


def _proj_body(x_ref, xs_ref, wcat_ref, wk_ref, xcat_ref, k_ref):
    xcat_ref[...] = jnp.dot(x_ref[...], wcat_ref[...],
                            preferred_element_type=jnp.float32)
    k_ref[...] = jnp.dot(xs_ref[...], wk_ref[...],
                         preferred_element_type=jnp.float32)


def _proj(x, x_src, Wqp, Wkp):
    return pl.pallas_call(
        _proj_body,
        grid=(N // BM,),
        in_specs=[
            pl.BlockSpec((BM, D), lambda i: (i, 0)),
            pl.BlockSpec((BM, D), lambda i: (i, 0)),
            pl.BlockSpec((D, DAP), lambda i: (0, 0)),
            pl.BlockSpec((D, DAP), lambda i: (0, 0)),
        ],
        out_specs=[
            pl.BlockSpec((BM, DAP), lambda i: (i, 0)),
            pl.BlockSpec((BM, DAP), lambda i: (i, 0)),
        ],
        out_shape=[
            jax.ShapeDtypeStruct((N, DAP), jnp.float32),
            jax.ShapeDtypeStruct((NS, DAP), jnp.float32),
        ],
    )(x, x_src, Wqp, Wkp)


def _tables_body(x_ref, w_ref, a_ref, un_ref, un2_ref,
                 pr_ref, pc_ref, pn_ref):
    xcat = jnp.dot(x_ref[...], w_ref[...],
                   preferred_element_type=jnp.float32)
    av = a_ref[...]
    pr_ref[...] = av * xcat[:, :D] + un_ref[...]
    pc_ref[...] = av * xcat[:, D:2 * D]
    pn_ref[...] = av * xcat[:, 2 * D:] + un2_ref[...]


def _tables(x, Wcat, A, Un, Un2):
    spec = pl.BlockSpec((BM, D), lambda i: (i, 0))
    return pl.pallas_call(
        _tables_body,
        grid=(N // BM,),
        in_specs=[
            spec,
            pl.BlockSpec((D, 3 * D), lambda i: (0, 0)),
            spec,
            spec,
            spec,
        ],
        out_specs=[spec] * 3,
        out_shape=[jax.ShapeDtypeStruct((N, D), jnp.float32)] * 3,
    )(x, Wcat, A, Un, Un2)


def _edge_body(g_ref, ea_ref, we1e_ref, we2_ref, be2_ref, out_ref):
    h = g_ref[...] + jnp.dot(ea_ref[...], we1e_ref[...],
                             preferred_element_type=jnp.float32)
    h = jnp.maximum(h, 0.0)
    out_ref[...] = jnp.dot(h, we2_ref[...],
                           preferred_element_type=jnp.float32) + be2_ref[...]


def _edge_mlp(G, edge_attr, We1e, We2, be2row):
    return pl.pallas_call(
        _edge_body,
        grid=(E // BE,),
        in_specs=[
            pl.BlockSpec((BE, D), lambda i: (i, 0)),
            pl.BlockSpec((BE, DE), lambda i: (i, 0)),
            pl.BlockSpec((DE, D), lambda i: (0, 0)),
            pl.BlockSpec((D, DEO), lambda i: (0, 0)),
            pl.BlockSpec((1, DEO), lambda i: (0, 0)),
        ],
        out_specs=pl.BlockSpec((BE, DEO), lambda i: (i, 0)),
        out_shape=jax.ShapeDtypeStruct((E, DEO), jnp.float32),
    )(G, edge_attr, We1e, We2, be2row)


def _node_body(pn_ref, aggm_ref, wn1a_ref, wn2_ref, bn2_ref, bh_ref,
               u_ref, wg1p_ref, wg1u_ref, bg1_ref, wg2_ref, bg2_ref,
               pcinv_ref, xout_ref, uout_ref, psum_scr):
    i = pl.program_id(0)
    npre = pn_ref[...] + jnp.dot(aggm_ref[...], wn1a_ref[...],
                                 preferred_element_type=jnp.float32)
    h = jnp.maximum(npre, 0.0)
    xout = jnp.dot(h, wn2_ref[...],
                   preferred_element_type=jnp.float32) + bn2_ref[...]
    xout_ref[...] = xout

    part = lax.dot_general(bh_ref[...], xout, (((0,), (0,)), ((), ())),
                           preferred_element_type=jnp.float32)

    @pl.when(i == 0)
    def _init():
        psum_scr[...] = jnp.zeros_like(psum_scr)

    psum_scr[:B, :] += part

    @pl.when(i == pl.num_programs(0) - 1)
    def _fin():
        pool = psum_scr[:B, :] * pcinv_ref[...]
        h2 = jnp.dot(pool, wg1p_ref[...], preferred_element_type=jnp.float32)
        h2 = h2 + jnp.dot(u_ref[...], wg1u_ref[...],
                          preferred_element_type=jnp.float32) + bg1_ref[...]
        h2 = jnp.maximum(h2, 0.0)
        uout_ref[...] = jnp.dot(h2, wg2_ref[...],
                                preferred_element_type=jnp.float32) + bg2_ref[...]


def _node_global(Pn, AggM, Wn1a, Wn2, bn2row, Bh, u, Wg1p, Wg1u, bg1row,
                 Wg2, bg2row, PcInv):
    return pl.pallas_call(
        _node_body,
        grid=(N // BM,),
        in_specs=[
            pl.BlockSpec((BM, D), lambda i: (i, 0)),
            pl.BlockSpec((BM, DEO), lambda i: (i, 0)),
            pl.BlockSpec((DEO, D), lambda i: (0, 0)),
            pl.BlockSpec((D, D), lambda i: (0, 0)),
            pl.BlockSpec((1, D), lambda i: (0, 0)),
            pl.BlockSpec((BM, B), lambda i: (i, 0)),
            pl.BlockSpec((B, DU), lambda i: (0, 0)),
            pl.BlockSpec((D, 128), lambda i: (0, 0)),
            pl.BlockSpec((DU, 128), lambda i: (0, 0)),
            pl.BlockSpec((1, 128), lambda i: (0, 0)),
            pl.BlockSpec((128, DU), lambda i: (0, 0)),
            pl.BlockSpec((1, DU), lambda i: (0, 0)),
            pl.BlockSpec((B, D), lambda i: (0, 0)),
        ],
        out_specs=[
            pl.BlockSpec((BM, D), lambda i: (i, 0)),
            pl.BlockSpec((B, DU), lambda i: (0, 0)),
        ],
        out_shape=[
            jax.ShapeDtypeStruct((N, D), jnp.float32),
            jax.ShapeDtypeStruct((B, DU), jnp.float32),
        ],
        scratch_shapes=[pltpu.VMEM((8, D), jnp.float32)],
    )(Pn, AggM, Wn1a, Wn2, bn2row, Bh, u, Wg1p, Wg1u, bg1row, Wg2, bg2row,
      PcInv)


NC = 2
NSUB = 16
NW = NC * NSUB
CG = 128
NCHUNK = E // CG
EPW = E // NW


def _sc_mesh():
    return plsc.VectorSubcoreMesh(core_axis_name="c", subcore_axis_name="s",
                                  num_cores=NC, num_subcores=NSUB)


def _worker_id():
    return lax.axis_index("s") * NC + lax.axis_index("c")


NPAD = 10240
TROWS = NPAD // NSUB


NCH2 = (EPW + CG - 1) // CG
DUP2 = NCH2 * CG - EPW


def _attn_body(q_hbm, k_hbm, ci_hbm, cj_hbm, ssum_hbm, cnt_hbm,
               ci_all, cj_all, ci_m0, ci_m1, qbuf0, kbuf0, qbuf1, kbuf1,
               sbuf, obuf, cbuf, sh_s, sh_c, sem0, sem1):
    core = lax.axis_index("c")
    sid = lax.axis_index("s")
    w = sid * NC + core
    base = w * EPW
    pltpu.sync_copy(ci_hbm.at[pl.ds(base, EPW)], ci_all)
    pltpu.sync_copy(cj_hbm.at[pl.ds(base, EPW)], cj_all)

    def fill(r, _):
        sl = pl.ds(r * 16, 16)
        obuf[sl] = jnp.full((16,), 1.0, jnp.float32)
        cbuf[sl] = jnp.zeros((16,), jnp.float32)
        return 0

    lax.fori_loop(0, CG // 16, fill, 0)

    def zinit(t, _):
        sl = pl.ds(sid * TROWS + t * CG, CG)
        pltpu.sync_copy(cbuf, sh_s.at[sl])
        pltpu.sync_copy(cbuf, sh_c.at[sl])
        return 0

    lax.fori_loop(0, TROWS // CG, zinit, 0)
    plsc.subcore_barrier()

    lanes = jnp.arange(16, dtype=jnp.int32)
    bufs = ((qbuf0, kbuf0, ci_m0, sem0), (qbuf1, kbuf1, ci_m1, sem1))

    def woff(c):
        return jnp.minimum(c * CG, EPW - CG)

    def issue(c, bset):
        qbuf, kbuf, ci_m, sem = bset
        o = woff(c)
        def mkidx(g, _):
            sl = pl.ds(o + g * 16, 16)
            idxv = ci_all[sl]
            dup = (c == NCH2 - 1) & (g * 16 + lanes < DUP2)
            ci_m[pl.ds(g * 16, 16)] = jnp.where(
                dup, jnp.full((16,), NPAD - 1, jnp.int32), idxv)
            return 0

        lax.fori_loop(0, CG // 16, mkidx, 0)
        pltpu.async_copy(q_hbm.at[ci_all.at[pl.ds(o, CG)]], qbuf, sem)
        pltpu.async_copy(k_hbm.at[cj_all.at[pl.ds(o, CG)]], kbuf, sem)

    def finish(c, bset):
        qbuf, kbuf, ci_m, sem = bset
        o = woff(c)
        pltpu.make_async_copy(
            q_hbm.at[ci_all.at[pl.ds(o, CG)]], qbuf, sem).wait()
        pltpu.make_async_copy(
            k_hbm.at[cj_all.at[pl.ds(o, CG)]], kbuf, sem).wait()

        def group(g, _):
            v = jnp.zeros((16,), jnp.float32)
            for j in range(16):
                e = g * 16 + j
                acc = jnp.zeros((16,), jnp.float32)
                for cdim in range(DA // 16):
                    sl = pl.ds(cdim * 16, 16)
                    acc = acc + qbuf[e, sl] * kbuf[e, sl]
                s = jnp.sum(acc)
                v = jnp.where(lanes == j, jnp.full((16,), s), v)
            v = 1.0 / (1.0 + jnp.exp(v * -0.125))
            sbuf[pl.ds(g * 16, 16)] = v
            return 0

        lax.fori_loop(0, CG // 16, group, 0)
        pltpu.sync_copy(sbuf, sh_s.at[ci_m], add=True)
        pltpu.sync_copy(obuf, sh_c.at[ci_m], add=True)

    issue(0, bufs[0])

    def step(t2, _):
        for b in range(2):
            c = t2 * 2 + b

            @pl.when(c < NCH2)
            def _do():
                @pl.when(c + 1 < NCH2)
                def _nxt():
                    issue(c + 1, bufs[1 - b])

                finish(c, bufs[b])

        return 0

    lax.fori_loop(0, (NCH2 + 1) // 2, step, 0)
    plsc.subcore_barrier()

    def out(t, _):
        sl = pl.ds(sid * TROWS + t * CG, CG)
        pltpu.sync_copy(sh_s.at[sl], cbuf)
        pltpu.sync_copy(cbuf, ssum_hbm.at[core, sl])
        pltpu.sync_copy(sh_c.at[sl], cbuf)
        pltpu.sync_copy(cbuf, cnt_hbm.at[core, sl])
        return 0

    lax.fori_loop(0, TROWS // CG, out, 0)


def _attention_sums(q, k, ci, cj):
    call = pl.kernel(
        _attn_body,
        out_type=(jax.ShapeDtypeStruct((NC, NPAD), jnp.float32),
                  jax.ShapeDtypeStruct((NC, NPAD), jnp.float32)),
        mesh=_sc_mesh(),
        compiler_params=pltpu.CompilerParams(needs_layout_passes=False),
        scratch_types=[
            pltpu.VMEM((EPW,), jnp.int32),
            pltpu.VMEM((EPW,), jnp.int32),
            pltpu.VMEM((CG,), jnp.int32),
            pltpu.VMEM((CG,), jnp.int32),
            pltpu.VMEM((CG, DAP), jnp.float32),
            pltpu.VMEM((CG, DAP), jnp.float32),
            pltpu.VMEM((CG, DAP), jnp.float32),
            pltpu.VMEM((CG, DAP), jnp.float32),
            pltpu.VMEM((CG,), jnp.float32),
            pltpu.VMEM((CG,), jnp.float32),
            pltpu.VMEM((CG,), jnp.float32),
            pltpu.VMEM_SHARED((NPAD,), jnp.float32),
            pltpu.VMEM_SHARED((NPAD,), jnp.float32),
            pltpu.SemaphoreType.DMA,
            pltpu.SemaphoreType.DMA,
        ],
    )
    S, C = call(q, k, ci, cj)
    ssum = S[0, :N] + S[1, :N]
    cnt = C[0, :N] + C[1, :N]
    return ssum, cnt


CG4 = 80
NCH4 = (EPW + CG4 - 1) // CG4


def _gather_body(pr_hbm, pc_hbm, row_hbm, col_hbm, g_hbm,
                 ridx_all, cidx_all, rbuf0, cbuf0, rbuf1, cbuf1,
                 sem0, sem1):
    w = _worker_id()
    base = w * EPW
    pltpu.sync_copy(row_hbm.at[pl.ds(base, EPW)], ridx_all)
    pltpu.sync_copy(col_hbm.at[pl.ds(base, EPW)], cidx_all)

    bufs = ((rbuf0, cbuf0, sem0), (rbuf1, cbuf1, sem1))

    def woff(c):
        return jnp.minimum(c * CG4, EPW - CG4)

    def issue(c, bset):
        rbuf, cbuf, sem = bset
        o = woff(c)
        pltpu.async_copy(pr_hbm.at[ridx_all.at[pl.ds(o, CG4)]], rbuf, sem)
        pltpu.async_copy(pc_hbm.at[cidx_all.at[pl.ds(o, CG4)]], cbuf, sem)

    def finish(c, bset):
        rbuf, cbuf, sem = bset
        o = woff(c)
        pltpu.make_async_copy(
            pr_hbm.at[ridx_all.at[pl.ds(o, CG4)]], rbuf, sem).wait()
        pltpu.make_async_copy(
            pc_hbm.at[cidx_all.at[pl.ds(o, CG4)]], cbuf, sem).wait()

        def add_row(r, _):
            for j in range(D // 16):
                sl = pl.ds(j * 16, 16)
                rbuf[r, sl] = rbuf[r, sl] + cbuf[r, sl]
            return 0

        lax.fori_loop(0, CG4, add_row, 0)
        pltpu.sync_copy(rbuf, g_hbm.at[pl.ds(base + o, CG4)])

    issue(0, bufs[0])

    def step(t2, _):
        for b in range(2):
            c = t2 * 2 + b

            @pl.when(c < NCH4)
            def _do():
                @pl.when(c + 1 < NCH4)
                def _nxt():
                    issue(c + 1, bufs[1 - b])

                finish(c, bufs[b])

        return 0

    lax.fori_loop(0, (NCH4 + 1) // 2, step, 0)


def _gather_sum(Pr, Pc, row, col):
    call = pl.kernel(
        _gather_body,
        out_type=jax.ShapeDtypeStruct((E, D), jnp.float32),
        mesh=_sc_mesh(),
        compiler_params=pltpu.CompilerParams(needs_layout_passes=False),
        scratch_types=[
            pltpu.VMEM((EPW,), jnp.int32),
            pltpu.VMEM((EPW,), jnp.int32),
            pltpu.VMEM((CG4, D), jnp.float32),
            pltpu.VMEM((CG4, D), jnp.float32),
            pltpu.VMEM((CG4, D), jnp.float32),
            pltpu.VMEM((CG4, D), jnp.float32),
            pltpu.SemaphoreType.DMA,
            pltpu.SemaphoreType.DMA,
        ],
    )
    return call(Pr, Pc, row, col)


CG6 = 40
NCH6 = EPW // CG6


def _scatter_body(eout_hbm, row_hbm, agg_hbm, ecnt_hbm,
                  ridx0, ridx1, ebuf0, ebuf1, obuf, zbuf, cbuf,
                  sh_agg, sh_cnt, sem0, sem1):
    core = lax.axis_index("c")
    sid = lax.axis_index("s")
    w = sid * NC + core
    base = w * EPW

    def zrow(r, _):
        for j in range(DEO // 16):
            zbuf[r, pl.ds(j * 16, 16)] = jnp.zeros((16,), jnp.float32)
        return 0

    lax.fori_loop(0, 128, zrow, 0)

    def fillc(r, _):
        cbuf[pl.ds(r * 16, 16)] = jnp.zeros((16,), jnp.float32)
        return 0

    lax.fori_loop(0, 8, fillc, 0)

    def zinit(t, _):
        sl = pl.ds(sid * TROWS + t * 128, 128)
        pltpu.sync_copy(zbuf, sh_agg.at[sl])
        pltpu.sync_copy(cbuf, sh_cnt.at[sl])
        return 0

    lax.fori_loop(0, TROWS // 128, zinit, 0)
    for o in (0, 16, CG6 - 16):
        obuf[pl.ds(o, 16)] = jnp.full((16,), 1.0, jnp.float32)
    plsc.subcore_barrier()

    bufs = ((ebuf0, ridx0, sem0), (ebuf1, ridx1, sem1))

    def issue(c, bset):
        ebuf, ridx, sem = bset
        o = base + c * CG6
        pltpu.async_copy(row_hbm.at[pl.ds(o, CG6)], ridx, sem)
        pltpu.async_copy(eout_hbm.at[pl.ds(o, CG6)], ebuf, sem)

    def finish(c, bset):
        ebuf, ridx, sem = bset
        o = base + c * CG6
        pltpu.make_async_copy(row_hbm.at[pl.ds(o, CG6)], ridx, sem).wait()
        pltpu.make_async_copy(eout_hbm.at[pl.ds(o, CG6)], ebuf, sem).wait()
        pltpu.sync_copy(ebuf, sh_agg.at[ridx], add=True)
        pltpu.sync_copy(obuf, sh_cnt.at[ridx], add=True)

    issue(0, bufs[0])

    def step(t2, _):
        for b in range(2):
            c = t2 * 2 + b

            @pl.when(c < NCH6)
            def _do():
                @pl.when(c + 1 < NCH6)
                def _nxt():
                    issue(c + 1, bufs[1 - b])

                finish(c, bufs[b])

        return 0

    lax.fori_loop(0, (NCH6 + 1) // 2, step, 0)
    plsc.subcore_barrier()

    def out(t, _):
        sl = pl.ds(sid * TROWS + t * 128, 128)
        pltpu.sync_copy(sh_agg.at[sl], zbuf)
        pltpu.sync_copy(zbuf, agg_hbm.at[core, sl])
        pltpu.sync_copy(sh_cnt.at[sl], cbuf)
        pltpu.sync_copy(cbuf, ecnt_hbm.at[core, sl])
        return 0

    lax.fori_loop(0, TROWS // 128, out, 0)


def _scatter_mean(eout, row):
    call = pl.kernel(
        _scatter_body,
        out_type=(jax.ShapeDtypeStruct((NC, NPAD, DEO), jnp.float32),
                  jax.ShapeDtypeStruct((NC, NPAD), jnp.float32)),
        mesh=_sc_mesh(),
        compiler_params=pltpu.CompilerParams(needs_layout_passes=False),
        scratch_types=[
            pltpu.VMEM((CG6,), jnp.int32),
            pltpu.VMEM((CG6,), jnp.int32),
            pltpu.VMEM((CG6, DEO), jnp.float32),
            pltpu.VMEM((CG6, DEO), jnp.float32),
            pltpu.VMEM((CG6,), jnp.float32),
            pltpu.VMEM((128, DEO), jnp.float32),
            pltpu.VMEM((128,), jnp.float32),
            pltpu.VMEM_SHARED((NPAD, DEO), jnp.float32),
            pltpu.VMEM_SHARED((NPAD,), jnp.float32),
            pltpu.SemaphoreType.DMA,
            pltpu.SemaphoreType.DMA,
        ],
    )
    A, C = call(eout, row)
    agg = A[0, :N] + A[1, :N]
    ecnt = C[0, :N] + C[1, :N]
    return agg / jnp.maximum(ecnt, 1.0)[:, None]


def kernel(x, x_src, edge_index, cg_edge_index, edge_attr, u, batch,
           batch_src, Wq, Wk, We1, be1, We2, be2, Wn1, bn1, Wn2, bn2,
           Wg1, bg1, Wg2, bg2):
    We1_r = We1[:D]
    We1_c = We1[D:2 * D]
    We1_e = We1[2 * D:2 * D + DE]
    We1_u = We1[2 * D + DE:]
    Wn1_x = Wn1[:D]
    Wn1_a = Wn1[D:D + DEO]
    Wn1_u = Wn1[D + DEO:]

    Wqp = jnp.pad(Wq, ((0, 0), (0, DAP - DA)))
    Wkp = jnp.pad(Wk, ((0, 0), (0, DAP - DA)))
    q, k = _proj(x, x_src, Wqp, Wkp)

    ci = cg_edge_index[0]
    cj = cg_edge_index[1]
    ssum, cnt = _attention_sums(q, k, ci, cj)
    a = ssum / jnp.maximum(cnt, 1.0)

    Wcat = jnp.concatenate([We1_r, We1_c, Wn1_x], axis=1)
    A = jnp.broadcast_to(a[:, None], (N, D))
    Un = (u @ We1_u + be1)[batch]
    Un2 = (u @ Wn1_u + bn1)[batch]
    Pr, Pc, Pn = _tables(x, Wcat, A, Un, Un2)

    row = edge_index[0]
    col = edge_index[1]
    G = _gather_sum(Pr, Pc, row, col)

    eout = _edge_mlp(G, edge_attr, We1_e, We2, be2.reshape(1, DEO))

    AggM = _scatter_mean(eout, row)

    Bh = jax.nn.one_hot(batch, B, dtype=jnp.float32)
    pcnt = jnp.maximum(jnp.sum(Bh, axis=0), 1.0)
    PcInv = jnp.broadcast_to((1.0 / pcnt)[:, None], (B, D))
    x_out, u_out = _node_global(Pn, AggM, Wn1_a, Wn2, bn2.reshape(1, D),
                                Bh, u, Wg1[:D], Wg1[D:], bg1.reshape(1, 128),
                                Wg2, bg2.reshape(1, DU), PcInv)
    return (x_out, eout, u_out)

# --- scband reference (transcript-rebuilt; emitter-appended) ---
"""Pipeline reference for scband-cross-graph-attention-layer-24472723652628 (READ-ONLY COPY).

The authoritative reference and input builder live on the scoring server;
editing this copy changes nothing except your own understanding.
"""

import jax, jax.numpy as jnp
import numpy as np

N = 10000
NS = 10000
E = 160000
ECG = 160000
D = 256
DE = 16
DEO = 128
DU = 64
DA = 64
B = 4


def setup_inputs(seed: int = 0) -> dict:
    key = jax.random.key(seed)
    ks = jax.random.split(key, 30)
    s = 0.02
    inp = {}
    inp['x'] = jax.random.normal(ks[0], (N, D), dtype=jnp.float32)
    inp['x_src'] = jax.random.normal(ks[1], (NS, D), dtype=jnp.float32)
    inp['edge_index'] = jax.random.randint(ks[2], (2, E), 0, N, dtype=jnp.int32)
    inp['cg_edge_index'] = jnp.stack([
        jax.random.randint(ks[3], (ECG,), 0, N, dtype=jnp.int32),
        jax.random.randint(ks[4], (ECG,), 0, NS, dtype=jnp.int32)])
    inp['edge_attr'] = jax.random.normal(ks[5], (E, DE), dtype=jnp.float32)
    inp['u'] = jax.random.normal(ks[6], (B, DU), dtype=jnp.float32)
    inp['batch'] = jnp.sort(jax.random.randint(ks[7], (N,), 0, B, dtype=jnp.int32))
    inp['batch_src'] = jnp.sort(jax.random.randint(ks[8], (NS,), 0, B, dtype=jnp.int32))
    # attention params
    inp['Wq'] = jax.random.normal(ks[9], (D, DA), dtype=jnp.float32) * s
    inp['Wk'] = jax.random.normal(ks[10], (D, DA), dtype=jnp.float32) * s
    # edge model params: in = 2*D + DE + DU = 592
    inp['We1'] = jax.random.normal(ks[11], (2 * D + DE + DU, 256), dtype=jnp.float32) * s
    inp['be1'] = jnp.zeros((256,), dtype=jnp.float32)
    inp['We2'] = jax.random.normal(ks[12], (256, DEO), dtype=jnp.float32) * s
    inp['be2'] = jnp.zeros((DEO,), dtype=jnp.float32)
    # node model params: in = D + DEO + DU = 448
    inp['Wn1'] = jax.random.normal(ks[13], (D + DEO + DU, 256), dtype=jnp.float32) * s
    inp['bn1'] = jnp.zeros((256,), dtype=jnp.float32)
    inp['Wn2'] = jax.random.normal(ks[14], (256, D), dtype=jnp.float32) * s
    inp['bn2'] = jnp.zeros((D,), dtype=jnp.float32)
    # global model params: in = D + DU = 320
    inp['Wg1'] = jax.random.normal(ks[15], (D + DU, 128), dtype=jnp.float32) * s
    inp['bg1'] = jnp.zeros((128,), dtype=jnp.float32)
    inp['Wg2'] = jax.random.normal(ks[16], (128, DU), dtype=jnp.float32) * s
    inp['bg2'] = jnp.zeros((DU,), dtype=jnp.float32)
    return inp


def reference(x, x_src, edge_index, cg_edge_index, edge_attr, u, batch, batch_src,
              Wq, Wk, We1, be1, We2, be2, Wn1, bn1, Wn2, bn2, Wg1, bg1, Wg2, bg2):
    # --- cross-graph attention: scalar per node of graph1 ---
    q = x @ Wq
    k = x_src @ Wk
    ci = cg_edge_index[0]
    cj = cg_edge_index[1]
    scores = jax.nn.sigmoid(jnp.sum(q[ci] * k[cj], axis=-1) / jnp.sqrt(float(DA)))
    ssum = jax.ops.segment_sum(scores, ci, num_segments=N)
    cnt = jax.ops.segment_sum(jnp.ones_like(scores), ci, num_segments=N)
    a = (ssum / jnp.maximum(cnt, 1.0))[:, None]
    x = x * a
    # --- edge model ---
    row = edge_index[0]
    col = edge_index[1]
    eb = batch[row]
    e_in = jnp.concatenate([x[row], x[col], edge_attr, u[eb]], axis=-1)
    h = jax.nn.relu(e_in @ We1 + be1)
    edge_attr = h @ We2 + be2
    # --- node model: scatter-mean of new edge features to dst (row) ---
    agg = jax.ops.segment_sum(edge_attr, row, num_segments=N)
    ecnt = jax.ops.segment_sum(jnp.ones((E,), dtype=jnp.float32), row, num_segments=N)
    agg = agg / jnp.maximum(ecnt, 1.0)[:, None]
    n_in = jnp.concatenate([x, agg, u[batch]], axis=-1)
    x = jax.nn.relu(n_in @ Wn1 + bn1) @ Wn2 + bn2
    # --- global model: per-graph mean pooling ---
    psum = jax.ops.segment_sum(x, batch, num_segments=B)
    pcnt = jax.ops.segment_sum(jnp.ones((N,), dtype=jnp.float32), batch, num_segments=B)
    pool = psum / jnp.maximum(pcnt, 1.0)[:, None]
    g_in = jnp.concatenate([pool, u], axis=-1)
    u = jax.nn.relu(g_in @ Wg1 + bg1) @ Wg2 + bg2
    return (x, edge_attr, u)

if __name__ == "__main__":
    import jax
    _d = setup_inputs()
    print(jax.jit(kernel)(*tuple(_d.values())))

</pallas_src>

<mosaic_0001>
#map = affine_map<(d0, d1) -> (0, 0)>
#map1 = affine_map<(d0, d1) -> (0)>
module attributes {stable_mosaic.version = 14 : i64} {
  func.func @_attn_body(%arg0: i32, %arg1: i32, %arg2: memref<10000x128xf32, #tpu.memory_space<hbm>>, %arg3: memref<10000x128xf32, #tpu.memory_space<hbm>>, %arg4: memref<160000xi32, #tpu.memory_space<hbm>>, %arg5: memref<160000xi32, #tpu.memory_space<hbm>>, %arg6: memref<2x10240xf32, #tpu.memory_space<hbm>>, %arg7: memref<2x10240xf32, #tpu.memory_space<hbm>>, %arg8: memref<5000xi32, #tpu.memory_space<vmem>>, %arg9: memref<5000xi32, #tpu.memory_space<vmem>>, %arg10: memref<128xi32, #tpu.memory_space<vmem>>, %arg11: memref<128xi32, #tpu.memory_space<vmem>>, %arg12: memref<128x128xf32, #tpu.memory_space<vmem>>, %arg13: memref<128x128xf32, #tpu.memory_space<vmem>>, %arg14: memref<128x128xf32, #tpu.memory_space<vmem>>, %arg15: memref<128x128xf32, #tpu.memory_space<vmem>>, %arg16: memref<128xf32, #tpu.memory_space<vmem>>, %arg17: memref<128xf32, #tpu.memory_space<vmem>>, %arg18: memref<128xf32, #tpu.memory_space<vmem>>, %arg19: memref<10240xf32, #tpu.memory_space<vmem_shared>>, %arg20: memref<10240xf32, #tpu.memory_space<vmem_shared>>, %arg21: memref<!tpu.dma_semaphore, #tpu.memory_space<semaphore_mem>>, %arg22: memref<!tpu.dma_semaphore, #tpu.memory_space<semaphore_mem>>) attributes {dimension_semantics = [#tpu.dimension_semantics<core_parallel>, #tpu.dimension_semantics<subcore_parallel>], iteration_bounds = array<i64: 2, 16>, scalar_prefetch = 0 : i64, scratch_operands = 15 : i64, tpu.core_type = #tpu.core_type<sc_vector_subcore>, window_params = [{transform_indices = #map}, {transform_indices = #map}, {transform_indices = #map1}, {transform_indices = #map1}, {transform_indices = #map}, {transform_indices = #map}]} {
    %mul3A = arith.constant 2 : i32
    %mul3A_0 = arith.muli %arg1, %mul3A : i32
    %add3A = arith.addi %mul3A_0, %arg0 : i32
    %mul3A_1 = arith.constant 5000 : i32
    %mul3A_2 = arith.muli %add3A, %mul3A_1 : i32
    "tpu.region"() ({
      %run_scoped3A = tpu.sem_alloc : memref<!tpu.dma_semaphore, #tpu.memory_space<semaphore_mem>>
      %dma_start3A_47 = tpu.memref_slice %arg4[%mul3A_2] : memref<160000xi32, #tpu.memory_space<hbm>> -> memref<5000xi32, #tpu.memory_space<hbm>>
      %dma_start3A_48 = tpu.memref_slice %arg4[%mul3A_2] : memref<160000xi32, #tpu.memory_space<hbm>> -> memref<5000xi32, #tpu.memory_space<hbm>>
      tpu.enqueue_dma source(%dma_start3A_48 : memref<5000xi32, #tpu.memory_space<hbm>>) target(%arg8 : memref<5000xi32, #tpu.memory_space<vmem>>) target_semaphore(%run_scoped3A : memref<!tpu.dma_semaphore, #tpu.memory_space<semaphore_mem>>)
      %dma_wait3A = tpu.memref_slice %arg4[%mul3A_2] : memref<160000xi32, #tpu.memory_space<hbm>> -> memref<5000xi32, #tpu.memory_space<hbm>>
      %dma_wait3A_49 = tpu.memref_slice %arg4[%mul3A_2] : memref<160000xi32, #tpu.memory_space<hbm>> -> memref<5000xi32, #tpu.memory_space<hbm>>
      tpu.wait_dma2 semaphore(%run_scoped3A : memref<!tpu.dma_semaphore, #tpu.memory_space<semaphore_mem>>) src(%dma_wait3A_49 : memref<5000xi32, #tpu.memory_space<hbm>>) dst(%arg8 : memref<5000xi32, #tpu.memory_space<vmem>>)
      tpu.yield
    }) : () -> ()
    "tpu.region"() ({
      %run_scoped3A = tpu.sem_alloc : memref<!tpu.dma_semaphore, #tpu.memory_space<semaphore_mem>>
      %dma_start3A_47 = tpu.memref_slice %arg5[%mul3A_2] : memref<160000xi32, #tpu.memory_space<hbm>> -> memref<5000xi32, #tpu.memory_space<hbm>>
      %dma_start3A_48 = tpu.memref_slice %arg5[%mul3A_2] : memref<160000xi32, #tpu.memory_space<hbm>> -> memref<5000xi32, #tpu.memory_space<hbm>>
      tpu.enqueue_dma source(%dma_start3A_48 : memref<5000xi32, #tpu.memory_space<hbm>>) target(%arg9 : memref<5000xi32, #tpu.memory_space<vmem>>) target_semaphore(%run_scoped3A : memref<!tpu.dma_semaphore, #tpu.memory_space<semaphore_mem>>)
      %dma_wait3A = tpu.memref_slice %arg5[%mul3A_2] : memref<160000xi32, #tpu.memory_space<hbm>> -> memref<5000xi32, #tpu.memory_space<hbm>>
      %dma_wait3A_49 = tpu.memref_slice %arg5[%mul3A_2] : memref<160000xi32, #tpu.memory_space<hbm>> -> memref<5000xi32, #tpu.memory_space<hbm>>
      tpu.wait_dma2 semaphore(%run_scoped3A : memref<!tpu.dma_semaphore, #tpu.memory_space<semaphore_mem>>) src(%dma_wait3A_49 : memref<5000xi32, #tpu.memory_space<hbm>>) dst(%arg9 : memref<5000xi32, #tpu.memory_space<vmem>>)
      tpu.yield
    }) : () -> ()
    %scan3A = arith.constant 0 : i32
    %scan3A_3 = arith.constant 0 : i32
    %scan3A_4 = arith.constant 8 : i32
    %scan3A_5 = arith.addi %scan3A_3, %scan3A_4 : i32
    %scan3A_6 = arith.constant 1 : i32
    %scan3A_7 = scf.for %scan3A_47 = %scan3A_3 to %scan3A_5 step %scan3A_6 iter_args(%scan3A_48 = %scan3A) -> (i32)  : i32 {
      %mul3A_49 = arith.constant 16 : i32
      %mul3A_50 = arith.muli %scan3A_47, %mul3A_49 : i32
      %broadcast_in_dim3A = arith.constant 1.000000e+00 : f32
      %broadcast_in_dim3A_51 = vector.broadcast %broadcast_in_dim3A : f32 to vector<16xf32>
      %swap3A = arith.index_cast %mul3A_50 : i32 to index
      %swap3A_52 = tpu.vector_load %arg17[%swap3A] {strides = array<i32>} : memref<128xf32, #tpu.memory_space<vmem>>, vector<16xf32>,
      tpu.vector_store %arg17[%swap3A], %broadcast_in_dim3A_51 {strides = array<i32>} : memref<128xf32, #tpu.memory_space<vmem>>, vector<16xf32>,
      %broadcast_in_dim3A_53 = arith.constant 0.000000e+00 : f32
      %broadcast_in_dim3A_54 = vector.broadcast %broadcast_in_dim3A_53 : f32 to vector<16xf32>
      %swap3A_55 = arith.index_cast %mul3A_50 : i32 to index
      %swap3A_56 = tpu.vector_load %arg18[%swap3A_55] {strides = array<i32>} : memref<128xf32, #tpu.memory_space<vmem>>, vector<16xf32>,
      tpu.vector_store %arg18[%swap3A_55], %broadcast_in_dim3A_54 {strides = array<i32>} : memref<128xf32, #tpu.memory_space<vmem>>, vector<16xf32>,
      %scan3A_57 = arith.constant 0 : i32
      scf.yield %scan3A_57 : i32
    }
    %scan3A_8 = arith.constant 8 : i32
    %scan3A_9 = arith.constant 0 : i32
    %scan3A_10 = arith.constant 0 : i32
    %scan3A_11 = arith.constant 5 : i32
    %scan3A_12 = arith.addi %scan3A_10, %scan3A_11 : i32
    %scan3A_13 = arith.constant 1 : i32
    %scan3A_14 = scf.for %scan3A_47 = %scan3A_10 to %scan3A_12 step %scan3A_13 iter_args(%scan3A_48 = %scan3A_9) -> (i32)  : i32 {
      %mul3A_49 = arith.constant 640 : i32
      %mul3A_50 = arith.muli %arg1, %mul3A_49 : i32
      %mul3A_51 = arith.constant 128 : i32
      %mul3A_52 = arith.muli %scan3A_47, %mul3A_51 : i32
      %add3A_53 = arith.addi %mul3A_50, %mul3A_52 : i32
      "tpu.region"() ({
        %run_scoped3A = tpu.sem_alloc : memref<!tpu.dma_semaphore, #tpu.memory_space<semaphore_mem>>
        %dma_start3A_55 = tpu.memref_slice %arg19[%add3A_53] : memref<10240xf32, #tpu.memory_space<vmem_shared>> -> memref<128xf32, #tpu.memory_space<vmem_shared>>
        %dma_start3A_56 = tpu.memref_slice %arg19[%add3A_53] : memref<10240xf32, #tpu.memory_space<vmem_shared>> -> memref<128xf32, #tpu.memory_space<vmem_shared>>
        tpu.enqueue_dma source(%arg18 : memref<128xf32, #tpu.memory_space<vmem>>) target(%dma_start3A_56 : memref<128xf32, #tpu.memory_space<vmem_shared>>) target_semaphore(%run_scoped3A : memref<!tpu.dma_semaphore, #tpu.memory_space<semaphore_mem>>)
        %dma_wait3A = tpu.memref_slice %arg19[%add3A_53] : memref<10240xf32, #tpu.memory_space<vmem_shared>> -> memref<128xf32, #tpu.memory_space<vmem_shared>>
        %dma_wait3A_57 = tpu.memref_slice %arg19[%add3A_53] : memref<10240xf32, #tpu.memory_space<vmem_shared>> -> memref<128xf32, #tpu.memory_space<vmem_shared>>
        tpu.wait_dma2 semaphore(%run_scoped3A : memref<!tpu.dma_semaphore, #tpu.memory_space<semaphore_mem>>) src(%arg18 : memref<128xf32, #tpu.memory_space<vmem>>) dst(%dma_wait3A_57 : memref<128xf32, #tpu.memory_space<vmem_shared>>)
        tpu.yield
      }) : () -> ()
      "tpu.region"() ({
        %run_scoped3A = tpu.sem_alloc : memref<!tpu.dma_semaphore, #tpu.memory_space<semaphore_mem>>
        %dma_start3A_55 = tpu.memref_slice %arg20[%add3A_53] : memref<10240xf32, #tpu.memory_space<vmem_shared>> -> memref<128xf32, #tpu.memory_space<vmem_shared>>
        %dma_start3A_56 = tpu.memref_slice %arg20[%add3A_53] : memref<10240xf32, #tpu.memory_space<vmem_shared>> -> memref<128xf32, #tpu.memory_space<vmem_shared>>
        tpu.enqueue_dma source(%arg18 : memref<128xf32, #tpu.memory_space<vmem>>) target(%dma_start3A_56 : memref<128xf32, #tpu.memory_space<vmem_shared>>) target_semaphore(%run_scoped3A : memref<!tpu.dma_semaphore, #tpu.memory_space<semaphore_mem>>)
        %dma_wait3A = tpu.memref_slice %arg20[%add3A_53] : memref<10240xf32, #tpu.memory_space<vmem_shared>> -> memref<128xf32, #tpu.memory_space<vmem_shared>>
        %dma_wait3A_57 = tpu.memref_slice %arg20[%add3A_53] : memref<10240xf32, #tpu.memory_space<vmem_shared>> -> memref<128xf32, #tpu.memory_space<vmem_shared>>
        tpu.wait_dma2 semaphore(%run_scoped3A : memref<!tpu.dma_semaphore, #tpu.memory_space<semaphore_mem>>) src(%arg18 : memref<128xf32, #tpu.memory_space<vmem>>) dst(%dma_wait3A_57 : memref<128xf32, #tpu.memory_space<vmem_shared>>)
        tpu.yield
      }) : () -> ()
      %scan3A_54 = arith.constant 0 : i32
      scf.yield %scan3A_54 : i32
    }
    %scan3A_15 = arith.constant 5 : i32
    %barrier3A = arith.constant 0 : index
    tpu.barrier barrier_id(%barrier3A)
    %iota3A = tpu.iota {dimensions = array<i32: 0>} : vector<16xi32>
    %min3A = arith.constant 0 : i32
    %min3A_16 = arith.constant 4872 : i32
    %min3A_17 = arith.minsi %min3A, %min3A_16 : i32
    %scan3A_18 = arith.constant 0 : i32
    %scan3A_19 = arith.constant 0 : i32
    %scan3A_20 = arith.constant 8 : i32
    %scan3A_21 = arith.addi %scan3A_19, %scan3A_20 : i32
    %scan3A_22 = arith.constant 1 : i32
    %scan3A_23 = scf.for %scan3A_47 = %scan3A_19 to %scan3A_21 step %scan3A_22 iter_args(%scan3A_48 = %scan3A_18) -> (i32)  : i32 {
      %mul3A_49 = arith.constant 16 : i32
      %mul3A_50 = arith.muli %scan3A_47, %mul3A_49 : i32
      %add3A_51 = arith.addi %min3A_17, %mul3A_50 : i32
      %get3A = arith.index_cast %add3A_51 : i32 to index
      %get3A_52 = tpu.vector_load %arg8[%get3A] {strides = array<i32>} : memref<5000xi32, #tpu.memory_space<vmem>>, vector<16xi32>,
      %mul3A_53 = arith.constant 16 : i32
      %mul3A_54 = arith.muli %scan3A_47, %mul3A_53 : i32
      %add3A_55 = vector.broadcast %mul3A_54 : i32 to vector<16xi32>
      %add3A_56 = arith.addi %add3A_55, %iota3A : vector<16xi32>
      %lt3A = arith.constant 120 : i32
      %lt3A_57 = vector.broadcast %lt3A : i32 to vector<16xi32>
      %lt3A_58 = arith.cmpi slt, %add3A_56, %lt3A_57 : vector<16xi32>
      %and3A = arith.constant false
      %and3A_59 = vector.broadcast %and3A : i1 to vector<16xi1>
      %and3A_60 = arith.andi %and3A_59, %lt3A_58 : vector<16xi1>
      %broadcast_in_dim3A = arith.constant 10239 : i32
      %broadcast_in_dim3A_61 = vector.broadcast %broadcast_in_dim3A : i32 to vector<16xi32>
      %select_n3A = arith.select %and3A_60, %broadcast_in_dim3A_61, %get3A_52 : vector<16xi1>, vector<16xi32>
      %mul3A_62 = arith.constant 16 : i32
      %mul3A_63 = arith.muli %scan3A_47, %mul3A_62 : i32
      %swap3A = arith.index_cast %mul3A_63 : i32 to index
      %swap3A_64 = tpu.vector_load %arg10[%swap3A] {strides = array<i32>} : memref<128xi32, #tpu.memory_space<vmem>>, vector<16xi32>,
      tpu.vector_store %arg10[%swap3A], %select_n3A {strides = array<i32>} : memref<128xi32, #tpu.memory_space<vmem>>, vector<16xi32>,
      %scan3A_65 = arith.constant 0 : i32
      scf.yield %scan3A_65 : i32
    }
    %scan3A_24 = arith.constant 8 : i32
    %dma_start3A = tpu.memref_slice %arg8[%min3A_17] : memref<5000xi32, #tpu.memory_space<vmem>> -> memref<128xi32, #tpu.memory_space<vmem>>
    %dma_start3A_25 = arith.constant 0 : i32
    %dma_start3A_26 = arith.constant 0 : i32
    %dma_start3A_27 = tpu.memref_slice %arg2[%dma_start3A_25, %dma_start3A_26] : memref<10000x128xf32, #tpu.memory_space<hbm>> -> memref<10000x128xf32, #tpu.memory_space<hbm>>
    tpu.enqueue_indirect_dma source(%dma_start3A_27 : memref<10000x128xf32, #tpu.memory_space<hbm>>) target(%arg12 : memref<128x128xf32, #tpu.memory_space<vmem>>) offsets(%dma_start3A : memref<128xi32, #tpu.memory_space<vmem>>) semaphore(%arg21 : memref<!tpu.dma_semaphore, #tpu.memory_space<semaphore_mem>>)
    %dma_start3A_28 = tpu.memref_slice %arg9[%min3A_17] : memref<5000xi32, #tpu.memory_space<vmem>> -> memref<128xi32, #tpu.memory_space<vmem>>
    %dma_start3A_29 = arith.constant 0 : i32
    %dma_start3A_30 = arith.constant 0 : i32
    %dma_start3A_31 = tpu.memref_slice %arg3[%dma_start3A_29, %dma_start3A_30] : memref<10000x128xf32, #tpu.memory_space<hbm>> -> memref<10000x128xf32, #tpu.memory_space<hbm>>
    tpu.enqueue_indirect_dma source(%dma_start3A_31 : memref<10000x128xf32, #tpu.memory_space<hbm>>) target(%arg13 : memref<128x128xf32, #tpu.memory_space<vmem>>) offsets(%dma_start3A_28 : memref<128xi32, #tpu.memory_space<vmem>>) semaphore(%arg21 : memref<!tpu.dma_semaphore, #tpu.memory_space<semaphore_mem>>)
    %scan3A_32 = arith.constant 0 : i32
    %scan3A_33 = arith.constant 0 : i32
    %scan3A_34 = arith.constant 20 : i32
    %scan3A_35 = arith.addi %scan3A_33, %scan3A_34 : i32
    %scan3A_36 = arith.constant 1 : i32
    %scan3A_37 = scf.for %scan3A_47 = %scan3A_33 to %scan3A_35 step %scan3A_36 iter_args(%scan3A_48 = %scan3A_32) -> (i32)  : i32 {
      %mul3A_49 = arith.constant 2 : i32
      %mul3A_50 = arith.muli %scan3A_47, %mul3A_49 : i32
      %add3A_51 = arith.constant 0 : i32
      %add3A_52 = arith.addi %mul3A_50, %add3A_51 : i32
      %lt3A = arith.constant 40 : i32
      %lt3A_53 = arith.cmpi slt, %add3A_52, %lt3A : i32
      %convert_element_type3A = arith.extui %lt3A_53 : i1 to i32
      %cond3A = arith.constant 0 : i32
      %cond3A_54 = arith.cmpi ne, %convert_element_type3A, %cond3A : i32
      scf.if %cond3A_54 {
        %add3A_65 = arith.constant 1 : i32
        %add3A_66 = arith.addi %add3A_52, %add3A_65 : i32
        %lt3A_67 = arith.constant 40 : i32
        %lt3A_68 = arith.cmpi slt, %add3A_66, %lt3A_67 : i32
        %convert_element_type3A_69 = arith.extui %lt3A_68 : i1 to i32
        %cond3A_70 = arith.constant 0 : i32
        %cond3A_71 = arith.cmpi ne, %convert_element_type3A_69, %cond3A_70 : i32
        scf.if %cond3A_71 {
          %add3A_90 = arith.constant 1 : i32
          %add3A_91 = arith.addi %add3A_52, %add3A_90 : i32
          %mul3A_92 = arith.constant 128 : i32
          %mul3A_93 = arith.muli %add3A_91, %mul3A_92 : i32
          %min3A_94 = arith.constant 4872 : i32
          %min3A_95 = arith.minsi %mul3A_93, %min3A_94 : i32
          %scan3A_96 = arith.constant 0 : i32
          %scan3A_97 = arith.constant 0 : i32
          %scan3A_98 = arith.constant 8 : i32
          %scan3A_99 = arith.addi %scan3A_97, %scan3A_98 : i32
          %scan3A_100 = arith.constant 1 : i32
          %scan3A_101 = scf.for %scan3A_111 = %scan3A_97 to %scan3A_99 step %scan3A_100 iter_args(%scan3A_112 = %scan3A_96) -> (i32)  : i32 {
            %mul3A_113 = arith.constant 16 : i32
            %mul3A_114 = arith.muli %scan3A_111, %mul3A_113 : i32
            %add3A_115 = arith.addi %min3A_95, %mul3A_114 : i32
            %get3A = arith.index_cast %add3A_115 : i32 to index
            %get3A_116 = tpu.vector_load %arg8[%get3A] {strides = array<i32>} : memref<5000xi32, #tpu.memory_space<vmem>>, vector<16xi32>,
            %eq3A = arith.constant 39 : i32
            %eq3A_117 = arith.cmpi eq, %add3A_91, %eq3A : i32
            %mul3A_118 = arith.constant 16 : i32
            %mul3A_119 = arith.muli %scan3A_111, %mul3A_118 : i32
            %add3A_120 = vector.broadcast %mul3A_119 : i32 to vector<16xi32>
            %add3A_121 = arith.addi %add3A_120, %iota3A : vector<16xi32>
            %lt3A_122 = arith.constant 120 : i32
            %lt3A_123 = vector.broadcast %lt3A_122 : i32 to vector<16xi32>
            %lt3A_124 = arith.cmpi slt, %add3A_121, %lt3A_123 : vector<16xi32>
            %and3A = vector.broadcast %eq3A_117 : i1 to vector<16xi1>
            %and3A_125 = arith.andi %and3A, %lt3A_124 : vector<16xi1>
            %broadcast_in_dim3A = arith.constant 10239 : i32
            %broadcast_in_dim3A_126 = vector.broadcast %broadcast_in_dim3A : i32 to vector<16xi32>
            %select_n3A = arith.select %and3A_125, %broadcast_in_dim3A_126, %get3A_116 : vector<16xi1>, vector<16xi32>
            %mul3A_127 = arith.constant 16 : i32
            %mul3A_128 = arith.muli %scan3A_111, %mul3A_127 : i32
            %swap3A = arith.index_cast %mul3A_128 : i32 to index
            %swap3A_129 = tpu.vector_load %arg11[%swap3A] {strides = array<i32>} : memref<128xi32, #tpu.memory_space<vmem>>, vector<16xi32>,
            tpu.vector_store %arg11[%swap3A], %select_n3A {strides = array<i32>} : memref<128xi32, #tpu.memory_space<vmem>>, vector<16xi32>,
            %scan3A_130 = arith.constant 0 : i32
            scf.yield %scan3A_130 : i32
          }
          %scan3A_102 = arith.constant 8 : i32
          %dma_start3A_103 = tpu.memref_slice %arg8[%min3A_95] : memref<5000xi32, #tpu.memory_space<vmem>> -> memref<128xi32, #tpu.memory_space<vmem>>
          %dma_start3A_104 = arith.constant 0 : i32
          %dma_start3A_105 = arith.constant 0 : i32
          %dma_start3A_106 = tpu.memref_slice %arg2[%dma_start3A_104, %dma_start3A_105] : memref<10000x128xf32, #tpu.memory_space<hbm>> -> memref<10000x128xf32, #tpu.memory_space<hbm>>
          tpu.enqueue_indirect_dma source(%dma_start3A_106 : memref<10000x128xf32, #tpu.memory_space<hbm>>) target(%arg14 : memref<128x128xf32, #tpu.memory_space<vmem>>) offsets(%dma_start3A_103 : memref<128xi32, #tpu.memory_space<vmem>>) semaphore(%arg22 : memref<!tpu.dma_semaphore, #tpu.memory_space<semaphore_mem>>)
          %dma_start3A_107 = tpu.memref_slice %arg9[%min3A_95] : memref<5000xi32, #tpu.memory_space<vmem>> -> memref<128xi32, #tpu.memory_space<vmem>>
          %dma_start3A_108 = arith.constant 0 : i32
          %dma_start3A_109 = arith.constant 0 : i32
          %dma_start3A_110 = tpu.memref_slice %arg3[%dma_start3A_108, %dma_start3A_109] : memref<10000x128xf32, #tpu.memory_space<hbm>> -> memref<10000x128xf32, #tpu.memory_space<hbm>>
          tpu.enqueue_indirect_dma source(%dma_start3A_110 : memref<10000x128xf32, #tpu.memory_space<hbm>>) target(%arg15 : memref<128x128xf32, #tpu.memory_space<vmem>>) offsets(%dma_start3A_107 : memref<128xi32, #tpu.memory_space<vmem>>) semaphore(%arg22 : memref<!tpu.dma_semaphore, #tpu.memory_space<semaphore_mem>>)
        } else {
        }
        %mul3A_72 = arith.constant 128 : i32
        %mul3A_73 = arith.muli %add3A_52, %mul3A_72 : i32
        %min3A_74 = arith.constant 4872 : i32
        %min3A_75 = arith.minsi %mul3A_73, %min3A_74 : i32
        %dma_wait3A = tpu.memref_slice %arg8[%min3A_75] : memref<5000xi32, #tpu.memory_space<vmem>> -> memref<128xi32, #tpu.memory_space<vmem>>
        %dma_wait3A_76 = arith.constant 0 : i32
        %dma_wait3A_77 = arith.constant 0 : i32
        %dma_wait3A_78 = tpu.memref_slice %arg2[%dma_wait3A_76, %dma_wait3A_77] : memref<10000x128xf32, #tpu.memory_space<hbm>> -> memref<10000x128xf32, #tpu.memory_space<hbm>>
        tpu.wait_indirect_dma semaphore(%arg21 : memref<!tpu.dma_semaphore, #tpu.memory_space<semaphore_mem>>) src(%dma_wait3A_78 : memref<10000x128xf32, #tpu.memory_space<hbm>>) dst(%arg12 : memref<128x128xf32, #tpu.memory_space<vmem>>)
        %dma_wait3A_79 = tpu.memref_slice %arg9[%min3A_75] : memref<5000xi32, #tpu.memory_space<vmem>> -> memref<128xi32, #tpu.memory_space<vmem>>
        %dma_wait3A_80 = arith.constant 0 : i32
        %dma_wait3A_81 = arith.constant 0 : i32
        %dma_wait3A_82 = tpu.memref_slice %arg3[%dma_wait3A_80, %dma_wait3A_81] : memref<10000x128xf32, #tpu.memory_space<hbm>> -> memref<10000x128xf32, #tpu.memory_space<hbm>>
        tpu.wait_indirect_dma semaphore(%arg21 : memref<!tpu.dma_semaphore, #tpu.memory_space<semaphore_mem>>) src(%dma_wait3A_82 : memref<10000x128xf32, #tpu.memory_space<hbm>>) dst(%arg13 : memref<128x128xf32, #tpu.memory_space<vmem>>)
        %scan3A_83 = arith.constant 0 : i32
        %scan3A_84 = arith.constant 0 : i32
        %scan3A_85 = arith.constant 8 : i32
        %scan3A_86 = arith.addi %scan3A_84, %scan3A_85 : i32
        %scan3A_87 = arith.constant 1 : i32
        %scan3A_88 = scf.for %scan3A_90 = %scan3A_84 to %scan3A_86 step %scan3A_87 iter_args(%scan3A_91 = %scan3A_83) -> (i32)  : i32 {
          %broadcast_in_dim3A = arith.constant 0.000000e+00 : f32
          %broadcast_in_dim3A_92 = vector.broadcast %broadcast_in_dim3A : f32 to vector<16xf32>
          %mul3A_93 = arith.constant 16 : i32
          %mul3A_94 = arith.muli %scan3A_90, %mul3A_93 : i32
          %add3A_95 = arith.constant 0 : i32
          %add3A_96 = arith.addi %mul3A_94, %add3A_95 : i32
          %broadcast_in_dim3A_97 = arith.constant 0.000000e+00 : f32
          %broadcast_in_dim3A_98 = vector.broadcast %broadcast_in_dim3A_97 : f32 to vector<16xf32>
          %get3A = arith.index_cast %add3A_96 : i32 to index
          %get3A_99 = arith.constant 0 : index
          %get3A_100 = tpu.vector_load %arg12[%get3A, %get3A_99] {strides = array<i32>} : memref<128x128xf32, #tpu.memory_space<vmem>>, vector<16xf32>,
          %get3A_101 = arith.index_cast %add3A_96 : i32 to index
          %get3A_102 = arith.constant 0 : index
          %get3A_103 = tpu.vector_load %arg13[%get3A_101, %get3A_102] {strides = array<i32>} : memref<128x128xf32, #tpu.memory_space<vmem>>, vector<16xf32>,
          %mul3A_104 = arith.mulf %get3A_100, %get3A_103 : vector<16xf32>
          %add3A_105 = arith.addf %broadcast_in_dim3A_98, %mul3A_104 : vector<16xf32>
          %get3A_106 = arith.index_cast %add3A_96 : i32 to index
          %get3A_107 = arith.constant 16 : index
          %get3A_108 = tpu.vector_load %arg12[%get3A_106, %get3A_107] {strides = array<i32>} : memref<128x128xf32, #tpu.memory_space<vmem>>, vector<16xf32>,
          %get3A_109 = arith.index_cast %add3A_96 : i32 to index
          %get3A_110 = arith.constant 16 : index
          %get3A_111 = tpu.vector_load %arg13[%get3A_109, %get3A_110] {strides = array<i32>} : memref<128x128xf32, #tpu.memory_space<vmem>>, vector<16xf32>,
          %mul3A_112 = arith.mulf %get3A_108, %get3A_111 : vector<16xf32>
          %add3A_113 = arith.addf %add3A_105, %mul3A_112 : vector<16xf32>
          %get3A_114 = arith.index_cast %add3A_96 : i32 to index
          %get3A_115 = arith.constant 32 : index
          %get3A_116 = tpu.vector_load %arg12[%get3A_114, %get3A_115] {strides = array<i32>} : memref<128x128xf32, #tpu.memory_space<vmem>>, vector<16xf32>,
          %get3A_117 = arith.index_cast %add3A_96 : i32 to index
          %get3A_118 = arith.constant 32 : index
          %get3A_119 = tpu.vector_load %arg13[%get3A_117, %get3A_118] {strides = array<i32>} : memref<128x128xf32, #tpu.memory_space<vmem>>, vector<16xf32>,
          %mul3A_120 = arith.mulf %get3A_116, %get3A_119 : vector<16xf32>
          %add3A_121 = arith.addf %add3A_113, %mul3A_120 : vector<16xf32>
          %get3A_122 = arith.index_cast %add3A_96 : i32 to index
          %get3A_123 = arith.constant 48 : index
          %get3A_124 = tpu.vector_load %arg12[%get3A_122, %get3A_123] {strides = array<i32>} : memref<128x128xf32, #tpu.memory_space<vmem>>, vector<16xf32>,
          %get3A_125 = arith.index_cast %add3A_96 : i32 to index
          %get3A_126 = arith.constant 48 : index
          %get3A_127 = tpu.vector_load %arg13[%get3A_125, %get3A_126] {strides = array<i32>} : memref<128x128xf32, #tpu.memory_space<vmem>>, vector<16xf32>,
          %mul3A_128 = arith.mulf %get3A_124, %get3A_127 : vector<16xf32>
          %add3A_129 = arith.addf %add3A_121, %mul3A_128 : vector<16xf32>
          %reduce_sum3A = arith.constant true
          %reduce_sum3A_130 = vector.broadcast %reduce_sum3A : i1 to vector<16xi1>
          %reduce_sum3A_131 = tpu.scan <sum>, %add3A_129 masked %reduce_sum3A_130 : vector<16xf32>, vector<16xi1> -> vector<16xf32>
          %reduce_sum3A_132 = vector.extract %reduce_sum3A_131[15] : f32 from vector<16xf32>
          %eq3A = arith.constant 0 : i32
          %eq3A_133 = vector.broadcast %eq3A : i32 to vector<16xi32>
          %eq3A_134 = arith.cmpi eq, %iota3A, %eq3A_133 : vector<16xi32>
          %broadcast_in_dim3A_135 = vector.broadcast %reduce_sum3A_132 : f32 to vector<16xf32>
          %select_n3A = arith.select %eq3A_134, %broadcast_in_dim3A_135, %broadcast_in_dim3A_92 : vector<16xi1>, vector<16xf32>
          %mul3A_136 = arith.constant 16 : i32
          %mul3A_137 = arith.muli %scan3A_90, %mul3A_136 : i32
          %add3A_138 = arith.constant 1 : i32
          %add3A_139 = arith.addi %mul3A_137, %add3A_138 : i32
          %broadcast_in_dim3A_140 = arith.constant 0.000000e+00 : f32
          %broadcast_in_dim3A_141 = vector.broadcast %broadcast_in_dim3A_140 : f32 to vector<16xf32>
          %get3A_142 = arith.index_cast %add3A_139 : i32 to index
          %get3A_143 = arith.constant 0 : index
          %get3A_144 = tpu.vector_load %arg12[%get3A_142, %get3A_143] {strides = array<i32>} : memref<128x128xf32, #tpu.memory_space<vmem>>, vector<16xf32>,
          %get3A_145 = arith.index_cast %add3A_139 : i32 to index
          %get3A_146 = arith.constant 0 : index
          %get3A_147 = tpu.vector_load %arg13[%get3A_145, %get3A_146] {strides = array<i32>} : memref<128x128xf32, #tpu.memory_space<vmem>>, vector<16xf32>,
          %mul3A_148 = arith.mulf %get3A_144, %get3A_147 : vector<16xf32>
          %add3A_149 = arith.addf %broadcast_in_dim3A_141, %mul3A_148 : vector<16xf32>
          %get3A_150 = arith.index_cast %add3A_139 : i32 to index
          %get3A_151 = arith.constant 16 : index
          %get3A_152 = tpu.vector_load %arg12[%get3A_150, %get3A_151] {strides = array<i32>} : memref<128x128xf32, #tpu.memory_space<vmem>>, vector<16xf32>,
          %get3A_153 = arith.index_cast %add3A_139 : i32 to index
          %get3A_154 = arith.constant 16 : index
          %get3A_155 = tpu.vector_load %arg13[%get3A_153, %get3A_154] {strides = array<i32>} : memref<128x128xf32, #tpu.memory_space<vmem>>, vector<16xf32>,
          %mul3A_156 = arith.mulf %get3A_152, %get3A_155 : vector<16xf32>
          %add3A_157 = arith.addf %add3A_149, %mul3A_156 : vector<16xf32>
          %get3A_158 = arith.index_cast %add3A_139 : i32 to index
          %get3A_159 = arith.constant 32 : index
          %get3A_160 = tpu.vector_load %arg12[%get3A_158, %get3A_159] {strides = array<i32>} : memref<128x128xf32, #tpu.memory_space<vmem>>, vector<16xf32>,
          %get3A_161 = arith.index_cast %add3A_139 : i32 to index
          %get3A_162 = arith.constant 32 : index
          %get3A_163 = tpu.vector_load %arg13[%get3A_161, %get3A_162] {strides = array<i32>} : memref<128x128xf32, #tpu.memory_space<vmem>>, vector<16xf32>,
          %mul3A_164 = arith.mulf %get3A_160, %get3A_163 : vector<16xf32>
          %add3A_165 = arith.addf %add3A_157, %mul3A_164 : vector<16xf32>
          %get3A_166 = arith.index_cast %add3A_139 : i32 to index
          %get3A_167 = arith.constant 48 : index
          %get3A_168 = tpu.vector_load %arg12[%get3A_166, %get3A_167] {strides = array<i32>} : memref<128x128xf32, #tpu.memory_space<vmem>>, vector<16xf32>,
          %get3A_169 = arith.index_cast %add3A_139 : i32 to index
          %get3A_170 = arith.constant 48 : index
          %get3A_171 = tpu.vector_load %arg13[%get3A_169, %get3A_170] {strides = array<i32>} : memref<128x128xf32, #tpu.memory_space<vmem>>, vector<16xf32>,
          %mul3A_172 = arith.mulf %get3A_168, %get3A_171 : vector<16xf32>
          %add3A_173 = arith.addf %add3A_165, %mul3A_172 : vector<16xf32>
          %reduce_sum3A_174 = arith.constant true
          %reduce_sum3A_175 = vector.broadcast %reduce_sum3A_174 : i1 to vector<16xi1>
          %reduce_sum3A_176 = tpu.scan <sum>, %add3A_173 masked %reduce_sum3A_175 : vector<16xf32>, vector<16xi1> -> vector<16xf32>
          %reduce_sum3A_177 = vector.extract %reduce_sum3A_176[15] : f32 from vector<16xf32>
          %eq3A_178 = arith.constant 1 : i32
          %eq3A_179 = vector.broadcast %eq3A_178 : i32 to vector<16xi32>
          %eq3A_180 = arith.cmpi eq, %iota3A, %eq3A_179 : vector<16xi32>
          %broadcast_in_dim3A_181 = vector.broadcast %reduce_sum3A_177 : f32 to vector<16xf32>
          %select_n3A_182 = arith.select %eq3A_180, %broadcast_in_dim3A_181, %select_n3A : vector<16xi1>, vector<16xf32>
          %mul3A_183 = arith.constant 16 : i32
          %mul3A_184 = arith.muli %scan3A_90, %mul3A_183 : i32
          %add3A_185 = arith.constant 2 : i32
          %add3A_186 = arith.addi %mul3A_184, %add3A_185 : i32
          %broadcast_in_dim3A_187 = arith.constant 0.000000e+00 : f32
          %broadcast_in_dim3A_188 = vector.broadcast %broadcast_in_dim3A_187 : f32 to vector<16xf32>
          %get3A_189 = arith.index_cast %add3A_186 : i32 to index
          %get3A_190 = arith.constant 0 : index
          %get3A_191 = tpu.vector_load %arg12[%get3A_189, %get3A_190] {strides = array<i32>} : memref<128x128xf32, #tpu.memory_space<vmem>>, vector<16xf32>,
          %get3A_192 = arith.index_cast %add3A_186 : i32 to index
          %get3A_193 = arith.constant 0 : index
          %get3A_194 = tpu.vector_load %arg13[%get3A_192, %get3A_193] {strides = array<i32>} : memref<128x128xf32, #tpu.memory_space<vmem>>, vector<16xf32>,
          %mul3A_195 = arith.mulf %get3A_191, %get3A_194 : vector<16xf32>
          %add3A_196 = arith.addf %broadcast_in_dim3A_188, %mul3A_195 : vector<16xf32>
          %get3A_197 = arith.index_cast %add3A_186 : i32 to index
          %get3A_198 = arith.constant 16 : index
          %get3A_199 = tpu.vector_load %arg12[%get3A_197, %get3A_198] {strides = array<i32>} : memref<128x128xf32, #tpu.memory_space<vmem>>, vector<16xf32>,
          %get3A_200 = arith.index_cast %add3A_186 : i32 to index
          %get3A_201 = arith.constant 16 : index
          %get3A_202 = tpu.vector_load %arg13[%get3A_200, %get3A_201] {strides = array<i32>} : memref<128x128xf32, #tpu.memory_space<vmem>>, vector<16xf32>,
          %mul3A_203 = arith.mulf %get3A_199, %get3A_202 : vector<16xf32>
          %add3A_204 = arith.addf %add3A_196, %mul3A_203 : vector<16xf32>
          %get3A_205 = arith.index_cast %add3A_186 : i32 to index
          %get3A_206 = arith.constant 32 : index
          %get3A_207 = tpu.vector_load %arg12[%get3A_205, %get3A_206] {strides = array<i32>} : memref<128x128xf32, #tpu.memory_space<vmem>>, vector<16xf32>,
          %get3A_208 = arith.index_cast %add3A_186 : i32 to index
          %get3A_209 = arith.constant 32 : index
          %get3A_210 = tpu.vector_load %arg13[%get3A_208, %get3A_209] {strides = array<i32>} : memref<128x128xf32, #tpu.memory_space<vmem>>, vector<16xf32>,
          %mul3A_211 = arith.mulf %get3A_207, %get3A_210 : vector<16xf32>
          %add3A_212 = arith.addf %add3A_204, %mul3A_211 : vector<16xf32>
          %get3A_213 = arith.index_cast %add3A_186 : i32 to index
          %get3A_214 = arith.constant 48 : index
          %get3A_215 = tpu.vector_load %arg12[%get3A_213, %get3A_214] {strides = array<i32>} : memref<128x128xf32, #tpu.memory_space<vmem>>, vector<16xf32>,
          %get3A_216 = arith.index_cast %add3A_186 : i32 to index
          %get3A_217 = arith.constant 48 : index
          %get3A_218 = tpu.vector_load %arg13[%get3A_216, %get3A_217] {strides = array<i32>} : memref<128x128xf32, #tpu.memory_space<vmem>>, vector<16xf32>,
          %mul3A_219 = arith.mulf %get3A_215, %get3A_218 : vector<16xf32>
          %add3A_220 = arith.addf %add3A_212, %mul3A_219 : vector<16xf32>
          %reduce_sum3A_221 = arith.constant true
          %reduce_sum3A_222 = vector.broadcast %reduce_sum3A_221 : i1 to vector<16xi1>
          %reduce_sum3A_223 = tpu.scan <sum>, %add3A_220 masked %reduce_sum3A_222 : vector<16xf32>, vector<16xi1> -> vector<16xf32>
          %reduce_sum3A_224 = vector.extract %reduce_sum3A_223[15] : f32 from vector<16xf32>
          %eq3A_225 = arith.constant 2 : i32
          %eq3A_226 = vector.broadcast %eq3A_225 : i32 to vector<16xi32>
          %eq3A_227 = arith.cmpi eq, %iota3A, %eq3A_226 : vector<16xi32>
          %broadcast_in_dim3A_228 = vector.broadcast %reduce_sum3A_224 : f32 to vector<16xf32>
          %select_n3A_229 = arith.select %eq3A_227, %broadcast_in_dim3A_228, %select_n3A_182 : vector<16xi1>, vector<16xf32>
          %mul3A_230 = arith.constant 16 : i32
          %mul3A_231 = arith.muli %scan3A_90, %mul3A_230 : i32
          %add3A_232 = arith.constant 3 : i32
          %add3A_233 = arith.addi %mul3A_231, %add3A_232 : i32
          %broadcast_in_dim3A_234 = arith.constant 0.000000e+00 : f32
          %broadcast_in_dim3A_235 = vector.broadcast %broadcast_in_dim3A_234 : f32 to vector<16xf32>
          %get3A_236 = arith.index_cast %add3A_233 : i32 to index
          %get3A_237 = arith.constant 0 : index
          %get3A_238 = tpu.vector_load %arg12[%get3A_236, %get3A_237] {strides = array<i32>} : memref<128x128xf32, #tpu.memory_space<vmem>>, vector<16xf32>,
          %get3A_239 = arith.index_cast %add3A_233 : i32 to index
          %get3A_240 = arith.constant 0 : index
          %get3A_241 = tpu.vector_load %arg13[%get3A_239, %get3A_240] {strides = array<i32>} : memref<128x128xf32, #tpu.memory_space<vmem>>, vector<16xf32>,
          %mul3A_242 = arith.mulf %get3A_238, %get3A_241 : vector<16xf32>
          %add3A_243 = arith.addf %broadcast_in_dim3A_235, %mul3A_242 : vector<16xf32>
          %get3A_244 = arith.index_cast %add3A_233 : i32 to index
          %get3A_245 = arith.constant 16 : index
          %get3A_246 = tpu.vector_load %arg12[%get3A_244, %get3A_245] {strides = array<i32>} : memref<128x128xf32, #tpu.memory_space<vmem>>, vector<16xf32>,
          %get3A_247 = arith.index_cast %add3A_233 : i32 to index
          %get3A_248 = arith.constant 16 : index
          %get3A_249 = tpu.vector_load %arg13[%get3A_247, %get3A_248] {strides = array<i32>} : memref<128x128xf32, #tpu.memory_space<vmem>>, vector<16xf32>,
          %mul3A_250 = arith.mulf %get3A_246, %get3A_249 : vector<16xf32>
          %add3A_251 = arith.addf %add3A_243, %mul3A_250 : vector<16xf32>
          %get3A_252 = arith.index_cast %add3A_233 : i32 to index
          %get3A_253 = arith.constant 32 : index
          %get3A_254 = tpu.vector_load %arg12[%get3A_252, %get3A_253] {strides = array<i32>} : memref<128x128xf32, #tpu.memory_space<vmem>>, vector<16xf32>,
          %get3A_255 = arith.index_cast %add3A_233 : i32 to index
          %get3A_256 = arith.constant 32 : index
          %get3A_257 = tpu.vector_load %arg13[%get3A_255, %get3A_256] {strides = array<i32>} : memref<128x128xf32, #tpu.memory_space<vmem>>, vector<16xf32>,
          %mul3A_258 = arith.mulf %get3A_254, %get3A_257 : vector<16xf32>
          %add3A_259 = arith.addf %add3A_251, %mul3A_258 : vector<16xf32>
          %get3A_260 = arith.index_cast %add3A_233 : i32 to index
          %get3A_261 = arith.constant 48 : index
          %get3A_262 = tpu.vector_load %arg12[%get3A_260, %get3A_261] {strides = array<i32>} : memref<128x128xf32, #tpu.memory_space<vmem>>, vector<16xf32>,
          %get3A_263 = arith.index_cast %add3A_233 : i32 to index
          %get3A_264 = arith.constant 48 : index
          %get3A_265 = tpu.vector_load %arg13[%get3A_263, %get3A_264] {strides = array<i32>} : memref<128x128xf32, #tpu.memory_space<vmem>>, vector<16xf32>,
          %mul3A_266 = arith.mulf %get3A_262, %get3A_265 : vector<16xf32>
          %add3A_267 = arith.addf %add3A_259, %mul3A_266 : vector<16xf32>
          %reduce_sum3A_268 = arith.constant true
          %reduce_sum3A_269 = vector.broadcast %reduce_sum3A_268 : i1 to vector<16xi1>
          %reduce_sum3A_270 = tpu.scan <sum>, %add3A_267 masked %reduce_sum3A_269 : vector<16xf32>, vector<16xi1> -> vector<16xf32>
          %reduce_sum3A_271 = vector.extract %reduce_sum3A_270[15] : f32 from vector<16xf32>
          %eq3A_272 = arith.constant 3 : i32
          %eq3A_273 = vector.broadcast %eq3A_272 : i32 to vector<16xi32>
          %eq3A_274 = arith.cmpi eq, %iota3A, %eq3A_273 : vector<16xi32>
          %broadcast_in_dim3A_275 = vector.broadcast %reduce_sum3A_271 : f32 to vector<16xf32>
          %select_n3A_276 = arith.select %eq3A_274, %broadcast_in_dim3A_275, %select_n3A_229 : vector<16xi1>, vector<16xf32>
          %mul3A_277 = arith.constant 16 : i32
          %mul3A_278 = arith.muli %scan3A_90, %mul3A_277 : i32
          %add3A_279 = arith.constant 4 : i32
          %add3A_280 = arith.addi %mul3A_278, %add3A_279 : i32
          %broadcast_in_dim3A_281 = arith.constant 0.000000e+00 : f32
          %broadcast_in_dim3A_282 = vector.broadcast %broadcast_in_dim3A_281 : f32 to vector<16xf32>
          %get3A_283 = arith.index_cast %add3A_280 : i32 to index
          %get3A_284 = arith.constant 0 : index
          %get3A_285 = tpu.vector_load %arg12[%get3A_283, %get3A_284] {strides = array<i32>} : memref<128x128xf32, #tpu.memory_space<vmem>>, vector<16xf32>,
          %get3A_286 = arith.index_cast %add3A_280 : i32 to index
          %get3A_287 = arith.constant 0 : index
          %get3A_288 = tpu.vector_load %arg13[%get3A_286, %get3A_287] {strides = array<i32>} : memref<128x128xf32, #tpu.memory_space<vmem>>, vector<16xf32>,
          %mul3A_289 = arith.mulf %get3A_285, %get3A_288 : vector<16xf32>
          %add3A_290 = arith.addf %broadcast_in_dim3A_282, %mul3A_289 : vector<16xf32>
          %get3A_291 = arith.index_cast %add3A_280 : i32 to index
          %get3A_292 = arith.constant 16 : index
          %get3A_293 = tpu.vector_load %arg12[%get3A_291, %get3A_292] {strides = array<i32>} : memref<128x128xf32, #tpu.memory_space<vmem>>, vector<16xf32>,
          %get3A_294 = arith.index_cast %add3A_280 : i32 to index
          %get3A_295 = arith.constant 16 : index
          %get3A_296 = tpu.vector_load %arg13[%get3A_294, %get3A_295] {strides = array<i32>} : memref<128x128xf32, #tpu.memory_space<vmem>>, vector<16xf32>,
          %mul3A_297 = arith.mulf %get3A_293, %get3A_296 : vector<16xf32>
          %add3A_298 = arith.addf %add3A_290, %mul3A_297 : vector<16xf32>
          %get3A_299 = arith.index_cast %add3A_280 : i32 to index
          %get3A_300 = arith.constant 32 : index
          %get3A_301 = tpu.vector_load %arg12[%get3A_299, %get3A_300] {strides = array<i32>} : memref<128x128xf32, #tpu.memory_space<vmem>>, vector<16xf32>,
          %get3A_302 = arith.index_cast %add3A_280 : i32 to index
          %get3A_303 = arith.constant 32 : index
          %get3A_304 = tpu.vector_load %arg13[%get3A_302, %get3A_303] {strides = array<i32>} : memref<128x128xf32, #tpu.memory_space<vmem>>, vector<16xf32>,
          %mul3A_305 = arith.mulf %get3A_301, %get3A_304 : vector<16xf32>
          %add3A_306 = arith.addf %add3A_298, %mul3A_305 : vector<16xf32>
          %get3A_307 = arith.index_cast %add3A_280 : i32 to index
          %get3A_308 = arith.constant 48 : index
          %get3A_309 = tpu.vector_load %arg12[%get3A_307, %get3A_308] {strides = array<i32>} : memref<128x128xf32, #tpu.memory_space<vmem>>, vector<16xf32>,
          %get3A_310 = arith.index_cast %add3A_280 : i32 to index
          %get3A_311 = arith.constant 48 : index
          %get3A_312 = tpu.vector_load %arg13[%get3A_310, %get3A_311] {strides = array<i32>} : memref<128x128xf32, #tpu.memory_space<vmem>>, vector<16xf32>,
          %mul3A_313 = arith.mulf %get3A_309, %get3A_312 : vector<16xf32>
          %add3A_314 = arith.addf %add3A_306, %mul3A_313 : vector<16xf32>
          %reduce_sum3A_315 = arith.constant true
          %reduce_sum3A_316 = vector.broadcast %reduce_sum3A_315 : i1 to vector<16xi1>
          %reduce_sum3A_317 = tpu.scan <sum>, %add3A_314 masked %reduce_sum3A_316 : vector<16xf32>, vector<16xi1> -> vector<16xf32>
          %reduce_sum3A_318 = vector.extract %reduce_sum3A_317[15] : f32 from vector<16xf32>
          %eq3A_319 = arith.constant 4 : i32
          %eq3A_320 = vector.broadcast %eq3A_319 : i32 to vector<16xi32>
          %eq3A_321 = arith.cmpi eq, %iota3A, %eq3A_320 : vector<16xi32>
          %broadcast_in_dim3A_322 = vector.broadcast %reduce_sum3A_318 : f32 to vector<16xf32>
          %select_n3A_323 = arith.select %eq3A_321, %broadcast_in_dim3A_322, %select_n3A_276 : vector<16xi1>, vector<16xf32>
          %mul3A_324 = arith.constant 16 : i32
          %mul3A_325 = arith.muli %scan3A_90, %mul3A_324 : i32
          %add3A_326 = arith.constant 5 : i32
          %add3A_327 = arith.addi %mul3A_325, %add3A_326 : i32
          %broadcast_in_dim3A_328 = arith.constant 0.000000e+00 : f32
          %broadcast_in_dim3A_329 = vector.broadcast %broadcast_in_dim3A_328 : f32 to vector<16xf32>
          %get3A_330 = arith.index_cast %add3A_327 : i32 to index
          %get3A_331 = arith.constant 0 : index
          %get3A_332 = tpu.vector_load %arg12[%get3A_330, %get3A_331] {strides = array<i32>} : memref<128x128xf32, #tpu.memory_space<vmem>>, vector<16xf32>,
          %get3A_333 = arith.index_cast %add3A_327 : i32 to index
          %get3A_334 = arith.constant 0 : index
          %get3A_335 = tpu.vector_load %arg13[%get3A_333, %get3A_334] {strides = array<i32>} : memref<128x128xf32, #tpu.memory_space<vmem>>, vector<16xf32>,
          %mul3A_336 = arith.mulf %get3A_332, %get3A_335 : vector<16xf32>
          %add3A_337 = arith.addf %broadcast_in_dim3A_329, %mul3A_336 : vector<16xf32>
          %get3A_338 = arith.index_cast %add3A_327 : i32 to index
          %get3A_339 = arith.constant 16 : index
          %get3A_340 = tpu.vector_load %arg12[%get3A_338, %get3A_339] {strides = array<i32>} : memref<128x128xf32, #tpu.memory_space<vmem>>, vector<16xf32>,
          %get3A_341 = arith.index_cast %add3A_327 : i32 to index
          %get3A_342 = arith.constant 16 : index
          %get3A_343 = tpu.vector_load %arg13[%get3A_341, %get3A_342] {strides = array<i32>} : memref<128x128xf32, #tpu.memory_space<vmem>>, vector<16xf32>,
          %mul3A_344 = arith.mulf %get3A_340, %get3A_343 : vector<16xf32>
          %add3A_345 = arith.addf %add3A_337, %mul3A_344 : vector<16xf32>
          %get3A_346 = arith.index_cast %add3A_327 : i32 to index
          %get3A_347 = arith.constant 32 : index
          %get3A_348 = tpu.vector_load %arg12[%get3A_346, %get3A_347] {strides = array<i32>} : memref<128x128xf32, #tpu.memory_space<vmem>>, vector<16xf32>,
          %get3A_349 = arith.index_cast %add3A_327 : i32 to index
          %get3A_350 = arith.constant 32 : index
          %get3A_351 = tpu.vector_load %arg13[%get3A_349, %get3A_350] {strides = array<i32>} : memref<128x128xf32, #tpu.memory_space<vmem>>, vector<16xf32>,
          %mul3A_352 = arith.mulf %get3A_348, %get3A_351 : vector<16xf32>
          %add3A_353 = arith.addf %add3A_345, %mul3A_352 : vector<16xf32>
          %get3A_354 = arith.index_cast %add3A_327 : i32 to index
          %get3A_355 = arith.constant 48 : index
          %get3A_356 = tpu.vector_load %arg12[%get3A_354, %get3A_355] {strides = array<i32>} : memref<128x128xf32, #tpu.memory_space<vmem>>, vector<16xf32>,
          %get3A_357 = arith.index_cast %add3A_327 : i32 to index
          %get3A_358 = arith.constant 48 : index
          %get3A_359 = tpu.vector_load %arg13[%get3A_357, %get3A_358] {strides = array<i32>} : memref<128x128xf32, #tpu.memory_space<vmem>>, vector<16xf32>,
          %mul3A_360 = arith.mulf %get3A_356, %get3A_359 : vector<16xf32>
          %add3A_361 = arith.addf %add3A_353, %mul3A_360 : vector<16xf32>
          %reduce_sum3A_362 = arith.constant true
          %reduce_sum3A_363 = vector.broadcast %reduce_sum3A_362 : i1 to vector<16xi1>
          %reduce_sum3A_364 = tpu.scan <sum>, %add3A_361 masked %reduce_sum3A_363 : vector<16xf32>, vector<16xi1> -> vector<16xf32>
          %reduce_sum3A_365 = vector.extract %reduce_sum3A_364[15] : f32 from vector<16xf32>
          %eq3A_366 = arith.constant 5 : i32
          %eq3A_367 = vector.broadcast %eq3A_366 : i32 to vector<16xi32>
          %eq3A_368 = arith.cmpi eq, %iota3A, %eq3A_367 : vector<16xi32>
          %broadcast_in_dim3A_369 = vector.broadcast %reduce_sum3A_365 : f32 to vector<16xf32>
          %select_n3A_370 = arith.select %eq3A_368, %broadcast_in_dim3A_369, %select_n3A_323 : vector<16xi1>, vector<16xf32>
          %mul3A_371 = arith.constant 16 : i32
          %mul3A_372 = arith.muli %scan3A_90, %mul3A_371 : i32
          %add3A_373 = arith.constant 6 : i32
          %add3A_374 = arith.addi %mul3A_372, %add3A_373 : i32
          %broadcast_in_dim3A_375 = arith.constant 0.000000e+00 : f32
          %broadcast_in_dim3A_376 = vector.broadcast %broadcast_in_dim3A_375 : f32 to vector<16xf32>
          %get3A_377 = arith.index_cast %add3A_374 : i32 to index
          %get3A_378 = arith.constant 0 : index
          %get3A_379 = tpu.vector_load %arg12[%get3A_377, %get3A_378] {strides = array<i32>} : memref<128x128xf32, #tpu.memory_space<vmem>>, vector<16xf32>,
          %get3A_380 = arith.index_cast %add3A_374 : i32 to index
          %get3A_381 = arith.constant 0 : index
          %get3A_382 = tpu.vector_load %arg13[%get3A_380, %get3A_381] {strides = array<i32>} : memref<128x128xf32, #tpu.memory_space<vmem>>, vector<16xf32>,
          %mul3A_383 = arith.mulf %get3A_379, %get3A_382 : vector<16xf32>
          %add3A_384 = arith.addf %broadcast_in_dim3A_376, %mul3A_383 : vector<16xf32>
          %get3A_385 = arith.index_cast %add3A_374 : i32 to index
          %get3A_386 = arith.constant 16 : index
          %get3A_387 = tpu.vector_load %arg12[%get3A_385, %get3A_386] {strides = array<i32>} : memref<128x128xf32, #tpu.memory_space<vmem>>, vector<16xf32>,
          %get3A_388 = arith.index_cast %add3A_374 : i32 to index
          %get3A_389 = arith.constant 16 : index
          %get3A_390 = tpu.vector_load %arg13[%get3A_388, %get3A_389] {strides = array<i32>} : memref<128x128xf32, #tpu.memory_space<vmem>>, vector<16xf32>,
          %mul3A_391 = arith.mulf %get3A_387, %get3A_390 : vector<16xf32>
          %add3A_392 = arith.addf %add3A_384, %mul3A_391 : vector<16xf32>
          %get3A_393 = arith.index_cast %add3A_374 : i32 to index
          %get3A_394 = arith.constant 32 : index
          %get3A_395 = tpu.vector_load %arg12[%get3A_393, %get3A_394] {strides = array<i32>} : memref<128x128xf32, #tpu.memory_space<vmem>>, vector<16xf32>,
          %get3A_396 = arith.index_cast %add3A_374 : i32 to index
          %get3A_397 = arith.constant 32 : index
          %get3A_398 = tpu.vector_load %arg13[%get3A_396, %get3A_397] {strides = array<i32>} : memref<128x128xf32, #tpu.memory_space<vmem>>, vector<16xf32>,
          %mul3A_399 = arith.mulf %get3A_395, %get3A_398 : vector<16xf32>
          %add3A_400 = arith.addf %add3A_392, %mul3A_399 : vector<16xf32>
          %get3A_401 = arith.index_cast %add3A_374 : i32 to index
          %get3A_402 = arith.constant 48 : index
          %get3A_403 = tpu.vector_load %arg12[%get3A_401, %get3A_402] {strides = array<i32>} : memref<128x128xf32, #tpu.memory_space<vmem>>, vector<16xf32>,
          %get3A_404 = arith.index_cast %add3A_374 : i32 to index
          %get3A_405 = arith.constant 48 : index
          %get3A_406 = tpu.vector_load %arg13[%get3A_404, %get3A_405] {strides = array<i32>} : memref<128x128xf32, #tpu.memory_space<vmem>>, vector<16xf32>,
          %mul3A_407 = arith.mulf %get3A_403, %get3A_406 : vector<16xf32>
          %add3A_408 = arith.addf %add3A_400, %mul3A_407 : vector<16xf32>
          %reduce_sum3A_409 = arith.constant true
          %reduce_sum3A_410 = vector.broadcast %reduce_sum3A_409 : i1 to vector<16xi1>
          %reduce_sum3A_411 = tpu.scan <sum>, %add3A_408 masked %reduce_sum3A_410 : vector<16xf32>, vector<16xi1> -> vector<16xf32>
          %reduce_sum3A_412 = vector.extract %reduce_sum3A_411[15] : f32 from vector<16xf32>
          %eq3A_413 = arith.constant 6 : i32
          %eq3A_414 = vector.broadcast %eq3A_413 : i32 to vector<16xi32>
          %eq3A_415 = arith.cmpi eq, %iota3A, %eq3A_414 : vector<16xi32>
          %broadcast_in_dim3A_416 = vector.broadcast %reduce_sum3A_412 : f32 to vector<16xf32>
          %select_n3A_417 = arith.select %eq3A_415, %broadcast_in_dim3A_416, %select_n3A_370 : vector<16xi1>, vector<16xf32>
          %mul3A_418 = arith.constant 16 : i32
          %mul3A_419 = arith.muli %scan3A_90, %mul3A_418 : i32
          %add3A_420 = arith.constant 7 : i32
          %add3A_421 = arith.addi %mul3A_419, %add3A_420 : i32
          %broadcast_in_dim3A_422 = arith.constant 0.000000e+00 : f32
          %broadcast_in_dim3A_423 = vector.broadcast %broadcast_in_dim3A_422 : f32 to vector<16xf32>
          %get3A_424 = arith.index_cast %add3A_421 : i32 to index
          %get3A_425 = arith.constant 0 : index
          %get3A_426 = tpu.vector_load %arg12[%get3A_424, %get3A_425] {strides = array<i32>} : memref<128x128xf32, #tpu.memory_space<vmem>>, vector<16xf32>,
          %get3A_427 = arith.index_cast %add3A_421 : i32 to index
          %get3A_428 = arith.constant 0 : index
          %get3A_429 = tpu.vector_load %arg13[%get3A_427, %get3A_428] {strides = array<i32>} : memref<128x128xf32, #tpu.memory_space<vmem>>, vector<16xf32>,
          %mul3A_430 = arith.mulf %get3A_426, %get3A_429 : vector<16xf32>
          %add3A_431 = arith.addf %broadcast_in_dim3A_423, %mul3A_430 : vector<16xf32>
          %get3A_432 = arith.index_cast %add3A_421 : i32 to index
          %get3A_433 = arith.constant 16 : index
          %get3A_434 = tpu.vector_load %arg12[%get3A_432, %get3A_433] {strides = array<i32>} : memref<128x128xf32, #tpu.memory_space<vmem>>, vector<16xf32>,
          %get3A_435 = arith.index_cast %add3A_421 : i32 to index
          %get3A_436 = arith.constant 16 : index
          %get3A_437 = tpu.vector_load %arg13[%get3A_435, %get3A_436] {strides = array<i32>} : memref<128x128xf32, #tpu.memory_space<vmem>>, vector<16xf32>,
          %mul3A_438 = arith.mulf %get3A_434, %get3A_437 : vector<16xf32>
          %add3A_439 = arith.addf %add3A_431, %mul3A_438 : vector<16xf32>
          %get3A_440 = arith.index_cast %add3A_421 : i32 to index
          %get3A_441 = arith.constant 32 : index
          %get3A_442 = tpu.vector_load %arg12[%get3A_440, %get3A_441] {strides = array<i32>} : memref<128x128xf32, #tpu.memory_space<vmem>>, vector<16xf32>,
          %get3A_443 = arith.index_cast %add3A_421 : i32 to index
          %get3A_444 = arith.constant 32 : index
          %get3A_445 = tpu.vector_load %arg13[%get3A_443, %get3A_444] {strides = array<i32>} : memref<128x128xf32, #tpu.memory_space<vmem>>, vector<16xf32>,
          %mul3A_446 = arith.mulf %get3A_442, %get3A_445 : vector<16xf32>
          %add3A_447 = arith.addf %add3A_439, %mul3A_446 : vector<16xf32>
          %get3A_448 = arith.index_cast %add3A_421 : i32 to index
          %get3A_449 = arith.constant 48 : index
          %get3A_450 = tpu.vector_load %arg12[%get3A_448, %get3A_449] {strides = array<i32>} : memref<128x128xf32, #tpu.memory_space<vmem>>, vector<16xf32>,
          %get3A_451 = arith.index_cast %add3A_421 : i32 to index
          %get3A_452 = arith.constant 48 : index
          %get3A_453 = tpu.vector_load %arg13[%get3A_451, %get3A_452] {strides = array<i32>} : memref<128x128xf32, #tpu.memory_space<vmem>>, vector<16xf32>,
          %mul3A_454 = arith.mulf %get3A_450, %get3A_453 : vector<16xf32>
          %add3A_455 = arith.addf %add3A_447, %mul3A_454 : vector<16xf32>
          %reduce_sum3A_456 = arith.constant true
          %reduce_sum3A_457 = vector.broadcast %reduce_sum3A_456 : i1 to vector<16xi1>
          %reduce_sum3A_458 = tpu.scan <sum>, %add3A_455 masked %reduce_sum3A_457 : vector<16xf32>, vector<16xi1> -> vector<16xf32>
          %reduce_sum3A_459 = vector.extract %reduce_sum3A_458[15] : f32 from vector<16xf32>
          %eq3A_460 = arith.constant 7 : i32
          %eq3A_461 = vector.broadcast %eq3A_460 : i32 to vector<16xi32>
          %eq3A_462 = arith.cmpi eq, %iota3A, %eq3A_461 : vector<16xi32>
          %broadcast_in_dim3A_463 = vector.broadcast %reduce_sum3A_459 : f32 to vector<16xf32>
          %select_n3A_464 = arith.select %eq3A_462, %broadcast_in_dim3A_463, %select_n3A_417 : vector<16xi1>, vector<16xf32>
          %mul3A_465 = arith.constant 16 : i32
          %mul3A_466 = arith.muli %scan3A_90, %mul3A_465 : i32
          %add3A_467 = arith.constant 8 : i32
          %add3A_468 = arith.addi %mul3A_466, %add3A_467 : i32
          %broadcast_in_dim3A_469 = arith.constant 0.000000e+00 : f32
          %broadcast_in_dim3A_470 = vector.broadcast %broadcast_in_dim3A_469 : f32 to vector<16xf32>
          %get3A_471 = arith.index_cast %add3A_468 : i32 to index
          %get3A_472 = arith.constant 0 : index
          %get3A_473 = tpu.vector_load %arg12[%get3A_471, %get3A_472] {strides = array<i32>} : memref<128x128xf32, #tpu.memory_space<vmem>>, vector<16xf32>,
          %get3A_474 = arith.index_cast %add3A_468 : i32 to index
          %get3A_475 = arith.constant 0 : index
          %get3A_476 = tpu.vector_load %arg13[%get3A_474, %get3A_475] {strides = array<i32>} : memref<128x128xf32, #tpu.memory_space<vmem>>, vector<16xf32>,
          %mul3A_477 = arith.mulf %get3A_473, %get3A_476 : vector<16xf32>
          %add3A_478 = arith.addf %broadcast_in_dim3A_470, %mul3A_477 : vector<16xf32>
          %get3A_479 = arith.index_cast %add3A_468 : i32 to index
          %get3A_480 = arith.constant 16 : index
          %get3A_481 = tpu.vector_load %arg12[%get3A_479, %get3A_480] {strides = array<i32>} : memref<128x128xf32, #tpu.memory_space<vmem>>, vector<16xf32>,
          %get3A_482 = arith.index_cast %add3A_468 : i32 to index
          %get3A_483 = arith.constant 16 : index
          %get3A_484 = tpu.vector_load %arg13[%get3A_482, %get3A_483] {strides = array<i32>} : memref<128x128xf32, #tpu.memory_space<vmem>>, vector<16xf32>,
          %mul3A_485 = arith.mulf %get3A_481, %get3A_484 : vector<16xf32>
          %add3A_486 = arith.addf %add3A_478, %mul3A_485 : vector<16xf32>
          %get3A_487 = arith.index_cast %add3A_468 : i32 to index
          %get3A_488 = arith.constant 32 : index
          %get3A_489 = tpu.vector_load %arg12[%get3A_487, %get3A_488] {strides = array<i32>} : memref<128x128xf32, #tpu.memory_space<vmem>>, vector<16xf32>,
          %get3A_490 = arith.index_cast %add3A_468 : i32 to index
          %get3A_491 = arith.constant 32 : index
          %get3A_492 = tpu.vector_load %arg13[%get3A_490, %get3A_491] {strides = array<i32>} : memref<128x128xf32, #tpu.memory_space<vmem>>, vector<16xf32>,
          %mul3A_493 = arith.mulf %get3A_489, %get3A_492 : vector<16xf32>
          %add3A_494 = arith.addf %add3A_486, %mul3A_493 : vector<16xf32>
          %get3A_495 = arith.index_cast %add3A_468 : i32 to index
          %get3A_496 = arith.constant 48 : index
          %get3A_497 = tpu.vector_load %arg12[%get3A_495, %get3A_496] {strides = array<i32>} : memref<128x128xf32, #tpu.memory_space<vmem>>, vector<16xf32>,
          %get3A_498 = arith.index_cast %add3A_468 : i32 to index
          %get3A_499 = arith.constant 48 : index
          %get3A_500 = tpu.vector_load %arg13[%get3A_498, %get3A_499] {strides = array<i32>} : memref<128x128xf32, #tpu.memory_space<vmem>>, vector<16xf32>,
          %mul3A_501 = arith.mulf %get3A_497, %get3A_500 : vector<16xf32>
          %add3A_502 = arith.addf %add3A_494, %mul3A_501 : vector<16xf32>
          %reduce_sum3A_503 = arith.constant true
          %reduce_sum3A_504 = vector.broadcast %reduce_sum3A_503 : i1 to vector<16xi1>
          %reduce_sum3A_505 = tpu.scan <sum>, %add3A_502 masked %reduce_sum3A_504 : vector<16xf32>, vector<16xi1> -> vector<16xf32>
          %reduce_sum3A_506 = vector.extract %reduce_sum3A_505[15] : f32 from vector<16xf32>
          %eq3A_507 = arith.constant 8 : i32
          %eq3A_508 = vector.broadcast %eq3A_507 : i32 to vector<16xi32>
          %eq3A_509 = arith.cmpi eq, %iota3A, %eq3A_508 : vector<16xi32>
          %broadcast_in_dim3A_510 = vector.broadcast %reduce_sum3A_506 : f32 to vector<16xf32>
          %select_n3A_511 = arith.select %eq3A_509, %broadcast_in_dim3A_510, %select_n3A_464 : vector<16xi1>, vector<16xf32>
          %mul3A_512 = arith.constant 16 : i32
          %mul3A_513 = arith.muli %scan3A_90, %mul3A_512 : i32
          %add3A_514 = arith.constant 9 : i32
          %add3A_515 = arith.addi %mul3A_513, %add3A_514 : i32
          %broadcast_in_dim3A_516 = arith.constant 0.000000e+00 : f32
          %broadcast_in_dim3A_517 = vector.broadcast %broadcast_in_dim3A_516 : f32 to vector<16xf32>
          %get3A_518 = arith.index_cast %add3A_515 : i32 to index
          %get3A_519 = arith.constant 0 : index
          %get3A_520 = tpu.vector_load %arg12[%get3A_518, %get3A_519] {strides = array<i32>} : memref<128x128xf32, #tpu.memory_space<vmem>>, vector<16xf32>,
          %get3A_521 = arith.index_cast %add3A_515 : i32 to index
          %get3A_522 = arith.constant 0 : index
          %get3A_523 = tpu.vector_load %arg13[%get3A_521, %get3A_522] {strides = array<i32>} : memref<128x128xf32, #tpu.memory_space<vmem>>, vector<16xf32>,
          %mul3A_524 = arith.mulf %get3A_520, %get3A_523 : vector<16xf32>
          %add3A_525 = arith.addf %broadcast_in_dim3A_517, %mul3A_524 : vector<16xf32>
          %get3A_526 = arith.index_cast %add3A_515 : i32 to index
          %get3A_527 = arith.constant 16 : index
          %get3A_528 = tpu.vector_load %arg12[%get3A_526, %get3A_527] {strides = array<i32>} : memref<128x128xf32, #tpu.memory_space<vmem>>, vector<16xf32>,
          %get3A_529 = arith.index_cast %add3A_515 : i32 to index
          %get3A_530 = arith.constant 16 : index
          %get3A_531 = tpu.vector_load %arg13[%get3A_529, %get3A_530] {strides = array<i32>} : memref<128x128xf32, #tpu.memory_space<vmem>>, vector<16xf32>,
          %mul3A_532 = arith.mulf %get3A_528, %get3A_531 : vector<16xf32>
          %add3A_533 = arith.addf %add3A_525, %mul3A_532 : vector<16xf32>
          %get3A_534 = arith.index_cast %add3A_515 : i32 to index
          %get3A_535 = arith.constant 32 : index
          %get3A_536 = tpu.vector_load %arg12[%get3A_534, %get3A_535] {strides = array<i32>} : memref<128x128xf32, #tpu.memory_space<vmem>>, vector<16xf32>,
          %get3A_537 = arith.index_cast %add3A_515 : i32 to index
          %get3A_538 = arith.constant 32 : index
          %get3A_539 = tpu.vector_load %arg13[%get3A_537, %get3A_538] {strides = array<i32>} : memref<128x128xf32, #tpu.memory_space<vmem>>, vector<16xf32>,
          %mul3A_540 = arith.mulf %get3A_536, %get3A_539 : vector<16xf32>
          %add3A_541 = arith.addf %add3A_533, %mul3A_540 : vector<16xf32>
          %get3A_542 = arith.index_cast %add3A_515 : i32 to index
          %get3A_543 = arith.constant 48 : index
          %get3A_544 = tpu.vector_load %arg12[%get3A_542, %get3A_543] {strides = array<i32>} : memref<128x128xf32, #tpu.memory_space<vmem>>, vector<16xf32>,
          %get3A_545 = arith.index_cast %add3A_515 : i32 to index
          %get3A_546 = arith.constant 48 : index
          %get3A_547 = tpu.vector_load %arg13[%get3A_545, %get3A_546] {strides = array<i32>} : memref<128x128xf32, #tpu.memory_space<vmem>>, vector<16xf32>,
          %mul3A_548 = arith.mulf %get3A_544, %get3A_547 : vector<16xf32>
          %add3A_549 = arith.addf %add3A_541, %mul3A_548 : vector<16xf32>
          %reduce_sum3A_550 = arith.constant true
          %reduce_sum3A_551 = vector.broadcast %reduce_sum3A_550 : i1 to vector<16xi1>
          %reduce_sum3A_552 = tpu.scan <sum>, %add3A_549 masked %reduce_sum3A_551 : vector<16xf32>, vector<16xi1> -> vector<16xf32>
          %reduce_sum3A_553 = vector.extract %reduce_sum3A_552[15] : f32 from vector<16xf32>
          %eq3A_554 = arith.constant 9 : i32
          %eq3A_555 = vector.broadcast %eq3A_554 : i32 to vector<16xi32>
          %eq3A_556 = arith.cmpi eq, %iota3A, %eq3A_555 : vector<16xi32>
          %broadcast_in_dim3A_557 = vector.broadcast %reduce_sum3A_553 : f32 to vector<16xf32>
          %select_n3A_558 = arith.select %eq3A_556, %broadcast_in_dim3A_557, %select_n3A_511 : vector<16xi1>, vector<16xf32>
          %mul3A_559 = arith.constant 16 : i32
          %mul3A_560 = arith.muli %scan3A_90, %mul3A_559 : i32
          %add3A_561 = arith.constant 10 : i32
          %add3A_562 = arith.addi %mul3A_560, %add3A_561 : i32
          %broadcast_in_dim3A_563 = arith.constant 0.000000e+00 : f32
          %broadcast_in_dim3A_564 = vector.broadcast %broadcast_in_dim3A_563 : f32 to vector<16xf32>
          %get3A_565 = arith.index_cast %add3A_562 : i32 to index
          %get3A_566 = arith.constant 0 : index
          %get3A_567 = tpu.vector_load %arg12[%get3A_565, %get3A_566] {strides = array<i32>} : memref<128x128xf32, #tpu.memory_space<vmem>>, vector<16xf32>,
          %get3A_568 = arith.index_cast %add3A_562 : i32 to index
          %get3A_569 = arith.constant 0 : index
          %get3A_570 = tpu.vector_load %arg13[%get3A_568, %get3A_569] {strides = array<i32>} : memref<128x128xf32, #tpu.memory_space<vmem>>, vector<16xf32>,
          %mul3A_571 = arith.mulf %get3A_567, %get3A_570 : vector<16xf32>
          %add3A_572 = arith.addf %broadcast_in_dim3A_564, %mul3A_571 : vector<16xf32>
          %get3A_573 = arith.index_cast %add3A_562 : i32 to index
          %get3A_574 = arith.constant 16 : index
          %get3A_575 = tpu.vector_load %arg12[%get3A_573, %get3A_574] {strides = array<i32>} : memref<128x128xf32, #tpu.memory_space<vmem>>, vector<16xf32>,
          %get3A_576 = arith.index_cast %add3A_562 : i32 to index
          %get3A_577 = arith.constant 16 : index
          %get3A_578 = tpu.vector_load %arg13[%get3A_576, %get3A_577] {strides = array<i32>} : memref<128x128xf32, #tpu.memory_space<vmem>>, vector<16xf32>,
          %mul3A_579 = arith.mulf %get3A_575, %get3A_578 : vector<16xf32>
          %add3A_580 = arith.addf %add3A_572, %mul3A_579 : vector<16xf32>
          %get3A_581 = arith.index_cast %add3A_562 : i32 to index
          %get3A_582 = arith.constant 32 : index
          %get3A_583 = tpu.vector_load %arg12[%get3A_581, %get3A_582] {strides = array<i32>} : memref<128x128xf32, #tpu.memory_space<vmem>>, vector<16xf32>,
          %get3A_584 = arith.index_cast %add3A_562 : i32 to index
          %get3A_585 = arith.constant 32 : index
          %get3A_586 = tpu.vector_load %arg13[%get3A_584, %get3A_585] {strides = array<i32>} : memref<128x128xf32, #tpu.memory_space<vmem>>, vector<16xf32>,
          %mul3A_587 = arith.mulf %get3A_583, %get3A_586 : vector<16xf32>
          %add3A_588 = arith.addf %add3A_580, %mul3A_587 : vector<16xf32>
          %get3A_589 = arith.index_cast %add3A_562 : i32 to index
          %get3A_590 = arith.constant 48 : index
          %get3A_591 = tpu.vector_load %arg12[%get3A_589, %get3A_590] {strides = array<i32>} : memref<128x128xf32, #tpu.memory_space<vmem>>, vector<16xf32>,
          %get3A_592 = arith.index_cast %add3A_562 : i32 to index
          %get3A_593 = arith.constant 48 : index
          %get3A_594 = tpu.vector_load %arg13[%get3A_592, %get3A_593] {strides = array<i32>} : memref<128x128xf32, #tpu.memory_space<vmem>>, vector<16xf32>,
          %mul3A_595 = arith.mulf %get3A_591, %get3A_594 : vector<16xf32>
          %add3A_596 = arith.addf %add3A_588, %mul3A_595 : vector<16xf32>
          %reduce_sum3A_597 = arith.constant true
          %reduce_sum3A_598 = vector.broadcast %reduce_sum3A_597 : i1 to vector<16xi1>
          %reduce_sum3A_599 = tpu.scan <sum>, %add3A_596 masked %reduce_sum3A_598 : vector<16xf32>, vector<16xi1> -> vector<16xf32>
          %reduce_sum3A_600 = vector.extract %reduce_sum3A_599[15] : f32 from vector<16xf32>
          %eq3A_601 = arith.constant 10 : i32
          %eq3A_602 = vector.broadcast %eq3A_601 : i32 to vector<16xi32>
          %eq3A_603 = arith.cmpi eq, %iota3A, %eq3A_602 : vector<16xi32>
          %broadcast_in_dim3A_604 = vector.broadcast %reduce_sum3A_600 : f32 to vector<16xf32>
          %select_n3A_605 = arith.select %eq3A_603, %broadcast_in_dim3A_604, %select_n3A_558 : vector<16xi1>, vector<16xf32>
          %mul3A_606 = arith.constant 16 : i32
          %mul3A_607 = arith.muli %scan3A_90, %mul3A_606 : i32
          %add3A_608 = arith.constant 11 : i32
          %add3A_609 = arith.addi %mul3A_607, %add3A_608 : i32
          %broadcast_in_dim3A_610 = arith.constant 0.000000e+00 : f32
          %broadcast_in_dim3A_611 = vector.broadcast %broadcast_in_dim3A_610 : f32 to vector<16xf32>
          %get3A_612 = arith.index_cast %add3A_609 : i32 to index
          %get3A_613 = arith.constant 0 : index
          %get3A_614 = tpu.vector_load %arg12[%get3A_612, %get3A_613] {strides = array<i32>} : memref<128x128xf32, #tpu.memory_space<vmem>>, vector<16xf32>,
          %get3A_615 = arith.index_cast %add3A_609 : i32 to index
          %get3A_616 = arith.constant 0 : index
          %get3A_617 = tpu.vector_load %arg13[%get3A_615, %get3A_616] {strides = array<i32>} : memref<128x128xf32, #tpu.memory_space<vmem>>, vector<16xf32>,
          %mul3A_618 = arith.mulf %get3A_614, %get3A_617 : vector<16xf32>
          %add3A_619 = arith.addf %broadcast_in_dim3A_611, %mul3A_618 : vector<16xf32>
          %get3A_620 = arith.index_cast %add3A_609 : i32 to index
          %get3A_621 = arith.constant 16 : index
          %get3A_622 = tpu.vector_load %arg12[%get3A_620, %get3A_621] {strides = array<i32>} : memref<128x128xf32, #tpu.memory_space<vmem>>, vector<16xf32>,
          %get3A_623 = arith.index_cast %add3A_609 : i32 to index
          %get3A_624 = arith.constant 16 : index
          %get3A_625 = tpu.vector_load %arg13[%get3A_623, %get3A_624] {strides = array<i32>} : memref<128x128xf32, #tpu.memory_space<vmem>>, vector<16xf32>,
          %mul3A_626 = arith.mulf %get3A_622, %get3A_625 : vector<16xf32>
          %add3A_627 = arith.addf %add3A_619, %mul3A_626 : vector<16xf32>
          %get3A_628 = arith.index_cast %add3A_609 : i32 to index
          %get3A_629 = arith.constant 32 : index
          %get3A_630 = tpu.vector_load %arg12[%get3A_628, %get3A_629] {strides = array<i32>} : memref<128x128xf32, #tpu.memory_space<vmem>>, vector<16xf32>,
          %get3A_631 = arith.index_cast %add3A_609 : i32 to index
          %get3A_632 = arith.constant 32 : index
          %get3A_633 = tpu.vector_load %arg13[%get3A_631, %get3A_632] {strides = array<i32>} : memref<128x128xf32, #tpu.memory_space<vmem>>, vector<16xf32>,
          %mul3A_634 = arith.mulf %get3A_630, %get3A_633 : vector<16xf32>
          %add3A_635 = arith.addf %add3A_627, %mul3A_634 : vector<16xf32>
          %get3A_636 = arith.index_cast %add3A_609 : i32 to index
          %get3A_637 = arith.constant 48 : index
          %get3A_638 = tpu.vector_load %arg12[%get3A_636, %get3A_637] {strides = array<i32>} : memref<128x128xf32, #tpu.memory_space<vmem>>, vector<16xf32>,
          %get3A_639 = arith.index_cast %add3A_609 : i32 to index
          %get3A_640 = arith.constant 48 : index
          %get3A_641 = tpu.vector_load %arg13[%get3A_639, %get3A_640] {strides = array<i32>} : memref<128x128xf32, #tpu.memory_space<vmem>>, vector<16xf32>,
          %mul3A_642 = arith.mulf %get3A_638, %get3A_641 : vector<16xf32>
          %add3A_643 = arith.addf %add3A_635, %mul3A_642 : vector<16xf32>
          %reduce_sum3A_644 = arith.constant true
          %reduce_sum3A_645 = vector.broadcast %reduce_sum3A_644 : i1 to vector<16xi1>
          %reduce_sum3A_646 = tpu.scan <sum>, %add3A_643 masked %reduce_sum3A_645 : vector<16xf32>, vector<16xi1> -> vector<16xf32>
          %reduce_sum3A_647 = vector.extract %reduce_sum3A_646[15] : f32 from vector<16xf32>
          %eq3A_648 = arith.constant 11 : i32
          %eq3A_649 = vector.broadcast %eq3A_648 : i32 to vector<16xi32>
          %eq3A_650 = arith.cmpi eq, %iota3A, %eq3A_649 : vector<16xi32>
          %broadcast_in_dim3A_651 = vector.broadcast %reduce_sum3A_647 : f32 to vector<16xf32>
          %select_n3A_652 = arith.select %eq3A_650, %broadcast_in_dim3A_651, %select_n3A_605 : vector<16xi1>, vector<16xf32>
          %mul3A_653 = arith.constant 16 : i32
          %mul3A_654 = arith.muli %scan3A_90, %mul3A_653 : i32
          %add3A_655 = arith.constant 12 : i32
          %add3A_656 = arith.addi %mul3A_654, %add3A_655 : i32
          %broadcast_in_dim3A_657 = arith.constant 0.000000e+00 : f32
          %broadcast_in_dim3A_658 = vector.broadcast %broadcast_in_dim3A_657 : f32 to vector<16xf32>
          %get3A_659 = arith.index_cast %add3A_656 : i32 to index
          %get3A_660 = arith.constant 0 : index
          %get3A_661 = tpu.vector_load %arg12[%get3A_659, %get3A_660] {strides = array<i32>} : memref<128x128xf32, #tpu.memory_space<vmem>>, vector<16xf32>,
          %get3A_662 = arith.index_cast %add3A_656 : i32 to index
          %get3A_663 = arith.constant 0 : index
          %get3A_664 = tpu.vector_load %arg13[%get3A_662, %get3A_663] {strides = array<i32>} : memref<128x128xf32, #tpu.memory_space<vmem>>, vector<16xf32>,
          %mul3A_665 = arith.mulf %get3A_661, %get3A_664 : vector<16xf32>
          %add3A_666 = arith.addf %broadcast_in_dim3A_658, %mul3A_665 : vector<16xf32>
          %get3A_667 = arith.index_cast %add3A_656 : i32 to index
          %get3A_668 = arith.constant 16 : index
          %get3A_669 = tpu.vector_load %arg12[%get3A_667, %get3A_668] {strides = array<i32>} : memref<128x128xf32, #tpu.memory_space<vmem>>, vector<16xf32>,
          %get3A_670 = arith.index_cast %add3A_656 : i32 to index
          %get3A_671 = arith.constant 16 : index
          %get3A_672 = tpu.vector_load %arg13[%get3A_670, %get3A_671] {strides = array<i32>} : memref<128x128xf32, #tpu.memory_space<vmem>>, vector<16xf32>,
          %mul3A_673 = arith.mulf %get3A_669, %get3A_672 : vector<16xf32>
          %add3A_674 = arith.addf %add3A_666, %mul3A_673 : vector<16xf32>
          %get3A_675 = arith.index_cast %add3A_656 : i32 to index
          %get3A_676 = arith.constant 32 : index
          %get3A_677 = tpu.vector_load %arg12[%get3A_675, %get3A_676] {strides = array<i32>} : memref<128x128xf32, #tpu.memory_space<vmem>>, vector<16xf32>,
          %get3A_678 = arith.index_cast %add3A_656 : i32 to index
          %get3A_679 = arith.constant 32 : index
          %get3A_680 = tpu.vector_load %arg13[%get3A_678, %get3A_679] {strides = array<i32>} : memref<128x128xf32, #tpu.memory_space<vmem>>, vector<16xf32>,
          %mul3A_681 = arith.mulf %get3A_677, %get3A_680 : vector<16xf32>
          %add3A_682 = arith.addf %add3A_674, %mul3A_681 : vector<16xf32>
          %get3A_683 = arith.index_cast %add3A_656 : i32 to index
          %get3A_684 = arith.constant 48 : index
          %get3A_685 = tpu.vector_load %arg12[%get3A_683, %get3A_684] {strides = array<i32>} : memref<128x128xf32, #tpu.memory_space<vmem>>, vector<16xf32>,
          %get3A_686 = arith.index_cast %add3A_656 : i32 to index
          %get3A_687 = arith.constant 48 : index
          %get3A_688 = tpu.vector_load %arg13[%get3A_686, %get3A_687] {strides = array<i32>} : memref<128x128xf32, #tpu.memory_space<vmem>>, vector<16xf32>,
          %mul3A_689 = arith.mulf %get3A_685, %get3A_688 : vector<16xf32>
          %add3A_690 = arith.addf %add3A_682, %mul3A_689 : vector<16xf32>
          %reduce_sum3A_691 = arith.constant true
          %reduce_sum3A_692 = vector.broadcast %reduce_sum3A_691 : i1 to vector<16xi1>
          %reduce_sum3A_693 = tpu.scan <sum>, %add3A_690 masked %reduce_sum3A_692 : vector<16xf32>, vector<16xi1> -> vector<16xf32>
          %reduce_sum3A_694 = vector.extract %reduce_sum3A_693[15] : f32 from vector<16xf32>
          %eq3A_695 = arith.constant 12 : i32
          %eq3A_696 = vector.broadcast %eq3A_695 : i32 to vector<16xi32>
          %eq3A_697 = arith.cmpi eq, %iota3A, %eq3A_696 : vector<16xi32>
          %broadcast_in_dim3A_698 = vector.broadcast %reduce_sum3A_694 : f32 to vector<16xf32>
          %select_n3A_699 = arith.select %eq3A_697, %broadcast_in_dim3A_698, %select_n3A_652 : vector<16xi1>, vector<16xf32>
          %mul3A_700 = arith.constant 16 : i32
          %mul3A_701 = arith.muli %scan3A_90, %mul3A_700 : i32
          %add3A_702 = arith.constant 13 : i32
          %add3A_703 = arith.addi %mul3A_701, %add3A_702 : i32
          %broadcast_in_dim3A_704 = arith.constant 0.000000e+00 : f32
          %broadcast_in_dim3A_705 = vector.broadcast %broadcast_in_dim3A_704 : f32 to vector<16xf32>
          %get3A_706 = arith.index_cast %add3A_703 : i32 to index
          %get3A_707 = arith.constant 0 : index
          %get3A_708 = tpu.vector_load %arg12[%get3A_706, %get3A_707] {strides = array<i32>} : memref<128x128xf32, #tpu.memory_space<vmem>>, vector<16xf32>,
          %get3A_709 = arith.index_cast %add3A_703 : i32 to index
          %get3A_710 = arith.constant 0 : index
          %get3A_711 = tpu.vector_load %arg13[%get3A_709, %get3A_710] {strides = array<i32>} : memref<128x128xf32, #tpu.memory_space<vmem>>, vector<16xf32>,
          %mul3A_712 = arith.mulf %get3A_708, %get3A_711 : vector<16xf32>
          %add3A_713 = arith.addf %broadcast_in_dim3A_705, %mul3A_712 : vector<16xf32>
          %get3A_714 = arith.index_cast %add3A_703 : i32 to index
          %get3A_715 = arith.constant 16 : index
          %get3A_716 = tpu.vector_load %arg12[%get3A_714, %get3A_715] {strides = array<i32>} : memref<128x128xf32, #tpu.memory_space<vmem>>, vector<16xf32>,
          %get3A_717 = arith.index_cast %add3A_703 : i32 to index
          %get3A_718 = arith.constant 16 : index
          %get3A_719 = tpu.vector_load %arg13[%get3A_717, %get3A_718] {strides = array<i32>} : memref<128x128xf32, #tpu.memory_space<vmem>>, vector<16xf32>,
          %mul3A_720 = arith.mulf %get3A_716, %get3A_719 : vector<16xf32>
          %add3A_721 = arith.addf %add3A_713, %mul3A_720 : vector<16xf32>
          %get3A_722 = arith.index_cast %add3A_703 : i32 to index
          %get3A_723 = arith.constant 32 : index
          %get3A_724 = tpu.vector_load %arg12[%get3A_722, %get3A_723] {strides = array<i32>} : memref<128x128xf32, #tpu.memory_space<vmem>>, vector<16xf32>,
          %get3A_725 = arith.index_cast %add3A_703 : i32 to index
          %get3A_726 = arith.constant 32 : index
          %get3A_727 = tpu.vector_load %arg13[%get3A_725, %get3A_726] {strides = array<i32>} : memref<128x128xf32, #tpu.memory_space<vmem>>, vector<16xf32>,
          %mul3A_728 = arith.mulf %get3A_724, %get3A_727 : vector<16xf32>
          %add3A_729 = arith.addf %add3A_721, %mul3A_728 : vector<16xf32>
          %get3A_730 = arith.index_cast %add3A_703 : i32 to index
          %get3A_731 = arith.constant 48 : index
          %get3A_732 = tpu.vector_load %arg12[%get3A_730, %get3A_731] {strides = array<i32>} : memref<128x128xf32, #tpu.memory_space<vmem>>, vector<16xf32>,
          %get3A_733 = arith.index_cast %add3A_703 : i32 to index
          %get3A_734 = arith.constant 48 : index
          %get3A_735 = tpu.vector_load %arg13[%get3A_733, %get3A_734] {strides = array<i32>} : memref<128x128xf32, #tpu.memory_space<vmem>>, vector<16xf32>,
          %mul3A_736 = arith.mulf %get3A_732, %get3A_735 : vector<16xf32>
          %add3A_737 = arith.addf %add3A_729, %mul3A_736 : vector<16xf32>
          %reduce_sum3A_738 = arith.constant true
          %reduce_sum3A_739 = vector.broadcast %reduce_sum3A_738 : i1 to vector<16xi1>
          %reduce_sum3A_740 = tpu.scan <sum>, %add3A_737 masked %reduce_sum3A_739 : vector<16xf32>, vector<16xi1> -> vector<16xf32>
          %reduce_sum3A_741 = vector.extract %reduce_sum3A_740[15] : f32 from vector<16xf32>
          %eq3A_742 = arith.constant 13 : i32
          %eq3A_743 = vector.broadcast %eq3A_742 : i32 to vector<16xi32>
          %eq3A_744 = arith.cmpi eq, %iota3A, %eq3A_743 : vector<16xi32>
          %broadcast_in_dim3A_745 = vector.broadcast %reduce_sum3A_741 : f32 to vector<16xf32>
          %select_n3A_746 = arith.select %eq3A_744, %broadcast_in_dim3A_745, %select_n3A_699 : vector<16xi1>, vector<16xf32>
          %mul3A_747 = arith.constant 16 : i32
          %mul3A_748 = arith.muli %scan3A_90, %mul3A_747 : i32
          %add3A_749 = arith.constant 14 : i32
          %add3A_750 = arith.addi %mul3A_748, %add3A_749 : i32
          %broadcast_in_dim3A_751 = arith.constant 0.000000e+00 : f32
          %broadcast_in_dim3A_752 = vector.broadcast %broadcast_in_dim3A_751 : f32 to vector<16xf32>
          %get3A_753 = arith.index_cast %add3A_750 : i32 to index
          %get3A_754 = arith.constant 0 : index
          %get3A_755 = tpu.vector_load %arg12[%get3A_753, %get3A_754] {strides = array<i32>} : memref<128x128xf32, #tpu.memory_space<vmem>>, vector<16xf32>,
          %get3A_756 = arith.index_cast %add3A_750 : i32 to index
          %get3A_757 = arith.constant 0 : index
          %get3A_758 = tpu.vector_load %arg13[%get3A_756, %get3A_757] {strides = array<i32>} : memref<128x128xf32, #tpu.memory_space<vmem>>, vector<16xf32>,
          %mul3A_759 = arith.mulf %get3A_755, %get3A_758 : vector<16xf32>
          %add3A_760 = arith.addf %broadcast_in_dim3A_752, %mul3A_759 : vector<16xf32>
          %get3A_761 = arith.index_cast %add3A_750 : i32 to index
          %get3A_762 = arith.constant 16 : index
          %get3A_763 = tpu.vector_load %arg12[%get3A_761, %get3A_762] {strides = array<i32>} : memref<128x128xf32, #tpu.memory_space<vmem>>, vector<16xf32>,
          %get3A_764 = arith.index_cast %add3A_750 : i32 to index
          %get3A_765 = arith.constant 16 : index
          %get3A_766 = tpu.vector_load %arg13[%get3A_764, %get3A_765] {strides = array<i32>} : memref<128x128xf32, #tpu.memory_space<vmem>>, vector<16xf32>,
          %mul3A_767 = arith.mulf %get3A_763, %get3A_766 : vector<16xf32>
          %add3A_768 = arith.addf %add3A_760, %mul3A_767 : vector<16xf32>
          %get3A_769 = arith.index_cast %add3A_750 : i32 to index
          %get3A_770 = arith.constant 32 : index
          %get3A_771 = tpu.vector_load %arg12[%get3A_769, %get3A_770] {strides = array<i32>} : memref<128x128xf32, #tpu.memory_space<vmem>>, vector<16xf32>,
          %get3A_772 = arith.index_cast %add3A_750 : i32 to index
          %get3A_773 = arith.constant 32 : index
          %get3A_774 = tpu.vector_load %arg13[%get3A_772, %get3A_773] {strides = array<i32>} : memref<128x128xf32, #tpu.memory_space<vmem>>, vector<16xf32>,
          %mul3A_775 = arith.mulf %get3A_771, %get3A_774 : vector<16xf32>
          %add3A_776 = arith.addf %add3A_768, %mul3A_775 : vector<16xf32>
          %get3A_777 = arith.index_cast %add3A_750 : i32 to index
          %get3A_778 = arith.constant 48 : index
          %get3A_779 = tpu.vector_load %arg12[%get3A_777, %get3A_778] {strides = array<i32>} : memref<128x128xf32, #tpu.memory_space<vmem>>, vector<16xf32>,
          %get3A_780 = arith.index_cast %add3A_750 : i32 to index
          %get3A_781 = arith.constant 48 : index
          %get3A_782 = tpu.vector_load %arg13[%get3A_780, %get3A_781] {strides = array<i32>} : memref<128x128xf32, #tpu.memory_space<vmem>>, vector<16xf32>,
          %mul3A_783 = arith.mulf %get3A_779, %get3A_782 : vector<16xf32>
          %add3A_784 = arith.addf %add3A_776, %mul3A_783 : vector<16xf32>
          %reduce_sum3A_785 = arith.constant true
          %reduce_sum3A_786 = vector.broadcast %reduce_sum3A_785 : i1 to vector<16xi1>
          %reduce_sum3A_787 = tpu.scan <sum>, %add3A_784 masked %reduce_sum3A_786 : vector<16xf32>, vector<16xi1> -> vector<16xf32>
          %reduce_sum3A_788 = vector.extract %reduce_sum3A_787[15] : f32 from vector<16xf32>
          %eq3A_789 = arith.constant 14 : i32
          %eq3A_790 = vector.broadcast %eq3A_789 : i32 to vector<16xi32>
          %eq3A_791 = arith.cmpi eq, %iota3A, %eq3A_790 : vector<16xi32>
          %broadcast_in_dim3A_792 = vector.broadcast %reduce_sum3A_788 : f32 to vector<16xf32>
          %select_n3A_793 = arith.select %eq3A_791, %broadcast_in_dim3A_792, %select_n3A_746 : vector<16xi1>, vector<16xf32>
          %mul3A_794 = arith.constant 16 : i32
          %mul3A_795 = arith.muli %scan3A_90, %mul3A_794 : i32
          %add3A_796 = arith.constant 15 : i32
          %add3A_797 = arith.addi %mul3A_795, %add3A_796 : i32
          %broadcast_in_dim3A_798 = arith.constant 0.000000e+00 : f32
          %broadcast_in_dim3A_799 = vector.broadcast %broadcast_in_dim3A_798 : f32 to vector<16xf32>
          %get3A_800 = arith.index_cast %add3A_797 : i32 to index
          %get3A_801 = arith.constant 0 : index
          %get3A_802 = tpu.vector_load %arg12[%get3A_800, %get3A_801] {strides = array<i32>} : memref<128x128xf32, #tpu.memory_space<vmem>>, vector<16xf32>,
          %get3A_803 = arith.index_cast %add3A_797 : i32 to index
          %get3A_804 = arith.constant 0 : index
          %get3A_805 = tpu.vector_load %arg13[%get3A_803, %get3A_804] {strides = array<i32>} : memref<128x128xf32, #tpu.memory_space<vmem>>, vector<16xf32>,
          %mul3A_806 = arith.mulf %get3A_802, %get3A_805 : vector<16xf32>
          %add3A_807 = arith.addf %broadcast_in_dim3A_799, %mul3A_806 : vector<16xf32>
          %get3A_808 = arith.index_cast %add3A_797 : i32 to index
          %get3A_809 = arith.constant 16 : index
          %get3A_810 = tpu.vector_load %arg12[%get3A_808, %get3A_809] {strides = array<i32>} : memref<128x128xf32, #tpu.memory_space<vmem>>, vector<16xf32>,
          %get3A_811 = arith.index_cast %add3A_797 : i32 to index
          %get3A_812 = arith.constant 16 : index
          %get3A_813 = tpu.vector_load %arg13[%get3A_811, %get3A_812] {strides = array<i32>} : memref<128x128xf32, #tpu.memory_space<vmem>>, vector<16xf32>,
          %mul3A_814 = arith.mulf %get3A_810, %get3A_813 : vector<16xf32>
          %add3A_815 = arith.addf %add3A_807, %mul3A_814 : vector<16xf32>
          %get3A_816 = arith.index_cast %add3A_797 : i32 to index
          %get3A_817 = arith.constant 32 : index
          %get3A_818 = tpu.vector_load %arg12[%get3A_816, %get3A_817] {strides = array<i32>} : memref<128x128xf32, #tpu.memory_space<vmem>>, vector<16xf32>,
          %get3A_819 = arith.index_cast %add3A_797 : i32 to index
          %get3A_820 = arith.constant 32 : index
          %get3A_821 = tpu.vector_load %arg13[%get3A_819, %get3A_820] {strides = array<i32>} : memref<128x128xf32, #tpu.memory_space<vmem>>, vector<16xf32>,
          %mul3A_822 = arith.mulf %get3A_818, %get3A_821 : vector<16xf32>
          %add3A_823 = arith.addf %add3A_815, %mul3A_822 : vector<16xf32>
          %get3A_824 = arith.index_cast %add3A_797 : i32 to index
          %get3A_825 = arith.constant 48 : index
          %get3A_826 = tpu.vector_load %arg12[%get3A_824, %get3A_825] {strides = array<i32>} : memref<128x128xf32, #tpu.memory_space<vmem>>, vector<16xf32>,
          %get3A_827 = arith.index_cast %add3A_797 : i32 to index
          %get3A_828 = arith.constant 48 : index
          %get3A_829 = tpu.vector_load %arg13[%get3A_827, %get3A_828] {strides = array<i32>} : memref<128x128xf32, #tpu.memory_space<vmem>>, vector<16xf32>,
          %mul3A_830 = arith.mulf %get3A_826, %get3A_829 : vector<16xf32>
          %add3A_831 = arith.addf %add3A_823, %mul3A_830 : vector<16xf32>
          %reduce_sum3A_832 = arith.constant true
          %reduce_sum3A_833 = vector.broadcast %reduce_sum3A_832 : i1 to vector<16xi1>
          %reduce_sum3A_834 = tpu.scan <sum>, %add3A_831 masked %reduce_sum3A_833 : vector<16xf32>, vector<16xi1> -> vector<16xf32>
          %reduce_sum3A_835 = vector.extract %reduce_sum3A_834[15] : f32 from vector<16xf32>
          %eq3A_836 = arith.constant 15 : i32
          %eq3A_837 = vector.broadcast %eq3A_836 : i32 to vector<16xi32>
          %eq3A_838 = arith.cmpi eq, %iota3A, %eq3A_837 : vector<16xi32>
          %broadcast_in_dim3A_839 = vector.broadcast %reduce_sum3A_835 : f32 to vector<16xf32>
          %select_n3A_840 = arith.select %eq3A_838, %broadcast_in_dim3A_839, %select_n3A_793 : vector<16xi1>, vector<16xf32>
          %mul3A_841 = arith.constant -1.250000e-01 : f32
          %mul3A_842 = vector.broadcast %mul3A_841 : f32 to vector<16xf32>
          %mul3A_843 = arith.mulf %select_n3A_840, %mul3A_842 : vector<16xf32>
          %exp3A = math.exp %mul3A_843 : vector<16xf32>
          %add3A_844 = arith.constant 1.000000e+00 : f32
          %add3A_845 = vector.broadcast %add3A_844 : f32 to vector<16xf32>
          %add3A_846 = arith.addf %add3A_845, %exp3A : vector<16xf32>
          %div3A = arith.constant 1.000000e+00 : f32
          %div3A_847 = vector.broadcast %div3A : f32 to vector<16xf32>
          %div3A_848 = arith.divf %div3A_847, %add3A_846 : vector<16xf32>
          %mul3A_849 = arith.constant 16 : i32
          %mul3A_850 = arith.muli %scan3A_90, %mul3A_849 : i32
          %swap3A = arith.index_cast %mul3A_850 : i32 to index
          %swap3A_851 = tpu.vector_load %arg16[%swap3A] {strides = array<i32>} : memref<128xf32, #tpu.memory_space<vmem>>, vector<16xf32>,
          tpu.vector_store %arg16[%swap3A], %div3A_848 {strides = array<i32>} : memref<128xf32, #tpu.memory_space<vmem>>, vector<16xf32>,
          %scan3A_852 = arith.constant 0 : i32
          scf.yield %scan3A_852 : i32
        }
        %scan3A_89 = arith.constant 8 : i32
        "tpu.region"() ({
          %run_scoped3A = tpu.sem_alloc : memref<!tpu.dma_semaphore, #tpu.memory_space<semaphore_mem>>
          %dma_start3A_90 = arith.constant 0 : i32
          %dma_start3A_91 = tpu.memref_slice %arg19[%dma_start3A_90] : memref<10240xf32, #tpu.memory_space<vmem_shared>> -> memref<10240xf32, #tpu.memory_space<vmem_shared>>
          tpu.enqueue_indirect_dma source(%arg16 : memref<128xf32, #tpu.memory_space<vmem>>) target(%dma_start3A_91 : memref<10240xf32, #tpu.memory_space<vmem_shared>>) offsets(%arg10 : memref<128xi32, #tpu.memory_space<vmem>>) semaphore(%run_scoped3A : memref<!tpu.dma_semaphore, #tpu.memory_space<semaphore_mem>>) {add = true}
          %dma_wait3A_92 = arith.constant 0 : i32
          %dma_wait3A_93 = tpu.memref_slice %arg19[%dma_wait3A_92] : memref<10240xf32, #tpu.memory_space<vmem_shared>> -> memref<10240xf32, #tpu.memory_space<vmem_shared>>
          tpu.wait_indirect_dma semaphore(%run_scoped3A : memref<!tpu.dma_semaphore, #tpu.memory_space<semaphore_mem>>) src(%arg16 : memref<128xf32, #tpu.memory_space<vmem>>) dst(%dma_wait3A_93 : memref<10240xf32, #tpu.memory_space<vmem_shared>>)
          tpu.yield
        }) : () -> ()
        "tpu.region"() ({
          %run_scoped3A = tpu.sem_alloc : memref<!tpu.dma_semaphore, #tpu.memory_space<semaphore_mem>>
          %dma_start3A_90 = arith.constant 0 : i32
          %dma_start3A_91 = tpu.memref_slice %arg20[%dma_start3A_90] : memref<10240xf32, #tpu.memory_space<vmem_shared>> -> memref<10240xf32, #tpu.memory_space<vmem_shared>>
          tpu.enqueue_indirect_dma source(%arg17 : memref<128xf32, #tpu.memory_space<vmem>>) target(%dma_start3A_91 : memref<10240xf32, #tpu.memory_space<vmem_shared>>) offsets(%arg10 : memref<128xi32, #tpu.memory_space<vmem>>) semaphore(%run_scoped3A : memref<!tpu.dma_semaphore, #tpu.memory_space<semaphore_mem>>) {add = true}
          %dma_wait3A_92 = arith.constant 0 : i32
          %dma_wait3A_93 = tpu.memref_slice %arg20[%dma_wait3A_92] : memref<10240xf32, #tpu.memory_space<vmem_shared>> -> memref<10240xf32, #tpu.memory_space<vmem_shared>>
          tpu.wait_indirect_dma semaphore(%run_scoped3A : memref<!tpu.dma_semaphore, #tpu.memory_space<semaphore_mem>>) src(%arg17 : memref<128xf32, #tpu.memory_space<vmem>>) dst(%dma_wait3A_93 : memref<10240xf32, #tpu.memory_space<vmem_shared>>)
          tpu.yield
        }) : () -> ()
      } else {
      }
      %mul3A_55 = arith.constant 2 : i32
      %mul3A_56 = arith.muli %scan3A_47, %mul3A_55 : i32
      %add3A_57 = arith.constant 1 : i32
      %add3A_58 = arith.addi %mul3A_56, %add3A_57 : i32
      %lt3A_59 = arith.constant 40 : i32
      %lt3A_60 = arith.cmpi slt, %add3A_58, %lt3A_59 : i32
      %convert_element_type3A_61 = arith.extui %lt3A_60 : i1 to i32
      %cond3A_62 = arith.constant 0 : i32
      %cond3A_63 = arith.cmpi ne, %convert_element_type3A_61, %cond3A_62 : i32
      scf.if %cond3A_63 {
        %add3A_65 = arith.constant 1 : i32
        %add3A_66 = arith.addi %add3A_58, %add3A_65 : i32
        %lt3A_67 = arith.constant 40 : i32
        %lt3A_68 = arith.cmpi slt, %add3A_66, %lt3A_67 : i32
        %convert_element_type3A_69 = arith.extui %lt3A_68 : i1 to i32
        %cond3A_70 = arith.constant 0 : i32
        %cond3A_71 = arith.cmpi ne, %convert_element_type3A_69, %cond3A_70 : i32
        scf.if %cond3A_71 {
          %add3A_90 = arith.constant 1 : i32
          %add3A_91 = arith.addi %add3A_58, %add3A_90 : i32
          %mul3A_92 = arith.constant 128 : i32
          %mul3A_93 = arith.muli %add3A_91, %mul3A_92 : i32
          %min3A_94 = arith.constant 4872 : i32
          %min3A_95 = arith.minsi %mul3A_93, %min3A_94 : i32
          %scan3A_96 = arith.constant 0 : i32
          %scan3A_97 = arith.constant 0 : i32
          %scan3A_98 = arith.constant 8 : i32
          %scan3A_99 = arith.addi %scan3A_97, %scan3A_98 : i32
          %scan3A_100 = arith.constant 1 : i32
          %scan3A_101 = scf.for %scan3A_111 = %scan3A_97 to %scan3A_99 step %scan3A_100 iter_args(%scan3A_112 = %scan3A_96) -> (i32)  : i32 {
            %mul3A_113 = arith.constant 16 : i32
            %mul3A_114 = arith.muli %scan3A_111, %mul3A_113 : i32
            %add3A_115 = arith.addi %min3A_95, %mul3A_114 : i32
            %get3A = arith.index_cast %add3A_115 : i32 to index
            %get3A_116 = tpu.vector_load %arg8[%get3A] {strides = array<i32>} : memref<5000xi32, #tpu.memory_space<vmem>>, vector<16xi32>,
            %eq3A = arith.constant 39 : i32
            %eq3A_117 = arith.cmpi eq, %add3A_91, %eq3A : i32
            %mul3A_118 = arith.constant 16 : i32
            %mul3A_119 = arith.muli %scan3A_111, %mul3A_118 : i32
            %add3A_120 = vector.broadcast %mul3A_119 : i32 to vector<16xi32>
            %add3A_121 = arith.addi %add3A_120, %iota3A : vector<16xi32>
            %lt3A_122 = arith.constant 120 : i32
            %lt3A_123 = vector.broadcast %lt3A_122 : i32 to vector<16xi32>
            %lt3A_124 = arith.cmpi slt, %add3A_121, %lt3A_123 : vector<16xi32>
            %and3A = vector.broadcast %eq3A_117 : i1 to vector<16xi1>
            %and3A_125 = arith.andi %and3A, %lt3A_124 : vector<16xi1>
            %broadcast_in_dim3A = arith.constant 10239 : i32
            %broadcast_in_dim3A_126 = vector.broadcast %broadcast_in_dim3A : i32 to vector<16xi32>
            %select_n3A = arith.select %and3A_125, %broadcast_in_dim3A_126, %get3A_116 : vector<16xi1>, vector<16xi32>
            %mul3A_127 = arith.constant 16 : i32
            %mul3A_128 = arith.muli %scan3A_111, %mul3A_127 : i32
            %swap3A = arith.index_cast %mul3A_128 : i32 to index
            %swap3A_129 = tpu.vector_load %arg10[%swap3A] {strides = array<i32>} : memref<128xi32, #tpu.memory_space<vmem>>, vector<16xi32>,
            tpu.vector_store %arg10[%swap3A], %select_n3A {strides = array<i32>} : memref<128xi32, #tpu.memory_space<vmem>>, vector<16xi32>,
            %scan3A_130 = arith.constant 0 : i32
            scf.yield %scan3A_130 : i32
          }
          %scan3A_102 = arith.constant 8 : i32
          %dma_start3A_103 = tpu.memref_slice %arg8[%min3A_95] : memref<5000xi32, #tpu.memory_space<vmem>> -> memref<128xi32, #tpu.memory_space<vmem>>
          %dma_start3A_104 = arith.constant 0 : i32
          %dma_start3A_105 = arith.constant 0 : i32
          %dma_start3A_106 = tpu.memref_slice %arg2[%dma_start3A_104, %dma_start3A_105] : memref<10000x128xf32, #tpu.memory_space<hbm>> -> memref<10000x128xf32, #tpu.memory_space<hbm>>
          tpu.enqueue_indirect_dma source(%dma_start3A_106 : memref<10000x128xf32, #tpu.memory_space<hbm>>) target(%arg12 : memref<128x128xf32, #tpu.memory_space<vmem>>) offsets(%dma_start3A_103 : memref<128xi32, #tpu.memory_space<vmem>>) semaphore(%arg21 : memref<!tpu.dma_semaphore, #tpu.memory_space<semaphore_mem>>)
          %dma_start3A_107 = tpu.memref_slice %arg9[%min3A_95] : memref<5000xi32, #tpu.memory_space<vmem>> -> memref<128xi32, #tpu.memory_space<vmem>>
          %dma_start3A_108 = arith.constant 0 : i32
          %dma_start3A_109 = arith.constant 0 : i32
          %dma_start3A_110 = tpu.memref_slice %arg3[%dma_start3A_108, %dma_start3A_109] : memref<10000x128xf32, #tpu.memory_space<hbm>> -> memref<10000x128xf32, #tpu.memory_space<hbm>>
          tpu.enqueue_indirect_dma source(%dma_start3A_110 : memref<10000x128xf32, #tpu.memory_space<hbm>>) target(%arg13 : memref<128x128xf32, #tpu.memory_space<vmem>>) offsets(%dma_start3A_107 : memref<128xi32, #tpu.memory_space<vmem>>) semaphore(%arg21 : memref<!tpu.dma_semaphore, #tpu.memory_space<semaphore_mem>>)
        } else {
        }
        %mul3A_72 = arith.constant 128 : i32
        %mul3A_73 = arith.muli %add3A_58, %mul3A_72 : i32
        %min3A_74 = arith.constant 4872 : i32
        %min3A_75 = arith.minsi %mul3A_73, %min3A_74 : i32
        %dma_wait3A = tpu.memref_slice %arg8[%min3A_75] : memref<5000xi32, #tpu.memory_space<vmem>> -> memref<128xi32, #tpu.memory_space<vmem>>
        %dma_wait3A_76 = arith.constant 0 : i32
        %dma_wait3A_77 = arith.constant 0 : i32
        %dma_wait3A_78 = tpu.memref_slice %arg2[%dma_wait3A_76, %dma_wait3A_77] : memref<10000x128xf32, #tpu.memory_space<hbm>> -> memref<10000x128xf32, #tpu.memory_space<hbm>>
        tpu.wait_indirect_dma semaphore(%arg22 : memref<!tpu.dma_semaphore, #tpu.memory_space<semaphore_mem>>) src(%dma_wait3A_78 : memref<10000x128xf32, #tpu.memory_space<hbm>>) dst(%arg14 : memref<128x128xf32, #tpu.memory_space<vmem>>)
        %dma_wait3A_79 = tpu.memref_slice %arg9[%min3A_75] : memref<5000xi32, #tpu.memory_space<vmem>> -> memref<128xi32, #tpu.memory_space<vmem>>
        %dma_wait3A_80 = arith.constant 0 : i32
        %dma_wait3A_81 = arith.constant 0 : i32
        %dma_wait3A_82 = tpu.memref_slice %arg3[%dma_wait3A_80, %dma_wait3A_81] : memref<10000x128xf32, #tpu.memory_space<hbm>> -> memref<10000x128xf32, #tpu.memory_space<hbm>>
        tpu.wait_indirect_dma semaphore(%arg22 : memref<!tpu.dma_semaphore, #tpu.memory_space<semaphore_mem>>) src(%dma_wait3A_82 : memref<10000x128xf32, #tpu.memory_space<hbm>>) dst(%arg15 : memref<128x128xf32, #tpu.memory_space<vmem>>)
        %scan3A_83 = arith.constant 0 : i32
        %scan3A_84 = arith.constant 0 : i32
        %scan3A_85 = arith.constant 8 : i32
        %scan3A_86 = arith.addi %scan3A_84, %scan3A_85 : i32
        %scan3A_87 = arith.constant 1 : i32
        %scan3A_88 = scf.for %scan3A_90 = %scan3A_84 to %scan3A_86 step %scan3A_87 iter_args(%scan3A_91 = %scan3A_83) -> (i32)  : i32 {
          %broadcast_in_dim3A = arith.constant 0.000000e+00 : f32
          %broadcast_in_dim3A_92 = vector.broadcast %broadcast_in_dim3A : f32 to vector<16xf32>
          %mul3A_93 = arith.constant 16 : i32
          %mul3A_94 = arith.muli %scan3A_90, %mul3A_93 : i32
          %add3A_95 = arith.constant 0 : i32
          %add3A_96 = arith.addi %mul3A_94, %add3A_95 : i32
          %broadcast_in_dim3A_97 = arith.constant 0.000000e+00 : f32
          %broadcast_in_dim3A_98 = vector.broadcast %broadcast_in_dim3A_97 : f32 to vector<16xf32>
          %get3A = arith.index_cast %add3A_96 : i32 to index
          %get3A_99 = arith.constant 0 : index
          %get3A_100 = tpu.vector_load %arg14[%get3A, %get3A_99] {strides = array<i32>} : memref<128x128xf32, #tpu.memory_space<vmem>>, vector<16xf32>,
          %get3A_101 = arith.index_cast %add3A_96 : i32 to index
          %get3A_102 = arith.constant 0 : index
          %get3A_103 = tpu.vector_load %arg15[%get3A_101, %get3A_102] {strides = array<i32>} : memref<128x128xf32, #tpu.memory_space<vmem>>, vector<16xf32>,
          %mul3A_104 = arith.mulf %get3A_100, %get3A_103 : vector<16xf32>
          %add3A_105 = arith.addf %broadcast_in_dim3A_98, %mul3A_104 : vector<16xf32>
          %get3A_106 = arith.index_cast %add3A_96 : i32 to index
          %get3A_107 = arith.constant 16 : index
          %get3A_108 = tpu.vector_load %arg14[%get3A_106, %get3A_107] {strides = array<i32>} : memref<128x128xf32, #tpu.memory_space<vmem>>, vector<16xf32>,
          %get3A_109 = arith.index_cast %add3A_96 : i32 to index
          %get3A_110 = arith.constant 16 : index
          %get3A_111 = tpu.vector_load %arg15[%get3A_109, %get3A_110] {strides = array<i32>} : memref<128x128xf32, #tpu.memory_space<vmem>>, vector<16xf32>,
          %mul3A_112 = arith.mulf %get3A_108, %get3A_111 : vector<16xf32>
          %add3A_113 = arith.addf %add3A_105, %mul3A_112 : vector<16xf32>
          %get3A_114 = arith.index_cast %add3A_96 : i32 to index
          %get3A_115 = arith.constant 32 : index
          %get3A_116 = tpu.vector_load %arg14[%get3A_114, %get3A_115] {strides = array<i32>} : memref<128x128xf32, #tpu.memory_space<vmem>>, vector<16xf32>,
          %get3A_117 = arith.index_cast %add3A_96 : i32 to index
          %get3A_118 = arith.constant 32 : index
          %get3A_119 = tpu.vector_load %arg15[%get3A_117, %get3A_118] {strides = array<i32>} : memref<128x128xf32, #tpu.memory_space<vmem>>, vector<16xf32>,
          %mul3A_120 = arith.mulf %get3A_116, %get3A_119 : vector<16xf32>
          %add3A_121 = arith.addf %add3A_113, %mul3A_120 : vector<16xf32>
          %get3A_122 = arith.index_cast %add3A_96 : i32 to index
          %get3A_123 = arith.constant 48 : index
          %get3A_124 = tpu.vector_load %arg14[%get3A_122, %get3A_123] {strides = array<i32>} : memref<128x128xf32, #tpu.memory_space<vmem>>, vector<16xf32>,
          %get3A_125 = arith.index_cast %add3A_96 : i32 to index
          %get3A_126 = arith.constant 48 : index
          %get3A_127 = tpu.vector_load %arg15[%get3A_125, %get3A_126] {strides = array<i32>} : memref<128x128xf32, #tpu.memory_space<vmem>>, vector<16xf32>,
          %mul3A_128 = arith.mulf %get3A_124, %get3A_127 : vector<16xf32>
          %add3A_129 = arith.addf %add3A_121, %mul3A_128 : vector<16xf32>
          %reduce_sum3A = arith.constant true
          %reduce_sum3A_130 = vector.broadcast %reduce_sum3A : i1 to vector<16xi1>
          %reduce_sum3A_131 = tpu.scan <sum>, %add3A_129 masked %reduce_sum3A_130 : vector<16xf32>, vector<16xi1> -> vector<16xf32>
          %reduce_sum3A_132 = vector.extract %reduce_sum3A_131[15] : f32 from vector<16xf32>
          %eq3A = arith.constant 0 : i32
          %eq3A_133 = vector.broadcast %eq3A : i32 to vector<16xi32>
          %eq3A_134 = arith.cmpi eq, %iota3A, %eq3A_133 : vector<16xi32>
          %broadcast_in_dim3A_135 = vector.broadcast %reduce_sum3A_132 : f32 to vector<16xf32>
          %select_n3A = arith.select %eq3A_134, %broadcast_in_dim3A_135, %broadcast_in_dim3A_92 : vector<16xi1>, vector<16xf32>
          %mul3A_136 = arith.constant 16 : i32
          %mul3A_137 = arith.muli %scan3A_90, %mul3A_136 : i32
          %add3A_138 = arith.constant 1 : i32
          %add3A_139 = arith.addi %mul3A_137, %add3A_138 : i32
          %broadcast_in_dim3A_140 = arith.constant 0.000000e+00 : f32
          %broadcast_in_dim3A_141 = vector.broadcast %broadcast_in_dim3A_140 : f32 to vector<16xf32>
          %get3A_142 = arith.index_cast %add3A_139 : i32 to index
          %get3A_143 = arith.constant 0 : index
          %get3A_144 = tpu.vector_load %arg14[%get3A_142, %get3A_143] {strides = array<i32>} : memref<128x128xf32, #tpu.memory_space<vmem>>, vector<16xf32>,
          %get3A_145 = arith.index_cast %add3A_139 : i32 to index
          %get3A_146 = arith.constant 0 : index
          %get3A_147 = tpu.vector_load %arg15[%get3A_145, %get3A_146] {strides = array<i32>} : memref<128x128xf32, #tpu.memory_space<vmem>>, vector<16xf32>,
          %mul3A_148 = arith.mulf %get3A_144, %get3A_147 : vector<16xf32>
          %add3A_149 = arith.addf %broadcast_in_dim3A_141, %mul3A_148 : vector<16xf32>
          %get3A_150 = arith.index_cast %add3A_139 : i32 to index
          %get3A_151 = arith.constant 16 : index
          %get3A_152 = tpu.vector_load %arg14[%get3A_150, %get3A_151] {strides = array<i32>} : memref<128x128xf32, #tpu.memory_space<vmem>>, vector<16xf32>,
          %get3A_153 = arith.index_cast %add3A_139 : i32 to index
          %get3A_154 = arith.constant 16 : index
          %get3A_155 = tpu.vector_load %arg15[%get3A_153, %get3A_154] {strides = array<i32>} : memref<128x128xf32, #tpu.memory_space<vmem>>, vector<16xf32>,
          %mul3A_156 = arith.mulf %get3A_152, %get3A_155 : vector<16xf32>
          %add3A_157 = arith.addf %add3A_149, %mul3A_156 : vector<16xf32>
          %get3A_158 = arith.index_cast %add3A_139 : i32 to index
          %get3A_159 = arith.constant 32 : index
          %get3A_160 = tpu.vector_load %arg14[%get3A_158, %get3A_159] {strides = array<i32>} : memref<128x128xf32, #tpu.memory_space<vmem>>, vector<16xf32>,
          %get3A_161 = arith.index_cast %add3A_139 : i32 to index
          %get3A_162 = arith.constant 32 : index
          %get3A_163 = tpu.vector_load %arg15[%get3A_161, %get3A_162] {strides = array<i32>} : memref<128x128xf32, #tpu.memory_space<vmem>>, vector<16xf32>,
          %mul3A_164 = arith.mulf %get3A_160, %get3A_163 : vector<16xf32>
          %add3A_165 = arith.addf %add3A_157, %mul3A_164 : vector<16xf32>
          %get3A_166 = arith.index_cast %add3A_139 : i32 to index
          %get3A_167 = arith.constant 48 : index
          %get3A_168 = tpu.vector_load %arg14[%get3A_166, %get3A_167] {strides = array<i32>} : memref<128x128xf32, #tpu.memory_space<vmem>>, vector<16xf32>,
          %get3A_169 = arith.index_cast %add3A_139 : i32 to index
          %get3A_170 = arith.constant 48 : index
          %get3A_171 = tpu.vector_load %arg15[%get3A_169, %get3A_170] {strides = array<i32>} : memref<128x128xf32, #tpu.memory_space<vmem>>, vector<16xf32>,
          %mul3A_172 = arith.mulf %get3A_168, %get3A_171 : vector<16xf32>
          %add3A_173 = arith.addf %add3A_165, %mul3A_172 : vector<16xf32>
          %reduce_sum3A_174 = arith.constant true
          %reduce_sum3A_175 = vector.broadcast %reduce_sum3A_174 : i1 to vector<16xi1>
          %reduce_sum3A_176 = tpu.scan <sum>, %add3A_173 masked %reduce_sum3A_175 : vector<16xf32>, vector<16xi1> -> vector<16xf32>
          %reduce_sum3A_177 = vector.extract %reduce_sum3A_176[15] : f32 from vector<16xf32>
          %eq3A_178 = arith.constant 1 : i32
          %eq3A_179 = vector.broadcast %eq3A_178 : i32 to vector<16xi32>
          %eq3A_180 = arith.cmpi eq, %iota3A, %eq3A_179 : vector<16xi32>
          %broadcast_in_dim3A_181 = vector.broadcast %reduce_sum3A_177 : f32 to vector<16xf32>
          %select_n3A_182 = arith.select %eq3A_180, %broadcast_in_dim3A_181, %select_n3A : vector<16xi1>, vector<16xf32>
          %mul3A_183 = arith.constant 16 : i32
          %mul3A_184 = arith.muli %scan3A_90, %mul3A_183 : i32
          %add3A_185 = arith.constant 2 : i32
          %add3A_186 = arith.addi %mul3A_184, %add3A_185 : i32
          %broadcast_in_dim3A_187 = arith.constant 0.000000e+00 : f32
          %broadcast_in_dim3A_188 = vector.broadcast %broadcast_in_dim3A_187 : f32 to vector<16xf32>
          %get3A_189 = arith.index_cast %add3A_186 : i32 to index
          %get3A_190 = arith.constant 0 : index
          %get3A_191 = tpu.vector_load %arg14[%get3A_189, %get3A_190] {strides = array<i32>} : memref<128x128xf32, #tpu.memory_space<vmem>>, vector<16xf32>,
          %get3A_192 = arith.index_cast %add3A_186 : i32 to index
          %get3A_193 = arith.constant 0 : index
          %get3A_194 = tpu.vector_load %arg15[%get3A_192, %get3A_193] {strides = array<i32>} : memref<128x128xf32, #tpu.memory_space<vmem>>, vector<16xf32>,
          %mul3A_195 = arith.mulf %get3A_191, %get3A_194 : vector<16xf32>
          %add3A_196 = arith.addf %broadcast_in_dim3A_188, %mul3A_195 : vector<16xf32>
          %get3A_197 = arith.index_cast %add3A_186 : i32 to index
          %get3A_198 = arith.constant 16 : index
          %get3A_199 = tpu.vector_load %arg14[%get3A_197, %get3A_198] {strides = array<i32>} : memref<128x128xf32, #tpu.memory_space<vmem>>, vector<16xf32>,
          %get3A_200 = arith.index_cast %add3A_186 : i32 to index
          %get3A_201 = arith.constant 16 : index
          %get3A_202 = tpu.vector_load %arg15[%get3A_200, %get3A_201] {strides = array<i32>} : memref<128x128xf32, #tpu.memory_space<vmem>>, vector<16xf32>,
          %mul3A_203 = arith.mulf %get3A_199, %get3A_202 : vector<16xf32>
          %add3A_204 = arith.addf %add3A_196, %mul3A_203 : vector<16xf32>
          %get3A_205 = arith.index_cast %add3A_186 : i32 to index
          %get3A_206 = arith.constant 32 : index
          %get3A_207 = tpu.vector_load %arg14[%get3A_205, %get3A_206] {strides = array<i32>} : memref<128x128xf32, #tpu.memory_space<vmem>>, vector<16xf32>,
          %get3A_208 = arith.index_cast %add3A_186 : i32 to index
          %get3A_209 = arith.constant 32 : index
          %get3A_210 = tpu.vector_load %arg15[%get3A_208, %get3A_209] {strides = array<i32>} : memref<128x128xf32, #tpu.memory_space<vmem>>, vector<16xf32>,
          %mul3A_211 = arith.mulf %get3A_207, %get3A_210 : vector<16xf32>
          %add3A_212 = arith.addf %add3A_204, %mul3A_211 : vector<16xf32>
          %get3A_213 = arith.index_cast %add3A_186 : i32 to index
          %get3A_214 = arith.constant 48 : index
          %get3A_215 = tpu.vector_load %arg14[%get3A_213, %get3A_214] {strides = array<i32>} : memref<128x128xf32, #tpu.memory_space<vmem>>, vector<16xf32>,
          %get3A_216 = arith.index_cast %add3A_186 : i32 to index
          %get3A_217 = arith.constant 48 : index
          %get3A_218 = tpu.vector_load %arg15[%get3A_216, %get3A_217] {strides = array<i32>} : memref<128x128xf32, #tpu.memory_space<vmem>>, vector<16xf32>,
          %mul3A_219 = arith.mulf %get3A_215, %get3A_218 : vector<16xf32>
          %add3A_220 = arith.addf %add3A_212, %mul3A_219 : vector<16xf32>
          %reduce_sum3A_221 = arith.constant true
          %reduce_sum3A_222 = vector.broadcast %reduce_sum3A_221 : i1 to vector<16xi1>
          %reduce_sum3A_223 = tpu.scan <sum>, %add3A_220 masked %reduce_sum3A_222 : vector<16xf32>, vector<16xi1> -> vector<16xf32>
          %reduce_sum3A_224 = vector.extract %reduce_sum3A_223[15] : f32 from vector<16xf32>
          %eq3A_225 = arith.constant 2 : i32
          %eq3A_226 = vector.broadcast %eq3A_225 : i32 to vector<16xi32>
          %eq3A_227 = arith.cmpi eq, %iota3A, %eq3A_226 : vector<16xi32>
          %broadcast_in_dim3A_228 = vector.broadcast %reduce_sum3A_224 : f32 to vector<16xf32>
          %select_n3A_229 = arith.select %eq3A_227, %broadcast_in_dim3A_228, %select_n3A_182 : vector<16xi1>, vector<16xf32>
          %mul3A_230 = arith.constant 16 : i32
          %mul3A_231 = arith.muli %scan3A_90, %mul3A_230 : i32
          %add3A_232 = arith.constant 3 : i32
          %add3A_233 = arith.addi %mul3A_231, %add3A_232 : i32
          %broadcast_in_dim3A_234 = arith.constant 0.000000e+00 : f32
          %broadcast_in_dim3A_235 = vector.broadcast %broadcast_in_dim3A_234 : f32 to vector<16xf32>
          %get3A_236 = arith.index_cast %add3A_233 : i32 to index
          %get3A_237 = arith.constant 0 : index
          %get3A_238 = tpu.vector_load %arg14[%get3A_236, %get3A_237] {strides = array<i32>} : memref<128x128xf32, #tpu.memory_space<vmem>>, vector<16xf32>,
          %get3A_239 = arith.index_cast %add3A_233 : i32 to index
          %get3A_240 = arith.constant 0 : index
          %get3A_241 = tpu.vector_load %arg15[%get3A_239, %get3A_240] {strides = array<i32>} : memref<128x128xf32, #tpu.memory_space<vmem>>, vector<16xf32>,
          %mul3A_242 = arith.mulf %get3A_238, %get3A_241 : vector<16xf32>
          %add3A_243 = arith.addf %broadcast_in_dim3A_235, %mul3A_242 : vector<16xf32>
          %get3A_244 = arith.index_cast %add3A_233 : i32 to index
          %get3A_245 = arith.constant 16 : index
          %get3A_246 = tpu.vector_load %arg14[%get3A_244, %get3A_245] {strides = array<i32>} : memref<128x128xf32, #tpu.memory_space<vmem>>, vector<16xf32>,
          %get3A_247 = arith.index_cast %add3A_233 : i32 to index
          %get3A_248 = arith.constant 16 : index
          %get3A_249 = tpu.vector_load %arg15[%get3A_247, %get3A_248] {strides = array<i32>} : memref<128x128xf32, #tpu.memory_space<vmem>>, vector<16xf32>,
          %mul3A_250 = arith.mulf %get3A_246, %get3A_249 : vector<16xf32>
          %add3A_251 = arith.addf %add3A_243, %mul3A_250 : vector<16xf32>
          %get3A_252 = arith.index_cast %add3A_233 : i32 to index
          %get3A_253 = arith.constant 32 : index
          %get3A_254 = tpu.vector_load %arg14[%get3A_252, %get3A_253] {strides = array<i32>} : memref<128x128xf32, #tpu.memory_space<vmem>>, vector<16xf32>,
          %get3A_255 = arith.index_cast %add3A_233 : i32 to index
          %get3A_256 = arith.constant 32 : index
          %get3A_257 = tpu.vector_load %arg15[%get3A_255, %get3A_256] {strides = array<i32>} : memref<128x128xf32, #tpu.memory_space<vmem>>, vector<16xf32>,
          %mul3A_258 = arith.mulf %get3A_254, %get3A_257 : vector<16xf32>
          %add3A_259 = arith.addf %add3A_251, %mul3A_258 : vector<16xf32>
          %get3A_260 = arith.index_cast %add3A_233 : i32 to index
          %get3A_261 = arith.constant 48 : index
          %get3A_262 = tpu.vector_load %arg14[%get3A_260, %get3A_261] {strides = array<i32>} : memref<128x128xf32, #tpu.memory_space<vmem>>, vector<16xf32>,
          %get3A_263 = arith.index_cast %add3A_233 : i32 to index
          %get3A_264 = arith.constant 48 : index
          %get3A_265 = tpu.vector_load %arg15[%get3A_263, %get3A_264] {strides = array<i32>} : memref<128x128xf32, #tpu.memory_space<vmem>>, vector<16xf32>,
          %mul3A_266 = arith.mulf %get3A_262, %get3A_265 : vector<16xf32>
          %add3A_267 = arith.addf %add3A_259, %mul3A_266 : vector<16xf32>
          %reduce_sum3A_268 = arith.constant true
          %reduce_sum3A_269 = vector.broadcast %reduce_sum3A_268 : i1 to vector<16xi1>
          %reduce_sum3A_270 = tpu.scan <sum>, %add3A_267 masked %reduce_sum3A_269 : vector<16xf32>, vector<16xi1> -> vector<16xf32>
          %reduce_sum3A_271 = vector.extract %reduce_sum3A_270[15] : f32 from vector<16xf32>
          %eq3A_272 = arith.constant 3 : i32
          %eq3A_273 = vector.broadcast %eq3A_272 : i32 to vector<16xi32>
          %eq3A_274 = arith.cmpi eq, %iota3A, %eq3A_273 : vector<16xi32>
          %broadcast_in_dim3A_275 = vector.broadcast %reduce_sum3A_271 : f32 to vector<16xf32>
          %select_n3A_276 = arith.select %eq3A_274, %broadcast_in_dim3A_275, %select_n3A_229 : vector<16xi1>, vector<16xf32>
          %mul3A_277 = arith.constant 16 : i32
          %mul3A_278 = arith.muli %scan3A_90, %mul3A_277 : i32
          %add3A_279 = arith.constant 4 : i32
          %add3A_280 = arith.addi %mul3A_278, %add3A_279 : i32
          %broadcast_in_dim3A_281 = arith.constant 0.000000e+00 : f32
          %broadcast_in_dim3A_282 = vector.broadcast %broadcast_in_dim3A_281 : f32 to vector<16xf32>
          %get3A_283 = arith.index_cast %add3A_280 : i32 to index
          %get3A_284 = arith.constant 0 : index
          %get3A_285 = tpu.vector_load %arg14[%get3A_283, %get3A_284] {strides = array<i32>} : memref<128x128xf32, #tpu.memory_space<vmem>>, vector<16xf32>,
          %get3A_286 = arith.index_cast %add3A_280 : i32 to index
          %get3A_287 = arith.constant 0 : index
          %get3A_288 = tpu.vector_load %arg15[%get3A_286, %get3A_287] {strides = array<i32>} : memref<128x128xf32, #tpu.memory_space<vmem>>, vector<16xf32>,
          %mul3A_289 = arith.mulf %get3A_285, %get3A_288 : vector<16xf32>
          %add3A_290 = arith.addf %broadcast_in_dim3A_282, %mul3A_289 : vector<16xf32>
          %get3A_291 = arith.index_cast %add3A_280 : i32 to index
          %get3A_292 = arith.constant 16 : index
          %get3A_293 = tpu.vector_load %arg14[%get3A_291, %get3A_292] {strides = array<i32>} : memref<128x128xf32, #tpu.memory_space<vmem>>, vector<16xf32>,
          %get3A_294 = arith.index_cast %add3A_280 : i32 to index
          %get3A_295 = arith.constant 16 : index
          %get3A_296 = tpu.vector_load %arg15[%get3A_294, %get3A_295] {strides = array<i32>} : memref<128x128xf32, #tpu.memory_space<vmem>>, vector<16xf32>,
          %mul3A_297 = arith.mulf %get3A_293, %get3A_296 : vector<16xf32>
          %add3A_298 = arith.addf %add3A_290, %mul3A_297 : vector<16xf32>
          %get3A_299 = arith.index_cast %add3A_280 : i32 to index
          %get3A_300 = arith.constant 32 : index
          %get3A_301 = tpu.vector_load %arg14[%get3A_299, %get3A_300] {strides = array<i32>} : memref<128x128xf32, #tpu.memory_space<vmem>>, vector<16xf32>,
          %get3A_302 = arith.index_cast %add3A_280 : i32 to index
          %get3A_303 = arith.constant 32 : index
          %get3A_304 = tpu.vector_load %arg15[%get3A_302, %get3A_303] {strides = array<i32>} : memref<128x128xf32, #tpu.memory_space<vmem>>, vector<16xf32>,
          %mul3A_305 = arith.mulf %get3A_301, %get3A_304 : vector<16xf32>
          %add3A_306 = arith.addf %add3A_298, %mul3A_305 : vector<16xf32>
          %get3A_307 = arith.index_cast %add3A_280 : i32 to index
          %get3A_308 = arith.constant 48 : index
          %get3A_309 = tpu.vector_load %arg14[%get3A_307, %get3A_308] {strides = array<i32>} : memref<128x128xf32, #tpu.memory_space<vmem>>, vector<16xf32>,
          %get3A_310 = arith.index_cast %add3A_280 : i32 to index
          %get3A_311 = arith.constant 48 : index
          %get3A_312 = tpu.vector_load %arg15[%get3A_310, %get3A_311] {strides = array<i32>} : memref<128x128xf32, #tpu.memory_space<vmem>>, vector<16xf32>,
          %mul3A_313 = arith.mulf %get3A_309, %get3A_312 : vector<16xf32>
          %add3A_314 = arith.addf %add3A_306, %mul3A_313 : vector<16xf32>
          %reduce_sum3A_315 = arith.constant true
          %reduce_sum3A_316 = vector.broadcast %reduce_sum3A_315 : i1 to vector<16xi1>
          %reduce_sum3A_317 = tpu.scan <sum>, %add3A_314 masked %reduce_sum3A_316 : vector<16xf32>, vector<16xi1> -> vector<16xf32>
          %reduce_sum3A_318 = vector.extract %reduce_sum3A_317[15] : f32 from vector<16xf32>
          %eq3A_319 = arith.constant 4 : i32
          %eq3A_320 = vector.broadcast %eq3A_319 : i32 to vector<16xi32>
          %eq3A_321 = arith.cmpi eq, %iota3A, %eq3A_320 : vector<16xi32>
          %broadcast_in_dim3A_322 = vector.broadcast %reduce_sum3A_318 : f32 to vector<16xf32>
          %select_n3A_323 = arith.select %eq3A_321, %broadcast_in_dim3A_322, %select_n3A_276 : vector<16xi1>, vector<16xf32>
          %mul3A_324 = arith.constant 16 : i32
          %mul3A_325 = arith.muli %scan3A_90, %mul3A_324 : i32
          %add3A_326 = arith.constant 5 : i32
          %add3A_327 = arith.addi %mul3A_325, %add3A_326 : i32
          %broadcast_in_dim3A_328 = arith.constant 0.000000e+00 : f32
          %broadcast_in_dim3A_329 = vector.broadcast %broadcast_in_dim3A_328 : f32 to vector<16xf32>
          %get3A_330 = arith.index_cast %add3A_327 : i32 to index
          %get3A_331 = arith.constant 0 : index
          %get3A_332 = tpu.vector_load %arg14[%get3A_330, %get3A_331] {strides = array<i32>} : memref<128x128xf32, #tpu.memory_space<vmem>>, vector<16xf32>,
          %get3A_333 = arith.index_cast %add3A_327 : i32 to index
          %get3A_334 = arith.constant 0 : index
          %get3A_335 = tpu.vector_load %arg15[%get3A_333, %get3A_334] {strides = array<i32>} : memref<128x128xf32, #tpu.memory_space<vmem>>, vector<16xf32>,
          %mul3A_336 = arith.mulf %get3A_332, %get3A_335 : vector<16xf32>
          %add3A_337 = arith.addf %broadcast_in_dim3A_329, %mul3A_336 : vector<16xf32>
          %get3A_338 = arith.index_cast %add3A_327 : i32 to index
          %get3A_339 = arith.constant 16 : index
          %get3A_340 = tpu.vector_load %arg14[%get3A_338, %get3A_339] {strides = array<i32>} : memref<128x128xf32, #tpu.memory_space<vmem>>, vector<16xf32>,
          %get3A_341 = arith.index_cast %add3A_327 : i32 to index
          %get3A_342 = arith.constant 16 : index
          %get3A_343 = tpu.vector_load %arg15[%get3A_341, %get3A_342] {strides = array<i32>} : memref<128x128xf32, #tpu.memory_space<vmem>>, vector<16xf32>,
          %mul3A_344 = arith.mulf %get3A_340, %get3A_343 : vector<16xf32>
          %add3A_345 = arith.addf %add3A_337, %mul3A_344 : vector<16xf32>
          %get3A_346 = arith.index_cast %add3A_327 : i32 to index
          %get3A_347 = arith.constant 32 : index
          %get3A_348 = tpu.vector_load %arg14[%get3A_346, %get3A_347] {strides = array<i32>} : memref<128x128xf32, #tpu.memory_space<vmem>>, vector<16xf32>,
          %get3A_349 = arith.index_cast %add3A_327 : i32 to index
          %get3A_350 = arith.constant 32 : index
          %get3A_351 = tpu.vector_load %arg15[%get3A_349, %get3A_350] {strides = array<i32>} : memref<128x128xf32, #tpu.memory_space<vmem>>, vector<16xf32>,
          %mul3A_352 = arith.mulf %get3A_348, %get3A_351 : vector<16xf32>
          %add3A_353 = arith.addf %add3A_345, %mul3A_352 : vector<16xf32>
          %get3A_354 = arith.index_cast %add3A_327 : i32 to index
          %get3A_355 = arith.constant 48 : index
          %get3A_356 = tpu.vector_load %arg14[%get3A_354, %get3A_355] {strides = array<i32>} : memref<128x128xf32, #tpu.memory_space<vmem>>, vector<16xf32>,
          %get3A_357 = arith.index_cast %add3A_327 : i32 to index
          %get3A_358 = arith.constant 48 : index
          %get3A_359 = tpu.vector_load %arg15[%get3A_357, %get3A_358] {strides = array<i32>} : memref<128x128xf32, #tpu.memory_space<vmem>>, vector<16xf32>,
          %mul3A_360 = arith.mulf %get3A_356, %get3A_359 : vector<16xf32>
          %add3A_361 = arith.addf %add3A_353, %mul3A_360 : vector<16xf32>
          %reduce_sum3A_362 = arith.constant true
          %reduce_sum3A_363 = vector.broadcast %reduce_sum3A_362 : i1 to vector<16xi1>
          %reduce_sum3A_364 = tpu.scan <sum>, %add3A_361 masked %reduce_sum3A_363 : vector<16xf32>, vector<16xi1> -> vector<16xf32>
          %reduce_sum3A_365 = vector.extract %reduce_sum3A_364[15] : f32 from vector<16xf32>
          %eq3A_366 = arith.constant 5 : i32
          %eq3A_367 = vector.broadcast %eq3A_366 : i32 to vector<16xi32>
          %eq3A_368 = arith.cmpi eq, %iota3A, %eq3A_367 : vector<16xi32>
          %broadcast_in_dim3A_369 = vector.broadcast %reduce_sum3A_365 : f32 to vector<16xf32>
          %select_n3A_370 = arith.select %eq3A_368, %broadcast_in_dim3A_369, %select_n3A_323 : vector<16xi1>, vector<16xf32>
          %mul3A_371 = arith.constant 16 : i32
          %mul3A_372 = arith.muli %scan3A_90, %mul3A_371 : i32
          %add3A_373 = arith.constant 6 : i32
          %add3A_374 = arith.addi %mul3A_372, %add3A_373 : i32
          %broadcast_in_dim3A_375 = arith.constant 0.000000e+00 : f32
          %broadcast_in_dim3A_376 = vector.broadcast %broadcast_in_dim3A_375 : f32 to vector<16xf32>
          %get3A_377 = arith.index_cast %add3A_374 : i32 to index
          %get3A_378 = arith.constant 0 : index
          %get3A_379 = tpu.vector_load %arg14[%get3A_377, %get3A_378] {strides = array<i32>} : memref<128x128xf32, #tpu.memory_space<vmem>>, vector<16xf32>,
          %get3A_380 = arith.index_cast %add3A_374 : i32 to index
          %get3A_381 = arith.constant 0 : index
          %get3A_382 = tpu.vector_load %arg15[%get3A_380, %get3A_381] {strides = array<i32>} : memref<128x128xf32, #tpu.memory_space<vmem>>, vector<16xf32>,
          %mul3A_383 = arith.mulf %get3A_379, %get3A_382 : vector<16xf32>
          %add3A_384 = arith.addf %broadcast_in_dim3A_376, %mul3A_383 : vector<16xf32>
          %get3A_385 = arith.index_cast %add3A_374 : i32 to index
          %get3A_386 = arith.constant 16 : index
          %get3A_387 = tpu.vector_load %arg14[%get3A_385, %get3A_386] {strides = array<i32>} : memref<128x128xf32, #tpu.memory_space<vmem>>, vector<16xf32>,
          %get3A_388 = arith.index_cast %add3A_374 : i32 to index
          %get3A_389 = arith.constant 16 : index
          %get3A_390 = tpu.vector_load %arg15[%get3A_388, %get3A_389] {strides = array<i32>} : memref<128x128xf32, #tpu.memory_space<vmem>>, vector<16xf32>,
          %mul3A_391 = arith.mulf %get3A_387, %get3A_390 : vector<16xf32>
          %add3A_392 = arith.addf %add3A_384, %mul3A_391 : vector<16xf32>
          %get3A_393 = arith.index_cast %add3A_374 : i32 to index
          %get3A_394 = arith.constant 32 : index
          %get3A_395 = tpu.vector_load %arg14[%get3A_393, %get3A_394] {strides = array<i32>} : memref<128x128xf32, #tpu.memory_space<vmem>>, vector<16xf32>,
          %get3A_396 = arith.index_cast %add3A_374 : i32 to index
          %get3A_397 = arith.constant 32 : index
          %get3A_398 = tpu.vector_load %arg15[%get3A_396, %get3A_397] {strides = array<i32>} : memref<128x128xf32, #tpu.memory_space<vmem>>, vector<16xf32>,
          %mul3A_399 = arith.mulf %get3A_395, %get3A_398 : vector<16xf32>
          %add3A_400 = arith.addf %add3A_392, %mul3A_399 : vector<16xf32>
          %get3A_401 = arith.index_cast %add3A_374 : i32 to index
          %get3A_402 = arith.constant 48 : index
          %get3A_403 = tpu.vector_load %arg14[%get3A_401, %get3A_402] {strides = array<i32>} : memref<128x128xf32, #tpu.memory_space<vmem>>, vector<16xf32>,
          %get3A_404 = arith.index_cast %add3A_374 : i32 to index
          %get3A_405 = arith.constant 48 : index
          %get3A_406 = tpu.vector_load %arg15[%get3A_404, %get3A_405] {strides = array<i32>} : memref<128x128xf32, #tpu.memory_space<vmem>>, vector<16xf32>,
          %mul3A_407 = arith.mulf %get3A_403, %get3A_406 : vector<16xf32>
          %add3A_408 = arith.addf %add3A_400, %mul3A_407 : vector<16xf32>
          %reduce_sum3A_409 = arith.constant true
          %reduce_sum3A_410 = vector.broadcast %reduce_sum3A_409 : i1 to vector<16xi1>
          %reduce_sum3A_411 = tpu.scan <sum>, %add3A_408 masked %reduce_sum3A_410 : vector<16xf32>, vector<16xi1> -> vector<16xf32>
          %reduce_sum3A_412 = vector.extract %reduce_sum3A_411[15] : f32 from vector<16xf32>
          %eq3A_413 = arith.constant 6 : i32
          %eq3A_414 = vector.broadcast %eq3A_413 : i32 to vector<16xi32>
          %eq3A_415 = arith.cmpi eq, %iota3A, %eq3A_414 : vector<16xi32>
          %broadcast_in_dim3A_416 = vector.broadcast %reduce_sum3A_412 : f32 to vector<16xf32>
          %select_n3A_417 = arith.select %eq3A_415, %broadcast_in_dim3A_416, %select_n3A_370 : vector<16xi1>, vector<16xf32>
          %mul3A_418 = arith.constant 16 : i32
          %mul3A_419 = arith.muli %scan3A_90, %mul3A_418 : i32
          %add3A_420 = arith.constant 7 : i32
          %add3A_421 = arith.addi %mul3A_419, %add3A_420 : i32
          %broadcast_in_dim3A_422 = arith.constant 0.000000e+00 : f32
          %broadcast_in_dim3A_423 = vector.broadcast %broadcast_in_dim3A_422 : f32 to vector<16xf32>
          %get3A_424 = arith.index_cast %add3A_421 : i32 to index
          %get3A_425 = arith.constant 0 : index
          %get3A_426 = tpu.vector_load %arg14[%get3A_424, %get3A_425] {strides = array<i32>} : memref<128x128xf32, #tpu.memory_space<vmem>>, vector<16xf32>,
          %get3A_427 = arith.index_cast %add3A_421 : i32 to index
          %get3A_428 = arith.constant 0 : index
          %get3A_429 = tpu.vector_load %arg15[%get3A_427, %get3A_428] {strides = array<i32>} : memref<128x128xf32, #tpu.memory_space<vmem>>, vector<16xf32>,
          %mul3A_430 = arith.mulf %get3A_426, %get3A_429 : vector<16xf32>
          %add3A_431 = arith.addf %broadcast_in_dim3A_423, %mul3A_430 : vector<16xf32>
          %get3A_432 = arith.index_cast %add3A_421 : i32 to index
          %get3A_433 = arith.constant 16 : index
          %get3A_434 = tpu.vector_load %arg14[%get3A_432, %get3A_433] {strides = array<i32>} : memref<128x128xf32, #tpu.memory_space<vmem>>, vector<16xf32>,
          %get3A_435 = arith.index_cast %add3A_421 : i32 to index
          %get3A_436 = arith.constant 16 : index
          %get3A_437 = tpu.vector_load %arg15[%get3A_435, %get3A_436] {strides = array<i32>} : memref<128x128xf32, #tpu.memory_space<vmem>>, vector<16xf32>,
          %mul3A_438 = arith.mulf %get3A_434, %get3A_437 : vector<16xf32>
          %add3A_439 = arith.addf %add3A_431, %mul3A_438 : vector<16xf32>
          %get3A_440 = arith.index_cast %add3A_421 : i32 to index
          %get3A_441 = arith.constant 32 : index
          %get3A_442 = tpu.vector_load %arg14[%get3A_440, %get3A_441] {strides = array<i32>} : memref<128x128xf32, #tpu.memory_space<vmem>>, vector<16xf32>,
          %get3A_443 = arith.index_cast %add3A_421 : i32 to index
          %get3A_444 = arith.constant 32 : index
          %get3A_445 = tpu.vector_load %arg15[%get3A_443, %get3A_444] {strides = array<i32>} : memref<128x128xf32, #tpu.memory_space<vmem>>, vector<16xf32>,
          %mul3A_446 = arith.mulf %get3A_442, %get3A_445 : vector<16xf32>
          %add3A_447 = arith.addf %add3A_439, %mul3A_446 : vector<16xf32>
          %get3A_448 = arith.index_cast %add3A_421 : i32 to index
          %get3A_449 = arith.constant 48 : index
          %get3A_450 = tpu.vector_load %arg14[%get3A_448, %get3A_449] {strides = array<i32>} : memref<128x128xf32, #tpu.memory_space<vmem>>, vector<16xf32>,
          %get3A_451 = arith.index_cast %add3A_421 : i32 to index
          %get3A_452 = arith.constant 48 : index
          %get3A_453 = tpu.vector_load %arg15[%get3A_451, %get3A_452] {strides = array<i32>} : memref<128x128xf32, #tpu.memory_space<vmem>>, vector<16xf32>,
          %mul3A_454 = arith.mulf %get3A_450, %get3A_453 : vector<16xf32>
          %add3A_455 = arith.addf %add3A_447, %mul3A_454 : vector<16xf32>
          %reduce_sum3A_456 = arith.constant true
          %reduce_sum3A_457 = vector.broadcast %reduce_sum3A_456 : i1 to vector<16xi1>
          %reduce_sum3A_458 = tpu.scan <sum>, %add3A_455 masked %reduce_sum3A_457 : vector<16xf32>, vector<16xi1> -> vector<16xf32>
          %reduce_sum3A_459 = vector.extract %reduce_sum3A_458[15] : f32 from vector<16xf32>
          %eq3A_460 = arith.constant 7 : i32
          %eq3A_461 = vector.broadcast %eq3A_460 : i32 to vector<16xi32>
          %eq3A_462 = arith.cmpi eq, %iota3A, %eq3A_461 : vector<16xi32>
          %broadcast_in_dim3A_463 = vector.broadcast %reduce_sum3A_459 : f32 to vector<16xf32>
          %select_n3A_464 = arith.select %eq3A_462, %broadcast_in_dim3A_463, %select_n3A_417 : vector<16xi1>, vector<16xf32>
          %mul3A_465 = arith.constant 16 : i32
          %mul3A_466 = arith.muli %scan3A_90, %mul3A_465 : i32
          %add3A_467 = arith.constant 8 : i32
          %add3A_468 = arith.addi %mul3A_466, %add3A_467 : i32
          %broadcast_in_dim3A_469 = arith.constant 0.000000e+00 : f32
          %broadcast_in_dim3A_470 = vector.broadcast %broadcast_in_dim3A_469 : f32 to vector<16xf32>
          %get3A_471 = arith.index_cast %add3A_468 : i32 to index
          %get3A_472 = arith.constant 0 : index
          %get3A_473 = tpu.vector_load %arg14[%get3A_471, %get3A_472] {strides = array<i32>} : memref<128x128xf32, #tpu.memory_space<vmem>>, vector<16xf32>,
          %get3A_474 = arith.index_cast %add3A_468 : i32 to index
          %get3A_475 = arith.constant 0 : index
          %get3A_476 = tpu.vector_load %arg15[%get3A_474, %get3A_475] {strides = array<i32>} : memref<128x128xf32, #tpu.memory_space<vmem>>, vector<16xf32>,
          %mul3A_477 = arith.mulf %get3A_473, %get3A_476 : vector<16xf32>
          %add3A_478 = arith.addf %broadcast_in_dim3A_470, %mul3A_477 : vector<16xf32>
          %get3A_479 = arith.index_cast %add3A_468 : i32 to index
          %get3A_480 = arith.constant 16 : index
          %get3A_481 = tpu.vector_load %arg14[%get3A_479, %get3A_480] {strides = array<i32>} : memref<128x128xf32, #tpu.memory_space<vmem>>, vector<16xf32>,
          %get3A_482 = arith.index_cast %add3A_468 : i32 to index
          %get3A_483 = arith.constant 16 : index
          %get3A_484 = tpu.vector_load %arg15[%get3A_482, %get3A_483] {strides = array<i32>} : memref<128x128xf32, #tpu.memory_space<vmem>>, vector<16xf32>,
          %mul3A_485 = arith.mulf %get3A_481, %get3A_484 : vector<16xf32>
          %add3A_486 = arith.addf %add3A_478, %mul3A_485 : vector<16xf32>
          %get3A_487 = arith.index_cast %add3A_468 : i32 to index
          %get3A_488 = arith.constant 32 : index
          %get3A_489 = tpu.vector_load %arg14[%get3A_487, %get3A_488] {strides = array<i32>} : memref<128x128xf32, #tpu.memory_space<vmem>>, vector<16xf32>,
          %get3A_490 = arith.index_cast %add3A_468 : i32 to index
          %get3A_491 = arith.constant 32 : index
          %get3A_492 = tpu.vector_load %arg15[%get3A_490, %get3A_491] {strides = array<i32>} : memref<128x128xf32, #tpu.memory_space<vmem>>, vector<16xf32>,
          %mul3A_493 = arith.mulf %get3A_489, %get3A_492 : vector<16xf32>
          %add3A_494 = arith.addf %add3A_486, %mul3A_493 : vector<16xf32>
          %get3A_495 = arith.index_cast %add3A_468 : i32 to index
          %get3A_496 = arith.constant 48 : index
          %get3A_497 = tpu.vector_load %arg14[%get3A_495, %get3A_496] {strides = array<i32>} : memref<128x128xf32, #tpu.memory_space<vmem>>, vector<16xf32>,
          %get3A_498 = arith.index_cast %add3A_468 : i32 to index
          %get3A_499 = arith.constant 48 : index
          %get3A_500 = tpu.vector_load %arg15[%get3A_498, %get3A_499] {strides = array<i32>} : memref<128x128xf32, #tpu.memory_space<vmem>>, vector<16xf32>,
          %mul3A_501 = arith.mulf %get3A_497, %get3A_500 : vector<16xf32>
          %add3A_502 = arith.addf %add3A_494, %mul3A_501 : vector<16xf32>
          %reduce_sum3A_503 = arith.constant true
          %reduce_sum3A_504 = vector.broadcast %reduce_sum3A_503 : i1 to vector<16xi1>
          %reduce_sum3A_505 = tpu.scan <sum>, %add3A_502 masked %reduce_sum3A_504 : vector<16xf32>, vector<16xi1> -> vector<16xf32>
          %reduce_sum3A_506 = vector.extract %reduce_sum3A_505[15] : f32 from vector<16xf32>
          %eq3A_507 = arith.constant 8 : i32
          %eq3A_508 = vector.broadcast %eq3A_507 : i32 to vector<16xi32>
          %eq3A_509 = arith.cmpi eq, %iota3A, %eq3A_508 : vector<16xi32>
          %broadcast_in_dim3A_510 = vector.broadcast %reduce_sum3A_506 : f32 to vector<16xf32>
          %select_n3A_511 = arith.select %eq3A_509, %broadcast_in_dim3A_510, %select_n3A_464 : vector<16xi1>, vector<16xf32>
          %mul3A_512 = arith.constant 16 : i32
          %mul3A_513 = arith.muli %scan3A_90, %mul3A_512 : i32
          %add3A_514 = arith.constant 9 : i32
          %add3A_515 = arith.addi %mul3A_513, %add3A_514 : i32
          %broadcast_in_dim3A_516 = arith.constant 0.000000e+00 : f32
          %broadcast_in_dim3A_517 = vector.broadcast %broadcast_in_dim3A_516 : f32 to vector<16xf32>
          %get3A_518 = arith.index_cast %add3A_515 : i32 to index
          %get3A_519 = arith.constant 0 : index
          %get3A_520 = tpu.vector_load %arg14[%get3A_518, %get3A_519] {strides = array<i32>} : memref<128x128xf32, #tpu.memory_space<vmem>>, vector<16xf32>,
          %get3A_521 = arith.index_cast %add3A_515 : i32 to index
          %get3A_522 = arith.constant 0 : index
          %get3A_523 = tpu.vector_load %arg15[%get3A_521, %get3A_522] {strides = array<i32>} : memref<128x128xf32, #tpu.memory_space<vmem>>, vector<16xf32>,
          %mul3A_524 = arith.mulf %get3A_520, %get3A_523 : vector<16xf32>
          %add3A_525 = arith.addf %broadcast_in_dim3A_517, %mul3A_524 : vector<16xf32>
          %get3A_526 = arith.index_cast %add3A_515 : i32 to index
          %get3A_527 = arith.constant 16 : index
          %get3A_528 = tpu.vector_load %arg14[%get3A_526, %get3A_527] {strides = array<i32>} : memref<128x128xf32, #tpu.memory_space<vmem>>, vector<16xf32>,
          %get3A_529 = arith.index_cast %add3A_515 : i32 to index
          %get3A_530 = arith.constant 16 : index
          %get3A_531 = tpu.vector_load %arg15[%get3A_529, %get3A_530] {strides = array<i32>} : memref<128x128xf32, #tpu.memory_space<vmem>>, vector<16xf32>,
          %mul3A_532 = arith.mulf %get3A_528, %get3A_531 : vector<16xf32>
          %add3A_533 = arith.addf %add3A_525, %mul3A_532 : vector<16xf32>
          %get3A_534 = arith.index_cast %add3A_515 : i32 to index
          %get3A_535 = arith.constant 32 : index
          %get3A_536 = tpu.vector_load %arg14[%get3A_534, %get3A_535] {strides = array<i32>} : memref<128x128xf32, #tpu.memory_space<vmem>>, vector<16xf32>,
          %get3A_537 = arith.index_cast %add3A_515 : i32 to index
          %get3A_538 = arith.constant 32 : index
          %get3A_539 = tpu.vector_load %arg15[%get3A_537, %get3A_538] {strides = array<i32>} : memref<128x128xf32, #tpu.memory_space<vmem>>, vector<16xf32>,
          %mul3A_540 = arith.mulf %get3A_536, %get3A_539 : vector<16xf32>
          %add3A_541 = arith.addf %add3A_533, %mul3A_540 : vector<16xf32>
          %get3A_542 = arith.index_cast %add3A_515 : i32 to index
          %get3A_543 = arith.constant 48 : index
          %get3A_544 = tpu.vector_load %arg14[%get3A_542, %get3A_543] {strides = array<i32>} : memref<128x128xf32, #tpu.memory_space<vmem>>, vector<16xf32>,
          %get3A_545 = arith.index_cast %add3A_515 : i32 to index
          %get3A_546 = arith.constant 48 : index
          %get3A_547 = tpu.vector_load %arg15[%get3A_545, %get3A_546] {strides = array<i32>} : memref<128x128xf32, #tpu.memory_space<vmem>>, vector<16xf32>,
          %mul3A_548 = arith.mulf %get3A_544, %get3A_547 : vector<16xf32>
          %add3A_549 = arith.addf %add3A_541, %mul3A_548 : vector<16xf32>
          %reduce_sum3A_550 = arith.constant true
          %reduce_sum3A_551 = vector.broadcast %reduce_sum3A_550 : i1 to vector<16xi1>
          %reduce_sum3A_552 = tpu.scan <sum>, %add3A_549 masked %reduce_sum3A_551 : vector<16xf32>, vector<16xi1> -> vector<16xf32>
          %reduce_sum3A_553 = vector.extract %reduce_sum3A_552[15] : f32 from vector<16xf32>
          %eq3A_554 = arith.constant 9 : i32
          %eq3A_555 = vector.broadcast %eq3A_554 : i32 to vector<16xi32>
          %eq3A_556 = arith.cmpi eq, %iota3A, %eq3A_555 : vector<16xi32>
          %broadcast_in_dim3A_557 = vector.broadcast %reduce_sum3A_553 : f32 to vector<16xf32>
          %select_n3A_558 = arith.select %eq3A_556, %broadcast_in_dim3A_557, %select_n3A_511 : vector<16xi1>, vector<16xf32>
          %mul3A_559 = arith.constant 16 : i32
          %mul3A_560 = arith.muli %scan3A_90, %mul3A_559 : i32
          %add3A_561 = arith.constant 10 : i32
          %add3A_562 = arith.addi %mul3A_560, %add3A_561 : i32
          %broadcast_in_dim3A_563 = arith.constant 0.000000e+00 : f32
          %broadcast_in_dim3A_564 = vector.broadcast %broadcast_in_dim3A_563 : f32 to vector<16xf32>
          %get3A_565 = arith.index_cast %add3A_562 : i32 to index
          %get3A_566 = arith.constant 0 : index
          %get3A_567 = tpu.vector_load %arg14[%get3A_565, %get3A_566] {strides = array<i32>} : memref<128x128xf32, #tpu.memory_space<vmem>>, vector<16xf32>,
          %get3A_568 = arith.index_cast %add3A_562 : i32 to index
          %get3A_569 = arith.constant 0 : index
          %get3A_570 = tpu.vector_load %arg15[%get3A_568, %get3A_569] {strides = array<i32>} : memref<128x128xf32, #tpu.memory_space<vmem>>, vector<16xf32>,
          %mul3A_571 = arith.mulf %get3A_567, %get3A_570 : vector<16xf32>
          %add3A_572 = arith.addf %broadcast_in_dim3A_564, %mul3A_571 : vector<16xf32>
          %get3A_573 = arith.index_cast %add3A_562 : i32 to index
          %get3A_574 = arith.constant 16 : index
          %get3A_575 = tpu.vector_load %arg14[%get3A_573, %get3A_574] {strides = array<i32>} : memref<128x128xf32, #tpu.memory_space<vmem>>, vector<16xf32>,
          %get3A_576 = arith.index_cast %add3A_562 : i32 to index
          %get3A_577 = arith.constant 16 : index
          %get3A_578 = tpu.vector_load %arg15[%get3A_576, %get3A_577] {strides = array<i32>} : memref<128x128xf32, #tpu.memory_space<vmem>>, vector<16xf32>,
          %mul3A_579 = arith.mulf %get3A_575, %get3A_578 : vector<16xf32>
          %add3A_580 = arith.addf %add3A_572, %mul3A_579 : vector<16xf32>
          %get3A_581 = arith.index_cast %add3A_562 : i32 to index
          %get3A_582 = arith.constant 32 : index
          %get3A_583 = tpu.vector_load %arg14[%get3A_581, %get3A_582] {strides = array<i32>} : memref<128x128xf32, #tpu.memory_space<vmem>>, vector<16xf32>,
          %get3A_584 = arith.index_cast %add3A_562 : i32 to index
          %get3A_585 = arith.constant 32 : index
          %get3A_586 = tpu.vector_load %arg15[%get3A_584, %get3A_585] {strides = array<i32>} : memref<128x128xf32, #tpu.memory_space<vmem>>, vector<16xf32>,
          %mul3A_587 = arith.mulf %get3A_583, %get3A_586 : vector<16xf32>
          %add3A_588 = arith.addf %add3A_580, %mul3A_587 : vector<16xf32>
          %get3A_589 = arith.index_cast %add3A_562 : i32 to index
          %get3A_590 = arith.constant 48 : index
          %get3A_591 = tpu.vector_load %arg14[%get3A_589, %get3A_590] {strides = array<i32>} : memref<128x128xf32, #tpu.memory_space<vmem>>, vector<16xf32>,
          %get3A_592 = arith.index_cast %add3A_562 : i32 to index
          %get3A_593 = arith.constant 48 : index
          %get3A_594 = tpu.vector_load %arg15[%get3A_592, %get3A_593] {strides = array<i32>} : memref<128x128xf32, #tpu.memory_space<vmem>>, vector<16xf32>,
          %mul3A_595 = arith.mulf %get3A_591, %get3A_594 : vector<16xf32>
          %add3A_596 = arith.addf %add3A_588, %mul3A_595 : vector<16xf32>
          %reduce_sum3A_597 = arith.constant true
          %reduce_sum3A_598 = vector.broadcast %reduce_sum3A_597 : i1 to vector<16xi1>
          %reduce_sum3A_599 = tpu.scan <sum>, %add3A_596 masked %reduce_sum3A_598 : vector<16xf32>, vector<16xi1> -> vector<16xf32>
          %reduce_sum3A_600 = vector.extract %reduce_sum3A_599[15] : f32 from vector<16xf32>
          %eq3A_601 = arith.constant 10 : i32
          %eq3A_602 = vector.broadcast %eq3A_601 : i32 to vector<16xi32>
          %eq3A_603 = arith.cmpi eq, %iota3A, %eq3A_602 : vector<16xi32>
          %broadcast_in_dim3A_604 = vector.broadcast %reduce_sum3A_600 : f32 to vector<16xf32>
          %select_n3A_605 = arith.select %eq3A_603, %broadcast_in_dim3A_604, %select_n3A_558 : vector<16xi1>, vector<16xf32>
          %mul3A_606 = arith.constant 16 : i32
          %mul3A_607 = arith.muli %scan3A_90, %mul3A_606 : i32
          %add3A_608 = arith.constant 11 : i32
          %add3A_609 = arith.addi %mul3A_607, %add3A_608 : i32
          %broadcast_in_dim3A_610 = arith.constant 0.000000e+00 : f32
          %broadcast_in_dim3A_611 = vector.broadcast %broadcast_in_dim3A_610 : f32 to vector<16xf32>
          %get3A_612 = arith.index_cast %add3A_609 : i32 to index
          %get3A_613 = arith.constant 0 : index
          %get3A_614 = tpu.vector_load %arg14[%get3A_612, %get3A_613] {strides = array<i32>} : memref<128x128xf32, #tpu.memory_space<vmem>>, vector<16xf32>,
          %get3A_615 = arith.index_cast %add3A_609 : i32 to index
          %get3A_616 = arith.constant 0 : index
          %get3A_617 = tpu.vector_load %arg15[%get3A_615, %get3A_616] {strides = array<i32>} : memref<128x128xf32, #tpu.memory_space<vmem>>, vector<16xf32>,
          %mul3A_618 = arith.mulf %get3A_614, %get3A_617 : vector<16xf32>
          %add3A_619 = arith.addf %broadcast_in_dim3A_611, %mul3A_618 : vector<16xf32>
          %get3A_620 = arith.index_cast %add3A_609 : i32 to index
          %get3A_621 = arith.constant 16 : index
          %get3A_622 = tpu.vector_load %arg14[%get3A_620, %get3A_621] {strides = array<i32>} : memref<128x128xf32, #tpu.memory_space<vmem>>, vector<16xf32>,
          %get3A_623 = arith.index_cast %add3A_609 : i32 to index
          %get3A_624 = arith.constant 16 : index
          %get3A_625 = tpu.vector_load %arg15[%get3A_623, %get3A_624] {strides = array<i32>} : memref<128x128xf32, #tpu.memory_space<vmem>>, vector<16xf32>,
          %mul3A_626 = arith.mulf %get3A_622, %get3A_625 : vector<16xf32>
          %add3A_627 = arith.addf %add3A_619, %mul3A_626 : vector<16xf32>
          %get3A_628 = arith.index_cast %add3A_609 : i32 to index
          %get3A_629 = arith.constant 32 : index
          %get3A_630 = tpu.vector_load %arg14[%get3A_628, %get3A_629] {strides = array<i32>} : memref<128x128xf32, #tpu.memory_space<vmem>>, vector<16xf32>,
          %get3A_631 = arith.index_cast %add3A_609 : i32 to index
          %get3A_632 = arith.constant 32 : index
          %get3A_633 = tpu.vector_load %arg15[%get3A_631, %get3A_632] {strides = array<i32>} : memref<128x128xf32, #tpu.memory_space<vmem>>, vector<16xf32>,
          %mul3A_634 = arith.mulf %get3A_630, %get3A_633 : vector<16xf32>
          %add3A_635 = arith.addf %add3A_627, %mul3A_634 : vector<16xf32>
          %get3A_636 = arith.index_cast %add3A_609 : i32 to index
          %get3A_637 = arith.constant 48 : index
          %get3A_638 = tpu.vector_load %arg14[%get3A_636, %get3A_637] {strides = array<i32>} : memref<128x128xf32, #tpu.memory_space<vmem>>, vector<16xf32>,
          %get3A_639 = arith.index_cast %add3A_609 : i32 to index
          %get3A_640 = arith.constant 48 : index
          %get3A_641 = tpu.vector_load %arg15[%get3A_639, %get3A_640] {strides = array<i32>} : memref<128x128xf32, #tpu.memory_space<vmem>>, vector<16xf32>,
          %mul3A_642 = arith.mulf %get3A_638, %get3A_641 : vector<16xf32>
          %add3A_643 = arith.addf %add3A_635, %mul3A_642 : vector<16xf32>
          %reduce_sum3A_644 = arith.constant true
          %reduce_sum3A_645 = vector.broadcast %reduce_sum3A_644 : i1 to vector<16xi1>
          %reduce_sum3A_646 = tpu.scan <sum>, %add3A_643 masked %reduce_sum3A_645 : vector<16xf32>, vector<16xi1> -> vector<16xf32>
          %reduce_sum3A_647 = vector.extract %reduce_sum3A_646[15] : f32 from vector<16xf32>
          %eq3A_648 = arith.constant 11 : i32
          %eq3A_649 = vector.broadcast %eq3A_648 : i32 to vector<16xi32>
          %eq3A_650 = arith.cmpi eq, %iota3A, %eq3A_649 : vector<16xi32>
          %broadcast_in_dim3A_651 = vector.broadcast %reduce_sum3A_647 : f32 to vector<16xf32>
          %select_n3A_652 = arith.select %eq3A_650, %broadcast_in_dim3A_651, %select_n3A_605 : vector<16xi1>, vector<16xf32>
          %mul3A_653 = arith.constant 16 : i32
          %mul3A_654 = arith.muli %scan3A_90, %mul3A_653 : i32
          %add3A_655 = arith.constant 12 : i32
          %add3A_656 = arith.addi %mul3A_654, %add3A_655 : i32
          %broadcast_in_dim3A_657 = arith.constant 0.000000e+00 : f32
          %broadcast_in_dim3A_658 = vector.broadcast %broadcast_in_dim3A_657 : f32 to vector<16xf32>
          %get3A_659 = arith.index_cast %add3A_656 : i32 to index
          %get3A_660 = arith.constant 0 : index
          %get3A_661 = tpu.vector_load %arg14[%get3A_659, %get3A_660] {strides = array<i32>} : memref<128x128xf32, #tpu.memory_space<vmem>>, vector<16xf32>,
          %get3A_662 = arith.index_cast %add3A_656 : i32 to index
          %get3A_663 = arith.constant 0 : index
          %get3A_664 = tpu.vector_load %arg15[%get3A_662, %get3A_663] {strides = array<i32>} : memref<128x128xf32, #tpu.memory_space<vmem>>, vector<16xf32>,
          %mul3A_665 = arith.mulf %get3A_661, %get3A_664 : vector<16xf32>
          %add3A_666 = arith.addf %broadcast_in_dim3A_658, %mul3A_665 : vector<16xf32>
          %get3A_667 = arith.index_cast %add3A_656 : i32 to index
          %get3A_668 = arith.constant 16 : index
          %get3A_669 = tpu.vector_load %arg14[%get3A_667, %get3A_668] {strides = array<i32>} : memref<128x128xf32, #tpu.memory_space<vmem>>, vector<16xf32>,
          %get3A_670 = arith.index_cast %add3A_656 : i32 to index
          %get3A_671 = arith.constant 16 : index
          %get3A_672 = tpu.vector_load %arg15[%get3A_670, %get3A_671] {strides = array<i32>} : memref<128x128xf32, #tpu.memory_space<vmem>>, vector<16xf32>,
          %mul3A_673 = arith.mulf %get3A_669, %get3A_672 : vector<16xf32>
          %add3A_674 = arith.addf %add3A_666, %mul3A_673 : vector<16xf32>
          %get3A_675 = arith.index_cast %add3A_656 : i32 to index
          %get3A_676 = arith.constant 32 : index
          %get3A_677 = tpu.vector_load %arg14[%get3A_675, %get3A_676] {strides = array<i32>} : memref<128x128xf32, #tpu.memory_space<vmem>>, vector<16xf32>,
          %get3A_678 = arith.index_cast %add3A_656 : i32 to index
          %get3A_679 = arith.constant 32 : index
          %get3A_680 = tpu.vector_load %arg15[%get3A_678, %get3A_679] {strides = array<i32>} : memref<128x128xf32, #tpu.memory_space<vmem>>, vector<16xf32>,
          %mul3A_681 = arith.mulf %get3A_677, %get3A_680 : vector<16xf32>
          %add3A_682 = arith.addf %add3A_674, %mul3A_681 : vector<16xf32>
          %get3A_683 = arith.index_cast %add3A_656 : i32 to index
          %get3A_684 = arith.constant 48 : index
          %get3A_685 = tpu.vector_load %arg14[%get3A_683, %get3A_684] {strides = array<i32>} : memref<128x128xf32, #tpu.memory_space<vmem>>, vector<16xf32>,
          %get3A_686 = arith.index_cast %add3A_656 : i32 to index
          %get3A_687 = arith.constant 48 : index
          %get3A_688 = tpu.vector_load %arg15[%get3A_686, %get3A_687] {strides = array<i32>} : memref<128x128xf32, #tpu.memory_space<vmem>>, vector<16xf32>,
          %mul3A_689 = arith.mulf %get3A_685, %get3A_688 : vector<16xf32>
          %add3A_690 = arith.addf %add3A_682, %mul3A_689 : vector<16xf32>
          %reduce_sum3A_691 = arith.constant true
          %reduce_sum3A_692 = vector.broadcast %reduce_sum3A_691 : i1 to vector<16xi1>
          %reduce_sum3A_693 = tpu.scan <sum>, %add3A_690 masked %reduce_sum3A_692 : vector<16xf32>, vector<16xi1> -> vector<16xf32>
          %reduce_sum3A_694 = vector.extract %reduce_sum3A_693[15] : f32 from vector<16xf32>
          %eq3A_695 = arith.constant 12 : i32
          %eq3A_696 = vector.broadcast %eq3A_695 : i32 to vector<16xi32>
          %eq3A_697 = arith.cmpi eq, %iota3A, %eq3A_696 : vector<16xi32>
          %broadcast_in_dim3A_698 = vector.broadcast %reduce_sum3A_694 : f32 to vector<16xf32>
          %select_n3A_699 = arith.select %eq3A_697, %broadcast_in_dim3A_698, %select_n3A_652 : vector<16xi1>, vector<16xf32>
          %mul3A_700 = arith.constant 16 : i32
          %mul3A_701 = arith.muli %scan3A_90, %mul3A_700 : i32
          %add3A_702 = arith.constant 13 : i32
          %add3A_703 = arith.addi %mul3A_701, %add3A_702 : i32
          %broadcast_in_dim3A_704 = arith.constant 0.000000e+00 : f32
          %broadcast_in_dim3A_705 = vector.broadcast %broadcast_in_dim3A_704 : f32 to vector<16xf32>
          %get3A_706 = arith.index_cast %add3A_703 : i32 to index
          %get3A_707 = arith.constant 0 : index
          %get3A_708 = tpu.vector_load %arg14[%get3A_706, %get3A_707] {strides = array<i32>} : memref<128x128xf32, #tpu.memory_space<vmem>>, vector<16xf32>,
          %get3A_709 = arith.index_cast %add3A_703 : i32 to index
          %get3A_710 = arith.constant 0 : index
          %get3A_711 = tpu.vector_load %arg15[%get3A_709, %get3A_710] {strides = array<i32>} : memref<128x128xf32, #tpu.memory_space<vmem>>, vector<16xf32>,
          %mul3A_712 = arith.mulf %get3A_708, %get3A_711 : vector<16xf32>
          %add3A_713 = arith.addf %broadcast_in_dim3A_705, %mul3A_712 : vector<16xf32>
          %get3A_714 = arith.index_cast %add3A_703 : i32 to index
          %get3A_715 = arith.constant 16 : index
          %get3A_716 = tpu.vector_load %arg14[%get3A_714, %get3A_715] {strides = array<i32>} : memref<128x128xf32, #tpu.memory_space<vmem>>, vector<16xf32>,
          %get3A_717 = arith.index_cast %add3A_703 : i32 to index
          %get3A_718 = arith.constant 16 : index
          %get3A_719 = tpu.vector_load %arg15[%get3A_717, %get3A_718] {strides = array<i32>} : memref<128x128xf32, #tpu.memory_space<vmem>>, vector<16xf32>,
          %mul3A_720 = arith.mulf %get3A_716, %get3A_719 : vector<16xf32>
          %add3A_721 = arith.addf %add3A_713, %mul3A_720 : vector<16xf32>
          %get3A_722 = arith.index_cast %add3A_703 : i32 to index
          %get3A_723 = arith.constant 32 : index
          %get3A_724 = tpu.vector_load %arg14[%get3A_722, %get3A_723] {strides = array<i32>} : memref<128x128xf32, #tpu.memory_space<vmem>>, vector<16xf32>,
          %get3A_725 = arith.index_cast %add3A_703 : i32 to index
          %get3A_726 = arith.constant 32 : index
          %get3A_727 = tpu.vector_load %arg15[%get3A_725, %get3A_726] {strides = array<i32>} : memref<128x128xf32, #tpu.memory_space<vmem>>, vector<16xf32>,
          %mul3A_728 = arith.mulf %get3A_724, %get3A_727 : vector<16xf32>
          %add3A_729 = arith.addf %add3A_721, %mul3A_728 : vector<16xf32>
          %get3A_730 = arith.index_cast %add3A_703 : i32 to index
          %get3A_731 = arith.constant 48 : index
          %get3A_732 = tpu.vector_load %arg14[%get3A_730, %get3A_731] {strides = array<i32>} : memref<128x128xf32, #tpu.memory_space<vmem>>, vector<16xf32>,
          %get3A_733 = arith.index_cast %add3A_703 : i32 to index
          %get3A_734 = arith.constant 48 : index
          %get3A_735 = tpu.vector_load %arg15[%get3A_733, %get3A_734] {strides = array<i32>} : memref<128x128xf32, #tpu.memory_space<vmem>>, vector<16xf32>,
          %mul3A_736 = arith.mulf %get3A_732, %get3A_735 : vector<16xf32>
          %add3A_737 = arith.addf %add3A_729, %mul3A_736 : vector<16xf32>
          %reduce_sum3A_738 = arith.constant true
          %reduce_sum3A_739 = vector.broadcast %reduce_sum3A_738 : i1 to vector<16xi1>
          %reduce_sum3A_740 = tpu.scan <sum>, %add3A_737 masked %reduce_sum3A_739 : vector<16xf32>, vector<16xi1> -> vector<16xf32>
          %reduce_sum3A_741 = vector.extract %reduce_sum3A_740[15] : f32 from vector<16xf32>
          %eq3A_742 = arith.constant 13 : i32
          %eq3A_743 = vector.broadcast %eq3A_742 : i32 to vector<16xi32>
          %eq3A_744 = arith.cmpi eq, %iota3A, %eq3A_743 : vector<16xi32>
          %broadcast_in_dim3A_745 = vector.broadcast %reduce_sum3A_741 : f32 to vector<16xf32>
          %select_n3A_746 = arith.select %eq3A_744, %broadcast_in_dim3A_745, %select_n3A_699 : vector<16xi1>, vector<16xf32>
          %mul3A_747 = arith.constant 16 : i32
          %mul3A_748 = arith.muli %scan3A_90, %mul3A_747 : i32
          %add3A_749 = arith.constant 14 : i32
          %add3A_750 = arith.addi %mul3A_748, %add3A_749 : i32
          %broadcast_in_dim3A_751 = arith.constant 0.000000e+00 : f32
          %broadcast_in_dim3A_752 = vector.broadcast %broadcast_in_dim3A_751 : f32 to vector<16xf32>
          %get3A_753 = arith.index_cast %add3A_750 : i32 to index
          %get3A_754 = arith.constant 0 : index
          %get3A_755 = tpu.vector_load %arg14[%get3A_753, %get3A_754] {strides = array<i32>} : memref<128x128xf32, #tpu.memory_space<vmem>>, vector<16xf32>,
          %get3A_756 = arith.index_cast %add3A_750 : i32 to index
          %get3A_757 = arith.constant 0 : index
          %get3A_758 = tpu.vector_load %arg15[%get3A_756, %get3A_757] {strides = array<i32>} : memref<128x128xf32, #tpu.memory_space<vmem>>, vector<16xf32>,
          %mul3A_759 = arith.mulf %get3A_755, %get3A_758 : vector<16xf32>
          %add3A_760 = arith.addf %broadcast_in_dim3A_752, %mul3A_759 : vector<16xf32>
          %get3A_761 = arith.index_cast %add3A_750 : i32 to index
          %get3A_762 = arith.constant 16 : index
          %get3A_763 = tpu.vector_load %arg14[%get3A_761, %get3A_762] {strides = array<i32>} : memref<128x128xf32, #tpu.memory_space<vmem>>, vector<16xf32>,
          %get3A_764 = arith.index_cast %add3A_750 : i32 to index
          %get3A_765 = arith.constant 16 : index
          %get3A_766 = tpu.vector_load %arg15[%get3A_764, %get3A_765] {strides = array<i32>} : memref<128x128xf32, #tpu.memory_space<vmem>>, vector<16xf32>,
          %mul3A_767 = arith.mulf %get3A_763, %get3A_766 : vector<16xf32>
          %add3A_768 = arith.addf %add3A_760, %mul3A_767 : vector<16xf32>
          %get3A_769 = arith.index_cast %add3A_750 : i32 to index
          %get3A_770 = arith.constant 32 : index
          %get3A_771 = tpu.vector_load %arg14[%get3A_769, %get3A_770] {strides = array<i32>} : memref<128x128xf32, #tpu.memory_space<vmem>>, vector<16xf32>,
          %get3A_772 = arith.index_cast %add3A_750 : i32 to index
          %get3A_773 = arith.constant 32 : index
          %get3A_774 = tpu.vector_load %arg15[%get3A_772, %get3A_773] {strides = array<i32>} : memref<128x128xf32, #tpu.memory_space<vmem>>, vector<16xf32>,
          %mul3A_775 = arith.mulf %get3A_771, %get3A_774 : vector<16xf32>
          %add3A_776 = arith.addf %add3A_768, %mul3A_775 : vector<16xf32>
          %get3A_777 = arith.index_cast %add3A_750 : i32 to index
          %get3A_778 = arith.constant 48 : index
          %get3A_779 = tpu.vector_load %arg14[%get3A_777, %get3A_778] {strides = array<i32>} : memref<128x128xf32, #tpu.memory_space<vmem>>, vector<16xf32>,
          %get3A_780 = arith.index_cast %add3A_750 : i32 to index
          %get3A_781 = arith.constant 48 : index
          %get3A_782 = tpu.vector_load %arg15[%get3A_780, %get3A_781] {strides = array<i32>} : memref<128x128xf32, #tpu.memory_space<vmem>>, vector<16xf32>,
          %mul3A_783 = arith.mulf %get3A_779, %get3A_782 : vector<16xf32>
          %add3A_784 = arith.addf %add3A_776, %mul3A_783 : vector<16xf32>
          %reduce_sum3A_785 = arith.constant true
          %reduce_sum3A_786 = vector.broadcast %reduce_sum3A_785 : i1 to vector<16xi1>
          %reduce_sum3A_787 = tpu.scan <sum>, %add3A_784 masked %reduce_sum3A_786 : vector<16xf32>, vector<16xi1> -> vector<16xf32>
          %reduce_sum3A_788 = vector.extract %reduce_sum3A_787[15] : f32 from vector<16xf32>
          %eq3A_789 = arith.constant 14 : i32
          %eq3A_790 = vector.broadcast %eq3A_789 : i32 to vector<16xi32>
          %eq3A_791 = arith.cmpi eq, %iota3A, %eq3A_790 : vector<16xi32>
          %broadcast_in_dim3A_792 = vector.broadcast %reduce_sum3A_788 : f32 to vector<16xf32>
          %select_n3A_793 = arith.select %eq3A_791, %broadcast_in_dim3A_792, %select_n3A_746 : vector<16xi1>, vector<16xf32>
          %mul3A_794 = arith.constant 16 : i32
          %mul3A_795 = arith.muli %scan3A_90, %mul3A_794 : i32
          %add3A_796 = arith.constant 15 : i32
          %add3A_797 = arith.addi %mul3A_795, %add3A_796 : i32
          %broadcast_in_dim3A_798 = arith.constant 0.000000e+00 : f32
          %broadcast_in_dim3A_799 = vector.broadcast %broadcast_in_dim3A_798 : f32 to vector<16xf32>
          %get3A_800 = arith.index_cast %add3A_797 : i32 to index
          %get3A_801 = arith.constant 0 : index
          %get3A_802 = tpu.vector_load %arg14[%get3A_800, %get3A_801] {strides = array<i32>} : memref<128x128xf32, #tpu.memory_space<vmem>>, vector<16xf32>,
          %get3A_803 = arith.index_cast %add3A_797 : i32 to index
          %get3A_804 = arith.constant 0 : index
          %get3A_805 = tpu.vector_load %arg15[%get3A_803, %get3A_804] {strides = array<i32>} : memref<128x128xf32, #tpu.memory_space<vmem>>, vector<16xf32>,
          %mul3A_806 = arith.mulf %get3A_802, %get3A_805 : vector<16xf32>
          %add3A_807 = arith.addf %broadcast_in_dim3A_799, %mul3A_806 : vector<16xf32>
          %get3A_808 = arith.index_cast %add3A_797 : i32 to index
          %get3A_809 = arith.constant 16 : index
          %get3A_810 = tpu.vector_load %arg14[%get3A_808, %get3A_809] {strides = array<i32>} : memref<128x128xf32, #tpu.memory_space<vmem>>, vector<16xf32>,
          %get3A_811 = arith.index_cast %add3A_797 : i32 to index
          %get3A_812 = arith.constant 16 : index
          %get3A_813 = tpu.vector_load %arg15[%get3A_811, %get3A_812] {strides = array<i32>} : memref<128x128xf32, #tpu.memory_space<vmem>>, vector<16xf32>,
          %mul3A_814 = arith.mulf %get3A_810, %get3A_813 : vector<16xf32>
          %add3A_815 = arith.addf %add3A_807, %mul3A_814 : vector<16xf32>
          %get3A_816 = arith.index_cast %add3A_797 : i32 to index
          %get3A_817 = arith.constant 32 : index
          %get3A_818 = tpu.vector_load %arg14[%get3A_816, %get3A_817] {strides = array<i32>} : memref<128x128xf32, #tpu.memory_space<vmem>>, vector<16xf32>,
          %get3A_819 = arith.index_cast %add3A_797 : i32 to index
          %get3A_820 = arith.constant 32 : index
          %get3A_821 = tpu.vector_load %arg15[%get3A_819, %get3A_820] {strides = array<i32>} : memref<128x128xf32, #tpu.memory_space<vmem>>, vector<16xf32>,
          %mul3A_822 = arith.mulf %get3A_818, %get3A_821 : vector<16xf32>
          %add3A_823 = arith.addf %add3A_815, %mul3A_822 : vector<16xf32>
          %get3A_824 = arith.index_cast %add3A_797 : i32 to index
          %get3A_825 = arith.constant 48 : index
          %get3A_826 = tpu.vector_load %arg14[%get3A_824, %get3A_825] {strides = array<i32>} : memref<128x128xf32, #tpu.memory_space<vmem>>, vector<16xf32>,
          %get3A_827 = arith.index_cast %add3A_797 : i32 to index
          %get3A_828 = arith.constant 48 : index
          %get3A_829 = tpu.vector_load %arg15[%get3A_827, %get3A_828] {strides = array<i32>} : memref<128x128xf32, #tpu.memory_space<vmem>>, vector<16xf32>,
          %mul3A_830 = arith.mulf %get3A_826, %get3A_829 : vector<16xf32>
          %add3A_831 = arith.addf %add3A_823, %mul3A_830 : vector<16xf32>
          %reduce_sum3A_832 = arith.constant true
          %reduce_sum3A_833 = vector.broadcast %reduce_sum3A_832 : i1 to vector<16xi1>
          %reduce_sum3A_834 = tpu.scan <sum>, %add3A_831 masked %reduce_sum3A_833 : vector<16xf32>, vector<16xi1> -> vector<16xf32>
          %reduce_sum3A_835 = vector.extract %reduce_sum3A_834[15] : f32 from vector<16xf32>
          %eq3A_836 = arith.constant 15 : i32
          %eq3A_837 = vector.broadcast %eq3A_836 : i32 to vector<16xi32>
          %eq3A_838 = arith.cmpi eq, %iota3A, %eq3A_837 : vector<16xi32>
          %broadcast_in_dim3A_839 = vector.broadcast %reduce_sum3A_835 : f32 to vector<16xf32>
          %select_n3A_840 = arith.select %eq3A_838, %broadcast_in_dim3A_839, %select_n3A_793 : vector<16xi1>, vector<16xf32>
          %mul3A_841 = arith.constant -1.250000e-01 : f32
          %mul3A_842 = vector.broadcast %mul3A_841 : f32 to vector<16xf32>
          %mul3A_843 = arith.mulf %select_n3A_840, %mul3A_842 : vector<16xf32>
          %exp3A = math.exp %mul3A_843 : vector<16xf32>
          %add3A_844 = arith.constant 1.000000e+00 : f32
          %add3A_845 = vector.broadcast %add3A_844 : f32 to vector<16xf32>
          %add3A_846 = arith.addf %add3A_845, %exp3A : vector<16xf32>
          %div3A = arith.constant 1.000000e+00 : f32
          %div3A_847 = vector.broadcast %div3A : f32 to vector<16xf32>
          %div3A_848 = arith.divf %div3A_847, %add3A_846 : vector<16xf32>
          %mul3A_849 = arith.constant 16 : i32
          %mul3A_850 = arith.muli %scan3A_90, %mul3A_849 : i32
          %swap3A = arith.index_cast %mul3A_850 : i32 to index
          %swap3A_851 = tpu.vector_load %arg16[%swap3A] {strides = array<i32>} : memref<128xf32, #tpu.memory_space<vmem>>, vector<16xf32>,
          tpu.vector_store %arg16[%swap3A], %div3A_848 {strides = array<i32>} : memref<128xf32, #tpu.memory_space<vmem>>, vector<16xf32>,
          %scan3A_852 = arith.constant 0 : i32
          scf.yield %scan3A_852 : i32
        }
        %scan3A_89 = arith.constant 8 : i32
        "tpu.region"() ({
          %run_scoped3A = tpu.sem_alloc : memref<!tpu.dma_semaphore, #tpu.memory_space<semaphore_mem>>
          %dma_start3A_90 = arith.constant 0 : i32
          %dma_start3A_91 = tpu.memref_slice %arg19[%dma_start3A_90] : memref<10240xf32, #tpu.memory_space<vmem_shared>> -> memref<10240xf32, #tpu.memory_space<vmem_shared>>
          tpu.enqueue_indirect_dma source(%arg16 : memref<128xf32, #tpu.memory_space<vmem>>) target(%dma_start3A_91 : memref<10240xf32, #tpu.memory_space<vmem_shared>>) offsets(%arg11 : memref<128xi32, #tpu.memory_space<vmem>>) semaphore(%run_scoped3A : memref<!tpu.dma_semaphore, #tpu.memory_space<semaphore_mem>>) {add = true}
          %dma_wait3A_92 = arith.constant 0 : i32
          %dma_wait3A_93 = tpu.memref_slice %arg19[%dma_wait3A_92] : memref<10240xf32, #tpu.memory_space<vmem_shared>> -> memref<10240xf32, #tpu.memory_space<vmem_shared>>
          tpu.wait_indirect_dma semaphore(%run_scoped3A : memref<!tpu.dma_semaphore, #tpu.memory_space<semaphore_mem>>) src(%arg16 : memref<128xf32, #tpu.memory_space<vmem>>) dst(%dma_wait3A_93 : memref<10240xf32, #tpu.memory_space<vmem_shared>>)
          tpu.yield
        }) : () -> ()
        "tpu.region"() ({
          %run_scoped3A = tpu.sem_alloc : memref<!tpu.dma_semaphore, #tpu.memory_space<semaphore_mem>>
          %dma_start3A_90 = arith.constant 0 : i32
          %dma_start3A_91 = tpu.memref_slice %arg20[%dma_start3A_90] : memref<10240xf32, #tpu.memory_space<vmem_shared>> -> memref<10240xf32, #tpu.memory_space<vmem_shared>>
          tpu.enqueue_indirect_dma source(%arg17 : memref<128xf32, #tpu.memory_space<vmem>>) target(%dma_start3A_91 : memref<10240xf32, #tpu.memory_space<vmem_shared>>) offsets(%arg11 : memref<128xi32, #tpu.memory_space<vmem>>) semaphore(%run_scoped3A : memref<!tpu.dma_semaphore, #tpu.memory_space<semaphore_mem>>) {add = true}
          %dma_wait3A_92 = arith.constant 0 : i32
          %dma_wait3A_93 = tpu.memref_slice %arg20[%dma_wait3A_92] : memref<10240xf32, #tpu.memory_space<vmem_shared>> -> memref<10240xf32, #tpu.memory_space<vmem_shared>>
          tpu.wait_indirect_dma semaphore(%run_scoped3A : memref<!tpu.dma_semaphore, #tpu.memory_space<semaphore_mem>>) src(%arg17 : memref<128xf32, #tpu.memory_space<vmem>>) dst(%dma_wait3A_93 : memref<10240xf32, #tpu.memory_space<vmem_shared>>)
          tpu.yield
        }) : () -> ()
      } else {
      }
      %scan3A_64 = arith.constant 0 : i32
      scf.yield %scan3A_64 : i32
    }
    %scan3A_38 = arith.constant 20 : i32
    %barrier3A_39 = arith.constant 0 : index
    tpu.barrier barrier_id(%barrier3A_39)
    %scan3A_40 = arith.constant 0 : i32
    %scan3A_41 = arith.constant 0 : i32
    %scan3A_42 = arith.constant 5 : i32
    %scan3A_43 = arith.addi %scan3A_41, %scan3A_42 : i32
    %scan3A_44 = arith.constant 1 : i32
    %scan3A_45 = scf.for %scan3A_47 = %scan3A_41 to %scan3A_43 step %scan3A_44 iter_args(%scan3A_48 = %scan3A_40) -> (i32)  : i32 {
      %mul3A_49 = arith.constant 640 : i32
      %mul3A_50 = arith.muli %arg1, %mul3A_49 : i32
      %mul3A_51 = arith.constant 128 : i32
      %mul3A_52 = arith.muli %scan3A_47, %mul3A_51 : i32
      %add3A_53 = arith.addi %mul3A_50, %mul3A_52 : i32
      "tpu.region"() ({
        %run_scoped3A = tpu.sem_alloc : memref<!tpu.dma_semaphore, #tpu.memory_space<semaphore_mem>>
        %dma_start3A_55 = tpu.memref_slice %arg19[%add3A_53] : memref<10240xf32, #tpu.memory_space<vmem_shared>> -> memref<128xf32, #tpu.memory_space<vmem_shared>>
        %dma_start3A_56 = tpu.memref_slice %arg19[%add3A_53] : memref<10240xf32, #tpu.memory_space<vmem_shared>> -> memref<128xf32, #tpu.memory_space<vmem_shared>>
        tpu.enqueue_dma source(%dma_start3A_56 : memref<128xf32, #tpu.memory_space<vmem_shared>>) target(%arg18 : memref<128xf32, #tpu.memory_space<vmem>>) target_semaphore(%run_scoped3A : memref<!tpu.dma_semaphore, #tpu.memory_space<semaphore_mem>>)
        %dma_wait3A = tpu.memref_slice %arg19[%add3A_53] : memref<10240xf32, #tpu.memory_space<vmem_shared>> -> memref<128xf32, #tpu.memory_space<vmem_shared>>
        %dma_wait3A_57 = tpu.memref_slice %arg19[%add3A_53] : memref<10240xf32, #tpu.memory_space<vmem_shared>> -> memref<128xf32, #tpu.memory_space<vmem_shared>>
        tpu.wait_dma2 semaphore(%run_scoped3A : memref<!tpu.dma_semaphore, #tpu.memory_space<semaphore_mem>>) src(%dma_wait3A_57 : memref<128xf32, #tpu.memory_space<vmem_shared>>) dst(%arg18 : memref<128xf32, #tpu.memory_space<vmem>>)
        tpu.yield
      }) : () -> ()
      "tpu.region"() ({
        %run_scoped3A = tpu.sem_alloc : memref<!tpu.dma_semaphore, #tpu.memory_space<semaphore_mem>>
        %dma_start3A_55 = tpu.memref_slice %arg6[%arg0, %add3A_53] : memref<2x10240xf32, #tpu.memory_space<hbm>> -> memref<1x128xf32, #tpu.memory_space<hbm>>
        %dma_start3A_56 = tpu.memref_squeeze %dma_start3A_55 : memref<1x128xf32, #tpu.memory_space<hbm>> -> memref<128xf32, #tpu.memory_space<hbm>>
        %dma_start3A_57 = tpu.memref_slice %arg6[%arg0, %add3A_53] : memref<2x10240xf32, #tpu.memory_space<hbm>> -> memref<1x128xf32, #tpu.memory_space<hbm>>
        %dma_start3A_58 = tpu.memref_squeeze %dma_start3A_57 : memref<1x128xf32, #tpu.memory_space<hbm>> -> memref<128xf32, #tpu.memory_space<hbm>>
        tpu.enqueue_dma source(%arg18 : memref<128xf32, #tpu.memory_space<vmem>>) target(%dma_start3A_58 : memref<128xf32, #tpu.memory_space<hbm>>) target_semaphore(%run_scoped3A : memref<!tpu.dma_semaphore, #tpu.memory_space<semaphore_mem>>)
        %dma_wait3A = tpu.memref_slice %arg6[%arg0, %add3A_53] : memref<2x10240xf32, #tpu.memory_space<hbm>> -> memref<1x128xf32, #tpu.memory_space<hbm>>
        %dma_wait3A_59 = tpu.memref_squeeze %dma_wait3A : memref<1x128xf32, #tpu.memory_space<hbm>> -> memref<128xf32, #tpu.memory_space<hbm>>
        %dma_wait3A_60 = tpu.memref_slice %arg6[%arg0, %add3A_53] : memref<2x10240xf32, #tpu.memory_space<hbm>> -> memref<1x128xf32, #tpu.memory_space<hbm>>
        %dma_wait3A_61 = tpu.memref_squeeze %dma_wait3A_60 : memref<1x128xf32, #tpu.memory_space<hbm>> -> memref<128xf32, #tpu.memory_space<hbm>>
        tpu.wait_dma2 semaphore(%run_scoped3A : memref<!tpu.dma_semaphore, #tpu.memory_space<semaphore_mem>>) src(%arg18 : memref<128xf32, #tpu.memory_space<vmem>>) dst(%dma_wait3A_61 : memref<128xf32, #tpu.memory_space<hbm>>)
        tpu.yield
      }) : () -> ()
      "tpu.region"() ({
        %run_scoped3A = tpu.sem_alloc : memref<!tpu.dma_semaphore, #tpu.memory_space<semaphore_mem>>
        %dma_start3A_55 = tpu.memref_slice %arg20[%add3A_53] : memref<10240xf32, #tpu.memory_space<vmem_shared>> -> memref<128xf32, #tpu.memory_space<vmem_shared>>
        %dma_start3A_56 = tpu.memref_slice %arg20[%add3A_53] : memref<10240xf32, #tpu.memory_space<vmem_shared>> -> memref<128xf32, #tpu.memory_space<vmem_shared>>
        tpu.enqueue_dma source(%dma_start3A_56 : memref<128xf32, #tpu.memory_space<vmem_shared>>) target(%arg18 : memref<128xf32, #tpu.memory_space<vmem>>) target_semaphore(%run_scoped3A : memref<!tpu.dma_semaphore, #tpu.memory_space<semaphore_mem>>)
        %dma_wait3A = tpu.memref_slice %arg20[%add3A_53] : memref<10240xf32, #tpu.memory_space<vmem_shared>> -> memref<128xf32, #tpu.memory_space<vmem_shared>>
        %dma_wait3A_57 = tpu.memref_slice %arg20[%add3A_53] : memref<10240xf32, #tpu.memory_space<vmem_shared>> -> memref<128xf32, #tpu.memory_space<vmem_shared>>
        tpu.wait_dma2 semaphore(%run_scoped3A : memref<!tpu.dma_semaphore, #tpu.memory_space<semaphore_mem>>) src(%dma_wait3A_57 : memref<128xf32, #tpu.memory_space<vmem_shared>>) dst(%arg18 : memref<128xf32, #tpu.memory_space<vmem>>)
        tpu.yield
      }) : () -> ()
      "tpu.region"() ({
        %run_scoped3A = tpu.sem_alloc : memref<!tpu.dma_semaphore, #tpu.memory_space<semaphore_mem>>
        %dma_start3A_55 = tpu.memref_slice %arg7[%arg0, %add3A_53] : memref<2x10240xf32, #tpu.memory_space<hbm>> -> memref<1x128xf32, #tpu.memory_space<hbm>>
        %dma_start3A_56 = tpu.memref_squeeze %dma_start3A_55 : memref<1x128xf32, #tpu.memory_space<hbm>> -> memref<128xf32, #tpu.memory_space<hbm>>
        %dma_start3A_57 = tpu.memref_slice %arg7[%arg0, %add3A_53] : memref<2x10240xf32, #tpu.memory_space<hbm>> -> memref<1x128xf32, #tpu.memory_space<hbm>>
        %dma_start3A_58 = tpu.memref_squeeze %dma_start3A_57 : memref<1x128xf32, #tpu.memory_space<hbm>> -> memref<128xf32, #tpu.memory_space<hbm>>
        tpu.enqueue_dma source(%arg18 : memref<128xf32, #tpu.memory_space<vmem>>) target(%dma_start3A_58 : memref<128xf32, #tpu.memory_space<hbm>>) target_semaphore(%run_scoped3A : memref<!tpu.dma_semaphore, #tpu.memory_space<semaphore_mem>>)
        %dma_wait3A = tpu.memref_slice %arg7[%arg0, %add3A_53] : memref<2x10240xf32, #tpu.memory_space<hbm>> -> memref<1x128xf32, #tpu.memory_space<hbm>>
        %dma_wait3A_59 = tpu.memref_squeeze %dma_wait3A : memref<1x128xf32, #tpu.memory_space<hbm>> -> memref<128xf32, #tpu.memory_space<hbm>>
        %dma_wait3A_60 = tpu.memref_slice %arg7[%arg0, %add3A_53] : memref<2x10240xf32, #tpu.memory_space<hbm>> -> memref<1x128xf32, #tpu.memory_space<hbm>>
        %dma_wait3A_61 = tpu.memref_squeeze %dma_wait3A_60 : memref<1x128xf32, #tpu.memory_space<hbm>> -> memref<128xf32, #tpu.memory_space<hbm>>
        tpu.wait_dma2 semaphore(%run_scoped3A : memref<!tpu.dma_semaphore, #tpu.memory_space<semaphore_mem>>) src(%arg18 : memref<128xf32, #tpu.memory_space<vmem>>) dst(%dma_wait3A_61 : memref<128xf32, #tpu.memory_space<hbm>>)
        tpu.yield
      }) : () -> ()
      %scan3A_54 = arith.constant 0 : i32
      scf.yield %scan3A_54 : i32
    }
    %scan3A_46 = arith.constant 5 : i32
    return
  }
}

#map = affine_map<(d0, d1) -> (0, 0)>
#map1 = affine_map<(d0, d1) -> (0)>
module attributes {stable_mosaic.version = 14 : i64} {
  func.func @_gather_body(%arg0: i32, %arg1: i32, %arg2: memref<10000x256xf32, #tpu.memory_space<hbm>>, %arg3: memref<10000x256xf32, #tpu.memory_space<hbm>>, %arg4: memref<160000xi32, #tpu.memory_space<hbm>>, %arg5: memref<160000xi32, #tpu.memory_space<hbm>>, %arg6: memref<160000x256xf32, #tpu.memory_space<hbm>>, %arg7: memref<5000xi32, #tpu.memory_space<vmem>>, %arg8: memref<5000xi32, #tpu.memory_space<vmem>>, %arg9: memref<80x256xf32, #tpu.memory_space<vmem>>, %arg10: memref<80x256xf32, #tpu.memory_space<vmem>>, %arg11: memref<80x256xf32, #tpu.memory_space<vmem>>, %arg12: memref<80x256xf32, #tpu.memory_space<vmem>>, %arg13: memref<!tpu.dma_semaphore, #tpu.memory_space<semaphore_mem>>, %arg14: memref<!tpu.dma_semaphore, #tpu.memory_space<semaphore_mem>>) attributes {dimension_semantics = [#tpu.dimension_semantics<core_parallel>, #tpu.dimension_semantics<subcore_parallel>], iteration_bounds = array<i64: 2, 16>, scalar_prefetch = 0 : i64, scratch_operands = 8 : i64, tpu.core_type = #tpu.core_type<sc_vector_subcore>, window_params = [{transform_indices = #map}, {transform_indices = #map}, {transform_indices = #map1}, {transform_indices = #map1}, {transform_indices = #map}]} {
    %mul3A = arith.constant 2 : i32
    %mul3A_0 = arith.muli %arg1, %mul3A : i32
    %add3A = arith.addi %mul3A_0, %arg0 : i32
    %mul3A_1 = arith.constant 5000 : i32
    %mul3A_2 = arith.muli %add3A, %mul3A_1 : i32
    "tpu.region"() ({
      %run_scoped3A = tpu.sem_alloc : memref<!tpu.dma_semaphore, #tpu.memory_space<semaphore_mem>>
      %dma_start3A_18 = tpu.memref_slice %arg4[%mul3A_2] : memref<160000xi32, #tpu.memory_space<hbm>> -> memref<5000xi32, #tpu.memory_space<hbm>>
      %dma_start3A_19 = tpu.memref_slice %arg4[%mul3A_2] : memref<160000xi32, #tpu.memory_space<hbm>> -> memref<5000xi32, #tpu.memory_space<hbm>>
      tpu.enqueue_dma source(%dma_start3A_19 : memref<5000xi32, #tpu.memory_space<hbm>>) target(%arg7 : memref<5000xi32, #tpu.memory_space<vmem>>) target_semaphore(%run_scoped3A : memref<!tpu.dma_semaphore, #tpu.memory_space<semaphore_mem>>)
      %dma_wait3A = tpu.memref_slice %arg4[%mul3A_2] : memref<160000xi32, #tpu.memory_space<hbm>> -> memref<5000xi32, #tpu.memory_space<hbm>>
      %dma_wait3A_20 = tpu.memref_slice %arg4[%mul3A_2] : memref<160000xi32, #tpu.memory_space<hbm>> -> memref<5000xi32, #tpu.memory_space<hbm>>
      tpu.wait_dma2 semaphore(%run_scoped3A : memref<!tpu.dma_semaphore, #tpu.memory_space<semaphore_mem>>) src(%dma_wait3A_20 : memref<5000xi32, #tpu.memory_space<hbm>>) dst(%arg7 : memref<5000xi32, #tpu.memory_space<vmem>>)
      tpu.yield
    }) : () -> ()
    "tpu.region"() ({
      %run_scoped3A = tpu.sem_alloc : memref<!tpu.dma_semaphore, #tpu.memory_space<semaphore_mem>>
      %dma_start3A_18 = tpu.memref_slice %arg5[%mul3A_2] : memref<160000xi32, #tpu.memory_space<hbm>> -> memref<5000xi32, #tpu.memory_space<hbm>>
      %dma_start3A_19 = tpu.memref_slice %arg5[%mul3A_2] : memref<160000xi32, #tpu.memory_space<hbm>> -> memref<5000xi32, #tpu.memory_space<hbm>>
      tpu.enqueue_dma source(%dma_start3A_19 : memref<5000xi32, #tpu.memory_space<hbm>>) target(%arg8 : memref<5000xi32, #tpu.memory_space<vmem>>) target_semaphore(%run_scoped3A : memref<!tpu.dma_semaphore, #tpu.memory_space<semaphore_mem>>)
      %dma_wait3A = tpu.memref_slice %arg5[%mul3A_2] : memref<160000xi32, #tpu.memory_space<hbm>> -> memref<5000xi32, #tpu.memory_space<hbm>>
      %dma_wait3A_20 = tpu.memref_slice %arg5[%mul3A_2] : memref<160000xi32, #tpu.memory_space<hbm>> -> memref<5000xi32, #tpu.memory_space<hbm>>
      tpu.wait_dma2 semaphore(%run_scoped3A : memref<!tpu.dma_semaphore, #tpu.memory_space<semaphore_mem>>) src(%dma_wait3A_20 : memref<5000xi32, #tpu.memory_space<hbm>>) dst(%arg8 : memref<5000xi32, #tpu.memory_space<vmem>>)
      tpu.yield
    }) : () -> ()
    %min3A = arith.constant 0 : i32
    %min3A_3 = arith.constant 4920 : i32
    %min3A_4 = arith.minsi %min3A, %min3A_3 : i32
    %dma_start3A = tpu.memref_slice %arg7[%min3A_4] : memref<5000xi32, #tpu.memory_space<vmem>> -> memref<80xi32, #tpu.memory_space<vmem>>
    %dma_start3A_5 = arith.constant 0 : i32
    %dma_start3A_6 = arith.constant 0 : i32
    %dma_start3A_7 = tpu.memref_slice %arg2[%dma_start3A_5, %dma_start3A_6] : memref<10000x256xf32, #tpu.memory_space<hbm>> -> memref<10000x256xf32, #tpu.memory_space<hbm>>
    tpu.enqueue_indirect_dma source(%dma_start3A_7 : memref<10000x256xf32, #tpu.memory_space<hbm>>) target(%arg9 : memref<80x256xf32, #tpu.memory_space<vmem>>) offsets(%dma_start3A : memref<80xi32, #tpu.memory_space<vmem>>) semaphore(%arg13 : memref<!tpu.dma_semaphore, #tpu.memory_space<semaphore_mem>>)
    %dma_start3A_8 = tpu.memref_slice %arg8[%min3A_4] : memref<5000xi32, #tpu.memory_space<vmem>> -> memref<80xi32, #tpu.memory_space<vmem>>
    %dma_start3A_9 = arith.constant 0 : i32
    %dma_start3A_10 = arith.constant 0 : i32
    %dma_start3A_11 = tpu.memref_slice %arg3[%dma_start3A_9, %dma_start3A_10] : memref<10000x256xf32, #tpu.memory_space<hbm>> -> memref<10000x256xf32, #tpu.memory_space<hbm>>
    tpu.enqueue_indirect_dma source(%dma_start3A_11 : memref<10000x256xf32, #tpu.memory_space<hbm>>) target(%arg10 : memref<80x256xf32, #tpu.memory_space<vmem>>) offsets(%dma_start3A_8 : memref<80xi32, #tpu.memory_space<vmem>>) semaphore(%arg13 : memref<!tpu.dma_semaphore, #tpu.memory_space<semaphore_mem>>)
    %scan3A = arith.constant 0 : i32
    %scan3A_12 = arith.constant 0 : i32
    %scan3A_13 = arith.constant 32 : i32
    %scan3A_14 = arith.addi %scan3A_12, %scan3A_13 : i32
    %scan3A_15 = arith.constant 1 : i32
    %scan3A_16 = scf.for %scan3A_18 = %scan3A_12 to %scan3A_14 step %scan3A_15 iter_args(%scan3A_19 = %scan3A) -> (i32)  : i32 {
      %mul3A_20 = arith.constant 2 : i32
      %mul3A_21 = arith.muli %scan3A_18, %mul3A_20 : i32
      %add3A_22 = arith.constant 0 : i32
      %add3A_23 = arith.addi %mul3A_21, %add3A_22 : i32
      %lt3A = arith.constant 63 : i32
      %lt3A_24 = arith.cmpi slt, %add3A_23, %lt3A : i32
      %convert_element_type3A = arith.extui %lt3A_24 : i1 to i32
      %cond3A = arith.constant 0 : i32
      %cond3A_25 = arith.cmpi ne, %convert_element_type3A, %cond3A : i32
      scf.if %cond3A_25 {
        %add3A_36 = arith.constant 1 : i32
        %add3A_37 = arith.addi %add3A_23, %add3A_36 : i32
        %lt3A_38 = arith.constant 63 : i32
        %lt3A_39 = arith.cmpi slt, %add3A_37, %lt3A_38 : i32
        %convert_element_type3A_40 = arith.extui %lt3A_39 : i1 to i32
        %cond3A_41 = arith.constant 0 : i32
        %cond3A_42 = arith.cmpi ne, %convert_element_type3A_40, %cond3A_41 : i32
        scf.if %cond3A_42 {
          %add3A_62 = arith.constant 1 : i32
          %add3A_63 = arith.addi %add3A_23, %add3A_62 : i32
          %mul3A_64 = arith.constant 80 : i32
          %mul3A_65 = arith.muli %add3A_63, %mul3A_64 : i32
          %min3A_66 = arith.constant 4920 : i32
          %min3A_67 = arith.minsi %mul3A_65, %min3A_66 : i32
          %dma_start3A_68 = tpu.memref_slice %arg7[%min3A_67] : memref<5000xi32, #tpu.memory_space<vmem>> -> memref<80xi32, #tpu.memory_space<vmem>>
          %dma_start3A_69 = arith.constant 0 : i32
          %dma_start3A_70 = arith.constant 0 : i32
          %dma_start3A_71 = tpu.memref_slice %arg2[%dma_start3A_69, %dma_start3A_70] : memref<10000x256xf32, #tpu.memory_space<hbm>> -> memref<10000x256xf32, #tpu.memory_space<hbm>>
          tpu.enqueue_indirect_dma source(%dma_start3A_71 : memref<10000x256xf32, #tpu.memory_space<hbm>>) target(%arg11 : memref<80x256xf32, #tpu.memory_space<vmem>>) offsets(%dma_start3A_68 : memref<80xi32, #tpu.memory_space<vmem>>) semaphore(%arg14 : memref<!tpu.dma_semaphore, #tpu.memory_space<semaphore_mem>>)
          %dma_start3A_72 = tpu.memref_slice %arg8[%min3A_67] : memref<5000xi32, #tpu.memory_space<vmem>> -> memref<80xi32, #tpu.memory_space<vmem>>
          %dma_start3A_73 = arith.constant 0 : i32
          %dma_start3A_74 = arith.constant 0 : i32
          %dma_start3A_75 = tpu.memref_slice %arg3[%dma_start3A_73, %dma_start3A_74] : memref<10000x256xf32, #tpu.memory_space<hbm>> -> memref<10000x256xf32, #tpu.memory_space<hbm>>
          tpu.enqueue_indirect_dma source(%dma_start3A_75 : memref<10000x256xf32, #tpu.memory_space<hbm>>) target(%arg12 : memref<80x256xf32, #tpu.memory_space<vmem>>) offsets(%dma_start3A_72 : memref<80xi32, #tpu.memory_space<vmem>>) semaphore(%arg14 : memref<!tpu.dma_semaphore, #tpu.memory_space<semaphore_mem>>)
        } else {
        }
        %mul3A_43 = arith.constant 80 : i32
        %mul3A_44 = arith.muli %add3A_23, %mul3A_43 : i32
        %min3A_45 = arith.constant 4920 : i32
        %min3A_46 = arith.minsi %mul3A_44, %min3A_45 : i32
        %dma_wait3A = tpu.memref_slice %arg7[%min3A_46] : memref<5000xi32, #tpu.memory_space<vmem>> -> memref<80xi32, #tpu.memory_space<vmem>>
        %dma_wait3A_47 = arith.constant 0 : i32
        %dma_wait3A_48 = arith.constant 0 : i32
        %dma_wait3A_49 = tpu.memref_slice %arg2[%dma_wait3A_47, %dma_wait3A_48] : memref<10000x256xf32, #tpu.memory_space<hbm>> -> memref<10000x256xf32, #tpu.memory_space<hbm>>
        tpu.wait_indirect_dma semaphore(%arg13 : memref<!tpu.dma_semaphore, #tpu.memory_space<semaphore_mem>>) src(%dma_wait3A_49 : memref<10000x256xf32, #tpu.memory_space<hbm>>) dst(%arg9 : memref<80x256xf32, #tpu.memory_space<vmem>>)
        %dma_wait3A_50 = tpu.memref_slice %arg8[%min3A_46] : memref<5000xi32, #tpu.memory_space<vmem>> -> memref<80xi32, #tpu.memory_space<vmem>>
        %dma_wait3A_51 = arith.constant 0 : i32
        %dma_wait3A_52 = arith.constant 0 : i32
        %dma_wait3A_53 = tpu.memref_slice %arg3[%dma_wait3A_51, %dma_wait3A_52] : memref<10000x256xf32, #tpu.memory_space<hbm>> -> memref<10000x256xf32, #tpu.memory_space<hbm>>
        tpu.wait_indirect_dma semaphore(%arg13 : memref<!tpu.dma_semaphore, #tpu.memory_space<semaphore_mem>>) src(%dma_wait3A_53 : memref<10000x256xf32, #tpu.memory_space<hbm>>) dst(%arg10 : memref<80x256xf32, #tpu.memory_space<vmem>>)
        %scan3A_54 = arith.constant 0 : i32
        %scan3A_55 = arith.constant 0 : i32
        %scan3A_56 = arith.constant 80 : i32
        %scan3A_57 = arith.addi %scan3A_55, %scan3A_56 : i32
        %scan3A_58 = arith.constant 1 : i32
        %scan3A_59 = scf.for %scan3A_62 = %scan3A_55 to %scan3A_57 step %scan3A_58 iter_args(%scan3A_63 = %scan3A_54) -> (i32)  : i32 {
          %get3A = arith.index_cast %scan3A_62 : i32 to index
          %get3A_64 = arith.constant 0 : index
          %get3A_65 = tpu.vector_load %arg9[%get3A, %get3A_64] {strides = array<i32>} : memref<80x256xf32, #tpu.memory_space<vmem>>, vector<16xf32>,
          %get3A_66 = arith.index_cast %scan3A_62 : i32 to index
          %get3A_67 = arith.constant 0 : index
          %get3A_68 = tpu.vector_load %arg10[%get3A_66, %get3A_67] {strides = array<i32>} : memref<80x256xf32, #tpu.memory_space<vmem>>, vector<16xf32>,
          %add3A_69 = arith.addf %get3A_65, %get3A_68 : vector<16xf32>
          %swap3A = arith.index_cast %scan3A_62 : i32 to index
          %swap3A_70 = arith.constant 0 : index
          %swap3A_71 = tpu.vector_load %arg9[%swap3A, %swap3A_70] {strides = array<i32>} : memref<80x256xf32, #tpu.memory_space<vmem>>, vector<16xf32>,
          tpu.vector_store %arg9[%swap3A, %swap3A_70], %add3A_69 {strides = array<i32>} : memref<80x256xf32, #tpu.memory_space<vmem>>, vector<16xf32>,
          %get3A_72 = arith.index_cast %scan3A_62 : i32 to index
          %get3A_73 = arith.constant 16 : index
          %get3A_74 = tpu.vector_load %arg9[%get3A_72, %get3A_73] {strides = array<i32>} : memref<80x256xf32, #tpu.memory_space<vmem>>, vector<16xf32>,
          %get3A_75 = arith.index_cast %scan3A_62 : i32 to index
          %get3A_76 = arith.constant 16 : index
          %get3A_77 = tpu.vector_load %arg10[%get3A_75, %get3A_76] {strides = array<i32>} : memref<80x256xf32, #tpu.memory_space<vmem>>, vector<16xf32>,
          %add3A_78 = arith.addf %get3A_74, %get3A_77 : vector<16xf32>
          %swap3A_79 = arith.index_cast %scan3A_62 : i32 to index
          %swap3A_80 = arith.constant 16 : index
          %swap3A_81 = tpu.vector_load %arg9[%swap3A_79, %swap3A_80] {strides = array<i32>} : memref<80x256xf32, #tpu.memory_space<vmem>>, vector<16xf32>,
          tpu.vector_store %arg9[%swap3A_79, %swap3A_80], %add3A_78 {strides = array<i32>} : memref<80x256xf32, #tpu.memory_space<vmem>>, vector<16xf32>,
          %get3A_82 = arith.index_cast %scan3A_62 : i32 to index
          %get3A_83 = arith.constant 32 : index
          %get3A_84 = tpu.vector_load %arg9[%get3A_82, %get3A_83] {strides = array<i32>} : memref<80x256xf32, #tpu.memory_space<vmem>>, vector<16xf32>,
          %get3A_85 = arith.index_cast %scan3A_62 : i32 to index
          %get3A_86 = arith.constant 32 : index
          %get3A_87 = tpu.vector_load %arg10[%get3A_85, %get3A_86] {strides = array<i32>} : memref<80x256xf32, #tpu.memory_space<vmem>>, vector<16xf32>,
          %add3A_88 = arith.addf %get3A_84, %get3A_87 : vector<16xf32>
          %swap3A_89 = arith.index_cast %scan3A_62 : i32 to index
          %swap3A_90 = arith.constant 32 : index
          %swap3A_91 = tpu.vector_load %arg9[%swap3A_89, %swap3A_90] {strides = array<i32>} : memref<80x256xf32, #tpu.memory_space<vmem>>, vector<16xf32>,
          tpu.vector_store %arg9[%swap3A_89, %swap3A_90], %add3A_88 {strides = array<i32>} : memref<80x256xf32, #tpu.memory_space<vmem>>, vector<16xf32>,
          %get3A_92 = arith.index_cast %scan3A_62 : i32 to index
          %get3A_93 = arith.constant 48 : index
          %get3A_94 = tpu.vector_load %arg9[%get3A_92, %get3A_93] {strides = array<i32>} : memref<80x256xf32, #tpu.memory_space<vmem>>, vector<16xf32>,
          %get3A_95 = arith.index_cast %scan3A_62 : i32 to index
          %get3A_96 = arith.constant 48 : index
          %get3A_97 = tpu.vector_load %arg10[%get3A_95, %get3A_96] {strides = array<i32>} : memref<80x256xf32, #tpu.memory_space<vmem>>, vector<16xf32>,
          %add3A_98 = arith.addf %get3A_94, %get3A_97 : vector<16xf32>
          %swap3A_99 = arith.index_cast %scan3A_62 : i32 to index
          %swap3A_100 = arith.constant 48 : index
          %swap3A_101 = tpu.vector_load %arg9[%swap3A_99, %swap3A_100] {strides = array<i32>} : memref<80x256xf32, #tpu.memory_space<vmem>>, vector<16xf32>,
          tpu.vector_store %arg9[%swap3A_99, %swap3A_100], %add3A_98 {strides = array<i32>} : memref<80x256xf32, #tpu.memory_space<vmem>>, vector<16xf32>,
          %get3A_102 = arith.index_cast %scan3A_62 : i32 to index
          %get3A_103 = arith.constant 64 : index
          %get3A_104 = tpu.vector_load %arg9[%get3A_102, %get3A_103] {strides = array<i32>} : memref<80x256xf32, #tpu.memory_space<vmem>>, vector<16xf32>,
          %get3A_105 = arith.index_cast %scan3A_62 : i32 to index
          %get3A_106 = arith.constant 64 : index
          %get3A_107 = tpu.vector_load %arg10[%get3A_105, %get3A_106] {strides = array<i32>} : memref<80x256xf32, #tpu.memory_space<vmem>>, vector<16xf32>,
          %add3A_108 = arith.addf %get3A_104, %get3A_107 : vector<16xf32>
          %swap3A_109 = arith.index_cast %scan3A_62 : i32 to index
          %swap3A_110 = arith.constant 64 : index
          %swap3A_111 = tpu.vector_load %arg9[%swap3A_109, %swap3A_110] {strides = array<i32>} : memref<80x256xf32, #tpu.memory_space<vmem>>, vector<16xf32>,
          tpu.vector_store %arg9[%swap3A_109, %swap3A_110], %add3A_108 {strides = array<i32>} : memref<80x256xf32, #tpu.memory_space<vmem>>, vector<16xf32>,
          %get3A_112 = arith.index_cast %scan3A_62 : i32 to index
          %get3A_113 = arith.constant 80 : index
          %get3A_114 = tpu.vector_load %arg9[%get3A_112, %get3A_113] {strides = array<i32>} : memref<80x256xf32, #tpu.memory_space<vmem>>, vector<16xf32>,
          %get3A_115 = arith.index_cast %scan3A_62 : i32 to index
          %get3A_116 = arith.constant 80 : index
          %get3A_117 = tpu.vector_load %arg10[%get3A_115, %get3A_116] {strides = array<i32>} : memref<80x256xf32, #tpu.memory_space<vmem>>, vector<16xf32>,
          %add3A_118 = arith.addf %get3A_114, %get3A_117 : vector<16xf32>
          %swap3A_119 = arith.index_cast %scan3A_62 : i32 to index
          %swap3A_120 = arith.constant 80 : index
          %swap3A_121 = tpu.vector_load %arg9[%swap3A_119, %swap3A_120] {strides = array<i32>} : memref<80x256xf32, #tpu.memory_space<vmem>>, vector<16xf32>,
          tpu.vector_store %arg9[%swap3A_119, %swap3A_120], %add3A_118 {strides = array<i32>} : memref<80x256xf32, #tpu.memory_space<vmem>>, vector<16xf32>,
          %get3A_122 = arith.index_cast %scan3A_62 : i32 to index
          %get3A_123 = arith.constant 96 : index
          %get3A_124 = tpu.vector_load %arg9[%get3A_122, %get3A_123] {strides = array<i32>} : memref<80x256xf32, #tpu.memory_space<vmem>>, vector<16xf32>,
          %get3A_125 = arith.index_cast %scan3A_62 : i32 to index
          %get3A_126 = arith.constant 96 : index
          %get3A_127 = tpu.vector_load %arg10[%get3A_125, %get3A_126] {strides = array<i32>} : memref<80x256xf32, #tpu.memory_space<vmem>>, vector<16xf32>,
          %add3A_128 = arith.addf %get3A_124, %get3A_127 : vector<16xf32>
          %swap3A_129 = arith.index_cast %scan3A_62 : i32 to index
          %swap3A_130 = arith.constant 96 : index
          %swap3A_131 = tpu.vector_load %arg9[%swap3A_129, %swap3A_130] {strides = array<i32>} : memref<80x256xf32, #tpu.memory_space<vmem>>, vector<16xf32>,
          tpu.vector_store %arg9[%swap3A_129, %swap3A_130], %add3A_128 {strides = array<i32>} : memref<80x256xf32, #tpu.memory_space<vmem>>, vector<16xf32>,
          %get3A_132 = arith.index_cast %scan3A_62 : i32 to index
          %get3A_133 = arith.constant 112 : index
          %get3A_134 = tpu.vector_load %arg9[%get3A_132, %get3A_133] {strides = array<i32>} : memref<80x256xf32, #tpu.memory_space<vmem>>, vector<16xf32>,
          %get3A_135 = arith.index_cast %scan3A_62 : i32 to index
          %get3A_136 = arith.constant 112 : index
          %get3A_137 = tpu.vector_load %arg10[%get3A_135, %get3A_136] {strides = array<i32>} : memref<80x256xf32, #tpu.memory_space<vmem>>, vector<16xf32>,
          %add3A_138 = arith.addf %get3A_134, %get3A_137 : vector<16xf32>
          %swap3A_139 = arith.index_cast %scan3A_62 : i32 to index
          %swap3A_140 = arith.constant 112 : index
          %swap3A_141 = tpu.vector_load %arg9[%swap3A_139, %swap3A_140] {strides = array<i32>} : memref<80x256xf32, #tpu.memory_space<vmem>>, vector<16xf32>,
          tpu.vector_store %arg9[%swap3A_139, %swap3A_140], %add3A_138 {strides = array<i32>} : memref<80x256xf32, #tpu.memory_space<vmem>>, vector<16xf32>,
          %get3A_142 = arith.index_cast %scan3A_62 : i32 to index
          %get3A_143 = arith.constant 128 : index
          %get3A_144 = tpu.vector_load %arg9[%get3A_142, %get3A_143] {strides = array<i32>} : memref<80x256xf32, #tpu.memory_space<vmem>>, vector<16xf32>,
          %get3A_145 = arith.index_cast %scan3A_62 : i32 to index
          %get3A_146 = arith.constant 128 : index
          %get3A_147 = tpu.vector_load %arg10[%get3A_145, %get3A_146] {strides = array<i32>} : memref<80x256xf32, #tpu.memory_space<vmem>>, vector<16xf32>,
          %add3A_148 = arith.addf %get3A_144, %get3A_147 : vector<16xf32>
          %swap3A_149 = arith.index_cast %scan3A_62 : i32 to index
          %swap3A_150 = arith.constant 128 : index
          %swap3A_151 = tpu.vector_load %arg9[%swap3A_149, %swap3A_150] {strides = array<i32>} : memref<80x256xf32, #tpu.memory_space<vmem>>, vector<16xf32>,
          tpu.vector_store %arg9[%swap3A_149, %swap3A_150], %add3A_148 {strides = array<i32>} : memref<80x256xf32, #tpu.memory_space<vmem>>, vector<16xf32>,
          %get3A_152 = arith.index_cast %scan3A_62 : i32 to index
          %get3A_153 = arith.constant 144 : index
          %get3A_154 = tpu.vector_load %arg9[%get3A_152, %get3A_153] {strides = array<i32>} : memref<80x256xf32, #tpu.memory_space<vmem>>, vector<16xf32>,
          %get3A_155 = arith.index_cast %scan3A_62 : i32 to index
          %get3A_156 = arith.constant 144 : index
          %get3A_157 = tpu.vector_load %arg10[%get3A_155, %get3A_156] {strides = array<i32>} : memref<80x256xf32, #tpu.memory_space<vmem>>, vector<16xf32>,
          %add3A_158 = arith.addf %get3A_154, %get3A_157 : vector<16xf32>
          %swap3A_159 = arith.index_cast %scan3A_62 : i32 to index
          %swap3A_160 = arith.constant 144 : index
          %swap3A_161 = tpu.vector_load %arg9[%swap3A_159, %swap3A_160] {strides = array<i32>} : memref<80x256xf32, #tpu.memory_space<vmem>>, vector<16xf32>,
          tpu.vector_store %arg9[%swap3A_159, %swap3A_160], %add3A_158 {strides = array<i32>} : memref<80x256xf32, #tpu.memory_space<vmem>>, vector<16xf32>,
          %get3A_162 = arith.index_cast %scan3A_62 : i32 to index
          %get3A_163 = arith.constant 160 : index
          %get3A_164 = tpu.vector_load %arg9[%get3A_162, %get3A_163] {strides = array<i32>} : memref<80x256xf32, #tpu.memory_space<vmem>>, vector<16xf32>,
          %get3A_165 = arith.index_cast %scan3A_62 : i32 to index
          %get3A_166 = arith.constant 160 : index
          %get3A_167 = tpu.vector_load %arg10[%get3A_165, %get3A_166] {strides = array<i32>} : memref<80x256xf32, #tpu.memory_space<vmem>>, vector<16xf32>,
          %add3A_168 = arith.addf %get3A_164, %get3A_167 : vector<16xf32>
          %swap3A_169 = arith.index_cast %scan3A_62 : i32 to index
          %swap3A_170 = arith.constant 160 : index
          %swap3A_171 = tpu.vector_load %arg9[%swap3A_169, %swap3A_170] {strides = array<i32>} : memref<80x256xf32, #tpu.memory_space<vmem>>, vector<16xf32>,
          tpu.vector_store %arg9[%swap3A_169, %swap3A_170], %add3A_168 {strides = array<i32>} : memref<80x256xf32, #tpu.memory_space<vmem>>, vector<16xf32>,
          %get3A_172 = arith.index_cast %scan3A_62 : i32 to index
          %get3A_173 = arith.constant 176 : index
          %get3A_174 = tpu.vector_load %arg9[%get3A_172, %get3A_173] {strides = array<i32>} : memref<80x256xf32, #tpu.memory_space<vmem>>, vector<16xf32>,
          %get3A_175 = arith.index_cast %scan3A_62 : i32 to index
          %get3A_176 = arith.constant 176 : index
          %get3A_177 = tpu.vector_load %arg10[%get3A_175, %get3A_176] {strides = array<i32>} : memref<80x256xf32, #tpu.memory_space<vmem>>, vector<16xf32>,
          %add3A_178 = arith.addf %get3A_174, %get3A_177 : vector<16xf32>
          %swap3A_179 = arith.index_cast %scan3A_62 : i32 to index
          %swap3A_180 = arith.constant 176 : index
          %swap3A_181 = tpu.vector_load %arg9[%swap3A_179, %swap3A_180] {strides = array<i32>} : memref<80x256xf32, #tpu.memory_space<vmem>>, vector<16xf32>,
          tpu.vector_store %arg9[%swap3A_179, %swap3A_180], %add3A_178 {strides = array<i32>} : memref<80x256xf32, #tpu.memory_space<vmem>>, vector<16xf32>,
          %get3A_182 = arith.index_cast %scan3A_62 : i32 to index
          %get3A_183 = arith.constant 192 : index
          %get3A_184 = tpu.vector_load %arg9[%get3A_182, %get3A_183] {strides = array<i32>} : memref<80x256xf32, #tpu.memory_space<vmem>>, vector<16xf32>,
          %get3A_185 = arith.index_cast %scan3A_62 : i32 to index
          %get3A_186 = arith.constant 192 : index
          %get3A_187 = tpu.vector_load %arg10[%get3A_185, %get3A_186] {strides = array<i32>} : memref<80x256xf32, #tpu.memory_space<vmem>>, vector<16xf32>,
          %add3A_188 = arith.addf %get3A_184, %get3A_187 : vector<16xf32>
          %swap3A_189 = arith.index_cast %scan3A_62 : i32 to index
          %swap3A_190 = arith.constant 192 : index
          %swap3A_191 = tpu.vector_load %arg9[%swap3A_189, %swap3A_190] {strides = array<i32>} : memref<80x256xf32, #tpu.memory_space<vmem>>, vector<16xf32>,
          tpu.vector_store %arg9[%swap3A_189, %swap3A_190], %add3A_188 {strides = array<i32>} : memref<80x256xf32, #tpu.memory_space<vmem>>, vector<16xf32>,
          %get3A_192 = arith.index_cast %scan3A_62 : i32 to index
          %get3A_193 = arith.constant 208 : index
          %get3A_194 = tpu.vector_load %arg9[%get3A_192, %get3A_193] {strides = array<i32>} : memref<80x256xf32, #tpu.memory_space<vmem>>, vector<16xf32>,
          %get3A_195 = arith.index_cast %scan3A_62 : i32 to index
          %get3A_196 = arith.constant 208 : index
          %get3A_197 = tpu.vector_load %arg10[%get3A_195, %get3A_196] {strides = array<i32>} : memref<80x256xf32, #tpu.memory_space<vmem>>, vector<16xf32>,
          %add3A_198 = arith.addf %get3A_194, %get3A_197 : vector<16xf32>
          %swap3A_199 = arith.index_cast %scan3A_62 : i32 to index
          %swap3A_200 = arith.constant 208 : index
          %swap3A_201 = tpu.vector_load %arg9[%swap3A_199, %swap3A_200] {strides = array<i32>} : memref<80x256xf32, #tpu.memory_space<vmem>>, vector<16xf32>,
          tpu.vector_store %arg9[%swap3A_199, %swap3A_200], %add3A_198 {strides = array<i32>} : memref<80x256xf32, #tpu.memory_space<vmem>>, vector<16xf32>,
          %get3A_202 = arith.index_cast %scan3A_62 : i32 to index
          %get3A_203 = arith.constant 224 : index
          %get3A_204 = tpu.vector_load %arg9[%get3A_202, %get3A_203] {strides = array<i32>} : memref<80x256xf32, #tpu.memory_space<vmem>>, vector<16xf32>,
          %get3A_205 = arith.index_cast %scan3A_62 : i32 to index
          %get3A_206 = arith.constant 224 : index
          %get3A_207 = tpu.vector_load %arg10[%get3A_205, %get3A_206] {strides = array<i32>} : memref<80x256xf32, #tpu.memory_space<vmem>>, vector<16xf32>,
          %add3A_208 = arith.addf %get3A_204, %get3A_207 : vector<16xf32>
          %swap3A_209 = arith.index_cast %scan3A_62 : i32 to index
          %swap3A_210 = arith.constant 224 : index
          %swap3A_211 = tpu.vector_load %arg9[%swap3A_209, %swap3A_210] {strides = array<i32>} : memref<80x256xf32, #tpu.memory_space<vmem>>, vector<16xf32>,
          tpu.vector_store %arg9[%swap3A_209, %swap3A_210], %add3A_208 {strides = array<i32>} : memref<80x256xf32, #tpu.memory_space<vmem>>, vector<16xf32>,
          %get3A_212 = arith.index_cast %scan3A_62 : i32 to index
          %get3A_213 = arith.constant 240 : index
          %get3A_214 = tpu.vector_load %arg9[%get3A_212, %get3A_213] {strides = array<i32>} : memref<80x256xf32, #tpu.memory_space<vmem>>, vector<16xf32>,
          %get3A_215 = arith.index_cast %scan3A_62 : i32 to index
          %get3A_216 = arith.constant 240 : index
          %get3A_217 = tpu.vector_load %arg10[%get3A_215, %get3A_216] {strides = array<i32>} : memref<80x256xf32, #tpu.memory_space<vmem>>, vector<16xf32>,
          %add3A_218 = arith.addf %get3A_214, %get3A_217 : vector<16xf32>
          %swap3A_219 = arith.index_cast %scan3A_62 : i32 to index
          %swap3A_220 = arith.constant 240 : index
          %swap3A_221 = tpu.vector_load %arg9[%swap3A_219, %swap3A_220] {strides = array<i32>} : memref<80x256xf32, #tpu.memory_space<vmem>>, vector<16xf32>,
          tpu.vector_store %arg9[%swap3A_219, %swap3A_220], %add3A_218 {strides = array<i32>} : memref<80x256xf32, #tpu.memory_space<vmem>>, vector<16xf32>,
          %scan3A_222 = arith.constant 0 : i32
          scf.yield %scan3A_222 : i32
        }
        %scan3A_60 = arith.constant 80 : i32
        %add3A_61 = arith.addi %mul3A_2, %min3A_46 : i32
        "tpu.region"() ({
          %run_scoped3A = tpu.sem_alloc : memref<!tpu.dma_semaphore, #tpu.memory_space<semaphore_mem>>
          %dma_start3A_62 = arith.constant 0 : i32
          %dma_start3A_63 = tpu.memref_slice %arg6[%add3A_61, %dma_start3A_62] : memref<160000x256xf32, #tpu.memory_space<hbm>> -> memref<80x256xf32, #tpu.memory_space<hbm>>
          %dma_start3A_64 = arith.constant 0 : i32
          %dma_start3A_65 = tpu.memref_slice %arg6[%add3A_61, %dma_start3A_64] : memref<160000x256xf32, #tpu.memory_space<hbm>> -> memref<80x256xf32, #tpu.memory_space<hbm>>
          tpu.enqueue_dma source(%arg9 : memref<80x256xf32, #tpu.memory_space<vmem>>) target(%dma_start3A_65 : memref<80x256xf32, #tpu.memory_space<hbm>>) target_semaphore(%run_scoped3A : memref<!tpu.dma_semaphore, #tpu.memory_space<semaphore_mem>>)
          %dma_wait3A_66 = arith.constant 0 : i32
          %dma_wait3A_67 = tpu.memref_slice %arg6[%add3A_61, %dma_wait3A_66] : memref<160000x256xf32, #tpu.memory_space<hbm>> -> memref<80x256xf32, #tpu.memory_space<hbm>>
          %dma_wait3A_68 = arith.constant 0 : i32
          %dma_wait3A_69 = tpu.memref_slice %arg6[%add3A_61, %dma_wait3A_68] : memref<160000x256xf32, #tpu.memory_space<hbm>> -> memref<80x256xf32, #tpu.memory_space<hbm>>
          tpu.wait_dma2 semaphore(%run_scoped3A : memref<!tpu.dma_semaphore, #tpu.memory_space<semaphore_mem>>) src(%arg9 : memref<80x256xf32, #tpu.memory_space<vmem>>) dst(%dma_wait3A_69 : memref<80x256xf32, #tpu.memory_space<hbm>>)
          tpu.yield
        }) : () -> ()
      } else {
      }
      %mul3A_26 = arith.constant 2 : i32
      %mul3A_27 = arith.muli %scan3A_18, %mul3A_26 : i32
      %add3A_28 = arith.constant 1 : i32
      %add3A_29 = arith.addi %mul3A_27, %add3A_28 : i32
      %lt3A_30 = arith.constant 63 : i32
      %lt3A_31 = arith.cmpi slt, %add3A_29, %lt3A_30 : i32
      %convert_element_type3A_32 = arith.extui %lt3A_31 : i1 to i32
      %cond3A_33 = arith.constant 0 : i32
      %cond3A_34 = arith.cmpi ne, %convert_element_type3A_32, %cond3A_33 : i32
      scf.if %cond3A_34 {
        %add3A_36 = arith.constant 1 : i32
        %add3A_37 = arith.addi %add3A_29, %add3A_36 : i32
        %lt3A_38 = arith.constant 63 : i32
        %lt3A_39 = arith.cmpi slt, %add3A_37, %lt3A_38 : i32
        %convert_element_type3A_40 = arith.extui %lt3A_39 : i1 to i32
        %cond3A_41 = arith.constant 0 : i32
        %cond3A_42 = arith.cmpi ne, %convert_element_type3A_40, %cond3A_41 : i32
        scf.if %cond3A_42 {
          %add3A_62 = arith.constant 1 : i32
          %add3A_63 = arith.addi %add3A_29, %add3A_62 : i32
          %mul3A_64 = arith.constant 80 : i32
          %mul3A_65 = arith.muli %add3A_63, %mul3A_64 : i32
          %min3A_66 = arith.constant 4920 : i32
          %min3A_67 = arith.minsi %mul3A_65, %min3A_66 : i32
          %dma_start3A_68 = tpu.memref_slice %arg7[%min3A_67] : memref<5000xi32, #tpu.memory_space<vmem>> -> memref<80xi32, #tpu.memory_space<vmem>>
          %dma_start3A_69 = arith.constant 0 : i32
          %dma_start3A_70 = arith.constant 0 : i32
          %dma_start3A_71 = tpu.memref_slice %arg2[%dma_start3A_69, %dma_start3A_70] : memref<10000x256xf32, #tpu.memory_space<hbm>> -> memref<10000x256xf32, #tpu.memory_space<hbm>>
          tpu.enqueue_indirect_dma source(%dma_start3A_71 : memref<10000x256xf32, #tpu.memory_space<hbm>>) target(%arg9 : memref<80x256xf32, #tpu.memory_space<vmem>>) offsets(%dma_start3A_68 : memref<80xi32, #tpu.memory_space<vmem>>) semaphore(%arg13 : memref<!tpu.dma_semaphore, #tpu.memory_space<semaphore_mem>>)
          %dma_start3A_72 = tpu.memref_slice %arg8[%min3A_67] : memref<5000xi32, #tpu.memory_space<vmem>> -> memref<80xi32, #tpu.memory_space<vmem>>
          %dma_start3A_73 = arith.constant 0 : i32
          %dma_start3A_74 = arith.constant 0 : i32
          %dma_start3A_75 = tpu.memref_slice %arg3[%dma_start3A_73, %dma_start3A_74] : memref<10000x256xf32, #tpu.memory_space<hbm>> -> memref<10000x256xf32, #tpu.memory_space<hbm>>
          tpu.enqueue_indirect_dma source(%dma_start3A_75 : memref<10000x256xf32, #tpu.memory_space<hbm>>) target(%arg10 : memref<80x256xf32, #tpu.memory_space<vmem>>) offsets(%dma_start3A_72 : memref<80xi32, #tpu.memory_space<vmem>>) semaphore(%arg13 : memref<!tpu.dma_semaphore, #tpu.memory_space<semaphore_mem>>)
        } else {
        }
        %mul3A_43 = arith.constant 80 : i32
        %mul3A_44 = arith.muli %add3A_29, %mul3A_43 : i32
        %min3A_45 = arith.constant 4920 : i32
        %min3A_46 = arith.minsi %mul3A_44, %min3A_45 : i32
        %dma_wait3A = tpu.memref_slice %arg7[%min3A_46] : memref<5000xi32, #tpu.memory_space<vmem>> -> memref<80xi32, #tpu.memory_space<vmem>>
        %dma_wait3A_47 = arith.constant 0 : i32
        %dma_wait3A_48 = arith.constant 0 : i32
        %dma_wait3A_49 = tpu.memref_slice %arg2[%dma_wait3A_47, %dma_wait3A_48] : memref<10000x256xf32, #tpu.memory_space<hbm>> -> memref<10000x256xf32, #tpu.memory_space<hbm>>
        tpu.wait_indirect_dma semaphore(%arg14 : memref<!tpu.dma_semaphore, #tpu.memory_space<semaphore_mem>>) src(%dma_wait3A_49 : memref<10000x256xf32, #tpu.memory_space<hbm>>) dst(%arg11 : memref<80x256xf32, #tpu.memory_space<vmem>>)
        %dma_wait3A_50 = tpu.memref_slice %arg8[%min3A_46] : memref<5000xi32, #tpu.memory_space<vmem>> -> memref<80xi32, #tpu.memory_space<vmem>>
        %dma_wait3A_51 = arith.constant 0 : i32
        %dma_wait3A_52 = arith.constant 0 : i32
        %dma_wait3A_53 = tpu.memref_slice %arg3[%dma_wait3A_51, %dma_wait3A_52] : memref<10000x256xf32, #tpu.memory_space<hbm>> -> memref<10000x256xf32, #tpu.memory_space<hbm>>
        tpu.wait_indirect_dma semaphore(%arg14 : memref<!tpu.dma_semaphore, #tpu.memory_space<semaphore_mem>>) src(%dma_wait3A_53 : memref<10000x256xf32, #tpu.memory_space<hbm>>) dst(%arg12 : memref<80x256xf32, #tpu.memory_space<vmem>>)
        %scan3A_54 = arith.constant 0 : i32
        %scan3A_55 = arith.constant 0 : i32
        %scan3A_56 = arith.constant 80 : i32
        %scan3A_57 = arith.addi %scan3A_55, %scan3A_56 : i32
        %scan3A_58 = arith.constant 1 : i32
        %scan3A_59 = scf.for %scan3A_62 = %scan3A_55 to %scan3A_57 step %scan3A_58 iter_args(%scan3A_63 = %scan3A_54) -> (i32)  : i32 {
          %get3A = arith.index_cast %scan3A_62 : i32 to index
          %get3A_64 = arith.constant 0 : index
          %get3A_65 = tpu.vector_load %arg11[%get3A, %get3A_64] {strides = array<i32>} : memref<80x256xf32, #tpu.memory_space<vmem>>, vector<16xf32>,
          %get3A_66 = arith.index_cast %scan3A_62 : i32 to index
          %get3A_67 = arith.constant 0 : index
          %get3A_68 = tpu.vector_load %arg12[%get3A_66, %get3A_67] {strides = array<i32>} : memref<80x256xf32, #tpu.memory_space<vmem>>, vector<16xf32>,
          %add3A_69 = arith.addf %get3A_65, %get3A_68 : vector<16xf32>
          %swap3A = arith.index_cast %scan3A_62 : i32 to index
          %swap3A_70 = arith.constant 0 : index
          %swap3A_71 = tpu.vector_load %arg11[%swap3A, %swap3A_70] {strides = array<i32>} : memref<80x256xf32, #tpu.memory_space<vmem>>, vector<16xf32>,
          tpu.vector_store %arg11[%swap3A, %swap3A_70], %add3A_69 {strides = array<i32>} : memref<80x256xf32, #tpu.memory_space<vmem>>, vector<16xf32>,
          %get3A_72 = arith.index_cast %scan3A_62 : i32 to index
          %get3A_73 = arith.constant 16 : index
          %get3A_74 = tpu.vector_load %arg11[%get3A_72, %get3A_73] {strides = array<i32>} : memref<80x256xf32, #tpu.memory_space<vmem>>, vector<16xf32>,
          %get3A_75 = arith.index_cast %scan3A_62 : i32 to index
          %get3A_76 = arith.constant 16 : index
          %get3A_77 = tpu.vector_load %arg12[%get3A_75, %get3A_76] {strides = array<i32>} : memref<80x256xf32, #tpu.memory_space<vmem>>, vector<16xf32>,
          %add3A_78 = arith.addf %get3A_74, %get3A_77 : vector<16xf32>
          %swap3A_79 = arith.index_cast %scan3A_62 : i32 to index
          %swap3A_80 = arith.constant 16 : index
          %swap3A_81 = tpu.vector_load %arg11[%swap3A_79, %swap3A_80] {strides = array<i32>} : memref<80x256xf32, #tpu.memory_space<vmem>>, vector<16xf32>,
          tpu.vector_store %arg11[%swap3A_79, %swap3A_80], %add3A_78 {strides = array<i32>} : memref<80x256xf32, #tpu.memory_space<vmem>>, vector<16xf32>,
          %get3A_82 = arith.index_cast %scan3A_62 : i32 to index
          %get3A_83 = arith.constant 32 : index
          %get3A_84 = tpu.vector_load %arg11[%get3A_82, %get3A_83] {strides = array<i32>} : memref<80x256xf32, #tpu.memory_space<vmem>>, vector<16xf32>,
          %get3A_85 = arith.index_cast %scan3A_62 : i32 to index
          %get3A_86 = arith.constant 32 : index
          %get3A_87 = tpu.vector_load %arg12[%get3A_85, %get3A_86] {strides = array<i32>} : memref<80x256xf32, #tpu.memory_space<vmem>>, vector<16xf32>,
          %add3A_88 = arith.addf %get3A_84, %get3A_87 : vector<16xf32>
          %swap3A_89 = arith.index_cast %scan3A_62 : i32 to index
          %swap3A_90 = arith.constant 32 : index
          %swap3A_91 = tpu.vector_load %arg11[%swap3A_89, %swap3A_90] {strides = array<i32>} : memref<80x256xf32, #tpu.memory_space<vmem>>, vector<16xf32>,
          tpu.vector_store %arg11[%swap3A_89, %swap3A_90], %add3A_88 {strides = array<i32>} : memref<80x256xf32, #tpu.memory_space<vmem>>, vector<16xf32>,
          %get3A_92 = arith.index_cast %scan3A_62 : i32 to index
          %get3A_93 = arith.constant 48 : index
          %get3A_94 = tpu.vector_load %arg11[%get3A_92, %get3A_93] {strides = array<i32>} : memref<80x256xf32, #tpu.memory_space<vmem>>, vector<16xf32>,
          %get3A_95 = arith.index_cast %scan3A_62 : i32 to index
          %get3A_96 = arith.constant 48 : index
          %get3A_97 = tpu.vector_load %arg12[%get3A_95, %get3A_96] {strides = array<i32>} : memref<80x256xf32, #tpu.memory_space<vmem>>, vector<16xf32>,
          %add3A_98 = arith.addf %get3A_94, %get3A_97 : vector<16xf32>
          %swap3A_99 = arith.index_cast %scan3A_62 : i32 to index
          %swap3A_100 = arith.constant 48 : index
          %swap3A_101 = tpu.vector_load %arg11[%swap3A_99, %swap3A_100] {strides = array<i32>} : memref<80x256xf32, #tpu.memory_space<vmem>>, vector<16xf32>,
          tpu.vector_store %arg11[%swap3A_99, %swap3A_100], %add3A_98 {strides = array<i32>} : memref<80x256xf32, #tpu.memory_space<vmem>>, vector<16xf32>,
          %get3A_102 = arith.index_cast %scan3A_62 : i32 to index
          %get3A_103 = arith.constant 64 : index
          %get3A_104 = tpu.vector_load %arg11[%get3A_102, %get3A_103] {strides = array<i32>} : memref<80x256xf32, #tpu.memory_space<vmem>>, vector<16xf32>,
          %get3A_105 = arith.index_cast %scan3A_62 : i32 to index
          %get3A_106 = arith.constant 64 : index
          %get3A_107 = tpu.vector_load %arg12[%get3A_105, %get3A_106] {strides = array<i32>} : memref<80x256xf32, #tpu.memory_space<vmem>>, vector<16xf32>,
          %add3A_108 = arith.addf %get3A_104, %get3A_107 : vector<16xf32>
          %swap3A_109 = arith.index_cast %scan3A_62 : i32 to index
          %swap3A_110 = arith.constant 64 : index
          %swap3A_111 = tpu.vector_load %arg11[%swap3A_109, %swap3A_110] {strides = array<i32>} : memref<80x256xf32, #tpu.memory_space<vmem>>, vector<16xf32>,
          tpu.vector_store %arg11[%swap3A_109, %swap3A_110], %add3A_108 {strides = array<i32>} : memref<80x256xf32, #tpu.memory_space<vmem>>, vector<16xf32>,
          %get3A_112 = arith.index_cast %scan3A_62 : i32 to index
          %get3A_113 = arith.constant 80 : index
          %get3A_114 = tpu.vector_load %arg11[%get3A_112, %get3A_113] {strides = array<i32>} : memref<80x256xf32, #tpu.memory_space<vmem>>, vector<16xf32>,
          %get3A_115 = arith.index_cast %scan3A_62 : i32 to index
          %get3A_116 = arith.constant 80 : index
          %get3A_117 = tpu.vector_load %arg12[%get3A_115, %get3A_116] {strides = array<i32>} : memref<80x256xf32, #tpu.memory_space<vmem>>, vector<16xf32>,
          %add3A_118 = arith.addf %get3A_114, %get3A_117 : vector<16xf32>
          %swap3A_119 = arith.index_cast %scan3A_62 : i32 to index
          %swap3A_120 = arith.constant 80 : index
          %swap3A_121 = tpu.vector_load %arg11[%swap3A_119, %swap3A_120] {strides = array<i32>} : memref<80x256xf32, #tpu.memory_space<vmem>>, vector<16xf32>,
          tpu.vector_store %arg11[%swap3A_119, %swap3A_120], %add3A_118 {strides = array<i32>} : memref<80x256xf32, #tpu.memory_space<vmem>>, vector<16xf32>,
          %get3A_122 = arith.index_cast %scan3A_62 : i32 to index
          %get3A_123 = arith.constant 96 : index
          %get3A_124 = tpu.vector_load %arg11[%get3A_122, %get3A_123] {strides = array<i32>} : memref<80x256xf32, #tpu.memory_space<vmem>>, vector<16xf32>,
          %get3A_125 = arith.index_cast %scan3A_62 : i32 to index
          %get3A_126 = arith.constant 96 : index
          %get3A_127 = tpu.vector_load %arg12[%get3A_125, %get3A_126] {strides = array<i32>} : memref<80x256xf32, #tpu.memory_space<vmem>>, vector<16xf32>,
          %add3A_128 = arith.addf %get3A_124, %get3A_127 : vector<16xf32>
          %swap3A_129 = arith.index_cast %scan3A_62 : i32 to index
          %swap3A_130 = arith.constant 96 : index
          %swap3A_131 = tpu.vector_load %arg11[%swap3A_129, %swap3A_130] {strides = array<i32>} : memref<80x256xf32, #tpu.memory_space<vmem>>, vector<16xf32>,
          tpu.vector_store %arg11[%swap3A_129, %swap3A_130], %add3A_128 {strides = array<i32>} : memref<80x256xf32, #tpu.memory_space<vmem>>, vector<16xf32>,
          %get3A_132 = arith.index_cast %scan3A_62 : i32 to index
          %get3A_133 = arith.constant 112 : index
          %get3A_134 = tpu.vector_load %arg11[%get3A_132, %get3A_133] {strides = array<i32>} : memref<80x256xf32, #tpu.memory_space<vmem>>, vector<16xf32>,
          %get3A_135 = arith.index_cast %scan3A_62 : i32 to index
          %get3A_136 = arith.constant 112 : index
          %get3A_137 = tpu.vector_load %arg12[%get3A_135, %get3A_136] {strides = array<i32>} : memref<80x256xf32, #tpu.memory_space<vmem>>, vector<16xf32>,
          %add3A_138 = arith.addf %get3A_134, %get3A_137 : vector<16xf32>
          %swap3A_139 = arith.index_cast %scan3A_62 : i32 to index
          %swap3A_140 = arith.constant 112 : index
          %swap3A_141 = tpu.vector_load %arg11[%swap3A_139, %swap3A_140] {strides = array<i32>} : memref<80x256xf32, #tpu.memory_space<vmem>>, vector<16xf32>,
          tpu.vector_store %arg11[%swap3A_139, %swap3A_140], %add3A_138 {strides = array<i32>} : memref<80x256xf32, #tpu.memory_space<vmem>>, vector<16xf32>,
          %get3A_142 = arith.index_cast %scan3A_62 : i32 to index
          %get3A_143 = arith.constant 128 : index
          %get3A_144 = tpu.vector_load %arg11[%get3A_142, %get3A_143] {strides = array<i32>} : memref<80x256xf32, #tpu.memory_space<vmem>>, vector<16xf32>,
          %get3A_145 = arith.index_cast %scan3A_62 : i32 to index
          %get3A_146 = arith.constant 128 : index
          %get3A_147 = tpu.vector_load %arg12[%get3A_145, %get3A_146] {strides = array<i32>} : memref<80x256xf32, #tpu.memory_space<vmem>>, vector<16xf32>,
          %add3A_148 = arith.addf %get3A_144, %get3A_147 : vector<16xf32>
          %swap3A_149 = arith.index_cast %scan3A_62 : i32 to index
          %swap3A_150 = arith.constant 128 : index
          %swap3A_151 = tpu.vector_load %arg11[%swap3A_149, %swap3A_150] {strides = array<i32>} : memref<80x256xf32, #tpu.memory_space<vmem>>, vector<16xf32>,
          tpu.vector_store %arg11[%swap3A_149, %swap3A_150], %add3A_148 {strides = array<i32>} : memref<80x256xf32, #tpu.memory_space<vmem>>, vector<16xf32>,
          %get3A_152 = arith.index_cast %scan3A_62 : i32 to index
          %get3A_153 = arith.constant 144 : index
          %get3A_154 = tpu.vector_load %arg11[%get3A_152, %get3A_153] {strides = array<i32>} : memref<80x256xf32, #tpu.memory_space<vmem>>, vector<16xf32>,
          %get3A_155 = arith.index_cast %scan3A_62 : i32 to index
          %get3A_156 = arith.constant 144 : index
          %get3A_157 = tpu.vector_load %arg12[%get3A_155, %get3A_156] {strides = array<i32>} : memref<80x256xf32, #tpu.memory_space<vmem>>, vector<16xf32>,
          %add3A_158 = arith.addf %get3A_154, %get3A_157 : vector<16xf32>
          %swap3A_159 = arith.index_cast %scan3A_62 : i32 to index
          %swap3A_160 = arith.constant 144 : index
          %swap3A_161 = tpu.vector_load %arg11[%swap3A_159, %swap3A_160] {strides = array<i32>} : memref<80x256xf32, #tpu.memory_space<vmem>>, vector<16xf32>,
          tpu.vector_store %arg11[%swap3A_159, %swap3A_160], %add3A_158 {strides = array<i32>} : memref<80x256xf32, #tpu.memory_space<vmem>>, vector<16xf32>,
          %get3A_162 = arith.index_cast %scan3A_62 : i32 to index
          %get3A_163 = arith.constant 160 : index
          %get3A_164 = tpu.vector_load %arg11[%get3A_162, %get3A_163] {strides = array<i32>} : memref<80x256xf32, #tpu.memory_space<vmem>>, vector<16xf32>,
          %get3A_165 = arith.index_cast %scan3A_62 : i32 to index
          %get3A_166 = arith.constant 160 : index
          %get3A_167 = tpu.vector_load %arg12[%get3A_165, %get3A_166] {strides = array<i32>} : memref<80x256xf32, #tpu.memory_space<vmem>>, vector<16xf32>,
          %add3A_168 = arith.addf %get3A_164, %get3A_167 : vector<16xf32>
          %swap3A_169 = arith.index_cast %scan3A_62 : i32 to index
          %swap3A_170 = arith.constant 160 : index
          %swap3A_171 = tpu.vector_load %arg11[%swap3A_169, %swap3A_170] {strides = array<i32>} : memref<80x256xf32, #tpu.memory_space<vmem>>, vector<16xf32>,
          tpu.vector_store %arg11[%swap3A_169, %swap3A_170], %add3A_168 {strides = array<i32>} : memref<80x256xf32, #tpu.memory_space<vmem>>, vector<16xf32>,
          %get3A_172 = arith.index_cast %scan3A_62 : i32 to index
          %get3A_173 = arith.constant 176 : index
          %get3A_174 = tpu.vector_load %arg11[%get3A_172, %get3A_173] {strides = array<i32>} : memref<80x256xf32, #tpu.memory_space<vmem>>, vector<16xf32>,
          %get3A_175 = arith.index_cast %scan3A_62 : i32 to index
          %get3A_176 = arith.constant 176 : index
          %get3A_177 = tpu.vector_load %arg12[%get3A_175, %get3A_176] {strides = array<i32>} : memref<80x256xf32, #tpu.memory_space<vmem>>, vector<16xf32>,
          %add3A_178 = arith.addf %get3A_174, %get3A_177 : vector<16xf32>
          %swap3A_179 = arith.index_cast %scan3A_62 : i32 to index
          %swap3A_180 = arith.constant 176 : index
          %swap3A_181 = tpu.vector_load %arg11[%swap3A_179, %swap3A_180] {strides = array<i32>} : memref<80x256xf32, #tpu.memory_space<vmem>>, vector<16xf32>,
          tpu.vector_store %arg11[%swap3A_179, %swap3A_180], %add3A_178 {strides = array<i32>} : memref<80x256xf32, #tpu.memory_space<vmem>>, vector<16xf32>,
          %get3A_182 = arith.index_cast %scan3A_62 : i32 to index
          %get3A_183 = arith.constant 192 : index
          %get3A_184 = tpu.vector_load %arg11[%get3A_182, %get3A_183] {strides = array<i32>} : memref<80x256xf32, #tpu.memory_space<vmem>>, vector<16xf32>,
          %get3A_185 = arith.index_cast %scan3A_62 : i32 to index
          %get3A_186 = arith.constant 192 : index
          %get3A_187 = tpu.vector_load %arg12[%get3A_185, %get3A_186] {strides = array<i32>} : memref<80x256xf32, #tpu.memory_space<vmem>>, vector<16xf32>,
          %add3A_188 = arith.addf %get3A_184, %get3A_187 : vector<16xf32>
          %swap3A_189 = arith.index_cast %scan3A_62 : i32 to index
          %swap3A_190 = arith.constant 192 : index
          %swap3A_191 = tpu.vector_load %arg11[%swap3A_189, %swap3A_190] {strides = array<i32>} : memref<80x256xf32, #tpu.memory_space<vmem>>, vector<16xf32>,
          tpu.vector_store %arg11[%swap3A_189, %swap3A_190], %add3A_188 {strides = array<i32>} : memref<80x256xf32, #tpu.memory_space<vmem>>, vector<16xf32>,
          %get3A_192 = arith.index_cast %scan3A_62 : i32 to index
          %get3A_193 = arith.constant 208 : index
          %get3A_194 = tpu.vector_load %arg11[%get3A_192, %get3A_193] {strides = array<i32>} : memref<80x256xf32, #tpu.memory_space<vmem>>, vector<16xf32>,
          %get3A_195 = arith.index_cast %scan3A_62 : i32 to index
          %get3A_196 = arith.constant 208 : index
          %get3A_197 = tpu.vector_load %arg12[%get3A_195, %get3A_196] {strides = array<i32>} : memref<80x256xf32, #tpu.memory_space<vmem>>, vector<16xf32>,
          %add3A_198 = arith.addf %get3A_194, %get3A_197 : vector<16xf32>
          %swap3A_199 = arith.index_cast %scan3A_62 : i32 to index
          %swap3A_200 = arith.constant 208 : index
          %swap3A_201 = tpu.vector_load %arg11[%swap3A_199, %swap3A_200] {strides = array<i32>} : memref<80x256xf32, #tpu.memory_space<vmem>>, vector<16xf32>,
          tpu.vector_store %arg11[%swap3A_199, %swap3A_200], %add3A_198 {strides = array<i32>} : memref<80x256xf32, #tpu.memory_space<vmem>>, vector<16xf32>,
          %get3A_202 = arith.index_cast %scan3A_62 : i32 to index
          %get3A_203 = arith.constant 224 : index
          %get3A_204 = tpu.vector_load %arg11[%get3A_202, %get3A_203] {strides = array<i32>} : memref<80x256xf32, #tpu.memory_space<vmem>>, vector<16xf32>,
          %get3A_205 = arith.index_cast %scan3A_62 : i32 to index
          %get3A_206 = arith.constant 224 : index
          %get3A_207 = tpu.vector_load %arg12[%get3A_205, %get3A_206] {strides = array<i32>} : memref<80x256xf32, #tpu.memory_space<vmem>>, vector<16xf32>,
          %add3A_208 = arith.addf %get3A_204, %get3A_207 : vector<16xf32>
          %swap3A_209 = arith.index_cast %scan3A_62 : i32 to index
          %swap3A_210 = arith.constant 224 : index
          %swap3A_211 = tpu.vector_load %arg11[%swap3A_209, %swap3A_210] {strides = array<i32>} : memref<80x256xf32, #tpu.memory_space<vmem>>, vector<16xf32>,
          tpu.vector_store %arg11[%swap3A_209, %swap3A_210], %add3A_208 {strides = array<i32>} : memref<80x256xf32, #tpu.memory_space<vmem>>, vector<16xf32>,
          %get3A_212 = arith.index_cast %scan3A_62 : i32 to index
          %get3A_213 = arith.constant 240 : index
          %get3A_214 = tpu.vector_load %arg11[%get3A_212, %get3A_213] {strides = array<i32>} : memref<80x256xf32, #tpu.memory_space<vmem>>, vector<16xf32>,
          %get3A_215 = arith.index_cast %scan3A_62 : i32 to index
          %get3A_216 = arith.constant 240 : index
          %get3A_217 = tpu.vector_load %arg12[%get3A_215, %get3A_216] {strides = array<i32>} : memref<80x256xf32, #tpu.memory_space<vmem>>, vector<16xf32>,
          %add3A_218 = arith.addf %get3A_214, %get3A_217 : vector<16xf32>
          %swap3A_219 = arith.index_cast %scan3A_62 : i32 to index
          %swap3A_220 = arith.constant 240 : index
          %swap3A_221 = tpu.vector_load %arg11[%swap3A_219, %swap3A_220] {strides = array<i32>} : memref<80x256xf32, #tpu.memory_space<vmem>>, vector<16xf32>,
          tpu.vector_store %arg11[%swap3A_219, %swap3A_220], %add3A_218 {strides = array<i32>} : memref<80x256xf32, #tpu.memory_space<vmem>>, vector<16xf32>,
          %scan3A_222 = arith.constant 0 : i32
          scf.yield %scan3A_222 : i32
        }
        %scan3A_60 = arith.constant 80 : i32
        %add3A_61 = arith.addi %mul3A_2, %min3A_46 : i32
        "tpu.region"() ({
          %run_scoped3A = tpu.sem_alloc : memref<!tpu.dma_semaphore, #tpu.memory_space<semaphore_mem>>
          %dma_start3A_62 = arith.constant 0 : i32
          %dma_start3A_63 = tpu.memref_slice %arg6[%add3A_61, %dma_start3A_62] : memref<160000x256xf32, #tpu.memory_space<hbm>> -> memref<80x256xf32, #tpu.memory_space<hbm>>
          %dma_start3A_64 = arith.constant 0 : i32
          %dma_start3A_65 = tpu.memref_slice %arg6[%add3A_61, %dma_start3A_64] : memref<160000x256xf32, #tpu.memory_space<hbm>> -> memref<80x256xf32, #tpu.memory_space<hbm>>
          tpu.enqueue_dma source(%arg11 : memref<80x256xf32, #tpu.memory_space<vmem>>) target(%dma_start3A_65 : memref<80x256xf32, #tpu.memory_space<hbm>>) target_semaphore(%run_scoped3A : memref<!tpu.dma_semaphore, #tpu.memory_space<semaphore_mem>>)
          %dma_wait3A_66 = arith.constant 0 : i32
          %dma_wait3A_67 = tpu.memref_slice %arg6[%add3A_61, %dma_wait3A_66] : memref<160000x256xf32, #tpu.memory_space<hbm>> -> memref<80x256xf32, #tpu.memory_space<hbm>>
          %dma_wait3A_68 = arith.constant 0 : i32
          %dma_wait3A_69 = tpu.memref_slice %arg6[%add3A_61, %dma_wait3A_68] : memref<160000x256xf32, #tpu.memory_space<hbm>> -> memref<80x256xf32, #tpu.memory_space<hbm>>
          tpu.wait_dma2 semaphore(%run_scoped3A : memref<!tpu.dma_semaphore, #tpu.memory_space<semaphore_mem>>) src(%arg11 : memref<80x256xf32, #tpu.memory_space<vmem>>) dst(%dma_wait3A_69 : memref<80x256xf32, #tpu.memory_space<hbm>>)
          tpu.yield
        }) : () -> ()
      } else {
      }
      %scan3A_35 = arith.constant 0 : i32
      scf.yield %scan3A_35 : i32
    }
    %scan3A_17 = arith.constant 32 : i32
    return
  }
}

#map = affine_map<(d0, d1) -> (0, 0)>
#map1 = affine_map<(d0, d1) -> (0)>
#map2 = affine_map<(d0, d1) -> (0, 0, 0)>
module attributes {stable_mosaic.version = 14 : i64} {
  func.func @_scatter_body(%arg0: i32, %arg1: i32, %arg2: memref<160000x128xf32, #tpu.memory_space<hbm>>, %arg3: memref<160000xi32, #tpu.memory_space<hbm>>, %arg4: memref<2x10240x128xf32, #tpu.memory_space<hbm>>, %arg5: memref<2x10240xf32, #tpu.memory_space<hbm>>, %arg6: memref<40xi32, #tpu.memory_space<vmem>>, %arg7: memref<40xi32, #tpu.memory_space<vmem>>, %arg8: memref<40x128xf32, #tpu.memory_space<vmem>>, %arg9: memref<40x128xf32, #tpu.memory_space<vmem>>, %arg10: memref<40xf32, #tpu.memory_space<vmem>>, %arg11: memref<128x128xf32, #tpu.memory_space<vmem>>, %arg12: memref<128xf32, #tpu.memory_space<vmem>>, %arg13: memref<10240x128xf32, #tpu.memory_space<vmem_shared>>, %arg14: memref<10240xf32, #tpu.memory_space<vmem_shared>>, %arg15: memref<!tpu.dma_semaphore, #tpu.memory_space<semaphore_mem>>, %arg16: memref<!tpu.dma_semaphore, #tpu.memory_space<semaphore_mem>>) attributes {dimension_semantics = [#tpu.dimension_semantics<core_parallel>, #tpu.dimension_semantics<subcore_parallel>], iteration_bounds = array<i64: 2, 16>, scalar_prefetch = 0 : i64, scratch_operands = 11 : i64, tpu.core_type = #tpu.core_type<sc_vector_subcore>, window_params = [{transform_indices = #map}, {transform_indices = #map1}, {transform_indices = #map2}, {transform_indices = #map}]} {
    %mul3A = arith.constant 2 : i32
    %mul3A_0 = arith.muli %arg1, %mul3A : i32
    %add3A = arith.addi %mul3A_0, %arg0 : i32
    %mul3A_1 = arith.constant 5000 : i32
    %mul3A_2 = arith.muli %add3A, %mul3A_1 : i32
    %scan3A = arith.constant 0 : i32
    %scan3A_3 = arith.constant 0 : i32
    %scan3A_4 = arith.constant 128 : i32
    %scan3A_5 = arith.addi %scan3A_3, %scan3A_4 : i32
    %scan3A_6 = arith.constant 1 : i32
    %scan3A_7 = scf.for %scan3A_55 = %scan3A_3 to %scan3A_5 step %scan3A_6 iter_args(%scan3A_56 = %scan3A) -> (i32)  : i32 {
      %broadcast_in_dim3A_57 = arith.constant 0.000000e+00 : f32
      %broadcast_in_dim3A_58 = vector.broadcast %broadcast_in_dim3A_57 : f32 to vector<16xf32>
      %swap3A_59 = arith.index_cast %scan3A_55 : i32 to index
      %swap3A_60 = arith.constant 0 : index
      %swap3A_61 = tpu.vector_load %arg11[%swap3A_59, %swap3A_60] {strides = array<i32>} : memref<128x128xf32, #tpu.memory_space<vmem>>, vector<16xf32>,
      tpu.vector_store %arg11[%swap3A_59, %swap3A_60], %broadcast_in_dim3A_58 {strides = array<i32>} : memref<128x128xf32, #tpu.memory_space<vmem>>, vector<16xf32>,
      %broadcast_in_dim3A_62 = arith.constant 0.000000e+00 : f32
      %broadcast_in_dim3A_63 = vector.broadcast %broadcast_in_dim3A_62 : f32 to vector<16xf32>
      %swap3A_64 = arith.index_cast %scan3A_55 : i32 to index
      %swap3A_65 = arith.constant 16 : index
      %swap3A_66 = tpu.vector_load %arg11[%swap3A_64, %swap3A_65] {strides = array<i32>} : memref<128x128xf32, #tpu.memory_space<vmem>>, vector<16xf32>,
      tpu.vector_store %arg11[%swap3A_64, %swap3A_65], %broadcast_in_dim3A_63 {strides = array<i32>} : memref<128x128xf32, #tpu.memory_space<vmem>>, vector<16xf32>,
      %broadcast_in_dim3A_67 = arith.constant 0.000000e+00 : f32
      %broadcast_in_dim3A_68 = vector.broadcast %broadcast_in_dim3A_67 : f32 to vector<16xf32>
      %swap3A_69 = arith.index_cast %scan3A_55 : i32 to index
      %swap3A_70 = arith.constant 32 : index
      %swap3A_71 = tpu.vector_load %arg11[%swap3A_69, %swap3A_70] {strides = array<i32>} : memref<128x128xf32, #tpu.memory_space<vmem>>, vector<16xf32>,
      tpu.vector_store %arg11[%swap3A_69, %swap3A_70], %broadcast_in_dim3A_68 {strides = array<i32>} : memref<128x128xf32, #tpu.memory_space<vmem>>, vector<16xf32>,
      %broadcast_in_dim3A_72 = arith.constant 0.000000e+00 : f32
      %broadcast_in_dim3A_73 = vector.broadcast %broadcast_in_dim3A_72 : f32 to vector<16xf32>
      %swap3A_74 = arith.index_cast %scan3A_55 : i32 to index
      %swap3A_75 = arith.constant 48 : index
      %swap3A_76 = tpu.vector_load %arg11[%swap3A_74, %swap3A_75] {strides = array<i32>} : memref<128x128xf32, #tpu.memory_space<vmem>>, vector<16xf32>,
      tpu.vector_store %arg11[%swap3A_74, %swap3A_75], %broadcast_in_dim3A_73 {strides = array<i32>} : memref<128x128xf32, #tpu.memory_space<vmem>>, vector<16xf32>,
      %broadcast_in_dim3A_77 = arith.constant 0.000000e+00 : f32
      %broadcast_in_dim3A_78 = vector.broadcast %broadcast_in_dim3A_77 : f32 to vector<16xf32>
      %swap3A_79 = arith.index_cast %scan3A_55 : i32 to index
      %swap3A_80 = arith.constant 64 : index
      %swap3A_81 = tpu.vector_load %arg11[%swap3A_79, %swap3A_80] {strides = array<i32>} : memref<128x128xf32, #tpu.memory_space<vmem>>, vector<16xf32>,
      tpu.vector_store %arg11[%swap3A_79, %swap3A_80], %broadcast_in_dim3A_78 {strides = array<i32>} : memref<128x128xf32, #tpu.memory_space<vmem>>, vector<16xf32>,
      %broadcast_in_dim3A_82 = arith.constant 0.000000e+00 : f32
      %broadcast_in_dim3A_83 = vector.broadcast %broadcast_in_dim3A_82 : f32 to vector<16xf32>
      %swap3A_84 = arith.index_cast %scan3A_55 : i32 to index
      %swap3A_85 = arith.constant 80 : index
      %swap3A_86 = tpu.vector_load %arg11[%swap3A_84, %swap3A_85] {strides = array<i32>} : memref<128x128xf32, #tpu.memory_space<vmem>>, vector<16xf32>,
      tpu.vector_store %arg11[%swap3A_84, %swap3A_85], %broadcast_in_dim3A_83 {strides = array<i32>} : memref<128x128xf32, #tpu.memory_space<vmem>>, vector<16xf32>,
      %broadcast_in_dim3A_87 = arith.constant 0.000000e+00 : f32
      %broadcast_in_dim3A_88 = vector.broadcast %broadcast_in_dim3A_87 : f32 to vector<16xf32>
      %swap3A_89 = arith.index_cast %scan3A_55 : i32 to index
      %swap3A_90 = arith.constant 96 : index
      %swap3A_91 = tpu.vector_load %arg11[%swap3A_89, %swap3A_90] {strides = array<i32>} : memref<128x128xf32, #tpu.memory_space<vmem>>, vector<16xf32>,
      tpu.vector_store %arg11[%swap3A_89, %swap3A_90], %broadcast_in_dim3A_88 {strides = array<i32>} : memref<128x128xf32, #tpu.memory_space<vmem>>, vector<16xf32>,
      %broadcast_in_dim3A_92 = arith.constant 0.000000e+00 : f32
      %broadcast_in_dim3A_93 = vector.broadcast %broadcast_in_dim3A_92 : f32 to vector<16xf32>
      %swap3A_94 = arith.index_cast %scan3A_55 : i32 to index
      %swap3A_95 = arith.constant 112 : index
      %swap3A_96 = tpu.vector_load %arg11[%swap3A_94, %swap3A_95] {strides = array<i32>} : memref<128x128xf32, #tpu.memory_space<vmem>>, vector<16xf32>,
      tpu.vector_store %arg11[%swap3A_94, %swap3A_95], %broadcast_in_dim3A_93 {strides = array<i32>} : memref<128x128xf32, #tpu.memory_space<vmem>>, vector<16xf32>,
      %scan3A_97 = arith.constant 0 : i32
      scf.yield %scan3A_97 : i32
    }
    %scan3A_8 = arith.constant 128 : i32
    %scan3A_9 = arith.constant 0 : i32
    %scan3A_10 = arith.constant 0 : i32
    %scan3A_11 = arith.constant 8 : i32
    %scan3A_12 = arith.addi %scan3A_10, %scan3A_11 : i32
    %scan3A_13 = arith.constant 1 : i32
    %scan3A_14 = scf.for %scan3A_55 = %scan3A_10 to %scan3A_12 step %scan3A_13 iter_args(%scan3A_56 = %scan3A_9) -> (i32)  : i32 {
      %broadcast_in_dim3A_57 = arith.constant 0.000000e+00 : f32
      %broadcast_in_dim3A_58 = vector.broadcast %broadcast_in_dim3A_57 : f32 to vector<16xf32>
      %mul3A_59 = arith.constant 16 : i32
      %mul3A_60 = arith.muli %scan3A_55, %mul3A_59 : i32
      %swap3A_61 = arith.index_cast %mul3A_60 : i32 to index
      %swap3A_62 = tpu.vector_load %arg12[%swap3A_61] {strides = array<i32>} : memref<128xf32, #tpu.memory_space<vmem>>, vector<16xf32>,
      tpu.vector_store %arg12[%swap3A_61], %broadcast_in_dim3A_58 {strides = array<i32>} : memref<128xf32, #tpu.memory_space<vmem>>, vector<16xf32>,
      %scan3A_63 = arith.constant 0 : i32
      scf.yield %scan3A_63 : i32
    }
    %scan3A_15 = arith.constant 8 : i32
    %scan3A_16 = arith.constant 0 : i32
    %scan3A_17 = arith.constant 0 : i32
    %scan3A_18 = arith.constant 5 : i32
    %scan3A_19 = arith.addi %scan3A_17, %scan3A_18 : i32
    %scan3A_20 = arith.constant 1 : i32
    %scan3A_21 = scf.for %scan3A_55 = %scan3A_17 to %scan3A_19 step %scan3A_20 iter_args(%scan3A_56 = %scan3A_16) -> (i32)  : i32 {
      %mul3A_57 = arith.constant 640 : i32
      %mul3A_58 = arith.muli %arg1, %mul3A_57 : i32
      %mul3A_59 = arith.constant 128 : i32
      %mul3A_60 = arith.muli %scan3A_55, %mul3A_59 : i32
      %add3A_61 = arith.addi %mul3A_58, %mul3A_60 : i32
      "tpu.region"() ({
        %run_scoped3A = tpu.sem_alloc : memref<!tpu.dma_semaphore, #tpu.memory_space<semaphore_mem>>
        %dma_start3A_63 = arith.constant 0 : i32
        %dma_start3A_64 = tpu.memref_slice %arg13[%add3A_61, %dma_start3A_63] : memref<10240x128xf32, #tpu.memory_space<vmem_shared>> -> memref<128x128xf32, #tpu.memory_space<vmem_shared>>
        %dma_start3A_65 = arith.constant 0 : i32
        %dma_start3A_66 = tpu.memref_slice %arg13[%add3A_61, %dma_start3A_65] : memref<10240x128xf32, #tpu.memory_space<vmem_shared>> -> memref<128x128xf32, #tpu.memory_space<vmem_shared>>
        tpu.enqueue_dma source(%arg11 : memref<128x128xf32, #tpu.memory_space<vmem>>) target(%dma_start3A_66 : memref<128x128xf32, #tpu.memory_space<vmem_shared>>) target_semaphore(%run_scoped3A : memref<!tpu.dma_semaphore, #tpu.memory_space<semaphore_mem>>)
        %dma_wait3A = arith.constant 0 : i32
        %dma_wait3A_67 = tpu.memref_slice %arg13[%add3A_61, %dma_wait3A] : memref<10240x128xf32, #tpu.memory_space<vmem_shared>> -> memref<128x128xf32, #tpu.memory_space<vmem_shared>>
        %dma_wait3A_68 = arith.constant 0 : i32
        %dma_wait3A_69 = tpu.memref_slice %arg13[%add3A_61, %dma_wait3A_68] : memref<10240x128xf32, #tpu.memory_space<vmem_shared>> -> memref<128x128xf32, #tpu.memory_space<vmem_shared>>
        tpu.wait_dma2 semaphore(%run_scoped3A : memref<!tpu.dma_semaphore, #tpu.memory_space<semaphore_mem>>) src(%arg11 : memref<128x128xf32, #tpu.memory_space<vmem>>) dst(%dma_wait3A_69 : memref<128x128xf32, #tpu.memory_space<vmem_shared>>)
        tpu.yield
      }) : () -> ()
      "tpu.region"() ({
        %run_scoped3A = tpu.sem_alloc : memref<!tpu.dma_semaphore, #tpu.memory_space<semaphore_mem>>
        %dma_start3A_63 = tpu.memref_slice %arg14[%add3A_61] : memref<10240xf32, #tpu.memory_space<vmem_shared>> -> memref<128xf32, #tpu.memory_space<vmem_shared>>
        %dma_start3A_64 = tpu.memref_slice %arg14[%add3A_61] : memref<10240xf32, #tpu.memory_space<vmem_shared>> -> memref<128xf32, #tpu.memory_space<vmem_shared>>
        tpu.enqueue_dma source(%arg12 : memref<128xf32, #tpu.memory_space<vmem>>) target(%dma_start3A_64 : memref<128xf32, #tpu.memory_space<vmem_shared>>) target_semaphore(%run_scoped3A : memref<!tpu.dma_semaphore, #tpu.memory_space<semaphore_mem>>)
        %dma_wait3A = tpu.memref_slice %arg14[%add3A_61] : memref<10240xf32, #tpu.memory_space<vmem_shared>> -> memref<128xf32, #tpu.memory_space<vmem_shared>>
        %dma_wait3A_65 = tpu.memref_slice %arg14[%add3A_61] : memref<10240xf32, #tpu.memory_space<vmem_shared>> -> memref<128xf32, #tpu.memory_space<vmem_shared>>
        tpu.wait_dma2 semaphore(%run_scoped3A : memref<!tpu.dma_semaphore, #tpu.memory_space<semaphore_mem>>) src(%arg12 : memref<128xf32, #tpu.memory_space<vmem>>) dst(%dma_wait3A_65 : memref<128xf32, #tpu.memory_space<vmem_shared>>)
        tpu.yield
      }) : () -> ()
      %scan3A_62 = arith.constant 0 : i32
      scf.yield %scan3A_62 : i32
    }
    %scan3A_22 = arith.constant 5 : i32
    %broadcast_in_dim3A = arith.constant 1.000000e+00 : f32
    %broadcast_in_dim3A_23 = vector.broadcast %broadcast_in_dim3A : f32 to vector<16xf32>
    %swap3A = arith.constant 0 : index
    %swap3A_24 = tpu.vector_load %arg10[%swap3A] {strides = array<i32>} : memref<40xf32, #tpu.memory_space<vmem>>, vector<16xf32>,
    tpu.vector_store %arg10[%swap3A], %broadcast_in_dim3A_23 {strides = array<i32>} : memref<40xf32, #tpu.memory_space<vmem>>, vector<16xf32>,
    %broadcast_in_dim3A_25 = arith.constant 1.000000e+00 : f32
    %broadcast_in_dim3A_26 = vector.broadcast %broadcast_in_dim3A_25 : f32 to vector<16xf32>
    %swap3A_27 = arith.constant 16 : index
    %swap3A_28 = tpu.vector_load %arg10[%swap3A_27] {strides = array<i32>} : memref<40xf32, #tpu.memory_space<vmem>>, vector<16xf32>,
    tpu.vector_store %arg10[%swap3A_27], %broadcast_in_dim3A_26 {strides = array<i32>} : memref<40xf32, #tpu.memory_space<vmem>>, vector<16xf32>,
    %broadcast_in_dim3A_29 = arith.constant 1.000000e+00 : f32
    %broadcast_in_dim3A_30 = vector.broadcast %broadcast_in_dim3A_29 : f32 to vector<16xf32>
    %swap3A_31 = arith.constant 24 : index
    %swap3A_32 = tpu.vector_load %arg10[%swap3A_31] {strides = array<i32>} : memref<40xf32, #tpu.memory_space<vmem>>, vector<16xf32>,
    tpu.vector_store %arg10[%swap3A_31], %broadcast_in_dim3A_30 {strides = array<i32>} : memref<40xf32, #tpu.memory_space<vmem>>, vector<16xf32>,
    %barrier3A = arith.constant 0 : index
    tpu.barrier barrier_id(%barrier3A)
    %add3A_33 = arith.constant 0 : i32
    %add3A_34 = arith.addi %mul3A_2, %add3A_33 : i32
    %dma_start3A = tpu.memref_slice %arg3[%add3A_34] : memref<160000xi32, #tpu.memory_space<hbm>> -> memref<40xi32, #tpu.memory_space<hbm>>
    %dma_start3A_35 = tpu.memref_slice %arg3[%add3A_34] : memref<160000xi32, #tpu.memory_space<hbm>> -> memref<40xi32, #tpu.memory_space<hbm>>
    tpu.enqueue_dma source(%dma_start3A_35 : memref<40xi32, #tpu.memory_space<hbm>>) target(%arg6 : memref<40xi32, #tpu.memory_space<vmem>>) target_semaphore(%arg15 : memref<!tpu.dma_semaphore, #tpu.memory_space<semaphore_mem>>)
    %dma_start3A_36 = arith.constant 0 : i32
    %dma_start3A_37 = tpu.memref_slice %arg2[%add3A_34, %dma_start3A_36] : memref<160000x128xf32, #tpu.memory_space<hbm>> -> memref<40x128xf32, #tpu.memory_space<hbm>>
    %dma_start3A_38 = arith.constant 0 : i32
    %dma_start3A_39 = tpu.memref_slice %arg2[%add3A_34, %dma_start3A_38] : memref<160000x128xf32, #tpu.memory_space<hbm>> -> memref<40x128xf32, #tpu.memory_space<hbm>>
    tpu.enqueue_dma source(%dma_start3A_39 : memref<40x128xf32, #tpu.memory_space<hbm>>) target(%arg8 : memref<40x128xf32, #tpu.memory_space<vmem>>) target_semaphore(%arg15 : memref<!tpu.dma_semaphore, #tpu.memory_space<semaphore_mem>>)
    %scan3A_40 = arith.constant 0 : i32
    %scan3A_41 = arith.constant 0 : i32
    %scan3A_42 = arith.constant 63 : i32
    %scan3A_43 = arith.addi %scan3A_41, %scan3A_42 : i32
    %scan3A_44 = arith.constant 1 : i32
    %scan3A_45 = scf.for %scan3A_55 = %scan3A_41 to %scan3A_43 step %scan3A_44 iter_args(%scan3A_56 = %scan3A_40) -> (i32)  : i32 {
      %mul3A_57 = arith.constant 2 : i32
      %mul3A_58 = arith.muli %scan3A_55, %mul3A_57 : i32
      %add3A_59 = arith.constant 0 : i32
      %add3A_60 = arith.addi %mul3A_58, %add3A_59 : i32
      %lt3A = arith.constant 125 : i32
      %lt3A_61 = arith.cmpi slt, %add3A_60, %lt3A : i32
      %convert_element_type3A = arith.extui %lt3A_61 : i1 to i32
      %cond3A = arith.constant 0 : i32
      %cond3A_62 = arith.cmpi ne, %convert_element_type3A, %cond3A : i32
      scf.if %cond3A_62 {
        %add3A_73 = arith.constant 1 : i32
        %add3A_74 = arith.addi %add3A_60, %add3A_73 : i32
        %lt3A_75 = arith.constant 125 : i32
        %lt3A_76 = arith.cmpi slt, %add3A_74, %lt3A_75 : i32
        %convert_element_type3A_77 = arith.extui %lt3A_76 : i1 to i32
        %cond3A_78 = arith.constant 0 : i32
        %cond3A_79 = arith.cmpi ne, %convert_element_type3A_77, %cond3A_78 : i32
        scf.if %cond3A_79 {
          %add3A_88 = arith.constant 1 : i32
          %add3A_89 = arith.addi %add3A_60, %add3A_88 : i32
          %mul3A_90 = arith.constant 40 : i32
          %mul3A_91 = arith.muli %add3A_89, %mul3A_90 : i32
          %add3A_92 = arith.addi %mul3A_2, %mul3A_91 : i32
          %dma_start3A_93 = tpu.memref_slice %arg3[%add3A_92] : memref<160000xi32, #tpu.memory_space<hbm>> -> memref<40xi32, #tpu.memory_space<hbm>>
          %dma_start3A_94 = tpu.memref_slice %arg3[%add3A_92] : memref<160000xi32, #tpu.memory_space<hbm>> -> memref<40xi32, #tpu.memory_space<hbm>>
          tpu.enqueue_dma source(%dma_start3A_94 : memref<40xi32, #tpu.memory_space<hbm>>) target(%arg7 : memref<40xi32, #tpu.memory_space<vmem>>) target_semaphore(%arg16 : memref<!tpu.dma_semaphore, #tpu.memory_space<semaphore_mem>>)
          %dma_start3A_95 = arith.constant 0 : i32
          %dma_start3A_96 = tpu.memref_slice %arg2[%add3A_92, %dma_start3A_95] : memref<160000x128xf32, #tpu.memory_space<hbm>> -> memref<40x128xf32, #tpu.memory_space<hbm>>
          %dma_start3A_97 = arith.constant 0 : i32
          %dma_start3A_98 = tpu.memref_slice %arg2[%add3A_92, %dma_start3A_97] : memref<160000x128xf32, #tpu.memory_space<hbm>> -> memref<40x128xf32, #tpu.memory_space<hbm>>
          tpu.enqueue_dma source(%dma_start3A_98 : memref<40x128xf32, #tpu.memory_space<hbm>>) target(%arg9 : memref<40x128xf32, #tpu.memory_space<vmem>>) target_semaphore(%arg16 : memref<!tpu.dma_semaphore, #tpu.memory_space<semaphore_mem>>)
        } else {
        }
        %mul3A_80 = arith.constant 40 : i32
        %mul3A_81 = arith.muli %add3A_60, %mul3A_80 : i32
        %add3A_82 = arith.addi %mul3A_2, %mul3A_81 : i32
        %dma_wait3A = tpu.memref_slice %arg3[%add3A_82] : memref<160000xi32, #tpu.memory_space<hbm>> -> memref<40xi32, #tpu.memory_space<hbm>>
        %dma_wait3A_83 = tpu.memref_slice %arg3[%add3A_82] : memref<160000xi32, #tpu.memory_space<hbm>> -> memref<40xi32, #tpu.memory_space<hbm>>
        tpu.wait_dma2 semaphore(%arg15 : memref<!tpu.dma_semaphore, #tpu.memory_space<semaphore_mem>>) src(%dma_wait3A_83 : memref<40xi32, #tpu.memory_space<hbm>>) dst(%arg6 : memref<40xi32, #tpu.memory_space<vmem>>)
        %dma_wait3A_84 = arith.constant 0 : i32
        %dma_wait3A_85 = tpu.memref_slice %arg2[%add3A_82, %dma_wait3A_84] : memref<160000x128xf32, #tpu.memory_space<hbm>> -> memref<40x128xf32, #tpu.memory_space<hbm>>
        %dma_wait3A_86 = arith.constant 0 : i32
        %dma_wait3A_87 = tpu.memref_slice %arg2[%add3A_82, %dma_wait3A_86] : memref<160000x128xf32, #tpu.memory_space<hbm>> -> memref<40x128xf32, #tpu.memory_space<hbm>>
        tpu.wait_dma2 semaphore(%arg15 : memref<!tpu.dma_semaphore, #tpu.memory_space<semaphore_mem>>) src(%dma_wait3A_87 : memref<40x128xf32, #tpu.memory_space<hbm>>) dst(%arg8 : memref<40x128xf32, #tpu.memory_space<vmem>>)
        "tpu.region"() ({
          %run_scoped3A = tpu.sem_alloc : memref<!tpu.dma_semaphore, #tpu.memory_space<semaphore_mem>>
          %dma_start3A_88 = arith.constant 0 : i32
          %dma_start3A_89 = arith.constant 0 : i32
          %dma_start3A_90 = tpu.memref_slice %arg13[%dma_start3A_88, %dma_start3A_89] : memref<10240x128xf32, #tpu.memory_space<vmem_shared>> -> memref<10240x128xf32, #tpu.memory_space<vmem_shared>>
          tpu.enqueue_indirect_dma source(%arg8 : memref<40x128xf32, #tpu.memory_space<vmem>>) target(%dma_start3A_90 : memref<10240x128xf32, #tpu.memory_space<vmem_shared>>) offsets(%arg6 : memref<40xi32, #tpu.memory_space<vmem>>) semaphore(%run_scoped3A : memref<!tpu.dma_semaphore, #tpu.memory_space<semaphore_mem>>) {add = true}
          %dma_wait3A_91 = arith.constant 0 : i32
          %dma_wait3A_92 = arith.constant 0 : i32
          %dma_wait3A_93 = tpu.memref_slice %arg13[%dma_wait3A_91, %dma_wait3A_92] : memref<10240x128xf32, #tpu.memory_space<vmem_shared>> -> memref<10240x128xf32, #tpu.memory_space<vmem_shared>>
          tpu.wait_indirect_dma semaphore(%run_scoped3A : memref<!tpu.dma_semaphore, #tpu.memory_space<semaphore_mem>>) src(%arg8 : memref<40x128xf32, #tpu.memory_space<vmem>>) dst(%dma_wait3A_93 : memref<10240x128xf32, #tpu.memory_space<vmem_shared>>)
          tpu.yield
        }) : () -> ()
        "tpu.region"() ({
          %run_scoped3A = tpu.sem_alloc : memref<!tpu.dma_semaphore, #tpu.memory_space<semaphore_mem>>
          %dma_start3A_88 = arith.constant 0 : i32
          %dma_start3A_89 = tpu.memref_slice %arg14[%dma_start3A_88] : memref<10240xf32, #tpu.memory_space<vmem_shared>> -> memref<10240xf32, #tpu.memory_space<vmem_shared>>
          tpu.enqueue_indirect_dma source(%arg10 : memref<40xf32, #tpu.memory_space<vmem>>) target(%dma_start3A_89 : memref<10240xf32, #tpu.memory_space<vmem_shared>>) offsets(%arg6 : memref<40xi32, #tpu.memory_space<vmem>>) semaphore(%run_scoped3A : memref<!tpu.dma_semaphore, #tpu.memory_space<semaphore_mem>>) {add = true}
          %dma_wait3A_90 = arith.constant 0 : i32
          %dma_wait3A_91 = tpu.memref_slice %arg14[%dma_wait3A_90] : memref<10240xf32, #tpu.memory_space<vmem_shared>> -> memref<10240xf32, #tpu.memory_space<vmem_shared>>
          tpu.wait_indirect_dma semaphore(%run_scoped3A : memref<!tpu.dma_semaphore, #tpu.memory_space<semaphore_mem>>) src(%arg10 : memref<40xf32, #tpu.memory_space<vmem>>) dst(%dma_wait3A_91 : memref<10240xf32, #tpu.memory_space<vmem_shared>>)
          tpu.yield
        }) : () -> ()
      } else {
      }
      %mul3A_63 = arith.constant 2 : i32
      %mul3A_64 = arith.muli %scan3A_55, %mul3A_63 : i32
      %add3A_65 = arith.constant 1 : i32
      %add3A_66 = arith.addi %mul3A_64, %add3A_65 : i32
      %lt3A_67 = arith.constant 125 : i32
      %lt3A_68 = arith.cmpi slt, %add3A_66, %lt3A_67 : i32
      %convert_element_type3A_69 = arith.extui %lt3A_68 : i1 to i32
      %cond3A_70 = arith.constant 0 : i32
      %cond3A_71 = arith.cmpi ne, %convert_element_type3A_69, %cond3A_70 : i32
      scf.if %cond3A_71 {
        %add3A_73 = arith.constant 1 : i32
        %add3A_74 = arith.addi %add3A_66, %add3A_73 : i32
        %lt3A_75 = arith.constant 125 : i32
        %lt3A_76 = arith.cmpi slt, %add3A_74, %lt3A_75 : i32
        %convert_element_type3A_77 = arith.extui %lt3A_76 : i1 to i32
        %cond3A_78 = arith.constant 0 : i32
        %cond3A_79 = arith.cmpi ne, %convert_element_type3A_77, %cond3A_78 : i32
        scf.if %cond3A_79 {
          %add3A_88 = arith.constant 1 : i32
          %add3A_89 = arith.addi %add3A_66, %add3A_88 : i32
          %mul3A_90 = arith.constant 40 : i32
          %mul3A_91 = arith.muli %add3A_89, %mul3A_90 : i32
          %add3A_92 = arith.addi %mul3A_2, %mul3A_91 : i32
          %dma_start3A_93 = tpu.memref_slice %arg3[%add3A_92] : memref<160000xi32, #tpu.memory_space<hbm>> -> memref<40xi32, #tpu.memory_space<hbm>>
          %dma_start3A_94 = tpu.memref_slice %arg3[%add3A_92] : memref<160000xi32, #tpu.memory_space<hbm>> -> memref<40xi32, #tpu.memory_space<hbm>>
          tpu.enqueue_dma source(%dma_start3A_94 : memref<40xi32, #tpu.memory_space<hbm>>) target(%arg6 : memref<40xi32, #tpu.memory_space<vmem>>) target_semaphore(%arg15 : memref<!tpu.dma_semaphore, #tpu.memory_space<semaphore_mem>>)
          %dma_start3A_95 = arith.constant 0 : i32
          %dma_start3A_96 = tpu.memref_slice %arg2[%add3A_92, %dma_start3A_95] : memref<160000x128xf32, #tpu.memory_space<hbm>> -> memref<40x128xf32, #tpu.memory_space<hbm>>
          %dma_start3A_97 = arith.constant 0 : i32
          %dma_start3A_98 = tpu.memref_slice %arg2[%add3A_92, %dma_start3A_97] : memref<160000x128xf32, #tpu.memory_space<hbm>> -> memref<40x128xf32, #tpu.memory_space<hbm>>
          tpu.enqueue_dma source(%dma_start3A_98 : memref<40x128xf32, #tpu.memory_space<hbm>>) target(%arg8 : memref<40x128xf32, #tpu.memory_space<vmem>>) target_semaphore(%arg15 : memref<!tpu.dma_semaphore, #tpu.memory_space<semaphore_mem>>)
        } else {
        }
        %mul3A_80 = arith.constant 40 : i32
        %mul3A_81 = arith.muli %add3A_66, %mul3A_80 : i32
        %add3A_82 = arith.addi %mul3A_2, %mul3A_81 : i32
        %dma_wait3A = tpu.memref_slice %arg3[%add3A_82] : memref<160000xi32, #tpu.memory_space<hbm>> -> memref<40xi32, #tpu.memory_space<hbm>>
        %dma_wait3A_83 = tpu.memref_slice %arg3[%add3A_82] : memref<160000xi32, #tpu.memory_space<hbm>> -> memref<40xi32, #tpu.memory_space<hbm>>
        tpu.wait_dma2 semaphore(%arg16 : memref<!tpu.dma_semaphore, #tpu.memory_space<semaphore_mem>>) src(%dma_wait3A_83 : memref<40xi32, #tpu.memory_space<hbm>>) dst(%arg7 : memref<40xi32, #tpu.memory_space<vmem>>)
        %dma_wait3A_84 = arith.constant 0 : i32
        %dma_wait3A_85 = tpu.memref_slice %arg2[%add3A_82, %dma_wait3A_84] : memref<160000x128xf32, #tpu.memory_space<hbm>> -> memref<40x128xf32, #tpu.memory_space<hbm>>
        %dma_wait3A_86 = arith.constant 0 : i32
        %dma_wait3A_87 = tpu.memref_slice %arg2[%add3A_82, %dma_wait3A_86] : memref<160000x128xf32, #tpu.memory_space<hbm>> -> memref<40x128xf32, #tpu.memory_space<hbm>>
        tpu.wait_dma2 semaphore(%arg16 : memref<!tpu.dma_semaphore, #tpu.memory_space<semaphore_mem>>) src(%dma_wait3A_87 : memref<40x128xf32, #tpu.memory_space<hbm>>) dst(%arg9 : memref<40x128xf32, #tpu.memory_space<vmem>>)
        "tpu.region"() ({
          %run_scoped3A = tpu.sem_alloc : memref<!tpu.dma_semaphore, #tpu.memory_space<semaphore_mem>>
          %dma_start3A_88 = arith.constant 0 : i32
          %dma_start3A_89 = arith.constant 0 : i32
          %dma_start3A_90 = tpu.memref_slice %arg13[%dma_start3A_88, %dma_start3A_89] : memref<10240x128xf32, #tpu.memory_space<vmem_shared>> -> memref<10240x128xf32, #tpu.memory_space<vmem_shared>>
          tpu.enqueue_indirect_dma source(%arg9 : memref<40x128xf32, #tpu.memory_space<vmem>>) target(%dma_start3A_90 : memref<10240x128xf32, #tpu.memory_space<vmem_shared>>) offsets(%arg7 : memref<40xi32, #tpu.memory_space<vmem>>) semaphore(%run_scoped3A : memref<!tpu.dma_semaphore, #tpu.memory_space<semaphore_mem>>) {add = true}
          %dma_wait3A_91 = arith.constant 0 : i32
          %dma_wait3A_92 = arith.constant 0 : i32
          %dma_wait3A_93 = tpu.memref_slice %arg13[%dma_wait3A_91, %dma_wait3A_92] : memref<10240x128xf32, #tpu.memory_space<vmem_shared>> -> memref<10240x128xf32, #tpu.memory_space<vmem_shared>>
          tpu.wait_indirect_dma semaphore(%run_scoped3A : memref<!tpu.dma_semaphore, #tpu.memory_space<semaphore_mem>>) src(%arg9 : memref<40x128xf32, #tpu.memory_space<vmem>>) dst(%dma_wait3A_93 : memref<10240x128xf32, #tpu.memory_space<vmem_shared>>)
          tpu.yield
        }) : () -> ()
        "tpu.region"() ({
          %run_scoped3A = tpu.sem_alloc : memref<!tpu.dma_semaphore, #tpu.memory_space<semaphore_mem>>
          %dma_start3A_88 = arith.constant 0 : i32
          %dma_start3A_89 = tpu.memref_slice %arg14[%dma_start3A_88] : memref<10240xf32, #tpu.memory_space<vmem_shared>> -> memref<10240xf32, #tpu.memory_space<vmem_shared>>
          tpu.enqueue_indirect_dma source(%arg10 : memref<40xf32, #tpu.memory_space<vmem>>) target(%dma_start3A_89 : memref<10240xf32, #tpu.memory_space<vmem_shared>>) offsets(%arg7 : memref<40xi32, #tpu.memory_space<vmem>>) semaphore(%run_scoped3A : memref<!tpu.dma_semaphore, #tpu.memory_space<semaphore_mem>>) {add = true}
          %dma_wait3A_90 = arith.constant 0 : i32
          %dma_wait3A_91 = tpu.memref_slice %arg14[%dma_wait3A_90] : memref<10240xf32, #tpu.memory_space<vmem_shared>> -> memref<10240xf32, #tpu.memory_space<vmem_shared>>
          tpu.wait_indirect_dma semaphore(%run_scoped3A : memref<!tpu.dma_semaphore, #tpu.memory_space<semaphore_mem>>) src(%arg10 : memref<40xf32, #tpu.memory_space<vmem>>) dst(%dma_wait3A_91 : memref<10240xf32, #tpu.memory_space<vmem_shared>>)
          tpu.yield
        }) : () -> ()
      } else {
      }
      %scan3A_72 = arith.constant 0 : i32
      scf.yield %scan3A_72 : i32
    }
    %scan3A_46 = arith.constant 63 : i32
    %barrier3A_47 = arith.constant 0 : index
    tpu.barrier barrier_id(%barrier3A_47)
    %scan3A_48 = arith.constant 0 : i32
    %scan3A_49 = arith.constant 0 : i32
    %scan3A_50 = arith.constant 5 : i32
    %scan3A_51 = arith.addi %scan3A_49, %scan3A_50 : i32
    %scan3A_52 = arith.constant 1 : i32
    %scan3A_53 = scf.for %scan3A_55 = %scan3A_49 to %scan3A_51 step %scan3A_52 iter_args(%scan3A_56 = %scan3A_48) -> (i32)  : i32 {
      %mul3A_57 = arith.constant 640 : i32
      %mul3A_58 = arith.muli %arg1, %mul3A_57 : i32
      %mul3A_59 = arith.constant 128 : i32
      %mul3A_60 = arith.muli %scan3A_55, %mul3A_59 : i32
      %add3A_61 = arith.addi %mul3A_58, %mul3A_60 : i32
      "tpu.region"() ({
        %run_scoped3A = tpu.sem_alloc : memref<!tpu.dma_semaphore, #tpu.memory_space<semaphore_mem>>
        %dma_start3A_63 = arith.constant 0 : i32
        %dma_start3A_64 = tpu.memref_slice %arg13[%add3A_61, %dma_start3A_63] : memref<10240x128xf32, #tpu.memory_space<vmem_shared>> -> memref<128x128xf32, #tpu.memory_space<vmem_shared>>
        %dma_start3A_65 = arith.constant 0 : i32
        %dma_start3A_66 = tpu.memref_slice %arg13[%add3A_61, %dma_start3A_65] : memref<10240x128xf32, #tpu.memory_space<vmem_shared>> -> memref<128x128xf32, #tpu.memory_space<vmem_shared>>
        tpu.enqueue_dma source(%dma_start3A_66 : memref<128x128xf32, #tpu.memory_space<vmem_shared>>) target(%arg11 : memref<128x128xf32, #tpu.memory_space<vmem>>) target_semaphore(%run_scoped3A : memref<!tpu.dma_semaphore, #tpu.memory_space<semaphore_mem>>)
        %dma_wait3A = arith.constant 0 : i32
        %dma_wait3A_67 = tpu.memref_slice %arg13[%add3A_61, %dma_wait3A] : memref<10240x128xf32, #tpu.memory_space<vmem_shared>> -> memref<128x128xf32, #tpu.memory_space<vmem_shared>>
        %dma_wait3A_68 = arith.constant 0 : i32
        %dma_wait3A_69 = tpu.memref_slice %arg13[%add3A_61, %dma_wait3A_68] : memref<10240x128xf32, #tpu.memory_space<vmem_shared>> -> memref<128x128xf32, #tpu.memory_space<vmem_shared>>
        tpu.wait_dma2 semaphore(%run_scoped3A : memref<!tpu.dma_semaphore, #tpu.memory_space<semaphore_mem>>) src(%dma_wait3A_69 : memref<128x128xf32, #tpu.memory_space<vmem_shared>>) dst(%arg11 : memref<128x128xf32, #tpu.memory_space<vmem>>)
        tpu.yield
      }) : () -> ()
      "tpu.region"() ({
        %run_scoped3A = tpu.sem_alloc : memref<!tpu.dma_semaphore, #tpu.memory_space<semaphore_mem>>
        %dma_start3A_63 = arith.constant 0 : i32
        %dma_start3A_64 = tpu.memref_slice %arg4[%arg0, %add3A_61, %dma_start3A_63] : memref<2x10240x128xf32, #tpu.memory_space<hbm>> -> memref<1x128x128xf32, #tpu.memory_space<hbm>>
        %dma_start3A_65 = tpu.memref_squeeze %dma_start3A_64 : memref<1x128x128xf32, #tpu.memory_space<hbm>> -> memref<128x128xf32, #tpu.memory_space<hbm>>
        %dma_start3A_66 = arith.constant 0 : i32
        %dma_start3A_67 = tpu.memref_slice %arg4[%arg0, %add3A_61, %dma_start3A_66] : memref<2x10240x128xf32, #tpu.memory_space<hbm>> -> memref<1x128x128xf32, #tpu.memory_space<hbm>>
        %dma_start3A_68 = tpu.memref_squeeze %dma_start3A_67 : memref<1x128x128xf32, #tpu.memory_space<hbm>> -> memref<128x128xf32, #tpu.memory_space<hbm>>
        tpu.enqueue_dma source(%arg11 : memref<128x128xf32, #tpu.memory_space<vmem>>) target(%dma_start3A_68 : memref<128x128xf32, #tpu.memory_space<hbm>>) target_semaphore(%run_scoped3A : memref<!tpu.dma_semaphore, #tpu.memory_space<semaphore_mem>>)
        %dma_wait3A = arith.constant 0 : i32
        %dma_wait3A_69 = tpu.memref_slice %arg4[%arg0, %add3A_61, %dma_wait3A] : memref<2x10240x128xf32, #tpu.memory_space<hbm>> -> memref<1x128x128xf32, #tpu.memory_space<hbm>>
        %dma_wait3A_70 = tpu.memref_squeeze %dma_wait3A_69 : memref<1x128x128xf32, #tpu.memory_space<hbm>> -> memref<128x128xf32, #tpu.memory_space<hbm>>
        %dma_wait3A_71 = arith.constant 0 : i32
        %dma_wait3A_72 = tpu.memref_slice %arg4[%arg0, %add3A_61, %dma_wait3A_71] : memref<2x10240x128xf32, #tpu.memory_space<hbm>> -> memref<1x128x128xf32, #tpu.memory_space<hbm>>
        %dma_wait3A_73 = tpu.memref_squeeze %dma_wait3A_72 : memref<1x128x128xf32, #tpu.memory_space<hbm>> -> memref<128x128xf32, #tpu.memory_space<hbm>>
        tpu.wait_dma2 semaphore(%run_scoped3A : memref<!tpu.dma_semaphore, #tpu.memory_space<semaphore_mem>>) src(%arg11 : memref<128x128xf32, #tpu.memory_space<vmem>>) dst(%dma_wait3A_73 : memref<128x128xf32, #tpu.memory_space<hbm>>)
        tpu.yield
      }) : () -> ()
      "tpu.region"() ({
        %run_scoped3A = tpu.sem_alloc : memref<!tpu.dma_semaphore, #tpu.memory_space<semaphore_mem>>
        %dma_start3A_63 = tpu.memref_slice %arg14[%add3A_61] : memref<10240xf32, #tpu.memory_space<vmem_shared>> -> memref<128xf32, #tpu.memory_space<vmem_shared>>
        %dma_start3A_64 = tpu.memref_slice %arg14[%add3A_61] : memref<10240xf32, #tpu.memory_space<vmem_shared>> -> memref<128xf32, #tpu.memory_space<vmem_shared>>
        tpu.enqueue_dma source(%dma_start3A_64 : memref<128xf32, #tpu.memory_space<vmem_shared>>) target(%arg12 : memref<128xf32, #tpu.memory_space<vmem>>) target_semaphore(%run_scoped3A : memref<!tpu.dma_semaphore, #tpu.memory_space<semaphore_mem>>)
        %dma_wait3A = tpu.memref_slice %arg14[%add3A_61] : memref<10240xf32, #tpu.memory_space<vmem_shared>> -> memref<128xf32, #tpu.memory_space<vmem_shared>>
        %dma_wait3A_65 = tpu.memref_slice %arg14[%add3A_61] : memref<10240xf32, #tpu.memory_space<vmem_shared>> -> memref<128xf32, #tpu.memory_space<vmem_shared>>
        tpu.wait_dma2 semaphore(%run_scoped3A : memref<!tpu.dma_semaphore, #tpu.memory_space<semaphore_mem>>) src(%dma_wait3A_65 : memref<128xf32, #tpu.memory_space<vmem_shared>>) dst(%arg12 : memref<128xf32, #tpu.memory_space<vmem>>)
        tpu.yield
      }) : () -> ()
      "tpu.region"() ({
        %run_scoped3A = tpu.sem_alloc : memref<!tpu.dma_semaphore, #tpu.memory_space<semaphore_mem>>
        %dma_start3A_63 = tpu.memref_slice %arg5[%arg0, %add3A_61] : memref<2x10240xf32, #tpu.memory_space<hbm>> -> memref<1x128xf32, #tpu.memory_space<hbm>>
        %dma_start3A_64 = tpu.memref_squeeze %dma_start3A_63 : memref<1x128xf32, #tpu.memory_space<hbm>> -> memref<128xf32, #tpu.memory_space<hbm>>
        %dma_start3A_65 = tpu.memref_slice %arg5[%arg0, %add3A_61] : memref<2x10240xf32, #tpu.memory_space<hbm>> -> memref<1x128xf32, #tpu.memory_space<hbm>>
        %dma_start3A_66 = tpu.memref_squeeze %dma_start3A_65 : memref<1x128xf32, #tpu.memory_space<hbm>> -> memref<128xf32, #tpu.memory_space<hbm>>
        tpu.enqueue_dma source(%arg12 : memref<128xf32, #tpu.memory_space<vmem>>) target(%dma_start3A_66 : memref<128xf32, #tpu.memory_space<hbm>>) target_semaphore(%run_scoped3A : memref<!tpu.dma_semaphore, #tpu.memory_space<semaphore_mem>>)
        %dma_wait3A = tpu.memref_slice %arg5[%arg0, %add3A_61] : memref<2x10240xf32, #tpu.memory_space<hbm>> -> memref<1x128xf32, #tpu.memory_space<hbm>>
        %dma_wait3A_67 = tpu.memref_squeeze %dma_wait3A : memref<1x128xf32, #tpu.memory_space<hbm>> -> memref<128xf32, #tpu.memory_space<hbm>>
        %dma_wait3A_68 = tpu.memref_slice %arg5[%arg0, %add3A_61] : memref<2x10240xf32, #tpu.memory_space<hbm>> -> memref<1x128xf32, #tpu.memory_space<hbm>>
        %dma_wait3A_69 = tpu.memref_squeeze %dma_wait3A_68 : memref<1x128xf32, #tpu.memory_space<hbm>> -> memref<128xf32, #tpu.memory_space<hbm>>
        tpu.wait_dma2 semaphore(%run_scoped3A : memref<!tpu.dma_semaphore, #tpu.memory_space<semaphore_mem>>) src(%arg12 : memref<128xf32, #tpu.memory_space<vmem>>) dst(%dma_wait3A_69 : memref<128xf32, #tpu.memory_space<hbm>>)
        tpu.yield
      }) : () -> ()
      %scan3A_62 = arith.constant 0 : i32
      scf.yield %scan3A_62 : i32
    }
    %scan3A_54 = arith.constant 5 : i32
    return
  }
}

module attributes {stable_mosaic.version = 14 : i64} {
  func.func @_proj_body(%arg0: i32, %arg1: memref<2000x256xf32, #tpu.memory_space<vmem>>, %arg2: memref<2000x256xf32, #tpu.memory_space<vmem>>, %arg3: memref<256x128xf32, #tpu.memory_space<vmem>>, %arg4: memref<256x128xf32, #tpu.memory_space<vmem>>, %arg5: memref<2000x128xf32, #tpu.memory_space<vmem>>, %arg6: memref<2000x128xf32, #tpu.memory_space<vmem>>) attributes {dimension_semantics = [#tpu.dimension_semantics<arbitrary>], iteration_bounds = array<i64: 5>, scalar_prefetch = 0 : i64, scratch_operands = 0 : i64, tpu.core_type = #tpu.core_type<tc>, window_params = [{transform_indices = @transform_0, window_bounds = array<i64: 2000, 256>}, {transform_indices = @transform_1, window_bounds = array<i64: 2000, 256>}, {pipeline_mode = #tpu.pipeline_mode<synchronous>, transform_indices = @transform_2, window_bounds = array<i64: 256, 128>}, {pipeline_mode = #tpu.pipeline_mode<synchronous>, transform_indices = @transform_3, window_bounds = array<i64: 256, 128>}, {transform_indices = @transform_4, window_bounds = array<i64: 2000, 128>}, {transform_indices = @transform_5, window_bounds = array<i64: 2000, 128>}]} {
    %get3A = arith.constant 0 : index
    %get3A_0 = arith.constant 0 : index
    %get3A_1 = vector.load %arg1[%get3A, %get3A_0] : memref<2000x256xf32, #tpu.memory_space<vmem>>, vector<2000x256xf32>
    %get3A_2 = arith.constant 0 : index
    %get3A_3 = arith.constant 0 : index
    %get3A_4 = vector.load %arg3[%get3A_2, %get3A_3] : memref<256x128xf32, #tpu.memory_space<vmem>>, vector<256x128xf32>
    %dot_general3A = arith.constant dense<0.000000e+00> : vector<2000x128xf32>
    %dot_general3A_5 = tpu.matmul %get3A_1, %get3A_4, %dot_general3A {dimension_numbers = #tpu.dot_dimension_numbers<[1], [0], [0], [1], [0, 0, 1, 1], [], []>, transpose_lhs_hint = false} : vector<2000x256xf32>, vector<256x128xf32>, vector<2000x128xf32> -> vector<2000x128xf32>
    %swap3A = arith.constant 0 : index
    %swap3A_6 = arith.constant 0 : index
    %swap3A_7 = vector.load %arg5[%swap3A, %swap3A_6] : memref<2000x128xf32, #tpu.memory_space<vmem>>, vector<2000x128xf32>
    tpu.vector_store %arg5[%swap3A, %swap3A_6], %dot_general3A_5 {strides = array<i32>} : memref<2000x128xf32, #tpu.memory_space<vmem>>, vector<2000x128xf32>,
    %get3A_8 = arith.constant 0 : index
    %get3A_9 = arith.constant 0 : index
    %get3A_10 = vector.load %arg2[%get3A_8, %get3A_9] : memref<2000x256xf32, #tpu.memory_space<vmem>>, vector<2000x256xf32>
    %get3A_11 = arith.constant 0 : index
    %get3A_12 = arith.constant 0 : index
    %get3A_13 = vector.load %arg4[%get3A_11, %get3A_12] : memref<256x128xf32, #tpu.memory_space<vmem>>, vector<256x128xf32>
    %dot_general3A_14 = arith.constant dense<0.000000e+00> : vector<2000x128xf32>
    %dot_general3A_15 = tpu.matmul %get3A_10, %get3A_13, %dot_general3A_14 {dimension_numbers = #tpu.dot_dimension_numbers<[1], [0], [0], [1], [0, 0, 1, 1], [], []>, transpose_lhs_hint = false} : vector<2000x256xf32>, vector<256x128xf32>, vector<2000x128xf32> -> vector<2000x128xf32>
    %swap3A_16 = arith.constant 0 : index
    %swap3A_17 = arith.constant 0 : index
    %swap3A_18 = vector.load %arg6[%swap3A_16, %swap3A_17] : memref<2000x128xf32, #tpu.memory_space<vmem>>, vector<2000x128xf32>
    tpu.vector_store %arg6[%swap3A_16, %swap3A_17], %dot_general3A_15 {strides = array<i32>} : memref<2000x128xf32, #tpu.memory_space<vmem>>, vector<2000x128xf32>,
    return
  }
  func.func @transform_0(%arg0: i32) -> (i32, i32) {
    %c0_i32 = arith.constant 0 : i32
    %c0_i32_0 = arith.constant 0 : i32
    return %arg0, %c0_i32 : i32, i32
  }
  func.func @transform_1(%arg0: i32) -> (i32, i32) {
    %c0_i32 = arith.constant 0 : i32
    %c0_i32_0 = arith.constant 0 : i32
    return %arg0, %c0_i32 : i32, i32
  }
  func.func @transform_2(%arg0: i32) -> (i32, i32) {
    %c0_i32 = arith.constant 0 : i32
    %c0_i32_0 = arith.constant 0 : i32
    %c0_i32_1 = arith.constant 0 : i32
    return %c0_i32, %c0_i32_0 : i32, i32
  }
  func.func @transform_3(%arg0: i32) -> (i32, i32) {
    %c0_i32 = arith.constant 0 : i32
    %c0_i32_0 = arith.constant 0 : i32
    %c0_i32_1 = arith.constant 0 : i32
    return %c0_i32, %c0_i32_0 : i32, i32
  }
  func.func @transform_4(%arg0: i32) -> (i32, i32) {
    %c0_i32 = arith.constant 0 : i32
    %c0_i32_0 = arith.constant 0 : i32
    return %arg0, %c0_i32 : i32, i32
  }
  func.func @transform_5(%arg0: i32) -> (i32, i32) {
    %c0_i32 = arith.constant 0 : i32
    %c0_i32_0 = arith.constant 0 : i32
    return %arg0, %c0_i32 : i32, i32
  }
}

module attributes {stable_mosaic.version = 14 : i64} {
  func.func @_tables_body(%arg0: i32, %arg1: memref<2000x256xf32, #tpu.memory_space<vmem>>, %arg2: memref<256x768xf32, #tpu.memory_space<vmem>>, %arg3: memref<2000x256xf32, #tpu.memory_space<vmem>>, %arg4: memref<2000x256xf32, #tpu.memory_space<vmem>>, %arg5: memref<2000x256xf32, #tpu.memory_space<vmem>>, %arg6: memref<2000x256xf32, #tpu.memory_space<vmem>>, %arg7: memref<2000x256xf32, #tpu.memory_space<vmem>>, %arg8: memref<2000x256xf32, #tpu.memory_space<vmem>>) attributes {dimension_semantics = [#tpu.dimension_semantics<arbitrary>], iteration_bounds = array<i64: 5>, scalar_prefetch = 0 : i64, scratch_operands = 0 : i64, tpu.core_type = #tpu.core_type<tc>, window_params = [{transform_indices = @transform_0, window_bounds = array<i64: 2000, 256>}, {pipeline_mode = #tpu.pipeline_mode<synchronous>, transform_indices = @transform_1, window_bounds = array<i64: 256, 768>}, {transform_indices = @transform_2, window_bounds = array<i64: 2000, 256>}, {transform_indices = @transform_3, window_bounds = array<i64: 2000, 256>}, {transform_indices = @transform_4, window_bounds = array<i64: 2000, 256>}, {transform_indices = @transform_5, window_bounds = array<i64: 2000, 256>}, {transform_indices = @transform_6, window_bounds = array<i64: 2000, 256>}, {transform_indices = @transform_7, window_bounds = array<i64: 2000, 256>}]} {
    %get3A = arith.constant 0 : index
    %get3A_0 = arith.constant 0 : index
    %get3A_1 = vector.load %arg1[%get3A, %get3A_0] : memref<2000x256xf32, #tpu.memory_space<vmem>>, vector<2000x256xf32>
    %get3A_2 = arith.constant 0 : index
    %get3A_3 = arith.constant 0 : index
    %get3A_4 = vector.load %arg2[%get3A_2, %get3A_3] : memref<256x768xf32, #tpu.memory_space<vmem>>, vector<256x768xf32>
    %dot_general3A = arith.constant dense<0.000000e+00> : vector<2000x768xf32>
    %dot_general3A_5 = tpu.matmul %get3A_1, %get3A_4, %dot_general3A {dimension_numbers = #tpu.dot_dimension_numbers<[1], [0], [0], [1], [0, 0, 1, 1], [], []>, transpose_lhs_hint = false} : vector<2000x256xf32>, vector<256x768xf32>, vector<2000x768xf32> -> vector<2000x768xf32>
    %get3A_6 = arith.constant 0 : index
    %get3A_7 = arith.constant 0 : index
    %get3A_8 = vector.load %arg3[%get3A_6, %get3A_7] : memref<2000x256xf32, #tpu.memory_space<vmem>>, vector<2000x256xf32>
    %slice3A = vector.extract_strided_slice %dot_general3A_5 {offsets = [0, 0], sizes = [2000, 256], strides = [1, 1]} : vector<2000x768xf32> to vector<2000x256xf32>
    %mul3A = arith.mulf %get3A_8, %slice3A : vector<2000x256xf32>
    %get3A_9 = arith.constant 0 : index
    %get3A_10 = arith.constant 0 : index
    %get3A_11 = vector.load %arg4[%get3A_9, %get3A_10] : memref<2000x256xf32, #tpu.memory_space<vmem>>, vector<2000x256xf32>
    %add3A = arith.addf %mul3A, %get3A_11 : vector<2000x256xf32>
    %swap3A = arith.constant 0 : index
    %swap3A_12 = arith.constant 0 : index
    %swap3A_13 = vector.load %arg6[%swap3A, %swap3A_12] : memref<2000x256xf32, #tpu.memory_space<vmem>>, vector<2000x256xf32>
    tpu.vector_store %arg6[%swap3A, %swap3A_12], %add3A {strides = array<i32>} : memref<2000x256xf32, #tpu.memory_space<vmem>>, vector<2000x256xf32>,
    %slice3A_14 = vector.extract_strided_slice %dot_general3A_5 {offsets = [0, 256], sizes = [2000, 256], strides = [1, 1]} : vector<2000x768xf32> to vector<2000x256xf32>
    %mul3A_15 = arith.mulf %get3A_8, %slice3A_14 : vector<2000x256xf32>
    %swap3A_16 = arith.constant 0 : index
    %swap3A_17 = arith.constant 0 : index
    %swap3A_18 = vector.load %arg7[%swap3A_16, %swap3A_17] : memref<2000x256xf32, #tpu.memory_space<vmem>>, vector<2000x256xf32>
    tpu.vector_store %arg7[%swap3A_16, %swap3A_17], %mul3A_15 {strides = array<i32>} : memref<2000x256xf32, #tpu.memory_space<vmem>>, vector<2000x256xf32>,
    %slice3A_19 = vector.extract_strided_slice %dot_general3A_5 {offsets = [0, 512], sizes = [2000, 256], strides = [1, 1]} : vector<2000x768xf32> to vector<2000x256xf32>
    %mul3A_20 = arith.mulf %get3A_8, %slice3A_19 : vector<2000x256xf32>
    %get3A_21 = arith.constant 0 : index
    %get3A_22 = arith.constant 0 : index
    %get3A_23 = vector.load %arg5[%get3A_21, %get3A_22] : memref<2000x256xf32, #tpu.memory_space<vmem>>, vector<2000x256xf32>
    %add3A_24 = arith.addf %mul3A_20, %get3A_23 : vector<2000x256xf32>
    %swap3A_25 = arith.constant 0 : index
    %swap3A_26 = arith.constant 0 : index
    %swap3A_27 = vector.load %arg8[%swap3A_25, %swap3A_26] : memref<2000x256xf32, #tpu.memory_space<vmem>>, vector<2000x256xf32>
    tpu.vector_store %arg8[%swap3A_25, %swap3A_26], %add3A_24 {strides = array<i32>} : memref<2000x256xf32, #tpu.memory_space<vmem>>, vector<2000x256xf32>,
    return
  }
  func.func @transform_0(%arg0: i32) -> (i32, i32) {
    %c0_i32 = arith.constant 0 : i32
    %c0_i32_0 = arith.constant 0 : i32
    return %arg0, %c0_i32 : i32, i32
  }
  func.func @transform_1(%arg0: i32) -> (i32, i32) {
    %c0_i32 = arith.constant 0 : i32
    %c0_i32_0 = arith.constant 0 : i32
    %c0_i32_1 = arith.constant 0 : i32
    return %c0_i32, %c0_i32_0 : i32, i32
  }
  func.func @transform_2(%arg0: i32) -> (i32, i32) {
    %c0_i32 = arith.constant 0 : i32
    %c0_i32_0 = arith.constant 0 : i32
    return %arg0, %c0_i32 : i32, i32
  }
  func.func @transform_3(%arg0: i32) -> (i32, i32) {
    %c0_i32 = arith.constant 0 : i32
    %c0_i32_0 = arith.constant 0 : i32
    return %arg0, %c0_i32 : i32, i32
  }
  func.func @transform_4(%arg0: i32) -> (i32, i32) {
    %c0_i32 = arith.constant 0 : i32
    %c0_i32_0 = arith.constant 0 : i32
    return %arg0, %c0_i32 : i32, i32
  }
  func.func @transform_5(%arg0: i32) -> (i32, i32) {
    %c0_i32 = arith.constant 0 : i32
    %c0_i32_0 = arith.constant 0 : i32
    return %arg0, %c0_i32 : i32, i32
  }
  func.func @transform_6(%arg0: i32) -> (i32, i32) {
    %c0_i32 = arith.constant 0 : i32
    %c0_i32_0 = arith.constant 0 : i32
    return %arg0, %c0_i32 : i32, i32
  }
  func.func @transform_7(%arg0: i32) -> (i32, i32) {
    %c0_i32 = arith.constant 0 : i32
    %c0_i32_0 = arith.constant 0 : i32
    return %arg0, %c0_i32 : i32, i32
  }
}

module attributes {stable_mosaic.version = 14 : i64} {
  func.func @_edge_body(%arg0: i32, %arg1: memref<2000x256xf32, #tpu.memory_space<vmem>>, %arg2: memref<2000x16xf32, #tpu.memory_space<vmem>>, %arg3: memref<16x256xf32, #tpu.memory_space<vmem>>, %arg4: memref<256x128xf32, #tpu.memory_space<vmem>>, %arg5: memref<1x128xf32, #tpu.memory_space<vmem>>, %arg6: memref<2000x128xf32, #tpu.memory_space<vmem>>) attributes {dimension_semantics = [#tpu.dimension_semantics<arbitrary>], iteration_bounds = array<i64: 80>, scalar_prefetch = 0 : i64, scratch_operands = 0 : i64, tpu.core_type = #tpu.core_type<tc>, window_params = [{transform_indices = @transform_0, window_bounds = array<i64: 2000, 256>}, {transform_indices = @transform_1, window_bounds = array<i64: 2000, 16>}, {pipeline_mode = #tpu.pipeline_mode<synchronous>, transform_indices = @transform_2, window_bounds = array<i64: 16, 256>}, {pipeline_mode = #tpu.pipeline_mode<synchronous>, transform_indices = @transform_3, window_bounds = array<i64: 256, 128>}, {pipeline_mode = #tpu.pipeline_mode<synchronous>, transform_indices = @transform_4, window_bounds = array<i64: 1, 128>}, {transform_indices = @transform_5, window_bounds = array<i64: 2000, 128>}]} {
    %get3A = arith.constant 0 : index
    %get3A_0 = arith.constant 0 : index
    %get3A_1 = vector.load %arg1[%get3A, %get3A_0] : memref<2000x256xf32, #tpu.memory_space<vmem>>, vector<2000x256xf32>
    %get3A_2 = arith.constant 0 : index
    %get3A_3 = arith.constant 0 : index
    %get3A_4 = vector.load %arg2[%get3A_2, %get3A_3] : memref<2000x16xf32, #tpu.memory_space<vmem>>, vector<2000x16xf32>
    %get3A_5 = arith.constant 0 : index
    %get3A_6 = arith.constant 0 : index
    %get3A_7 = vector.load %arg3[%get3A_5, %get3A_6] : memref<16x256xf32, #tpu.memory_space<vmem>>, vector<16x256xf32>
    %dot_general3A = arith.constant dense<0.000000e+00> : vector<2000x256xf32>
    %dot_general3A_8 = tpu.matmul %get3A_4, %get3A_7, %dot_general3A {dimension_numbers = #tpu.dot_dimension_numbers<[1], [0], [0], [1], [0, 0, 1, 1], [], []>, transpose_lhs_hint = false} : vector<2000x16xf32>, vector<16x256xf32>, vector<2000x256xf32> -> vector<2000x256xf32>
    %add3A = arith.addf %get3A_1, %dot_general3A_8 : vector<2000x256xf32>
    %max3A = arith.constant 0.000000e+00 : f32
    %max3A_9 = vector.broadcast %max3A : f32 to vector<2000x256xf32>
    %max3A_10 = arith.maximumf %add3A, %max3A_9 : vector<2000x256xf32>
    %get3A_11 = arith.constant 0 : index
    %get3A_12 = arith.constant 0 : index
    %get3A_13 = vector.load %arg4[%get3A_11, %get3A_12] : memref<256x128xf32, #tpu.memory_space<vmem>>, vector<256x128xf32>
    %dot_general3A_14 = arith.constant dense<0.000000e+00> : vector<2000x128xf32>
    %dot_general3A_15 = tpu.matmul %max3A_10, %get3A_13, %dot_general3A_14 {dimension_numbers = #tpu.dot_dimension_numbers<[1], [0], [0], [1], [0, 0, 1, 1], [], []>, transpose_lhs_hint = false} : vector<2000x256xf32>, vector<256x128xf32>, vector<2000x128xf32> -> vector<2000x128xf32>
    %get3A_16 = arith.constant 0 : index
    %get3A_17 = arith.constant 0 : index
    %get3A_18 = vector.load %arg5[%get3A_16, %get3A_17] : memref<1x128xf32, #tpu.memory_space<vmem>>, vector<1x128xf32>
    %add3A_19 = vector.broadcast %get3A_18 : vector<1x128xf32> to vector<2000x128xf32>
    %add3A_20 = arith.addf %dot_general3A_15, %add3A_19 : vector<2000x128xf32>
    %swap3A = arith.constant 0 : index
    %swap3A_21 = arith.constant 0 : index
    %swap3A_22 = vector.load %arg6[%swap3A, %swap3A_21] : memref<2000x128xf32, #tpu.memory_space<vmem>>, vector<2000x128xf32>
    tpu.vector_store %arg6[%swap3A, %swap3A_21], %add3A_20 {strides = array<i32>} : memref<2000x128xf32, #tpu.memory_space<vmem>>, vector<2000x128xf32>,
    return
  }
  func.func @transform_0(%arg0: i32) -> (i32, i32) {
    %c0_i32 = arith.constant 0 : i32
    %c0_i32_0 = arith.constant 0 : i32
    return %arg0, %c0_i32 : i32, i32
  }
  func.func @transform_1(%arg0: i32) -> (i32, i32) {
    %c0_i32 = arith.constant 0 : i32
    %c0_i32_0 = arith.constant 0 : i32
    return %arg0, %c0_i32 : i32, i32
  }
  func.func @transform_2(%arg0: i32) -> (i32, i32) {
    %c0_i32 = arith.constant 0 : i32
    %c0_i32_0 = arith.constant 0 : i32
    %c0_i32_1 = arith.constant 0 : i32
    return %c0_i32, %c0_i32_0 : i32, i32
  }
  func.func @transform_3(%arg0: i32) -> (i32, i32) {
    %c0_i32 = arith.constant 0 : i32
    %c0_i32_0 = arith.constant 0 : i32
    %c0_i32_1 = arith.constant 0 : i32
    return %c0_i32, %c0_i32_0 : i32, i32
  }
  func.func @transform_4(%arg0: i32) -> (i32, i32) {
    %c0_i32 = arith.constant 0 : i32
    %c0_i32_0 = arith.constant 0 : i32
    %c0_i32_1 = arith.constant 0 : i32
    return %c0_i32, %c0_i32_0 : i32, i32
  }
  func.func @transform_5(%arg0: i32) -> (i32, i32) {
    %c0_i32 = arith.constant 0 : i32
    %c0_i32_0 = arith.constant 0 : i32
    return %arg0, %c0_i32 : i32, i32
  }
}

module attributes {stable_mosaic.version = 14 : i64} {
  func.func @_node_body(%arg0: i32, %arg1: memref<2000x256xf32, #tpu.memory_space<vmem>>, %arg2: memref<2000x128xf32, #tpu.memory_space<vmem>>, %arg3: memref<128x256xf32, #tpu.memory_space<vmem>>, %arg4: memref<256x256xf32, #tpu.memory_space<vmem>>, %arg5: memref<1x256xf32, #tpu.memory_space<vmem>>, %arg6: memref<2000x4xf32, #tpu.memory_space<vmem>>, %arg7: memref<4x64xf32, #tpu.memory_space<vmem>>, %arg8: memref<256x128xf32, #tpu.memory_space<vmem>>, %arg9: memref<64x128xf32, #tpu.memory_space<vmem>>, %arg10: memref<1x128xf32, #tpu.memory_space<vmem>>, %arg11: memref<128x64xf32, #tpu.memory_space<vmem>>, %arg12: memref<1x64xf32, #tpu.memory_space<vmem>>, %arg13: memref<4x256xf32, #tpu.memory_space<vmem>>, %arg14: memref<2000x256xf32, #tpu.memory_space<vmem>>, %arg15: memref<4x64xf32, #tpu.memory_space<vmem>>, %arg16: memref<8x256xf32, #tpu.memory_space<vmem>>) attributes {dimension_semantics = [#tpu.dimension_semantics<arbitrary>], iteration_bounds = array<i64: 5>, scalar_prefetch = 0 : i64, scratch_operands = 1 : i64, tpu.core_type = #tpu.core_type<tc>, window_params = [{transform_indices = @transform_0, window_bounds = array<i64: 2000, 256>}, {transform_indices = @transform_1, window_bounds = array<i64: 2000, 128>}, {pipeline_mode = #tpu.pipeline_mode<synchronous>, transform_indices = @transform_2, window_bounds = array<i64: 128, 256>}, {pipeline_mode = #tpu.pipeline_mode<synchronous>, transform_indices = @transform_3, window_bounds = array<i64: 256, 256>}, {pipeline_mode = #tpu.pipeline_mode<synchronous>, transform_indices = @transform_4, window_bounds = array<i64: 1, 256>}, {transform_indices = @transform_5, window_bounds = array<i64: 2000, 4>}, {pipeline_mode = #tpu.pipeline_mode<synchronous>, transform_indices = @transform_6, window_bounds = array<i64: 4, 64>}, {pipeline_mode = #tpu.pipeline_mode<synchronous>, transform_indices = @transform_7, window_bounds = array<i64: 256, 128>}, {pipeline_mode = #tpu.pipeline_mode<synchronous>, transform_indices = @transform_8, window_bounds = array<i64: 64, 128>}, {pipeline_mode = #tpu.pipeline_mode<synchronous>, transform_indices = @transform_9, window_bounds = array<i64: 1, 128>}, {pipeline_mode = #tpu.pipeline_mode<synchronous>, transform_indices = @transform_10, window_bounds = array<i64: 128, 64>}, {pipeline_mode = #tpu.pipeline_mode<synchronous>, transform_indices = @transform_11, window_bounds = array<i64: 1, 64>}, {pipeline_mode = #tpu.pipeline_mode<synchronous>, transform_indices = @transform_12, window_bounds = array<i64: 4, 256>}, {transform_indices = @transform_13, window_bounds = array<i64: 2000, 256>}, {pipeline_mode = #tpu.pipeline_mode<synchronous>, transform_indices = @transform_14, window_bounds = array<i64: 4, 64>}]} {
    %get3A = arith.constant 0 : index
    %get3A_0 = arith.constant 0 : index
    %get3A_1 = vector.load %arg1[%get3A, %get3A_0] : memref<2000x256xf32, #tpu.memory_space<vmem>>, vector<2000x256xf32>
    %get3A_2 = arith.constant 0 : index
    %get3A_3 = arith.constant 0 : index
    %get3A_4 = vector.load %arg2[%get3A_2, %get3A_3] : memref<2000x128xf32, #tpu.memory_space<vmem>>, vector<2000x128xf32>
    %get3A_5 = arith.constant 0 : index
    %get3A_6 = arith.constant 0 : index
    %get3A_7 = vector.load %arg3[%get3A_5, %get3A_6] : memref<128x256xf32, #tpu.memory_space<vmem>>, vector<128x256xf32>
    %dot_general3A = arith.constant dense<0.000000e+00> : vector<2000x256xf32>
    %dot_general3A_8 = tpu.matmul %get3A_4, %get3A_7, %dot_general3A {dimension_numbers = #tpu.dot_dimension_numbers<[1], [0], [0], [1], [0, 0, 1, 1], [], []>, transpose_lhs_hint = false} : vector<2000x128xf32>, vector<128x256xf32>, vector<2000x256xf32> -> vector<2000x256xf32>
    %add3A = arith.addf %get3A_1, %dot_general3A_8 : vector<2000x256xf32>
    %max3A = arith.constant 0.000000e+00 : f32
    %max3A_9 = vector.broadcast %max3A : f32 to vector<2000x256xf32>
    %max3A_10 = arith.maximumf %add3A, %max3A_9 : vector<2000x256xf32>
    %get3A_11 = arith.constant 0 : index
    %get3A_12 = arith.constant 0 : index
    %get3A_13 = vector.load %arg4[%get3A_11, %get3A_12] : memref<256x256xf32, #tpu.memory_space<vmem>>, vector<256x256xf32>
    %dot_general3A_14 = arith.constant dense<0.000000e+00> : vector<2000x256xf32>
    %dot_general3A_15 = tpu.matmul %max3A_10, %get3A_13, %dot_general3A_14 {dimension_numbers = #tpu.dot_dimension_numbers<[1], [0], [0], [1], [0, 0, 1, 1], [], []>, transpose_lhs_hint = false} : vector<2000x256xf32>, vector<256x256xf32>, vector<2000x256xf32> -> vector<2000x256xf32>
    %get3A_16 = arith.constant 0 : index
    %get3A_17 = arith.constant 0 : index
    %get3A_18 = vector.load %arg5[%get3A_16, %get3A_17] : memref<1x256xf32, #tpu.memory_space<vmem>>, vector<1x256xf32>
    %add3A_19 = vector.broadcast %get3A_18 : vector<1x256xf32> to vector<2000x256xf32>
    %add3A_20 = arith.addf %dot_general3A_15, %add3A_19 : vector<2000x256xf32>
    %swap3A = arith.constant 0 : index
    %swap3A_21 = arith.constant 0 : index
    %swap3A_22 = vector.load %arg14[%swap3A, %swap3A_21] : memref<2000x256xf32, #tpu.memory_space<vmem>>, vector<2000x256xf32>
    tpu.vector_store %arg14[%swap3A, %swap3A_21], %add3A_20 {strides = array<i32>} : memref<2000x256xf32, #tpu.memory_space<vmem>>, vector<2000x256xf32>,
    %get3A_23 = arith.constant 0 : index
    %get3A_24 = arith.constant 0 : index
    %get3A_25 = vector.load %arg6[%get3A_23, %get3A_24] : memref<2000x4xf32, #tpu.memory_space<vmem>>, vector<2000x4xf32>
    %dot_general3A_26 = arith.constant dense<0.000000e+00> : vector<4x256xf32>
    %dot_general3A_27 = tpu.matmul %get3A_25, %add3A_20, %dot_general3A_26 {dimension_numbers = #tpu.dot_dimension_numbers<[0], [0], [1], [1], [0, 1, 1, 1], [], []>, transpose_lhs_hint = false} : vector<2000x4xf32>, vector<2000x256xf32>, vector<4x256xf32> -> vector<4x256xf32>
    %eq3A = arith.constant 0 : i32
    %eq3A_28 = arith.cmpi eq, %arg0, %eq3A : i32
    %convert_element_type3A = arith.extui %eq3A_28 : i1 to i32
    %cond3A = arith.constant 0 : i32
    %cond3A_29 = arith.cmpi ne, %convert_element_type3A, %cond3A : i32
    scf.if %cond3A_29 {
      %broadcast_in_dim3A = arith.constant 0.000000e+00 : f32
      %broadcast_in_dim3A_42 = vector.broadcast %broadcast_in_dim3A : f32 to vector<8x256xf32>
      %swap3A_43 = arith.constant 0 : index
      %swap3A_44 = arith.constant 0 : index
      %swap3A_45 = vector.load %arg16[%swap3A_43, %swap3A_44] : memref<8x256xf32, #tpu.memory_space<vmem>>, vector<8x256xf32>
      tpu.vector_store %arg16[%swap3A_43, %swap3A_44], %broadcast_in_dim3A_42 {strides = array<i32>} : memref<8x256xf32, #tpu.memory_space<vmem>>, vector<8x256xf32>,
    } else {
    }
    %get3A_30 = arith.constant 0 : index
    %get3A_31 = arith.constant 0 : index
    %get3A_32 = vector.load %arg16[%get3A_30, %get3A_31] : memref<8x256xf32, #tpu.memory_space<vmem>>, vector<4x256xf32>
    %add3A_33 = arith.addf %get3A_32, %dot_general3A_27 : vector<4x256xf32>
    %swap3A_34 = arith.constant 0 : index
    %swap3A_35 = arith.constant 0 : index
    %swap3A_36 = vector.load %arg16[%swap3A_34, %swap3A_35] : memref<8x256xf32, #tpu.memory_space<vmem>>, vector<4x256xf32>
    tpu.vector_store %arg16[%swap3A_34, %swap3A_35], %add3A_33 {strides = array<i32>} : memref<8x256xf32, #tpu.memory_space<vmem>>, vector<4x256xf32>,
    %eq3A_37 = arith.constant 4 : i32
    %eq3A_38 = arith.cmpi eq, %arg0, %eq3A_37 : i32
    %convert_element_type3A_39 = arith.extui %eq3A_38 : i1 to i32
    %cond3A_40 = arith.constant 0 : i32
    %cond3A_41 = arith.cmpi ne, %convert_element_type3A_39, %cond3A_40 : i32
    scf.if %cond3A_41 {
      %get3A_42 = arith.constant 0 : index
      %get3A_43 = arith.constant 0 : index
      %get3A_44 = vector.load %arg16[%get3A_42, %get3A_43] : memref<8x256xf32, #tpu.memory_space<vmem>>, vector<4x256xf32>
      %get3A_45 = arith.constant 0 : index
      %get3A_46 = arith.constant 0 : index
      %get3A_47 = vector.load %arg13[%get3A_45, %get3A_46] : memref<4x256xf32, #tpu.memory_space<vmem>>, vector<4x256xf32>
      %mul3A = arith.mulf %get3A_44, %get3A_47 : vector<4x256xf32>
      %get3A_48 = arith.constant 0 : index
      %get3A_49 = arith.constant 0 : index
      %get3A_50 = vector.load %arg8[%get3A_48, %get3A_49] : memref<256x128xf32, #tpu.memory_space<vmem>>, vector<256x128xf32>
      %dot_general3A_51 = arith.constant dense<0.000000e+00> : vector<4x128xf32>
      %dot_general3A_52 = tpu.matmul %mul3A, %get3A_50, %dot_general3A_51 {dimension_numbers = #tpu.dot_dimension_numbers<[1], [0], [0], [1], [0, 0, 1, 1], [], []>, transpose_lhs_hint = false} : vector<4x256xf32>, vector<256x128xf32>, vector<4x128xf32> -> vector<4x128xf32>
      %get3A_53 = arith.constant 0 : index
      %get3A_54 = arith.constant 0 : index
      %get3A_55 = vector.load %arg7[%get3A_53, %get3A_54] : memref<4x64xf32, #tpu.memory_space<vmem>>, vector<4x64xf32>
      %get3A_56 = arith.constant 0 : index
      %get3A_57 = arith.constant 0 : index
      %get3A_58 = vector.load %arg9[%get3A_56, %get3A_57] : memref<64x128xf32, #tpu.memory_space<vmem>>, vector<64x128xf32>
      %dot_general3A_59 = arith.constant dense<0.000000e+00> : vector<4x128xf32>
      %dot_general3A_60 = tpu.matmul %get3A_55, %get3A_58, %dot_general3A_59 {dimension_numbers = #tpu.dot_dimension_numbers<[1], [0], [0], [1], [0, 0, 1, 1], [], []>, transpose_lhs_hint = false} : vector<4x64xf32>, vector<64x128xf32>, vector<4x128xf32> -> vector<4x128xf32>
      %add3A_61 = arith.addf %dot_general3A_52, %dot_general3A_60 : vector<4x128xf32>
      %get3A_62 = arith.constant 0 : index
      %get3A_63 = arith.constant 0 : index
      %get3A_64 = vector.load %arg10[%get3A_62, %get3A_63] : memref<1x128xf32, #tpu.memory_space<vmem>>, vector<1x128xf32>
      %add3A_65 = vector.broadcast %get3A_64 : vector<1x128xf32> to vector<4x128xf32>
      %add3A_66 = arith.addf %add3A_61, %add3A_65 : vector<4x128xf32>
      %max3A_67 = arith.constant 0.000000e+00 : f32
      %max3A_68 = vector.broadcast %max3A_67 : f32 to vector<4x128xf32>
      %max3A_69 = arith.maximumf %add3A_66, %max3A_68 : vector<4x128xf32>
      %get3A_70 = arith.constant 0 : index
      %get3A_71 = arith.constant 0 : index
      %get3A_72 = vector.load %arg11[%get3A_70, %get3A_71] : memref<128x64xf32, #tpu.memory_space<vmem>>, vector<128x64xf32>
      %dot_general3A_73 = arith.constant dense<0.000000e+00> : vector<4x64xf32>
      %dot_general3A_74 = tpu.matmul %max3A_69, %get3A_72, %dot_general3A_73 {dimension_numbers = #tpu.dot_dimension_numbers<[1], [0], [0], [1], [0, 0, 1, 1], [], []>, transpose_lhs_hint = false} : vector<4x128xf32>, vector<128x64xf32>, vector<4x64xf32> -> vector<4x64xf32>
      %get3A_75 = arith.constant 0 : index
      %get3A_76 = arith.constant 0 : index
      %get3A_77 = vector.load %arg12[%get3A_75, %get3A_76] : memref<1x64xf32, #tpu.memory_space<vmem>>, vector<1x64xf32>
      %add3A_78 = vector.broadcast %get3A_77 : vector<1x64xf32> to vector<4x64xf32>
      %add3A_79 = arith.addf %dot_general3A_74, %add3A_78 : vector<4x64xf32>
      %swap3A_80 = arith.constant 0 : index
      %swap3A_81 = arith.constant 0 : index
      %swap3A_82 = vector.load %arg15[%swap3A_80, %swap3A_81] : memref<4x64xf32, #tpu.memory_space<vmem>>, vector<4x64xf32>
      tpu.vector_store %arg15[%swap3A_80, %swap3A_81], %add3A_79 {strides = array<i32>} : memref<4x64xf32, #tpu.memory_space<vmem>>, vector<4x64xf32>,
    } else {
    }
    return
  }
  func.func @transform_0(%arg0: i32) -> (i32, i32) {
    %c0_i32 = arith.constant 0 : i32
    %c0_i32_0 = arith.constant 0 : i32
    return %arg0, %c0_i32 : i32, i32
  }
  func.func @transform_1(%arg0: i32) -> (i32, i32) {
    %c0_i32 = arith.constant 0 : i32
    %c0_i32_0 = arith.constant 0 : i32
    return %arg0, %c0_i32 : i32, i32
  }
  func.func @transform_2(%arg0: i32) -> (i32, i32) {
    %c0_i32 = arith.constant 0 : i32
    %c0_i32_0 = arith.constant 0 : i32
    %c0_i32_1 = arith.constant 0 : i32
    return %c0_i32, %c0_i32_0 : i32, i32
  }
  func.func @transform_3(%arg0: i32) -> (i32, i32) {
    %c0_i32 = arith.constant 0 : i32
    %c0_i32_0 = arith.constant 0 : i32
    %c0_i32_1 = arith.constant 0 : i32
    return %c0_i32, %c0_i32_0 : i32, i32
  }
  func.func @transform_4(%arg0: i32) -> (i32, i32) {
    %c0_i32 = arith.constant 0 : i32
    %c0_i32_0 = arith.constant 0 : i32
    %c0_i32_1 = arith.constant 0 : i32
    return %c0_i32, %c0_i32_0 : i32, i32
  }
  func.func @transform_5(%arg0: i32) -> (i32, i32) {
    %c0_i32 = arith.constant 0 : i32
    %c0_i32_0 = arith.constant 0 : i32
    return %arg0, %c0_i32 : i32, i32
  }
  func.func @transform_6(%arg0: i32) -> (i32, i32) {
    %c0_i32 = arith.constant 0 : i32
    %c0_i32_0 = arith.constant 0 : i32
    %c0_i32_1 = arith.constant 0 : i32
    return %c0_i32, %c0_i32_0 : i32, i32
  }
  func.func @transform_7(%arg0: i32) -> (i32, i32) {
    %c0_i32 = arith.constant 0 : i32
    %c0_i32_0 = arith.constant 0 : i32
    %c0_i32_1 = arith.constant 0 : i32
    return %c0_i32, %c0_i32_0 : i32, i32
  }
  func.func @transform_8(%arg0: i32) -> (i32, i32) {
    %c0_i32 = arith.constant 0 : i32
    %c0_i32_0 = arith.constant 0 : i32
    %c0_i32_1 = arith.constant 0 : i32
    return %c0_i32, %c0_i32_0 : i32, i32
  }
  func.func @transform_9(%arg0: i32) -> (i32, i32) {
    %c0_i32 = arith.constant 0 : i32
    %c0_i32_0 = arith.constant 0 : i32
    %c0_i32_1 = arith.constant 0 : i32
    return %c0_i32, %c0_i32_0 : i32, i32
  }
  func.func @transform_10(%arg0: i32) -> (i32, i32) {
    %c0_i32 = arith.constant 0 : i32
    %c0_i32_0 = arith.constant 0 : i32
    %c0_i32_1 = arith.constant 0 : i32
    return %c0_i32, %c0_i32_0 : i32, i32
  }
  func.func @transform_11(%arg0: i32) -> (i32, i32) {
    %c0_i32 = arith.constant 0 : i32
    %c0_i32_0 = arith.constant 0 : i32
    %c0_i32_1 = arith.constant 0 : i32
    return %c0_i32, %c0_i32_0 : i32, i32
  }
  func.func @transform_12(%arg0: i32) -> (i32, i32) {
    %c0_i32 = arith.constant 0 : i32
    %c0_i32_0 = arith.constant 0 : i32
    %c0_i32_1 = arith.constant 0 : i32
    return %c0_i32, %c0_i32_0 : i32, i32
  }
  func.func @transform_13(%arg0: i32) -> (i32, i32) {
    %c0_i32 = arith.constant 0 : i32
    %c0_i32_0 = arith.constant 0 : i32
    return %arg0, %c0_i32 : i32, i32
  }
  func.func @transform_14(%arg0: i32) -> (i32, i32) {
    %c0_i32 = arith.constant 0 : i32
    %c0_i32_0 = arith.constant 0 : i32
    %c0_i32_1 = arith.constant 0 : i32
    return %c0_i32, %c0_i32_0 : i32, i32
  }
}

</mosaic_0001>

<sc_bundles>
// kernel: kernel.12.cloned.1.call-start
scs
__scs_entry_jumppad:
0x0: {  	(pc) =	sbr.rel $0x88, $3  }
0x1: {  	(tag) =	ssettag $0x0;
	lr =	simm.s32 $0x1  }
0x2: {  	[smem:$0x3F8C] =	sst lr;
	_ =	strace $0xD0000000  }
0x3: {  	_ = 	snop  }
0x4: {  	_ = 	snop  }
0x5: {  	_ = 	snop  }
0x6: {  	_ = 	snop  }
0x7: {  	_ = 	snop  }
__scs_overlays_trampoline_lowered:
0x8: {  	[smem:$0x3F9B] =	sst s0  }
0x9: {  	[smem:$0x3F9C] =	sst s1  }
0xa: {  	[smem:$0x3F9D] =	sst s2  }
0xb: {  	[smem:$0x3F9E] =	sst s3  }
0xc: {  	[smem:$0x3F9F] =	sst s4  }
0xd: {  	[smem:$0x3FA0] =	sst s5  }
0xe: {  	[smem:$0x3FA1] =	sst s6  }
0xf: {  	[smem:$0x3FA2] =	sst s7  }
0x10: {  	[smem:$0x3FA3] =	sst s8  }
0x11: {  	[smem:$0x3FA4] =	sst s9;
	s0 =	simm.s32 @!p0 $0x0  }
0x12: {  	s1 =	sld [smem:$0x3F8A];
	s0 =	simm.s32 @p0 $0x1  }
0x13: {  	[smem:$0x3FA5] =	sst s0;
	s0 =	simm.s32 @!p1 $0x0  }
0x14: {  	s2 =	sld [smem:$0x3F89];
	s0 =	simm.s32 @p1 $0x1  }
0x15: {  	[smem:$0x3FA6] =	sst s0;
	s0 =	simm.s32 @!p2 $0x0  }
0x16: {  	s3 =	sld [smem:$0x3FDB];
	s0 =	simm.s32 @p2 $0x1  }
0x17: {  	s4 =	simm.s32 $0x1BF5;
	[smem:$0x3FA8] =	sst s0  }
0x18: {  	s0 =	sld [smem:$0x3F8B];
	_ =	swait.ge [sflag:s4], $0x0  }
0x19: {  	s7 =	sld [smem:$0x3F8C]  }
0x1a: {  	s8 =	sadd.s32 $0xFFFFE003, lr  }
0x1b: {  	s9 =	sadd.s32 $0xFFFFFEF7, lr;
	s5 =	simm.s32 $0xFFFFFFFF;
	p2 =	slt.u32 s8, $0xFFFFF086  }
0x1c: {  	p1 =	slt.u32 s9, $0xF7A;
	s5 =	simm.s32 @!p2 $0x0  }
0x1d: {  	s5 =	simm.s32 @p1 $0x1;
	p0 =	seq.s32 s7, s2  }
0x1e: {  	s7 =	smul.u32 @!p0 $0xF7A, s2;
	p2 =	seq.s32 @!p0 s5, $0x0  }
0x1f: {  	s9 =	smul.u32 $0xF7A, s1;
	s8 =	simm.s32 @!p0 $0x1BF5;
	p2 =	por !p2, p0  }
0x20: {  	[sflag:s8] =	ssyncset.s32 @!p0 $0xFFFFF086;
	s6 =	sadd.s32 @!p0 s3, s7;
	s7 =	simm.s32 @!p0 $0x108  }
0x21: {  	s3 =	sadd.s32 s3, s9;
	s6 =	sadd.s32 @!p0 $0x88, s6;
	s7 =	simm.s32 @p2 $0x1082  }
0x22: {  	[simem:s7], [sflag:s8] =	dma.local @!p0 [hbm:s6], $0xF7A  }
0x23: {  	s9 =	sor.u32 $0xD0000000, s2;
	s6 =	simm.s32 $0x108;
	_ =	swait.ge @!p0 [sflag:s8], $0x0  }
0x24: {  	s3 =	sadd.s32 $0x88, s3;
	s6 =	simm.s32 @!p1 $0x1082;
	[sflag:s4] =	ssyncset.s32 $0xFFFFF086  }
0x25: {  	[simem:s6], [sflag:s4] =	dma.local [hbm:s3], $0xF7A  }
0x26: {  	[smem:$0x3F8C] =	sst s1;
	(tag) =	ssettag s2;
	_ =	strace s9  }
0x27: {  	s1 =	sld [smem:$0x3F9C]  }
0x28: {  	s2 =	sld [smem:$0x3F9D]  }
0x29: {  	s4 =	sld [smem:$0x3F9F]  }
0x2a: {  	p0 =	seq.s32 s5, $0x0;
	s5 =	sld [smem:$0x3FA0]  }
0x2b: {  	s6 =	sld [smem:$0x3FA1]  }
0x2c: {  	s7 =	sld [smem:$0x3FA2]  }
0x2d: {  	s3 =	simm.s32 $0x108;
	s8 =	sld [smem:$0x3FA3]  }
0x2e: {  	s3 =	simm.s32 @!p0 $0x1082;
	s9 =	sld [smem:$0x3FA4]  }
0x2f: {  	lr =	sadd.s32 s0, s3;
	s0 =	sld [smem:$0x3F9B]  }
0x30: {  	s3 =	sld [smem:$0x3F9E]  }
0x31: {  	[smem:$0x3FA7] =	sst s10  }
0x32: {  	s10 =	sld [smem:$0x3FA5];
	_ =	sdelay $0x3  }
0x33: {  	p0 =	seq.s32 s10, $0x1;
	s10 =	sld [smem:$0x3FA7];
	_ =	sdelay $0x3  }
0x34: {  	[smem:$0x3FA7] =	sst s10  }
0x35: {  	s10 =	sld [smem:$0x3FA6];
	_ =	sdelay $0x3  }
0x36: {  	p1 =	seq.s32 s10, $0x1;
	s10 =	sld [smem:$0x3FA7];
	_ =	sdelay $0x3  }
0x37: {  	[smem:$0x3FA7] =	sst s10  }
0x38: {  	s10 =	sld [smem:$0x3FA8]  }
0x39: {  	_ = 	snop;
	(pc) =	sbr.ind lr, $3  }
0x3a: {  	_ = 	snop  }
0x3b: {  	_ = 	snop  }
0x3c: {  	p2 =	seq.s32 s10, $0x1;
	s10 =	sld [smem:$0x3FA7]  }
0x3d: {  	_ =	shalt  }
0x3e: {  	_ =	shalt  }
0x3f: {  	_ =	shalt  }
0x40: {  	_ =	shalt  }
0x41: {  	_ =	shalt  }
0x42: {  	_ =	shalt  }
0x43: {  	_ =	shalt  }
0x44: {  	_ =	shalt  }
0x45: {  	_ =	shalt  }
0x46: {  	_ =	shalt  }
0x47: {  	_ =	shalt  }
0x48: {  	_ =	shalt  }
0x49: {  	_ =	shalt  }
0x4a: {  	_ =	shalt  }
0x4b: {  	_ =	shalt  }
0x4c: {  	_ =	shalt  }
0x4d: {  	_ =	shalt  }
0x4e: {  	_ =	shalt  }
0x4f: {  	_ =	shalt  }
0x50: {  	_ =	shalt  }
0x51: {  	_ =	shalt  }
0x52: {  	_ =	shalt  }
0x53: {  	_ =	shalt  }
0x54: {  	_ =	shalt  }
0x55: {  	_ =	shalt  }
0x56: {  	_ =	shalt  }
0x57: {  	_ =	shalt  }
0x58: {  	_ =	shalt  }
0x59: {  	_ =	shalt  }
0x5a: {  	_ =	shalt  }
0x5b: {  	_ =	shalt  }
0x5c: {  	_ =	shalt  }
0x5d: {  	_ =	shalt  }
0x5e: {  	_ =	shalt  }
0x5f: {  	_ =	shalt  }
0x60: {  	_ =	shalt  }
0x61: {  	_ =	shalt  }
0x62: {  	_ =	shalt  }
0x63: {  	_ =	shalt  }
0x64: {  	_ =	shalt  }
0x65: {  	_ =	shalt  }
0x66: {  	_ =	shalt  }
0x67: {  	_ =	shalt  }
0x68: {  	_ =	shalt  }
0x69: {  	_ =	shalt  }
0x6a: {  	_ =	shalt  }
0x6b: {  	_ =	shalt  }
0x6c: {  	_ =	shalt  }
0x6d: {  	_ =	shalt  }
0x6e: {  	_ =	shalt  }
0x6f: {  	_ =	shalt  }
0x70: {  	_ =	shalt  }
0x71: {  	_ =	shalt  }
0x72: {  	_ =	shalt  }
0x73: {  	_ =	shalt  }
0x74: {  	_ =	shalt  }
0x75: {  	_ =	shalt  }
0x76: {  	_ =	shalt  }
0x77: {  	_ =	shalt  }
0x78: {  	_ =	shalt  }
0x79: {  	_ =	shalt  }
0x7a: {  	_ =	shalt  }
0x7b: {  	_ =	shalt  }
0x7c: {  	_ =	shalt  }
0x7d: {  	_ =	shalt  }
0x7e: {  	_ =	shalt  }
0x7f: {  	_ =	shalt  }
0x80: {  	_ =	shalt  }
0x81: {  	_ =	shalt  }
0x82: {  	_ =	shalt  }
0x83: {  	_ =	shalt  }
0x84: {  	_ =	shalt  }
0x85: {  	_ =	shalt  }
0x86: {  	_ =	shalt  }
0x87: {  	_ =	shalt  }
.Lfunc_end0:
.L_simem_size_0:
called_computation.1_lowered:
.L_overlay_start_0:
0x88: {  	s2 =	sld [smem:$0x3FD9]  }
0x89: {  	s3 =	sld [smem:$0x3FFE];
	_ =	sdelay $0x1  }
0x8a: {  	s1 =	srdreg.scid  }
0x8b: {  	s0 =	sand.u32 $0x1, s1  }
0x8c: {  	s14 =	sshll.u32 s0, $0xA;
	s2 =	sadd.s32 s3, s2  }
0x8d: {  	s2 =	sadd.s32 s2, s14  }
0x8e: {  	[smem:$0x3FB3] =	sst s2  }
0x8f: {  	_ = 	snop  }
0x90: {  	s2 =	sld [smem:$0x3FD0];
	_ =	sdelay $0x2  }
0x91: {  	s15 =	simm.s32 $0xA;
	s4 =	simm.s32 $0x10  }
0x92: {  	[smem:s4], [sflag:s15] =	dma.local [hbm:s2], $0x1  }
0x93: {  	_ =	swait.eq [sflag:s15], $0x1  }
0x94: {  	[sflag:s15] =	ssyncset.done $0x0  }
0x95: {  	s16 =	sld [smem:$0x10];
	[sflag:s15] =	ssyncadd.s32 $0xFFFFFFFF  }
0x96: {  	s17 =	sld [smem:$0x11];
	(tm) =	ssettm $0x1  }
0x97: {  	s18 =	sld [smem:$0x3FFB];
	_ =	sdelay $0x3  }
0x98: {  	_ =	strace s18  }
0x99: {  	s4 =	sld [smem:$0x3FFC];
	_ =	sdelay $0x3  }
0x9a: {  	_ =	strace s4  }
0x9b: {  	s4 =	sld [smem:$0x3FFD];
	_ =	sdelay $0x3  }
0x9c: {  	_ =	strace s4  }
0x9d: {  	_ =	strace $0x8FFFFFFF  }
0x9e: {  	s19 =	sld [smem:$0x3FDB];
	_ =	sdelay $0x1  }
0x9f: {  	s5 =	simm.s32 $_scs_section_size  }
0xa0: {  	s6 =	simm.s32 $_size__tile_overlayer_lowered;
	s7 =	simm.s32 $_tile_overlayer_lowered  }
0xa1: {  	s22 =	simm.s32 $0x1BFF;
	s21 =	sshll.u32 s7, $0x1;
	s4 =	sadd.s32 s5, s19  }
0xa2: {  	s8 =	simm.s32 $0x0;
	s20 =	sshll.u32 s6, $0x1;
	s6 =	sadd.s32 s21, s4  }
0xa3: {  	[timem:s8], [sflag:s22] =	dma.local [hbm:s6], s20  }
0xa4: {  	_ =	swait.ge [sflag:s22], s20  }
0xa5: {  	s5 =	ssub.s32 $0x0, s20;
	[sflag:s22] =	ssyncset.done $0x0  }
0xa6: {  	[sflag:s22] =	ssyncadd.s32 s5;
	_ =	sdelay $0x1  }
0xa7: {  	s23 =	simm.s32 $0x1B8B  }
0xa8: {  	_ =	swait.ge [sflag:s23], $0x1  }
0xa9: {  	[sflag:s23] =	ssyncset.done $0x0  }
0xaa: {  	s25 =	simm.s32 $0x1B8E;
	s24 =	sld [smem:$0x3FFE];
	[sflag:s23] =	ssyncadd.s32 $0xFFFFFFFF  }
0xab: {  	s26 =	simm.s32 $execute0_lowered;
	[smem:$0x3FD2] =	sst s25  }
0xac: {  	s6 =	sshll.u32 s26, $0x1;
	_ =	strace $0x80000049;
	[dreg:$0x1] =	wrdreg $0xFFFFFFFF  }
0xad: {  	s28 =	simm.s32 $_size_execute0_lowered;
	s4 =	sadd.s32 s4, s6;
	[dreg:$0x0] =	wrdreg $0x0  }
0xae: {  	s6 =	sshll.u32 s28, $0x1;
	[dreg:$0x2] =	wrdreg s4  }
0xaf: {  	[dreg:$0x3] =	wrdreg s6  }
0xb0: {  	[dreg:$0x4] =	wrdreg $0xC0  }
0xb1: {  	_ =	task [dreg:s8], $0x5FFFF  }
0xb2: {  	[dreg:$0x1] =	wrdreg $0xFFFFFFFF  }
0xb3: {  	[dreg:$0x0] =	wrdreg $0x60  }
0xb4: {  	[dreg:$0x2] =	wrdreg s16  }
0xb5: {  	[dreg:$0x3] =	wrdreg s17  }
0xb6: {  	[dreg:$0x4] =	wrdreg s24  }
0xb7: {  	[dreg:$0x5] =	wrdreg $0x9  }
0xb8: {  	_ =	task.clear_ibuf [dreg:s8], $0x6FFFF;
	_ =	strace $0x90000049  }
0xb9: {  	s29 =	simm.s32 $0x9;
	_ =	strace $0x8000004B  }
0xba: {  	_ =	swait.ge [sflag:s29], $0x1  }
0xbb: {  	[sflag:s29] =	ssyncadd.s32 $0xFFFFFFFF  }
0xbc: {  	_ =	strace $0x9000004B  }
0xbd: {  	_ =	sfence  }
0xbe: {  	s30 =	sld [smem:$0x0];
	_ =	sdelay $0x2  }
0xbf: {  	s31 =	sshll.u32 s1, $0xD;
	s1 =	sshrl.u32 s1, $0x2  }
0xc0: {  	s3 =	sand.u32 $0x4000, s31;
	s1 =	sadd.s32 s1, s30  }
0xc1: {  	s0 =	sor.u32 s3, s0;
	s1 =	sshll.u32 s1, $0x11  }
0xc2: {  	s0 =	sor.u32 s1, s0  }
0xc3: {  	s0 =	sadd.s32 $0x8F2B, s0  }
0xc4: {  	[sflag:s0] =	ssyncadd.remote.s32 $0x1  }
0xc5: {  	_ =	sfence.sel $0xFFFF  }
0xc6: {  	[dreg:$0x0] =	wrdreg $0xFFFFFFFF;
	(pc) =	sbr.abs _section_cstart, $3  }
0xc7: {  	[dreg:$0x1] =	wrdreg $0xFFFFFFFF  }
0xc8: {  	_ =	task.clear_ibuf [dreg:s8], $0x2FFFF;
	_ =	strace $0x9FFFFFFF  }
0xc9: {  	(tm) =	ssettm $0x7FFFFFFF  }
tec
execute0_lowered:
.L_overlay_start_1:
0x0: {  	(tag) =	ssettag $0x1  }
0x1: {  	s1 =	rddreg [dreg:$0x0]  }
0x2: {  	s0 =	srdreg.scid;
	s3 =	rddreg [dreg:$0x1]  }
0x3: {  	s2 =	stileid.u32;
	s6 =	rddreg [dreg:$0x2];
	s5 =	simm.s32 $0x0  }
0x4: {  	s10 =	simm.s32 $0x3;
	s12 =	simm.s32 $0x2800;
	s19 =	simm.s32 $0x6000  }
0x5: {  	s20 =	simm.s32 $0x6800;
	s21 =	simm.s32 $0x7000;
	s22 =	simm.s32 $0x7800  }
0x6: {  	s23 =	simm.s32 $0x8000;
	s24 =	simm.s32 $0x8800;
	s25 =	simm.s32 $0x9000  }
0x7: {  	s28 =	simm.s32 $0xA000;
	s29 =	simm.s32 $0xA800;
	s30 =	simm.s32 $0xB000  }
0x8: {  	s31 =	simm.s32 $0xB800;
	s0 =	sand.u32 $0x1, s0;
	s2 =	sshll.u32 s2, $0x1  }
0x9: {  	s9 =	simm.s32 $0x1;
	s11 =	simm.s32 $0x4;
	s2 =	sor.u32 s0, s2  }
0xa: {  	[smem:$0x7FF] =	sst s5;
	s0 =	ssub.s32 $0x2, s0;
	s4 =	smul.u32 $0x1388, s2  }
0xb: {  	s13 =	simm.s32 $0x0;
	_ =	strace $0x8000004A;
	s7 =	sshrl.u32 s0, $0x1  }
.Ltmp0:
0xc: {  	s0 =	ssub.s32 s0, s7;
	s2 =	sshrl.u32 s4, $0x3;
	(pc) =	sbr.rel .LBB2_1-.Ltmp0, $4  }
0xd: {  	s7 =	simm.s32 $0x2;
	s0 =	smax.u32 s0, $0x1;
	s2 =	sadd.s32 s2, s6  }
0xe: {  	v2 =	vlaneseq.u32;
	s6 =	sadd.s32 $0xDC200, s6;
	[dreg:$0x6] =	wrdreg s0;
	s26 =	sadd.s32 $0x89000, s2  }
0xf: {  	vm0 =	vmmov $0xffff;
	v1 =	vshrl.u32 v2, $0x3;
	s0 =	simm.s32 $0xC800;
	s2 =	sadd.s32 $0x84000, s2;
	[dreg:$0x4] =	wrdreg s26  }
0x10: {  	v0 =	vand.u32 $0x7, v2;
	v2 =	vor.u32 $0x8, v2;
	v1 =	vmul.u32 $0x8, v1;
	[dreg:$0x5] =	wrdreg s2;
	s26 =	simm.s32 $0x9800;
	s2 =	simm.s32 $0xC000  }
.LBB2_11:
0x11: {  	s13 =	rddreg [dreg:$0x7]  }
0x12: {  	s8 =	rddreg [dreg:$0x6];
	s13 =	sadd.s32 $0x1, s13  }
0x13: {  	p0 =	sne.s32 s13, s8  }
.Ltmp1:
0x14: {  	_ = 	snop;
	(pc) =	sbr.rel @!p0 .LBB2_12-.Ltmp1, $1  }
0x15: {  	_ =	sdelay $0x3  }
.LBB2_1:
0x16: {  	[dreg:$0x7] =	wrdreg s13  }
0x17: {  	s8 =	rddreg [dreg:$0x4]  }
0x18: {  	[tilespmem:s5], [sflag:$0x3] =	stream.linear.gather [hbm4b:s8+s5], $0x1388, $0x38;
	[tilespmem:$0x16800] =	vst v63  }
0x19: {  	_ =	swait.ge [sflag:s10], $0x1388  }
0x1a: {  	[sflag:s10] =	ssyncset.done $0x0  }
0x1b: {  	s18 =	simm.s32 $0x1400;
	s17 =	rddreg [dreg:$0x5];
	[sflag:s10] =	ssyncadd.s32 $0xFFFFEC78  }
0x1c: {  	[tilespmem:s18], [sflag:$0x3] =	stream.linear.gather [hbm4b:s17+s5], $0x1388, $0x38;
	[tilespmem:$0x16800] =	vst v63  }
0x1d: {  	_ =	swait.ge [sflag:s10], $0x1388  }
0x1e: {  	[sflag:s10] =	ssyncset.done $0x0  }
0x1f: {  	[sflag:s10] =	ssyncadd.s32 $0xFFFFEC78  }
0x20: {  	v3 =	vld [tilespmem:$0x0];
	_ =	sdelay $0x4  }
0x21: {  	v4 =	vshll.u32 v3, $0x1  }
0x22: {  	v3 =	vand.u32 $0x7, v3;
	v4 =	vand.u32 $0xFFFFFFF0, v4  }
0x23: {  	v3 =	vor.u32 v3, v4  }
0x24: {  	v4 =	vperm.xlane v3, v0;
	_ =	sdelay $0x1  }
0x25: {  	v3 =	vperm.xlane v3, v2;
	v4 =	vadd.s32 v1, v4;
	_ =	sdelay $0x1  }
0x26: {  	v3 =	vadd.s32 v1, v3;
	_ =	sdelay $0x2  }
0x27: {  	[tilespmem:s12], [sflag:$0x1] =	stream.indirect_vreg.gather [hbm4b:s1+s5], $0x80, v4, vm0, $0xb8;
	[tilespmem:$0x16800] =	vst v63  }
0x28: {  	s13 =	simm.s32 $0x3000  }
0x29: {  	[tilespmem:s13], [sflag:$0x1] =	stream.indirect_vreg.gather [hbm4b:s1+s5], $0x80, v3, vm0, $0xb8;
	[tilespmem:$0x16800] =	vst v63  }
0x2a: {  	v3 =	vld [tilespmem:$0x10];
	_ =	sdelay $0x4  }
0x2b: {  	v55 =	vshll.u32 v3, $0x1  }
0x2c: {  	v3 =	vand.u32 $0x7, v3;
	v4 =	vand.u32 $0xFFFFFFF0, v55  }
0x2d: {  	v3 =	vor.u32 v3, v4  }
0x2e: {  	v4 =	vperm.xlane v3, v0;
	_ =	sdelay $0x1  }
0x2f: {  	v3 =	vperm.xlane v3, v2;
	v4 =	vadd.s32 v1, v4;
	_ =	sdelay $0x1  }
0x30: {  	v3 =	vadd.s32 v1, v3;
	_ =	sdelay $0x1  }
0x31: {  	s14 =	simm.s32 $0x3800  }
0x32: {  	[tilespmem:s14], [sflag:$0x1] =	stream.indirect_vreg.gather [hbm4b:s1+s5], $0x80, v4, vm0, $0xb8;
	[tilespmem:$0x16800] =	vst v63  }
0x33: {  	s15 =	simm.s32 $0x4000  }
0x34: {  	[tilespmem:s15], [sflag:$0x1] =	stream.indirect_vreg.gather [hbm4b:s1+s5], $0x80, v3, vm0, $0xb8;
	[tilespmem:$0x16800] =	vst v63  }
0x35: {  	v3 =	vld [tilespmem:$0x20];
	_ =	sdelay $0x4  }
0x36: {  	v56 =	vshll.u32 v3, $0x1  }
0x37: {  	v3 =	vand.u32 $0x7, v3;
	v4 =	vand.u32 $0xFFFFFFF0, v56  }
0x38: {  	v3 =	vor.u32 v3, v4  }
0x39: {  	v4 =	vperm.xlane v3, v0;
	_ =	sdelay $0x1  }
0x3a: {  	v3 =	vperm.xlane v3, v2;
	v4 =	vadd.s32 v1, v4;
	_ =	sdelay $0x1  }
0x3b: {  	v3 =	vadd.s32 v1, v3;
	_ =	sdelay $0x1  }
0x3c: {  	s16 =	simm.s32 $0x4800  }
0x3d: {  	[tilespmem:s16], [sflag:$0x1] =	stream.indirect_vreg.gather [hbm4b:s1+s5], $0x80, v4, vm0, $0xb8;
	[tilespmem:$0x16800] =	vst v63  }
0x3e: {  	s17 =	simm.s32 $0x5000  }
0x3f: {  	[tilespmem:s17], [sflag:$0x1] =	stream.indirect_vreg.gather [hbm4b:s1+s5], $0x80, v3, vm0, $0xb8;
	[tilespmem:$0x16800] =	vst v63  }
0x40: {  	v3 =	vld [tilespmem:$0x30];
	_ =	sdelay $0x4  }
0x41: {  	v57 =	vshll.u32 v3, $0x1  }
0x42: {  	v3 =	vand.u32 $0x7, v3;
	v4 =	vand.u32 $0xFFFFFFF0, v57  }
0x43: {  	v3 =	vor.u32 v3, v4  }
0x44: {  	v4 =	vperm.xlane v3, v0;
	_ =	sdelay $0x1  }
0x45: {  	v3 =	vperm.xlane v3, v2;
	v4 =	vadd.s32 v1, v4;
	_ =	sdelay $0x1  }
0x46: {  	v3 =	vadd.s32 v1, v3;
	_ =	sdelay $0x1  }
0x47: {  	s18 =	simm.s32 $0x5800  }
0x48: {  	[tilespmem:s18], [sflag:$0x1] =	stream.indirect_vreg.gather [hbm4b:s1+s5], $0x80, v4, vm0, $0xb8;
	[tilespmem:$0x16800] =	vst v63  }
0x49: {  	_ = 	snop  }
0x4a: {  	[tilespmem:s19], [sflag:$0x1] =	stream.indirect_vreg.gather [hbm4b:s1+s5], $0x80, v3, vm0, $0xb8;
	[tilespmem:$0x16800] =	vst v63  }
0x4b: {  	v3 =	vld [tilespmem:$0x40];
	_ =	sdelay $0x4  }
0x4c: {  	v58 =	vshll.u32 v3, $0x1  }
0x4d: {  	v3 =	vand.u32 $0x7, v3;
	v4 =	vand.u32 $0xFFFFFFF0, v58  }
0x4e: {  	v3 =	vor.u32 v3, v4  }
0x4f: {  	v4 =	vperm.xlane v3, v0;
	_ =	sdelay $0x1  }
0x50: {  	v3 =	vperm.xlane v3, v2;
	v4 =	vadd.s32 v1, v4;
	_ =	sdelay $0x1  }
0x51: {  	v3 =	vadd.s32 v1, v3;
	_ =	sdelay $0x2  }
0x52: {  	[tilespmem:s20], [sflag:$0x1] =	stream.indirect_vreg.gather [hbm4b:s1+s5], $0x80, v4, vm0, $0xb8;
	[tilespmem:$0x16800] =	vst v63  }
0x53: {  	_ = 	snop  }
0x54: {  	[tilespmem:s21], [sflag:$0x1] =	stream.indirect_vreg.gather [hbm4b:s1+s5], $0x80, v3, vm0, $0xb8;
	[tilespmem:$0x16800] =	vst v63  }
0x55: {  	v3 =	vld [tilespmem:$0x1400];
	_ =	sdelay $0x4  }
0x56: {  	v59 =	vshll.u32 v3, $0x1  }
0x57: {  	v3 =	vand.u32 $0x7, v3;
	v4 =	vand.u32 $0xFFFFFFF0, v59  }
0x58: {  	v3 =	vor.u32 v3, v4  }
0x59: {  	v4 =	vperm.xlane v3, v0;
	_ =	sdelay $0x1  }
0x5a: {  	v3 =	vperm.xlane v3, v2;
	v4 =	vadd.s32 v1, v4;
	_ =	sdelay $0x1  }
0x5b: {  	v3 =	vadd.s32 v1, v3;
	_ =	sdelay $0x2  }
0x5c: {  	[tilespmem:s22], [sflag:$0x1] =	stream.indirect_vreg.gather [hbm4b:s3+s5], $0x80, v4, vm0, $0xb8;
	[tilespmem:$0x16800] =	vst v63  }
0x5d: {  	_ = 	snop  }
0x5e: {  	[tilespmem:s23], [sflag:$0x1] =	stream.indirect_vreg.gather [hbm4b:s3+s5], $0x80, v3, vm0, $0xb8;
	[tilespmem:$0x16800] =	vst v63  }
0x5f: {  	v3 =	vld [tilespmem:$0x1410];
	_ =	sdelay $0x4  }
0x60: {  	v60 =	vshll.u32 v3, $0x1  }
0x61: {  	v3 =	vand.u32 $0x7, v3;
	v4 =	vand.u32 $0xFFFFFFF0, v60  }
0x62: {  	v3 =	vor.u32 v3, v4  }
0x63: {  	v4 =	vperm.xlane v3, v0;
	_ =	sdelay $0x1  }
0x64: {  	v3 =	vperm.xlane v3, v2;
	v4 =	vadd.s32 v1, v4;
	_ =	sdelay $0x1  }
0x65: {  	v3 =	vadd.s32 v1, v3;
	_ =	sdelay $0x2  }
0x66: {  	[tilespmem:s24], [sflag:$0x1] =	stream.indirect_vreg.gather [hbm4b:s3+s5], $0x80, v4, vm0, $0xb8;
	[tilespmem:$0x16800] =	vst v63  }
0x67: {  	_ = 	snop  }
0x68: {  	[tilespmem:s25], [sflag:$0x1] =	stream.indirect_vreg.gather [hbm4b:s3+s5], $0x80, v3, vm0, $0xb8;
	[tilespmem:$0x16800] =	vst v63  }
0x69: {  	v3 =	vld [tilespmem:$0x1420];
	_ =	sdelay $0x4  }
0x6a: {  	v61 =	vshll.u32 v3, $0x1  }
0x6b: {  	v3 =	vand.u32 $0x7, v3;
	v4 =	vand.u32 $0xFFFFFFF0, v61  }
0x6c: {  	v3 =	vor.u32 v3, v4  }
0x6d: {  	v4 =	vperm.xlane v3, v0;
	_ =	sdelay $0x1  }
0x6e: {  	v3 =	vperm.xlane v3, v2;
	v4 =	vadd.s32 v1, v4;
	_ =	sdelay $0x1  }
0x6f: {  	v3 =	vadd.s32 v1, v3;
	_ =	sdelay $0x2  }
0x70: {  	[tilespmem:s26], [sflag:$0x1] =	stream.indirect_vreg.gather [hbm4b:s3+s5], $0x80, v4, vm0, $0xb8;
	[tilespmem:$0x16800] =	vst v63  }
0x71: {  	_ = 	snop  }
0x72: {  	[tilespmem:s28], [sflag:$0x1] =	stream.indirect_vreg.gather [hbm4b:s3+s5], $0x80, v3, vm0, $0xb8;
	[tilespmem:$0x16800] =	vst v63  }
0x73: {  	v3 =	vld [tilespmem:$0x1430];
	_ =	sdelay $0x4  }
0x74: {  	v62 =	vshll.u32 v3, $0x1  }
0x75: {  	v3 =	vand.u32 $0x7, v3;
	v4 =	vand.u32 $0xFFFFFFF0, v62  }
0x76: {  	v3 =	vor.u32 v3, v4  }
0x77: {  	v4 =	vperm.xlane v3, v0;
	_ =	sdelay $0x1  }
0x78: {  	v3 =	vperm.xlane v3, v2;
	v4 =	vadd.s32 v1, v4;
	_ =	sdelay $0x1  }
0x79: {  	v3 =	vadd.s32 v1, v3;
	_ =	sdelay $0x2  }
0x7a: {  	[tilespmem:s29], [sflag:$0x1] =	stream.indirect_vreg.gather [hbm4b:s3+s5], $0x80, v4, vm0, $0xb8;
	[tilespmem:$0x16800] =	vst v63  }
0x7b: {  	_ = 	snop  }
0x7c: {  	[tilespmem:s30], [sflag:$0x1] =	stream.indirect_vreg.gather [hbm4b:s3+s5], $0x80, v3, vm0, $0xb8;
	[tilespmem:$0x16800] =	vst v63  }
0x7d: {  	v3 =	vld [tilespmem:$0x1440];
	_ =	sdelay $0x4  }
0x7e: {  	v63 =	vshll.u32 v3, $0x1  }
0x7f: {  	v3 =	vand.u32 $0x7, v3;
	v4 =	vand.u32 $0xFFFFFFF0, v63  }
0x80: {  	v3 =	vor.u32 v3, v4  }
0x81: {  	v4 =	vperm.xlane v3, v0;
	_ =	sdelay $0x1  }
0x82: {  	v3 =	vperm.xlane v3, v2;
	v4 =	vadd.s32 v1, v4;
	_ =	sdelay $0x1  }
0x83: {  	v3 =	vadd.s32 v1, v3  }
.Ltmp2:
0x84: {  	_ = 	snop;
	(pc) =	sbr.rel .LBB2_2-.Ltmp2, $4  }
0x85: {  	_ = 	snop  }
0x86: {  	[tilespmem:s31], [sflag:$0x1] =	stream.indirect_vreg.gather [hbm4b:s3+s5], $0x80, v4, vm0, $0xb8;
	[tilespmem:$0x16800] =	vst v63  }
0x87: {  	s8 =	simm.s32 $0x0  }
0x88: {  	[tilespmem:s2], [sflag:$0x1] =	stream.indirect_vreg.gather [hbm4b:s3+s5], $0x80, v3, vm0, $0xb8;
	[tilespmem:$0x16800] =	vst v63  }
.LBB2_10:
0x89: {  	s8 =	sadd.s32 $0x1, s8  }
0x8a: {  	p0 =	sne.s32 s8, $0x20  }
.Ltmp3:
0x8b: {  	_ = 	snop;
	(pc) =	sbr.rel @!p0 .LBB2_11-.Ltmp3, $1  }
0x8c: {  	_ =	sdelay $0x3  }
.LBB2_2:
0x8d: {  	s13 =	sshllo.u32 s8, $0x1  }
0x8e: {  	p0 =	sgt.u32 s13, $0x3E  }
.Ltmp4:
0x8f: {  	_ = 	snop;
	(pc) =	sbr.rel @p0 .LBB2_4-.Ltmp4, $3  }
0x90: {  	_ = 	snop  }
0x91: {  	s14 =	smul.u32 $0x50, s13;
	_ =	sdelay $0x1  }
0x92: {  	s13 =	smin.u32 s14, $0x1338  }
0x93: {  	v3 =	vld [tilespmem:s13+$0x0];
	_ =	sdelay $0x4  }
0x94: {  	v4 =	vshll.u32 v3, $0x1  }
0x95: {  	v3 =	vand.u32 $0x7, v3;
	v4 =	vand.u32 $0xFFFFFFF0, v4  }
0x96: {  	v3 =	vor.u32 v3, v4  }
0x97: {  	v4 =	vperm.xlane v3, v0;
	_ =	sdelay $0x1  }
0x98: {  	v3 =	vperm.xlane v3, v2;
	v4 =	vadd.s32 v1, v4;
	_ =	sdelay $0x1  }
0x99: {  	v3 =	vadd.s32 v1, v3;
	_ =	sdelay $0x2  }
0x9a: {  	[tilespmem:s0], [sflag:$0x2] =	stream.indirect_vreg.gather [hbm4b:s1+s5], $0x80, v4, vm0, $0xb8;
	[tilespmem:$0x16800] =	vst v63  }
0x9b: {  	s14 =	simm.s32 $0xD000  }
0x9c: {  	[tilespmem:s14], [sflag:$0x2] =	stream.indirect_vreg.gather [hbm4b:s1+s5], $0x80, v3, vm0, $0xb8;
	[tilespmem:$0x16800] =	vst v63  }
0x9d: {  	v3 =	vld [tilespmem:s13+$0x10];
	_ =	sdelay $0x4  }
0x9e: {  	v55 =	vshll.u32 v3, $0x1  }
0x9f: {  	v3 =	vand.u32 $0x7, v3;
	v4 =	vand.u32 $0xFFFFFFF0, v55  }
0xa0: {  	v3 =	vor.u32 v3, v4  }
0xa1: {  	v4 =	vperm.xlane v3, v0;
	_ =	sdelay $0x1  }
0xa2: {  	v3 =	vperm.xlane v3, v2;
	v4 =	vadd.s32 v1, v4;
	_ =	sdelay $0x1  }
0xa3: {  	v3 =	vadd.s32 v1, v3;
	_ =	sdelay $0x1  }
0xa4: {  	s17 =	simm.s32 $0xD800  }
0xa5: {  	[tilespmem:s17], [sflag:$0x2] =	stream.indirect_vreg.gather [hbm4b:s1+s5], $0x80, v4, vm0, $0xb8;
	[tilespmem:$0x16800] =	vst v63  }
0xa6: {  	s18 =	simm.s32 $0xE000  }
0xa7: {  	[tilespmem:s18], [sflag:$0x2] =	stream.indirect_vreg.gather [hbm4b:s1+s5], $0x80, v3, vm0, $0xb8;
	[tilespmem:$0x16800] =	vst v63  }
0xa8: {  	v3 =	vld [tilespmem:s13+$0x20];
	_ =	sdelay $0x4  }
0xa9: {  	v56 =	vshll.u32 v3, $0x1  }
0xaa: {  	v3 =	vand.u32 $0x7, v3;
	v4 =	vand.u32 $0xFFFFFFF0, v56  }
0xab: {  	v3 =	vor.u32 v3, v4  }
0xac: {  	v4 =	vperm.xlane v3, v0;
	_ =	sdelay $0x1  }
0xad: {  	v3 =	vperm.xlane v3, v2;
	v4 =	vadd.s32 v1, v4;
	_ =	sdelay $0x1  }
0xae: {  	v3 =	vadd.s32 v1, v3;
	_ =	sdelay $0x1  }
0xaf: {  	s15 =	simm.s32 $0xE800  }
0xb0: {  	[tilespmem:s15], [sflag:$0x2] =	stream.indirect_vreg.gather [hbm4b:s1+s5], $0x80, v4, vm0, $0xb8;
	[tilespmem:$0x16800] =	vst v63  }
0xb1: {  	s16 =	simm.s32 $0xF000  }
0xb2: {  	[tilespmem:s16], [sflag:$0x2] =	stream.indirect_vreg.gather [hbm4b:s1+s5], $0x80, v3, vm0, $0xb8;
	[tilespmem:$0x16800] =	vst v63  }
0xb3: {  	v3 =	vld [tilespmem:s13+$0x30];
	_ =	sdelay $0x4  }
0xb4: {  	v57 =	vshll.u32 v3, $0x1  }
0xb5: {  	v3 =	vand.u32 $0x7, v3;
	v4 =	vand.u32 $0xFFFFFFF0, v57  }
0xb6: {  	v3 =	vor.u32 v3, v4  }
0xb7: {  	v4 =	vperm.xlane v3, v0;
	_ =	sdelay $0x1  }
0xb8: {  	v3 =	vperm.xlane v3, v2;
	v4 =	vadd.s32 v1, v4;
	_ =	sdelay $0x1  }
0xb9: {  	v3 =	vadd.s32 v1, v3;
	_ =	sdelay $0x1  }
0xba: {  	s17 =	simm.s32 $0xF800  }
0xbb: {  	[tilespmem:s17], [sflag:$0x2] =	stream.indirect_vreg.gather [hbm4b:s1+s5], $0x80, v4, vm0, $0xb8;
	[tilespmem:$0x16800] =	vst v63  }
0xbc: {  	s18 =	simm.s32 $0x10000  }
0xbd: {  	[tilespmem:s18], [sflag:$0x2] =	stream.indirect_vreg.gather [hbm4b:s1+s5], $0x80, v3, vm0, $0xb8;
	[tilespmem:$0x16800] =	vst v63  }
0xbe: {  	v3 =	vld [tilespmem:s13+$0x40];
	_ =	sdelay $0x4  }
0xbf: {  	v58 =	vshll.u32 v3, $0x1  }
0xc0: {  	v3 =	vand.u32 $0x7, v3;
	v4 =	vand.u32 $0xFFFFFFF0, v58  }
0xc1: {  	v3 =	vor.u32 v3, v4  }
0xc2: {  	v4 =	vperm.xlane v3, v0;
	_ =	sdelay $0x1  }
0xc3: {  	v3 =	vperm.xlane v3, v2;
	v4 =	vadd.s32 v1, v4;
	_ =	sdelay $0x1  }
0xc4: {  	v3 =	vadd.s32 v1, v3;
	_ =	sdelay $0x1  }
0xc5: {  	s15 =	simm.s32 $0x10800  }
0xc6: {  	[tilespmem:s15], [sflag:$0x2] =	stream.indirect_vreg.gather [hbm4b:s1+s5], $0x80, v4, vm0, $0xb8;
	[tilespmem:$0x16800] =	vst v63  }
0xc7: {  	s16 =	simm.s32 $0x11000  }
0xc8: {  	[tilespmem:s16], [sflag:$0x2] =	stream.indirect_vreg.gather [hbm4b:s1+s5], $0x80, v3, vm0, $0xb8;
	[tilespmem:$0x16800] =	vst v63  }
0xc9: {  	v3 =	vld [tilespmem:s13+$0x1400];
	_ =	sdelay $0x4  }
0xca: {  	v59 =	vshll.u32 v3, $0x1  }
0xcb: {  	v3 =	vand.u32 $0x7, v3;
	v4 =	vand.u32 $0xFFFFFFF0, v59  }
0xcc: {  	v3 =	vor.u32 v3, v4  }
0xcd: {  	v4 =	vperm.xlane v3, v0;
	_ =	sdelay $0x1  }
0xce: {  	v3 =	vperm.xlane v3, v2;
	v4 =	vadd.s32 v1, v4;
	_ =	sdelay $0x1  }
0xcf: {  	v3 =	vadd.s32 v1, v3;
	_ =	sdelay $0x1  }
0xd0: {  	s17 =	simm.s32 $0x11800  }
0xd1: {  	[tilespmem:s17], [sflag:$0x2] =	stream.indirect_vreg.gather [hbm4b:s3+s5], $0x80, v4, vm0, $0xb8;
	[tilespmem:$0x16800] =	vst v63  }
0xd2: {  	s18 =	simm.s32 $0x12000  }
0xd3: {  	[tilespmem:s18], [sflag:$0x2] =	stream.indirect_vreg.gather [hbm4b:s3+s5], $0x80, v3, vm0, $0xb8;
	[tilespmem:$0x16800] =	vst v63  }
0xd4: {  	v3 =	vld [tilespmem:s13+$0x1410];
	_ =	sdelay $0x4  }
0xd5: {  	v60 =	vshll.u32 v3, $0x1  }
0xd6: {  	v3 =	vand.u32 $0x7, v3;
	v4 =	vand.u32 $0xFFFFFFF0, v60  }
0xd7: {  	v3 =	vor.u32 v3, v4  }
0xd8: {  	v4 =	vperm.xlane v3, v0;
	_ =	sdelay $0x1  }
0xd9: {  	v3 =	vperm.xlane v3, v2;
	v4 =	vadd.s32 v1, v4;
	_ =	sdelay $0x1  }
0xda: {  	v3 =	vadd.s32 v1, v3;
	_ =	sdelay $0x1  }
0xdb: {  	s15 =	simm.s32 $0x12800  }
0xdc: {  	[tilespmem:s15], [sflag:$0x2] =	stream.indirect_vreg.gather [hbm4b:s3+s5], $0x80, v4, vm0, $0xb8;
	[tilespmem:$0x16800] =	vst v63  }
0xdd: {  	s16 =	simm.s32 $0x13000  }
0xde: {  	[tilespmem:s16], [sflag:$0x2] =	stream.indirect_vreg.gather [hbm4b:s3+s5], $0x80, v3, vm0, $0xb8;
	[tilespmem:$0x16800] =	vst v63  }
0xdf: {  	v3 =	vld [tilespmem:s13+$0x1420];
	_ =	sdelay $0x4  }
0xe0: {  	v61 =	vshll.u32 v3, $0x1  }
0xe1: {  	v3 =	vand.u32 $0x7, v3;
	v4 =	vand.u32 $0xFFFFFFF0, v61  }
0xe2: {  	v3 =	vor.u32 v3, v4  }
0xe3: {  	v4 =	vperm.xlane v3, v0;
	_ =	sdelay $0x1  }
0xe4: {  	v3 =	vperm.xlane v3, v2;
	v4 =	vadd.s32 v1, v4;
	_ =	sdelay $0x1  }
0xe5: {  	v3 =	vadd.s32 v1, v3;
	_ =	sdelay $0x1  }
0xe6: {  	s17 =	simm.s32 $0x13800  }
0xe7: {  	[tilespmem:s17], [sflag:$0x2] =	stream.indirect_vreg.gather [hbm4b:s3+s5], $0x80, v4, vm0, $0xb8;
	[tilespmem:$0x16800] =	vst v63  }
0xe8: {  	s18 =	simm.s32 $0x14000  }
0xe9: {  	[tilespmem:s18], [sflag:$0x2] =	stream.indirect_vreg.gather [hbm4b:s3+s5], $0x80, v3, vm0, $0xb8;
	[tilespmem:$0x16800] =	vst v63  }
0xea: {  	v3 =	vld [tilespmem:s13+$0x1430];
	_ =	sdelay $0x4  }
0xeb: {  	v62 =	vshll.u32 v3, $0x1  }
0xec: {  	v3 =	vand.u32 $0x7, v3;
	v4 =	vand.u32 $0xFFFFFFF0, v62  }
0xed: {  	v3 =	vor.u32 v3, v4  }
0xee: {  	v4 =	vperm.xlane v3, v0;
	_ =	sdelay $0x1  }
0xef: {  	v3 =	vperm.xlane v3, v2;
	v4 =	vadd.s32 v1, v4;
	_ =	sdelay $0x1  }
0xf0: {  	v3 =	vadd.s32 v1, v3;
	_ =	sdelay $0x1  }
0xf1: {  	s15 =	simm.s32 $0x14800  }
0xf2: {  	[tilespmem:s15], [sflag:$0x2] =	stream.indirect_vreg.gather [hbm4b:s3+s5], $0x80, v4, vm0, $0xb8;
	[tilespmem:$0x16800] =	vst v63  }
0xf3: {  	s16 =	simm.s32 $0x15000  }
0xf4: {  	[tilespmem:s16], [sflag:$0x2] =	stream.indirect_vreg.gather [hbm4b:s3+s5], $0x80, v3, vm0, $0xb8;
	[tilespmem:$0x16800] =	vst v63  }
0xf5: {  	v3 =	vld [tilespmem:s13+$0x1440];
	_ =	sdelay $0x4  }
0xf6: {  	v63 =	vshll.u32 v3, $0x1  }
0xf7: {  	v3 =	vand.u32 $0x7, v3;
	v4 =	vand.u32 $0xFFFFFFF0, v63  }
0xf8: {  	v3 =	vor.u32 v3, v4  }
0xf9: {  	v4 =	vperm.xlane v3, v0;
	_ =	sdelay $0x1  }
0xfa: {  	v3 =	vperm.xlane v3, v2;
	v4 =	vadd.s32 v1, v4;
	_ =	sdelay $0x1  }
0xfb: {  	v3 =	vadd.s32 v1, v3;
	_ =	sdelay $0x1  }
0xfc: {  	s17 =	simm.s32 $0x15800  }
0xfd: {  	[tilespmem:s17], [sflag:$0x2] =	stream.indirect_vreg.gather [hbm4b:s3+s5], $0x80, v4, vm0, $0xb8;
	[tilespmem:$0x16800] =	vst v63  }
0xfe: {  	s18 =	simm.s32 $0x16000  }
0xff: {  	[tilespmem:s18], [sflag:$0x2] =	stream.indirect_vreg.gather [hbm4b:s3+s5], $0x80, v3, vm0, $0xb8;
	[tilespmem:$0x16800] =	vst v63  }
.LBB2_4:
0x100: {  	_ =	swait.ge [sflag:s9], $0x5000  }
0x101: {  	[sflag:s9] =	ssyncset.done $0x0  }
0x102: {  	[sflag:s9] =	ssyncadd.s32 $0xFFFFB000  }
0x103: {  	s14 =	simm.s32 $0x0;
	_ =	swait.ge [sflag:s9], $0x5000  }
0x104: {  	s15 =	sand.u32 $0x7800, s14;
	s14 =	sand.u32 $0x380, s14;
	[sflag:s9] =	ssyncset.done $0x0  }
0x105: {  	s14 =	sor.u32 s14, s15;
	[sflag:s9] =	ssyncadd.s32 $0xFFFFB000  }
0x106: {  	v10 =	vld [tilespmem:s14+$0x7800]  }
0x107: {  	v11 =	vld [tilespmem:s14+$0x7810]  }
0x108: {  	v12 =	vld [tilespmem:s14+$0x7820]  }
0x109: {  	v13 =	vld [tilespmem:s14+$0x7830]  }
0x10a: {  	v14 =	vld [tilespmem:s14+$0x7840]  }
0x10b: {  	v15 =	vld [tilespmem:s14+$0x7850]  }
0x10c: {  	v16 =	vld [tilespmem:s14+$0x7860]  }
0x10d: {  	v17 =	vld [tilespmem:s14+$0x7870]  }
0x10e: {  	v18 =	vld [tilespmem:s14+$0x7C00]  }
0x10f: {  	v9 =	vld [tilespmem:s14+$0x7C10]  }
0x110: {  	v8 =	vld [tilespmem:s14+$0x7C20]  }
0x111: {  	v7 =	vld [tilespmem:s14+$0x7C30]  }
0x112: {  	v6 =	vld [tilespmem:s14+$0x7C40]  }
0x113: {  	v5 =	vld [tilespmem:s14+$0x7C50]  }
0x114: {  	v4 =	vld [tilespmem:s14+$0x7C60]  }
0x115: {  	v3 =	vld [tilespmem:s14+$0x7C70]  }
0x116: {  	v19 =	vld [tilespmem:s14+$0x2800]  }
0x117: {  	v20 =	vld [tilespmem:s14+$0x2810]  }
0x118: {  	v21 =	vld [tilespmem:s14+$0x2820]  }
0x119: {  	v22 =	vld [tilespmem:s14+$0x2830]  }
0x11a: {  	v23 =	vld [tilespmem:s14+$0x2840]  }
0x11b: {  	v10 =	vadd.f32 v10, v19;
	v19 =	vld [tilespmem:s14+$0x2850]  }
0x11c: {  	v62 =	vld [tilespmem:s14+$0x2860];
	v11 =	vadd.f32 v11, v20  }
0x11d: {  	v63 =	vld [tilespmem:s14+$0x2870];
	[tilespmem:s14+$0x2800] =	vst v10;
	v10 =	vadd.f32 v12, v21  }
0x11e: {  	[tilespmem:s14+$0x2810] =	vst v11;
	v11 =	vadd.f32 v13, v22;
	v13 =	vld [tilespmem:s14+$0x2C00]  }
0x11f: {  	[tilespmem:s14+$0x2820] =	vst v10;
	v10 =	vadd.f32 v14, v23;
	v14 =	vld [tilespmem:s14+$0x2C10]  }
0x120: {  	v12 =	vld [tilespmem:s14+$0x2C20];
	[tilespmem:s14+$0x2830] =	vst v11;
	v11 =	vadd.f32 v15, v19  }
0x121: {  	v15 =	vadd.f32 v16, v62;
	[tilespmem:s14+$0x2840] =	vst v10;
	v10 =	vld [tilespmem:s14+$0x2C30]  }
0x122: {  	v16 =	vadd.f32 v17, v63;
	[tilespmem:s14+$0x2850] =	vst v11;
	v11 =	vld [tilespmem:s14+$0x2C40]  }
0x123: {  	s16 =	simm.s32 $0x100;
	s15 =	simm.s32 $0x80;
	[tilespmem:s14+$0x2860] =	vst v15;
	v15 =	vadd.f32 v18, v13;
	v13 =	vld [tilespmem:s14+$0x2C50]  }
.LBB2_5:
0x124: {  	s17 =	sand.u32 $0x7800, s16;
	s18 =	sand.u32 $0x380, s15;
	p1 =	sne.s32 s16, $0x4F00;
	[tilespmem:s14+$0x2870] =	vst v16;
	v9 =	vadd.f32 v9, v14;
	v14 =	vld [tilespmem:s14+$0x2C60]  }
0x125: {  	s17 =	sor.u32 s18, s17;
	[tilespmem:s14+$0x2C00] =	vst v15;
	v8 =	vadd.f32 v8, v12;
	v12 =	vld [tilespmem:s14+$0x2C70]  }
0x126: {  	v15 =	vld [tilespmem:s17+$0x7800];
	[tilespmem:s14+$0x2C10] =	vst v9;
	v7 =	vadd.f32 v7, v10  }
0x127: {  	v10 =	vld [tilespmem:s17+$0x7810];
	[tilespmem:s14+$0x2C20] =	vst v8;
	v6 =	vadd.f32 v6, v11  }
0x128: {  	v11 =	vld [tilespmem:s17+$0x7820];
	[tilespmem:s14+$0x2C30] =	vst v7;
	v5 =	vadd.f32 v5, v13  }
0x129: {  	v13 =	vld [tilespmem:s17+$0x7830];
	[tilespmem:s14+$0x2C40] =	vst v6;
	v4 =	vadd.f32 v4, v14  }
0x12a: {  	v14 =	vld [tilespmem:s17+$0x7840];
	[tilespmem:s14+$0x2C50] =	vst v5;
	v3 =	vadd.f32 v3, v12  }
0x12b: {  	v12 =	vld [tilespmem:s17+$0x7850];
	[tilespmem:s14+$0x2C60] =	vst v4  }
0x12c: {  	v16 =	vld [tilespmem:s17+$0x7860];
	[tilespmem:s14+$0x2C70] =	vst v3;
	s14 =	smov.u32 s17  }
0x12d: {  	v17 =	vld [tilespmem:s14+$0x7870]  }
0x12e: {  	v18 =	vld [tilespmem:s14+$0x7C00]  }
0x12f: {  	v9 =	vld [tilespmem:s14+$0x7C10]  }
0x130: {  	v8 =	vld [tilespmem:s14+$0x7C20]  }
0x131: {  	v7 =	vld [tilespmem:s14+$0x7C30]  }
0x132: {  	v6 =	vld [tilespmem:s14+$0x7C40]  }
0x133: {  	v5 =	vld [tilespmem:s14+$0x7C50]  }
0x134: {  	v4 =	vld [tilespmem:s14+$0x7C60]  }
0x135: {  	v3 =	vld [tilespmem:s14+$0x7C70]  }
0x136: {  	v19 =	vld [tilespmem:s14+$0x2800]  }
0x137: {  	v20 =	vld [tilespmem:s14+$0x2810]  }
0x138: {  	v21 =	vld [tilespmem:s14+$0x2820]  }
0x139: {  	v22 =	vld [tilespmem:s14+$0x2830]  }
0x13a: {  	v23 =	vld [tilespmem:s14+$0x2840]  }
0x13b: {  	v15 =	vadd.f32 v15, v19;
	v19 =	vld [tilespmem:s14+$0x2850]  }
0x13c: {  	v10 =	vadd.f32 v10, v20;
	v20 =	vld [tilespmem:s14+$0x2860]  }
0x13d: {  	[tilespmem:s14+$0x2800] =	vst v15;
	v11 =	vadd.f32 v11, v21;
	v15 =	vld [tilespmem:s14+$0x2870]  }
0x13e: {  	[tilespmem:s14+$0x2810] =	vst v10;
	v10 =	vadd.f32 v13, v22;
	v13 =	vld [tilespmem:s14+$0x2C00]  }
.Ltmp5:
0x13f: {  	[tilespmem:s14+$0x2820] =	vst v11;
	v11 =	vadd.f32 v14, v23;
	v14 =	vld [tilespmem:s14+$0x2C10];
	(pc) =	sbr.rel @p1 .LBB2_5-.Ltmp5, $4  }
0x140: {  	[tilespmem:s14+$0x2830] =	vst v10;
	v19 =	vadd.f32 v12, v19;
	v12 =	vld [tilespmem:s14+$0x2C20]  }
0x141: {  	[tilespmem:s14+$0x2840] =	vst v11;
	v20 =	vadd.f32 v16, v20;
	v10 =	vld [tilespmem:s14+$0x2C30]  }
0x142: {  	[tilespmem:s14+$0x2850] =	vst v19;
	v16 =	vadd.f32 v17, v15;
	v11 =	vld [tilespmem:s14+$0x2C40]  }
0x143: {  	s15 =	sadd.s32 $0x80, s15;
	s16 =	sadd.s32 $0x100, s16;
	[tilespmem:s14+$0x2860] =	vst v20;
	v15 =	vadd.f32 v18, v13;
	v13 =	vld [tilespmem:s14+$0x2C50]  }
0x144: {  	[tilespmem:s14+$0x2870] =	vst v16;
	v9 =	vadd.f32 v9, v14;
	v62 =	vld [tilespmem:s14+$0x2C60]  }
0x145: {  	v63 =	vld [tilespmem:s14+$0x2C70];
	[tilespmem:s14+$0x2C00] =	vst v15;
	v8 =	vadd.f32 v8, v12  }
0x146: {  	[tilespmem:s14+$0x2C10] =	vst v9;
	v7 =	vadd.f32 v7, v10  }
0x147: {  	s15 =	smul.u32 $0xA0, s8;
	[tilespmem:s14+$0x2C20] =	vst v8;
	v6 =	vadd.f32 v6, v11  }
0x148: {  	[tilespmem:s14+$0x2C30] =	vst v7;
	v5 =	vadd.f32 v5, v13  }
0x149: {  	s16 =	smin.u32 s15, $0x1338;
	[tilespmem:s14+$0x2C40] =	vst v6;
	v4 =	vadd.f32 v4, v62  }
0x14a: {  	s16 =	sadd.s32 s4, s16;
	v3 =	vadd.f32 v3, v63;
	[tilespmem:s14+$0x2C50] =	vst v5  }
0x14b: {  	s16 =	sshll.u32 s16, $0x5;
	[tilespmem:s14+$0x2C60] =	vst v4  }
.Ltmp6:
0x14c: {  	s18 =	sadd.s32 s6, s16;
	[tilespmem:s14+$0x2C70] =	vst v3;
	(pc) =	sbr.rel @p0 .LBB2_10-.Ltmp6, $4  }
0x14d: {  	[hbm4b:s18+s5] =	stream.linear.scatter [tilespmem:s12], [sflag:$0x4], $0x5000, $0x38;
	[tilespmem:$0x16800] =	vst v63  }
0x14e: {  	_ =	swait.ge [sflag:s11], $0x5000  }
0x14f: {  	[sflag:s11] =	ssyncset.done $0x0  }
0x150: {  	[sflag:s11] =	ssyncadd.s32 $0xFFFFB000  }
0x151: {  	s15 =	smin.u32 s15, $0x1298  }
0x152: {  	v3 =	vld [tilespmem:s15+$0xA0];
	_ =	sdelay $0x4  }
0x153: {  	v4 =	vshll.u32 v3, $0x1  }
0x154: {  	v3 =	vand.u32 $0x7, v3;
	v4 =	vand.u32 $0xFFFFFFF0, v4  }
0x155: {  	v3 =	vor.u32 v3, v4  }
0x156: {  	v4 =	vperm.xlane v3, v0;
	_ =	sdelay $0x1  }
0x157: {  	v3 =	vperm.xlane v3, v2;
	v4 =	vadd.s32 v1, v4;
	_ =	sdelay $0x1  }
0x158: {  	v3 =	vadd.s32 v1, v3;
	_ =	sdelay $0x1  }
0x159: {  	s14 =	simm.s32 $0x0  }
0x15a: {  	[tilespmem:s12], [sflag:$0x1] =	stream.indirect_vreg.gather [hbm4b:s1+s14], $0x80, v4, vm0, $0xb8;
	[tilespmem:$0x16800] =	vst v63  }
0x15b: {  	s16 =	simm.s32 $0x3000  }
0x15c: {  	[tilespmem:s16], [sflag:$0x1] =	stream.indirect_vreg.gather [hbm4b:s1+s14], $0x80, v3, vm0, $0xb8;
	[tilespmem:$0x16800] =	vst v63  }
0x15d: {  	v3 =	vld [tilespmem:s15+$0xB0];
	_ =	sdelay $0x4  }
0x15e: {  	v4 =	vshll.u32 v3, $0x1  }
0x15f: {  	v3 =	vand.u32 $0x7, v3;
	v4 =	vand.u32 $0xFFFFFFF0, v4  }
0x160: {  	v3 =	vor.u32 v3, v4  }
0x161: {  	v4 =	vperm.xlane v3, v0;
	_ =	sdelay $0x1  }
0x162: {  	v3 =	vperm.xlane v3, v2;
	v4 =	vadd.s32 v1, v4;
	_ =	sdelay $0x1  }
0x163: {  	v3 =	vadd.s32 v1, v3;
	_ =	sdelay $0x1  }
0x164: {  	s17 =	simm.s32 $0x3800  }
0x165: {  	[tilespmem:s17], [sflag:$0x1] =	stream.indirect_vreg.gather [hbm4b:s1+s14], $0x80, v4, vm0, $0xb8;
	[tilespmem:$0x16800] =	vst v63  }
0x166: {  	s18 =	simm.s32 $0x4000  }
0x167: {  	[tilespmem:s18], [sflag:$0x1] =	stream.indirect_vreg.gather [hbm4b:s1+s14], $0x80, v3, vm0, $0xb8;
	[tilespmem:$0x16800] =	vst v63  }
0x168: {  	v3 =	vld [tilespmem:s15+$0xC0];
	_ =	sdelay $0x4  }
0x169: {  	v4 =	vshll.u32 v3, $0x1  }
0x16a: {  	v3 =	vand.u32 $0x7, v3;
	v4 =	vand.u32 $0xFFFFFFF0, v4  }
0x16b: {  	v3 =	vor.u32 v3, v4  }
0x16c: {  	v4 =	vperm.xlane v3, v0;
	_ =	sdelay $0x1  }
0x16d: {  	v3 =	vperm.xlane v3, v2;
	v4 =	vadd.s32 v1, v4;
	_ =	sdelay $0x1  }
0x16e: {  	v3 =	vadd.s32 v1, v3;
	_ =	sdelay $0x1  }
0x16f: {  	s17 =	simm.s32 $0x4800  }
0x170: {  	[tilespmem:s17], [sflag:$0x1] =	stream.indirect_vreg.gather [hbm4b:s1+s14], $0x80, v4, vm0, $0xb8;
	[tilespmem:$0x16800] =	vst v63  }
0x171: {  	s18 =	simm.s32 $0x5000  }
0x172: {  	[tilespmem:s18], [sflag:$0x1] =	stream.indirect_vreg.gather [hbm4b:s1+s14], $0x80, v3, vm0, $0xb8;
	[tilespmem:$0x16800] =	vst v63  }
0x173: {  	v3 =	vld [tilespmem:s15+$0xD0];
	_ =	sdelay $0x4  }
0x174: {  	v4 =	vshll.u32 v3, $0x1  }
0x175: {  	v3 =	vand.u32 $0x7, v3;
	v4 =	vand.u32 $0xFFFFFFF0, v4  }
0x176: {  	v3 =	vor.u32 v3, v4  }
0x177: {  	v4 =	vperm.xlane v3, v0;
	_ =	sdelay $0x1  }
0x178: {  	v3 =	vperm.xlane v3, v2;
	v4 =	vadd.s32 v1, v4;
	_ =	sdelay $0x1  }
0x179: {  	v3 =	vadd.s32 v1, v3;
	_ =	sdelay $0x1  }
0x17a: {  	s17 =	simm.s32 $0x5800  }
0x17b: {  	[tilespmem:s17], [sflag:$0x1] =	stream.indirect_vreg.gather [hbm4b:s1+s14], $0x80, v4, vm0, $0xb8;
	[tilespmem:$0x16800] =	vst v63  }
0x17c: {  	_ = 	snop  }
0x17d: {  	[tilespmem:s19], [sflag:$0x1] =	stream.indirect_vreg.gather [hbm4b:s1+s14], $0x80, v3, vm0, $0xb8;
	[tilespmem:$0x16800] =	vst v63  }
0x17e: {  	v3 =	vld [tilespmem:s15+$0xE0];
	_ =	sdelay $0x4  }
0x17f: {  	v4 =	vshll.u32 v3, $0x1  }
0x180: {  	v3 =	vand.u32 $0x7, v3;
	v4 =	vand.u32 $0xFFFFFFF0, v4  }
0x181: {  	v3 =	vor.u32 v3, v4  }
0x182: {  	v4 =	vperm.xlane v3, v0;
	_ =	sdelay $0x1  }
0x183: {  	v3 =	vperm.xlane v3, v2;
	v4 =	vadd.s32 v1, v4;
	_ =	sdelay $0x1  }
0x184: {  	v3 =	vadd.s32 v1, v3;
	_ =	sdelay $0x2  }
0x185: {  	[tilespmem:s20], [sflag:$0x1] =	stream.indirect_vreg.gather [hbm4b:s1+s14], $0x80, v4, vm0, $0xb8;
	[tilespmem:$0x16800] =	vst v63  }
0x186: {  	_ = 	snop  }
0x187: {  	[tilespmem:s21], [sflag:$0x1] =	stream.indirect_vreg.gather [hbm4b:s1+s14], $0x80, v3, vm0, $0xb8;
	[tilespmem:$0x16800] =	vst v63  }
0x188: {  	v3 =	vld [tilespmem:s15+$0x14A0];
	_ =	sdelay $0x4  }
0x189: {  	v4 =	vshll.u32 v3, $0x1  }
0x18a: {  	v3 =	vand.u32 $0x7, v3;
	v4 =	vand.u32 $0xFFFFFFF0, v4  }
0x18b: {  	v3 =	vor.u32 v3, v4  }
0x18c: {  	v4 =	vperm.xlane v3, v0;
	_ =	sdelay $0x1  }
0x18d: {  	v3 =	vperm.xlane v3, v2;
	v4 =	vadd.s32 v1, v4;
	_ =	sdelay $0x1  }
0x18e: {  	v3 =	vadd.s32 v1, v3;
	_ =	sdelay $0x2  }
0x18f: {  	[tilespmem:s22], [sflag:$0x1] =	stream.indirect_vreg.gather [hbm4b:s3+s14], $0x80, v4, vm0, $0xb8;
	[tilespmem:$0x16800] =	vst v63  }
0x190: {  	_ = 	snop  }
0x191: {  	[tilespmem:s23], [sflag:$0x1] =	stream.indirect_vreg.gather [hbm4b:s3+s14], $0x80, v3, vm0, $0xb8;
	[tilespmem:$0x16800] =	vst v63  }
0x192: {  	v3 =	vld [tilespmem:s15+$0x14B0];
	_ =	sdelay $0x4  }
0x193: {  	v4 =	vshll.u32 v3, $0x1  }
0x194: {  	v3 =	vand.u32 $0x7, v3;
	v4 =	vand.u32 $0xFFFFFFF0, v4  }
0x195: {  	v3 =	vor.u32 v3, v4  }
0x196: {  	v4 =	vperm.xlane v3, v0;
	_ =	sdelay $0x1  }
0x197: {  	v3 =	vperm.xlane v3, v2;
	v4 =	vadd.s32 v1, v4;
	_ =	sdelay $0x1  }
0x198: {  	v3 =	vadd.s32 v1, v3;
	_ =	sdelay $0x2  }
0x199: {  	[tilespmem:s24], [sflag:$0x1] =	stream.indirect_vreg.gather [hbm4b:s3+s14], $0x80, v4, vm0, $0xb8;
	[tilespmem:$0x16800] =	vst v63  }
0x19a: {  	_ = 	snop  }
0x19b: {  	[tilespmem:s25], [sflag:$0x1] =	stream.indirect_vreg.gather [hbm4b:s3+s14], $0x80, v3, vm0, $0xb8;
	[tilespmem:$0x16800] =	vst v63  }
0x19c: {  	v3 =	vld [tilespmem:s15+$0x14C0];
	_ =	sdelay $0x4  }
0x19d: {  	v4 =	vshll.u32 v3, $0x1  }
0x19e: {  	v3 =	vand.u32 $0x7, v3;
	v4 =	vand.u32 $0xFFFFFFF0, v4  }
0x19f: {  	v3 =	vor.u32 v3, v4  }
0x1a0: {  	v4 =	vperm.xlane v3, v0;
	_ =	sdelay $0x1  }
0x1a1: {  	v3 =	vperm.xlane v3, v2;
	v4 =	vadd.s32 v1, v4;
	_ =	sdelay $0x1  }
0x1a2: {  	v3 =	vadd.s32 v1, v3;
	_ =	sdelay $0x2  }
0x1a3: {  	[tilespmem:s26], [sflag:$0x1] =	stream.indirect_vreg.gather [hbm4b:s3+s14], $0x80, v4, vm0, $0xb8;
	[tilespmem:$0x16800] =	vst v63  }
0x1a4: {  	_ = 	snop  }
0x1a5: {  	[tilespmem:s28], [sflag:$0x1] =	stream.indirect_vreg.gather [hbm4b:s3+s14], $0x80, v3, vm0, $0xb8;
	[tilespmem:$0x16800] =	vst v63  }
0x1a6: {  	v3 =	vld [tilespmem:s15+$0x14D0];
	_ =	sdelay $0x4  }
0x1a7: {  	v4 =	vshll.u32 v3, $0x1  }
0x1a8: {  	v3 =	vand.u32 $0x7, v3;
	v4 =	vand.u32 $0xFFFFFFF0, v4  }
0x1a9: {  	v3 =	vor.u32 v3, v4  }
0x1aa: {  	v4 =	vperm.xlane v3, v0;
	_ =	sdelay $0x1  }
0x1ab: {  	v3 =	vperm.xlane v3, v2;
	v4 =	vadd.s32 v1, v4;
	_ =	sdelay $0x1  }
0x1ac: {  	v3 =	vadd.s32 v1, v3;
	_ =	sdelay $0x2  }
0x1ad: {  	[tilespmem:s29], [sflag:$0x1] =	stream.indirect_vreg.gather [hbm4b:s3+s14], $0x80, v4, vm0, $0xb8;
	[tilespmem:$0x16800] =	vst v63  }
0x1ae: {  	_ = 	snop  }
0x1af: {  	[tilespmem:s30], [sflag:$0x1] =	stream.indirect_vreg.gather [hbm4b:s3+s14], $0x80, v3, vm0, $0xb8;
	[tilespmem:$0x16800] =	vst v63  }
0x1b0: {  	v3 =	vld [tilespmem:s15+$0x14E0];
	_ =	sdelay $0x4  }
0x1b1: {  	v4 =	vshll.u32 v3, $0x1  }
0x1b2: {  	v3 =	vand.u32 $0x7, v3;
	v4 =	vand.u32 $0xFFFFFFF0, v4  }
0x1b3: {  	v3 =	vor.u32 v3, v4  }
0x1b4: {  	v4 =	vperm.xlane v3, v0;
	_ =	sdelay $0x1  }
0x1b5: {  	v3 =	vperm.xlane v3, v2;
	v4 =	vadd.s32 v1, v4;
	_ =	sdelay $0x1  }
0x1b6: {  	v3 =	vadd.s32 v1, v3;
	_ =	sdelay $0x2  }
0x1b7: {  	[tilespmem:s31], [sflag:$0x1] =	stream.indirect_vreg.gather [hbm4b:s3+s14], $0x80, v4, vm0, $0xb8;
	[tilespmem:$0x16800] =	vst v63  }
0x1b8: {  	_ = 	snop  }
0x1b9: {  	[tilespmem:s2], [sflag:$0x1] =	stream.indirect_vreg.gather [hbm4b:s3+s14], $0x80, v3, vm0, $0xb8;
	[tilespmem:$0x16800] =	vst v63  }
0x1ba: {  	_ =	swait.ge [sflag:s7], $0x5000  }
0x1bb: {  	[sflag:s7] =	ssyncset.done $0x0  }
0x1bc: {  	[sflag:s7] =	ssyncadd.s32 $0xFFFFB000  }
0x1bd: {  	_ =	swait.ge [sflag:s7], $0x5000  }
0x1be: {  	s18 =	sand.u32 $0x7800, s14;
	s14 =	sand.u32 $0x380, s14;
	[sflag:s7] =	ssyncset.done $0x0  }
0x1bf: {  	s14 =	sor.u32 s14, s18;
	[sflag:s7] =	ssyncadd.s32 $0xFFFFB000  }
0x1c0: {  	v10 =	vld [tilespmem:s14+$0x11800]  }
0x1c1: {  	v11 =	vld [tilespmem:s14+$0x11810]  }
0x1c2: {  	v12 =	vld [tilespmem:s14+$0x11820]  }
0x1c3: {  	v13 =	vld [tilespmem:s14+$0x11830]  }
0x1c4: {  	v14 =	vld [tilespmem:s14+$0x11840]  }
0x1c5: {  	v15 =	vld [tilespmem:s14+$0x11850]  }
0x1c6: {  	v16 =	vld [tilespmem:s14+$0x11860]  }
0x1c7: {  	v17 =	vld [tilespmem:s14+$0x11870]  }
0x1c8: {  	v18 =	vld [tilespmem:s14+$0x11C00]  }
0x1c9: {  	v9 =	vld [tilespmem:s14+$0x11C10]  }
0x1ca: {  	v8 =	vld [tilespmem:s14+$0x11C20]  }
0x1cb: {  	v7 =	vld [tilespmem:s14+$0x11C30]  }
0x1cc: {  	v6 =	vld [tilespmem:s14+$0x11C40]  }
0x1cd: {  	v5 =	vld [tilespmem:s14+$0x11C50]  }
0x1ce: {  	v4 =	vld [tilespmem:s14+$0x11C60]  }
0x1cf: {  	v3 =	vld [tilespmem:s14+$0x11C70]  }
0x1d0: {  	v19 =	vld [tilespmem:s14+$0xC800]  }
0x1d1: {  	v20 =	vld [tilespmem:s14+$0xC810]  }
0x1d2: {  	v21 =	vld [tilespmem:s14+$0xC820]  }
0x1d3: {  	v22 =	vld [tilespmem:s14+$0xC830]  }
0x1d4: {  	v23 =	vld [tilespmem:s14+$0xC840]  }
0x1d5: {  	v10 =	vadd.f32 v10, v19;
	v19 =	vld [tilespmem:s14+$0xC850]  }
0x1d6: {  	v61 =	vld [tilespmem:s14+$0xC860];
	v11 =	vadd.f32 v11, v20  }
0x1d7: {  	v62 =	vld [tilespmem:s14+$0xC870];
	[tilespmem:s14+$0xC800] =	vst v10;
	v10 =	vadd.f32 v12, v21  }
0x1d8: {  	v63 =	vld [tilespmem:s14+$0xCC00];
	[tilespmem:s14+$0xC810] =	vst v11;
	v11 =	vadd.f32 v13, v22  }
0x1d9: {  	v13 =	vld [tilespmem:s14+$0xCC10];
	[tilespmem:s14+$0xC820] =	vst v10;
	v10 =	vadd.f32 v14, v23  }
0x1da: {  	v12 =	vld [tilespmem:s14+$0xCC20];
	[tilespmem:s14+$0xC830] =	vst v11;
	v11 =	vadd.f32 v15, v19  }
0x1db: {  	v14 =	vadd.f32 v16, v61;
	[tilespmem:s14+$0xC840] =	vst v10;
	v10 =	vld [tilespmem:s14+$0xCC30]  }
0x1dc: {  	v16 =	vadd.f32 v17, v62;
	[tilespmem:s14+$0xC850] =	vst v11;
	v11 =	vld [tilespmem:s14+$0xCC40]  }
0x1dd: {  	s16 =	simm.s32 $0x100;
	s15 =	simm.s32 $0x80;
	v15 =	vadd.f32 v18, v63;
	[tilespmem:s14+$0xC860] =	vst v14;
	v14 =	vld [tilespmem:s14+$0xCC50]  }
.LBB2_8:
0x1de: {  	s17 =	sand.u32 $0x7800, s16;
	s18 =	sand.u32 $0x380, s15;
	p0 =	sne.s32 s16, $0x4F00;
	[tilespmem:s14+$0xC870] =	vst v16;
	v9 =	vadd.f32 v9, v13;
	v13 =	vld [tilespmem:s14+$0xCC60]  }
0x1df: {  	s17 =	sor.u32 s18, s17;
	[tilespmem:s14+$0xCC00] =	vst v15;
	v8 =	vadd.f32 v8, v12;
	v12 =	vld [tilespmem:s14+$0xCC70]  }
0x1e0: {  	v15 =	vld [tilespmem:s17+$0x11800];
	[tilespmem:s14+$0xCC10] =	vst v9;
	v7 =	vadd.f32 v7, v10  }
0x1e1: {  	v10 =	vld [tilespmem:s17+$0x11810];
	[tilespmem:s14+$0xCC20] =	vst v8;
	v6 =	vadd.f32 v6, v11  }
0x1e2: {  	v11 =	vld [tilespmem:s17+$0x11820];
	[tilespmem:s14+$0xCC30] =	vst v7;
	v5 =	vadd.f32 v5, v14  }
0x1e3: {  	v14 =	vld [tilespmem:s17+$0x11830];
	[tilespmem:s14+$0xCC40] =	vst v6;
	v4 =	vadd.f32 v4, v13  }
0x1e4: {  	v13 =	vld [tilespmem:s17+$0x11840];
	[tilespmem:s14+$0xCC50] =	vst v5;
	v3 =	vadd.f32 v3, v12  }
0x1e5: {  	v12 =	vld [tilespmem:s17+$0x11850];
	[tilespmem:s14+$0xCC60] =	vst v4  }
0x1e6: {  	v16 =	vld [tilespmem:s17+$0x11860];
	[tilespmem:s14+$0xCC70] =	vst v3;
	s14 =	smov.u32 s17  }
0x1e7: {  	v17 =	vld [tilespmem:s14+$0x11870]  }
0x1e8: {  	v18 =	vld [tilespmem:s14+$0x11C00]  }
0x1e9: {  	v9 =	vld [tilespmem:s14+$0x11C10]  }
0x1ea: {  	v8 =	vld [tilespmem:s14+$0x11C20]  }
0x1eb: {  	v7 =	vld [tilespmem:s14+$0x11C30]  }
0x1ec: {  	v6 =	vld [tilespmem:s14+$0x11C40]  }
0x1ed: {  	v5 =	vld [tilespmem:s14+$0x11C50]  }
0x1ee: {  	v4 =	vld [tilespmem:s14+$0x11C60]  }
0x1ef: {  	v3 =	vld [tilespmem:s14+$0x11C70]  }
0x1f0: {  	v19 =	vld [tilespmem:s14+$0xC800]  }
0x1f1: {  	v20 =	vld [tilespmem:s14+$0xC810]  }
0x1f2: {  	v21 =	vld [tilespmem:s14+$0xC820]  }
0x1f3: {  	v22 =	vld [tilespmem:s14+$0xC830]  }
0x1f4: {  	v23 =	vld [tilespmem:s14+$0xC840]  }
0x1f5: {  	v15 =	vadd.f32 v15, v19;
	v19 =	vld [tilespmem:s14+$0xC850]  }
0x1f6: {  	v10 =	vadd.f32 v10, v20;
	v20 =	vld [tilespmem:s14+$0xC860]  }
0x1f7: {  	[tilespmem:s14+$0xC800] =	vst v15;
	v11 =	vadd.f32 v11, v21;
	v15 =	vld [tilespmem:s14+$0xC870]  }
0x1f8: {  	[tilespmem:s14+$0xC810] =	vst v10;
	v10 =	vadd.f32 v14, v22;
	v14 =	vld [tilespmem:s14+$0xCC00]  }
.Ltmp7:
0x1f9: {  	[tilespmem:s14+$0xC820] =	vst v11;
	v11 =	vadd.f32 v13, v23;
	v13 =	vld [tilespmem:s14+$0xCC10];
	(pc) =	sbr.rel @p0 .LBB2_8-.Ltmp7, $4  }
0x1fa: {  	[tilespmem:s14+$0xC830] =	vst v10;
	v19 =	vadd.f32 v12, v19;
	v12 =	vld [tilespmem:s14+$0xCC20]  }
0x1fb: {  	[tilespmem:s14+$0xC840] =	vst v11;
	v20 =	vadd.f32 v16, v20;
	v10 =	vld [tilespmem:s14+$0xCC30]  }
0x1fc: {  	[tilespmem:s14+$0xC850] =	vst v19;
	v16 =	vadd.f32 v17, v15;
	v11 =	vld [tilespmem:s14+$0xCC40]  }
0x1fd: {  	s15 =	sadd.s32 $0x80, s15;
	s16 =	sadd.s32 $0x100, s16;
	[tilespmem:s14+$0xC860] =	vst v20;
	v15 =	vadd.f32 v18, v14;
	v14 =	vld [tilespmem:s14+$0xCC50]  }
0x1fe: {  	[tilespmem:s14+$0xC870] =	vst v16;
	v9 =	vadd.f32 v9, v13;
	v62 =	vld [tilespmem:s14+$0xCC60]  }
0x1ff: {  	v63 =	vld [tilespmem:s14+$0xCC70];
	[tilespmem:s14+$0xCC00] =	vst v15;
	v8 =	vadd.f32 v8, v12  }
0x200: {  	[tilespmem:s14+$0xCC10] =	vst v9;
	v7 =	vadd.f32 v7, v10  }
0x201: {  	[tilespmem:s14+$0xCC20] =	vst v8;
	v6 =	vadd.f32 v6, v11  }
0x202: {  	[tilespmem:s14+$0xCC30] =	vst v7;
	v5 =	vadd.f32 v5, v14  }
0x203: {  	[tilespmem:s14+$0xCC40] =	vst v6;
	v4 =	vadd.f32 v4, v62  }
0x204: {  	s13 =	sadd.s32 s4, s13;
	v3 =	vadd.f32 v3, v63;
	[tilespmem:s14+$0xCC50] =	vst v5  }
0x205: {  	s13 =	sshll.u32 s13, $0x5;
	[tilespmem:s14+$0xCC60] =	vst v4  }
.Ltmp8:
0x206: {  	s13 =	sadd.s32 s6, s13;
	[tilespmem:s14+$0xCC70] =	vst v3;
	(pc) =	sbr.rel .LBB2_10-.Ltmp8, $4  }
0x207: {  	[hbm4b:s13+s5] =	stream.linear.scatter [tilespmem:s0], [sflag:$0x3], $0x5000, $0x38;
	[tilespmem:$0x16800] =	vst v63  }
0x208: {  	_ =	swait.ge [sflag:s10], $0x5000  }
0x209: {  	[sflag:s10] =	ssyncset.done $0x0  }
0x20a: {  	[sflag:s10] =	ssyncadd.s32 $0xFFFFB000  }
.LBB2_12:
0x20b: {  	_ =	sfence.sel $0x180000  }
0x20c: {  	[bflag:$0x0] =	sbarrier.arrive $0xFFFF  }
0x20d: {  	_ =	strace $0x9000004A  }
0x20e: {  	s0 =	stileid.u32;
	[bflag:$0x2] =	sbarrier.arrive $0xFFFF  }
0x20f: {  	p0 =	sne.s32 s0, $0x0;
	s0 =	rddreg [dreg:$0x3]  }
0x210: {  	s0 =	sadd.s32 @!p0 $0x100000, s0  }
0x211: {  	[sflag:s0] =	ssyncadd.tile.s32 @!p0 $0x1;
	_ =	shalt  }
.Lfunc_end2:
_tile_overlayer_lowered:
.L_overlay_start_2:
0x212: {  	(tag) =	ssettag $0x2  }
0x213: {  	s0 =	rddreg [dreg:$0x0];
	s2 =	stileid.u32  }
0x214: {  	s1 =	rddreg [dreg:$0x1];
	p0 =	sne.s32 s2, $0x0  }
0x215: {  	s3 =	rddreg [dreg:$0x2];
	[bflag:$0x3] =	sbarrier.arrive $0xFFFF;
	s2 =	simm.s32 @!p0 $0x1C03  }
0x216: {  	[timem:s3], [sflag:s2] =	dma.local @!p0 [hbm:s0], s1  }
0x217: {  	s0 =	simm.s32 @!p0 $0x3  }
0x218: {  	_ =	swait.ge @!p0 [sflag:s0], s1  }
0x219: {  	s1 =	ssub.s32 @!p0 $0x0, s1;
	[sflag:s0] =	ssyncset.done @!p0 $0x0  }
0x21a: {  	[sflag:s0] =	ssyncadd.s32 @!p0 s1  }
0x21b: {  	[bflag:$0x3] =	sbarrier.arrive $0xFFFF  }
0x21c: {  	_ =	shalt  }

// kernel: kernel.15.cloned.1.call-start
scs
__scs_entry_jumppad:
0x0: {  	(pc) =	sbr.rel $0x88, $3  }
0x1: {  	(tag) =	ssettag $0x0;
	lr =	simm.s32 $0x1  }
0x2: {  	[smem:$0x3F8C] =	sst lr;
	_ =	strace $0xD0000000  }
0x3: {  	_ = 	snop  }
0x4: {  	_ = 	snop  }
0x5: {  	_ = 	snop  }
0x6: {  	_ = 	snop  }
0x7: {  	_ = 	snop  }
__scs_overlays_trampoline_lowered:
0x8: {  	[smem:$0x3F9B] =	sst s0  }
0x9: {  	[smem:$0x3F9C] =	sst s1  }
0xa: {  	[smem:$0x3F9D] =	sst s2  }
0xb: {  	[smem:$0x3F9E] =	sst s3  }
0xc: {  	[smem:$0x3F9F] =	sst s4  }
0xd: {  	[smem:$0x3FA0] =	sst s5  }
0xe: {  	[smem:$0x3FA1] =	sst s6  }
0xf: {  	[smem:$0x3FA2] =	sst s7  }
0x10: {  	[smem:$0x3FA3] =	sst s8  }
0x11: {  	[smem:$0x3FA4] =	sst s9;
	s0 =	simm.s32 @!p0 $0x0  }
0x12: {  	s1 =	sld [smem:$0x3F8A];
	s0 =	simm.s32 @p0 $0x1  }
0x13: {  	[smem:$0x3FA5] =	sst s0;
	s0 =	simm.s32 @!p1 $0x0  }
0x14: {  	s2 =	sld [smem:$0x3F89];
	s0 =	simm.s32 @p1 $0x1  }
0x15: {  	[smem:$0x3FA6] =	sst s0;
	s0 =	simm.s32 @!p2 $0x0  }
0x16: {  	s3 =	sld [smem:$0x3FDB];
	s0 =	simm.s32 @p2 $0x1  }
0x17: {  	s4 =	simm.s32 $0x1BF5;
	[smem:$0x3FA8] =	sst s0  }
0x18: {  	s0 =	sld [smem:$0x3F8B];
	_ =	swait.ge [sflag:s4], $0x0  }
0x19: {  	s7 =	sld [smem:$0x3F8C]  }
0x1a: {  	s8 =	sadd.s32 $0xFFFFE003, lr  }
0x1b: {  	s9 =	sadd.s32 $0xFFFFFEF7, lr;
	s5 =	simm.s32 $0xFFFFFFFF;
	p2 =	slt.u32 s8, $0xFFFFF086  }
0x1c: {  	p1 =	slt.u32 s9, $0xF7A;
	s5 =	simm.s32 @!p2 $0x0  }
0x1d: {  	s5 =	simm.s32 @p1 $0x1;
	p0 =	seq.s32 s7, s2  }
0x1e: {  	s7 =	smul.u32 @!p0 $0xF7A, s2;
	p2 =	seq.s32 @!p0 s5, $0x0  }
0x1f: {  	s9 =	smul.u32 $0xF7A, s1;
	s8 =	simm.s32 @!p0 $0x1BF5;
	p2 =	por !p2, p0  }
0x20: {  	[sflag:s8] =	ssyncset.s32 @!p0 $0xFFFFF086;
	s6 =	sadd.s32 @!p0 s3, s7;
	s7 =	simm.s32 @!p0 $0x108  }
0x21: {  	s3 =	sadd.s32 s3, s9;
	s6 =	sadd.s32 @!p0 $0x88, s6;
	s7 =	simm.s32 @p2 $0x1082  }
0x22: {  	[simem:s7], [sflag:s8] =	dma.local @!p0 [hbm:s6], $0xF7A  }
0x23: {  	s9 =	sor.u32 $0xD0000000, s2;
	s6 =	simm.s32 $0x108;
	_ =	swait.ge @!p0 [sflag:s8], $0x0  }
0x24: {  	s3 =	sadd.s32 $0x88, s3;
	s6 =	simm.s32 @!p1 $0x1082;
	[sflag:s4] =	ssyncset.s32 $0xFFFFF086  }
0x25: {  	[simem:s6], [sflag:s4] =	dma.local [hbm:s3], $0xF7A  }
0x26: {  	[smem:$0x3F8C] =	sst s1;
	(tag) =	ssettag s2;
	_ =	strace s9  }
0x27: {  	s1 =	sld [smem:$0x3F9C]  }
0x28: {  	s2 =	sld [smem:$0x3F9D]  }
0x29: {  	s4 =	sld [smem:$0x3F9F]  }
0x2a: {  	p0 =	seq.s32 s5, $0x0;
	s5 =	sld [smem:$0x3FA0]  }
0x2b: {  	s6 =	sld [smem:$0x3FA1]  }
0x2c: {  	s7 =	sld [smem:$0x3FA2]  }
0x2d: {  	s3 =	simm.s32 $0x108;
	s8 =	sld [smem:$0x3FA3]  }
0x2e: {  	s3 =	simm.s32 @!p0 $0x1082;
	s9 =	sld [smem:$0x3FA4]  }
0x2f: {  	lr =	sadd.s32 s0, s3;
	s0 =	sld [smem:$0x3F9B]  }
0x30: {  	s3 =	sld [smem:$0x3F9E]  }
0x31: {  	[smem:$0x3FA7] =	sst s10  }
0x32: {  	s10 =	sld [smem:$0x3FA5];
	_ =	sdelay $0x3  }
0x33: {  	p0 =	seq.s32 s10, $0x1;
	s10 =	sld [smem:$0x3FA7];
	_ =	sdelay $0x3  }
0x34: {  	[smem:$0x3FA7] =	sst s10  }
0x35: {  	s10 =	sld [smem:$0x3FA6];
	_ =	sdelay $0x3  }
0x36: {  	p1 =	seq.s32 s10, $0x1;
	s10 =	sld [smem:$0x3FA7];
	_ =	sdelay $0x3  }
0x37: {  	[smem:$0x3FA7] =	sst s10  }
0x38: {  	s10 =	sld [smem:$0x3FA8]  }
0x39: {  	_ = 	snop;
	(pc) =	sbr.ind lr, $3  }
0x3a: {  	_ = 	snop  }
0x3b: {  	_ = 	snop  }
0x3c: {  	p2 =	seq.s32 s10, $0x1;
	s10 =	sld [smem:$0x3FA7]  }
0x3d: {  	_ =	shalt  }
0x3e: {  	_ =	shalt  }
0x3f: {  	_ =	shalt  }
0x40: {  	_ =	shalt  }
0x41: {  	_ =	shalt  }
0x42: {  	_ =	shalt  }
0x43: {  	_ =	shalt  }
0x44: {  	_ =	shalt  }
0x45: {  	_ =	shalt  }
0x46: {  	_ =	shalt  }
0x47: {  	_ =	shalt  }
0x48: {  	_ =	shalt  }
0x49: {  	_ =	shalt  }
0x4a: {  	_ =	shalt  }
0x4b: {  	_ =	shalt  }
0x4c: {  	_ =	shalt  }
0x4d: {  	_ =	shalt  }
0x4e: {  	_ =	shalt  }
0x4f: {  	_ =	shalt  }
0x50: {  	_ =	shalt  }
0x51: {  	_ =	shalt  }
0x52: {  	_ =	shalt  }
0x53: {  	_ =	shalt  }
0x54: {  	_ =	shalt  }
0x55: {  	_ =	shalt  }
0x56: {  	_ =	shalt  }
0x57: {  	_ =	shalt  }
0x58: {  	_ =	shalt  }
0x59: {  	_ =	shalt  }
0x5a: {  	_ =	shalt  }
0x5b: {  	_ =	shalt  }
0x5c: {  	_ =	shalt  }
0x5d: {  	_ =	shalt  }
0x5e: {  	_ =	shalt  }
0x5f: {  	_ =	shalt  }
0x60: {  	_ =	shalt  }
0x61: {  	_ =	shalt  }
0x62: {  	_ =	shalt  }
0x63: {  	_ =	shalt  }
0x64: {  	_ =	shalt  }
0x65: {  	_ =	shalt  }
0x66: {  	_ =	shalt  }
0x67: {  	_ =	shalt  }
0x68: {  	_ =	shalt  }
0x69: {  	_ =	shalt  }
0x6a: {  	_ =	shalt  }
0x6b: {  	_ =	shalt  }
0x6c: {  	_ =	shalt  }
0x6d: {  	_ =	shalt  }
0x6e: {  	_ =	shalt  }
0x6f: {  	_ =	shalt  }
0x70: {  	_ =	shalt  }
0x71: {  	_ =	shalt  }
0x72: {  	_ =	shalt  }
0x73: {  	_ =	shalt  }
0x74: {  	_ =	shalt  }
0x75: {  	_ =	shalt  }
0x76: {  	_ =	shalt  }
0x77: {  	_ =	shalt  }
0x78: {  	_ =	shalt  }
0x79: {  	_ =	shalt  }
0x7a: {  	_ =	shalt  }
0x7b: {  	_ =	shalt  }
0x7c: {  	_ =	shalt  }
0x7d: {  	_ =	shalt  }
0x7e: {  	_ =	shalt  }
0x7f: {  	_ =	shalt  }
0x80: {  	_ =	shalt  }
0x81: {  	_ =	shalt  }
0x82: {  	_ =	shalt  }
0x83: {  	_ =	shalt  }
0x84: {  	_ =	shalt  }
0x85: {  	_ =	shalt  }
0x86: {  	_ =	shalt  }
0x87: {  	_ =	shalt  }
.Lfunc_end0:
.L_simem_size_0:
called_computation.2_lowered:
.L_overlay_start_0:
0x88: {  	s2 =	sld [smem:$0x3FD9]  }
0x89: {  	s3 =	sld [smem:$0x3FFE];
	_ =	sdelay $0x1  }
0x8a: {  	s1 =	srdreg.scid  }
0x8b: {  	s0 =	sand.u32 $0x1, s1  }
0x8c: {  	s14 =	sshll.u32 s0, $0xA;
	s2 =	sadd.s32 s3, s2  }
0x8d: {  	s2 =	sadd.s32 s2, s14  }
0x8e: {  	[smem:$0x3FB3] =	sst s2  }
0x8f: {  	_ = 	snop  }
0x90: {  	s2 =	sld [smem:$0x3FD0];
	_ =	sdelay $0x2  }
0x91: {  	s15 =	simm.s32 $0xA;
	s4 =	simm.s32 $0x10  }
0x92: {  	[smem:s4], [sflag:s15] =	dma.local [hbm:s2], $0x1  }
0x93: {  	_ =	swait.eq [sflag:s15], $0x1  }
0x94: {  	[sflag:s15] =	ssyncset.done $0x0  }
0x95: {  	s16 =	sld [smem:$0x10];
	[sflag:s15] =	ssyncadd.s32 $0xFFFFFFFF  }
0x96: {  	s17 =	sld [smem:$0x11];
	(tm) =	ssettm $0x1  }
0x97: {  	s18 =	sld [smem:$0x3FFB];
	_ =	sdelay $0x3  }
0x98: {  	_ =	strace s18  }
0x99: {  	s4 =	sld [smem:$0x3FFC];
	_ =	sdelay $0x3  }
0x9a: {  	_ =	strace s4  }
0x9b: {  	s4 =	sld [smem:$0x3FFD];
	_ =	sdelay $0x3  }
0x9c: {  	_ =	strace s4  }
0x9d: {  	_ =	strace $0x8FFFFFFF  }
0x9e: {  	s19 =	sld [smem:$0x3FDB];
	_ =	sdelay $0x1  }
0x9f: {  	s5 =	simm.s32 $_scs_section_size  }
0xa0: {  	s6 =	simm.s32 $_size__tile_overlayer_lowered;
	s7 =	simm.s32 $_tile_overlayer_lowered  }
0xa1: {  	s22 =	simm.s32 $0x1BFF;
	s21 =	sshll.u32 s7, $0x1;
	s4 =	sadd.s32 s5, s19  }
0xa2: {  	s8 =	simm.s32 $0x0;
	s20 =	sshll.u32 s6, $0x1;
	s6 =	sadd.s32 s21, s4  }
0xa3: {  	[timem:s8], [sflag:s22] =	dma.local [hbm:s6], s20  }
0xa4: {  	_ =	swait.ge [sflag:s22], s20  }
0xa5: {  	s5 =	ssub.s32 $0x0, s20;
	[sflag:s22] =	ssyncset.done $0x0  }
0xa6: {  	[sflag:s22] =	ssyncadd.s32 s5;
	_ =	sdelay $0x1  }
0xa7: {  	s23 =	simm.s32 $0x1B8B  }
0xa8: {  	_ =	swait.ge [sflag:s23], $0x1  }
0xa9: {  	[sflag:s23] =	ssyncset.done $0x0  }
0xaa: {  	s25 =	simm.s32 $0x1B8E;
	s24 =	sld [smem:$0x3FFE];
	[sflag:s23] =	ssyncadd.s32 $0xFFFFFFFF  }
0xab: {  	s26 =	simm.s32 $execute0_lowered;
	[smem:$0x3FD2] =	sst s25  }
0xac: {  	s6 =	sshll.u32 s26, $0x1;
	_ =	strace $0x8000004C;
	[dreg:$0x1] =	wrdreg $0xFFFFFFFF  }
0xad: {  	s28 =	simm.s32 $_size_execute0_lowered;
	s4 =	sadd.s32 s4, s6;
	[dreg:$0x0] =	wrdreg $0x0  }
0xae: {  	s6 =	sshll.u32 s28, $0x1;
	[dreg:$0x2] =	wrdreg s4  }
0xaf: {  	[dreg:$0x3] =	wrdreg s6  }
0xb0: {  	[dreg:$0x4] =	wrdreg $0xC0  }
0xb1: {  	_ =	task [dreg:s8], $0x5FFFF  }
0xb2: {  	[dreg:$0x1] =	wrdreg $0xFFFFFFFF  }
0xb3: {  	[dreg:$0x0] =	wrdreg $0x60  }
0xb4: {  	[dreg:$0x2] =	wrdreg s17  }
0xb5: {  	[dreg:$0x3] =	wrdreg s24  }
0xb6: {  	[dreg:$0x4] =	wrdreg s16  }
0xb7: {  	[dreg:$0x5] =	wrdreg $0x6A000  }
0xb8: {  	[dreg:$0x6] =	wrdreg $0x1AA000  }
0xb9: {  	[dreg:$0x7] =	wrdreg $0x9  }
0xba: {  	_ =	task.clear_ibuf [dreg:s8], $0x8FFFF;
	_ =	strace $0x9000004C  }
0xbb: {  	s29 =	simm.s32 $0x9;
	_ =	strace $0x8000004E  }
0xbc: {  	_ =	swait.ge [sflag:s29], $0x1  }
0xbd: {  	[sflag:s29] =	ssyncadd.s32 $0xFFFFFFFF  }
0xbe: {  	_ =	strace $0x9000004E  }
0xbf: {  	_ =	sfence  }
0xc0: {  	s30 =	sld [smem:$0x0];
	_ =	sdelay $0x2  }
0xc1: {  	s31 =	sshll.u32 s1, $0xD;
	s1 =	sshrl.u32 s1, $0x2  }
0xc2: {  	s3 =	sand.u32 $0x4000, s31;
	s1 =	sadd.s32 s1, s30  }
0xc3: {  	s0 =	sor.u32 s3, s0;
	s1 =	sshll.u32 s1, $0x11  }
0xc4: {  	s0 =	sor.u32 s1, s0  }
0xc5: {  	s0 =	sadd.s32 $0x8F2B, s0  }
0xc6: {  	[sflag:s0] =	ssyncadd.remote.s32 $0x1  }
0xc7: {  	_ =	sfence.sel $0xFFFF  }
0xc8: {  	[dreg:$0x0] =	wrdreg $0xFFFFFFFF;
	(pc) =	sbr.abs _section_cstart, $3  }
0xc9: {  	[dreg:$0x1] =	wrdreg $0xFFFFFFFF  }
0xca: {  	_ =	task.clear_ibuf [dreg:s8], $0x2FFFF;
	_ =	strace $0x9FFFFFFF  }
0xcb: {  	(tm) =	ssettm $0x7FFFFFFF  }
tec
execute0_lowered:
.L_overlay_start_1:
0x0: {  	(tag) =	ssettag $0x1  }
0x1: {  	s0 =	srdreg.scid;
	s21 =	stileid.u32  }
0x2: {  	s12 =	sand.u32 $0x1, s0;
	s0 =	smul.u32 $0x280, s21  }
0x3: {  	s4 =	rddreg [dreg:$0x1];
	s19 =	sshll.u32 s21, $0x1;
	s9 =	smul.u32 $0x14000, s21  }
0x4: {  	s14 =	sadd.s32 $0x3800, s4;
	s18 =	smul.u32 $0x500, s21;
	s1 =	ssub.s32 $0x2, s12  }
0x5: {  	s13 =	sor.u32 s12, s19;
	s15 =	smul.u32 $0x140000, s12;
	s16 =	sshll.u32 s12, $0x7  }
0x6: {  	s2 =	sshrl.u32 s1, $0x1;
	s11 =	smul.u32 $0x1388, s13;
	s5 =	sadd.s32 $0x80, s0  }
0x7: {  	s3 =	sadd.s32 $0x100, s0;
	s6 =	sadd.s32 $0x200, s0;
	s13 =	smul.u32 $0x13880, s13  }
0x8: {  	s2 =	ssub.s32 s1, s2;
	s1 =	sadd.s32 $0x180, s0;
	s10 =	sshll.u32 s5, $0x7  }
0x9: {  	s8 =	sshll.u32 s3, $0x7;
	s17 =	sadd.s32 s15, s9;
	s9 =	sshll.u32 s6, $0x7  }
0xa: {  	s22 =	sshll.u32 s5, $0x1;
	s25 =	sshll.u32 s3, $0x1;
	s7 =	sshll.u32 s1, $0x7  }
0xb: {  	s17 =	sshrl.u32 s17, $0x3;
	s19 =	sadd.s32 s15, s10;
	s23 =	sadd.s32 s15, s8  }
0xc: {  	s26 =	sshll.u32 s1, $0x1;
	s2 =	smax.u32 s2, $0x1;
	s17 =	sadd.s32 s14, s17  }
0xd: {  	s20 =	sshrl.u32 s19, $0x3;
	s19 =	sshrl.u32 s23, $0x3;
	s23 =	sor.u32 s16, s25  }
0xe: {  	[dreg:$0x6] =	wrdreg s17;
	s17 =	sor.u32 s16, s18;
	s18 =	sadd.s32 s14, s20  }
0xf: {  	s20 =	sadd.s32 s15, s7;
	s19 =	sadd.s32 s14, s19;
	[dreg:$0x7] =	wrdreg s18  }
0x10: {  	s15 =	sadd.s32 s15, s9;
	s18 =	sor.u32 s16, s22;
	[dreg:$0x8] =	wrdreg s19  }
0x11: {  	s24 =	sshrl.u32 s20, $0x3;
	s15 =	sshrl.u32 s15, $0x3;
	s22 =	sshll.u32 s6, $0x1  }
0x12: {  	s17 =	sshrl.u32 s17, $0x3;
	s19 =	sadd.s32 s14, s24;
	s24 =	rddreg [dreg:$0x2]  }
0x13: {  	s20 =	smul.u32 $0x1388, s12;
	s25 =	sshrl.u32 s18, $0x3;
	s18 =	rddreg [dreg:$0x0]  }
0x14: {  	s14 =	sadd.s32 s14, s15;
	s15 =	sshrl.u32 s23, $0x3;
	[dreg:$0x9] =	wrdreg s19  }
0x15: {  	s23 =	smul.u32 $0x2710, s21;
	[dreg:$0xa] =	wrdreg s14;
	s19 =	sor.u32 s16, s26  }
0x16: {  	s14 =	sor.u32 s16, s22;
	s17 =	sadd.s32 s24, s17;
	s16 =	rddreg [dreg:$0x4]  }
0x17: {  	s15 =	sadd.s32 s24, s15;
	s13 =	sadd.s32 s18, s13;
	[dreg:$0xb] =	wrdreg s17  }
0x18: {  	s17 =	sadd.s32 s24, s25;
	[dreg:$0xd] =	wrdreg s15;
	s26 =	sshrl.u32 s19, $0x3  }
0x19: {  	s14 =	sshrl.u32 s14, $0x3;
	s19 =	smul.u32 $0x13880, s12;
	[dreg:$0x10] =	wrdreg s13  }
0x1a: {  	s12 =	simm.s32 $0x0;
	s13 =	rddreg [dreg:$0x3];
	s25 =	sshrl.u32 s11, $0x3  }
0x1b: {  	s29 =	sadd.s32 s6, s16;
	s6 =	simm.s32 $0x1;
	s11 =	simm.s32 $0x0  }
0x1c: {  	[dreg:$0xc] =	wrdreg s17;
	s15 =	sadd.s32 s24, s26;
	s17 =	smul.u32 $0x27100, s21  }
0x1d: {  	s14 =	sadd.s32 s24, s14;
	[smem:$0x7FF] =	sst s12;
	s24 =	smul.u32 $0x50000, s21  }
0x1e: {  	s21 =	sadd.s32 s10, s13;
	s28 =	sadd.s32 s9, s13;
	[dreg:$0xe] =	wrdreg s15  }
0x1f: {  	s9 =	simm.s32 $0x2900;
	s10 =	simm.s32 $0x2;
	[dreg:$0xf] =	wrdreg s14  }
0x20: {  	s14 =	sadd.s32 s20, s23;
	s15 =	sadd.s32 $0x89000, s4;
	s20 =	sadd.s32 s0, s16  }
0x21: {  	s23 =	sadd.s32 s3, s16;
	s3 =	simm.s32 $0x100;
	s22 =	sadd.s32 s17, s18  }
0x22: {  	s26 =	sshrl.u32 s24, $0x2;
	_ =	strace $0x8000004D;
	[dreg:$0x12] =	wrdreg s2  }
0x23: {  	s4 =	sadd.s32 s15, s25;
	s17 =	sadd.s32 s8, s13;
	[dreg:$0x14] =	wrdreg s23  }
0x24: {  	s24 =	sadd.s32 s7, s13;
	s25 =	sadd.s32 s1, s16;
	s31 =	sadd.s32 $0x50, s14  }
0x25: {  	s1 =	simm.s32 $0x3;
	s2 =	simm.s32 $0x6980;
	[dreg:$0x11] =	wrdreg s4  }
0x26: {  	s7 =	simm.s32 $0x28;
	s8 =	simm.s32 $0x4;
	[dreg:$0x13] =	wrdreg s17  }
0x27: {  	s18 =	sadd.s32 s19, s22;
	s19 =	sadd.s32 s26, s13;
	[dreg:$0x15] =	wrdreg s24  }
0x28: {  	s22 =	sadd.s32 s5, s16;
	[dreg:$0x16] =	wrdreg s25;
	s26 =	sadd.s32 $0x28, s14  }
0x29: {  	s4 =	simm.s32 $0x80;
	s5 =	simm.s32 $0x1500;
	s0 =	sshrl.u32 s26, $0x3  }
0x2a: {  	v0 =	vimm.f32 $0.0e+00;
	v1 =	vimm.f32 $1.000000000e+00;
	s30 =	sadd.s32 $0x500, s18;
	s14 =	sadd.s32 s0, s15;
	s0 =	simm.s32 $0x2980  }
.LBB2_1:
0x2b: {  	s17 =	simm.s32 $0x0;
	s18 =	simm.s32 $0x200  }
.LBB2_2:
0x2c: {  	p0 =	sne.s32 s18, $0xFE00;
	[tilespmem:s17+$0x29F0] =	vst v0  }
0x2d: {  	[tilespmem:s17+$0x2980] =	vst v0  }
0x2e: {  	[tilespmem:s17+$0x2990] =	vst v0  }
.Ltmp0:
0x2f: {  	[tilespmem:s17+$0x29A0] =	vst v0;
	(pc) =	sbr.rel @p0 .LBB2_2-.Ltmp0, $4  }
0x30: {  	[tilespmem:s17+$0x29B0] =	vst v0  }
0x31: {  	[tilespmem:s17+$0x29C0] =	vst v0  }
0x32: {  	[tilespmem:s17+$0x29D0] =	vst v0  }
0x33: {  	[tilespmem:s17+$0x29E0] =	vst v0;
	s17 =	sshra.s32 s18, $0x2;
	s18 =	sadd.s32 $0x200, s18  }
0x34: {  	[tilespmem:s17+$0x29F0] =	vst v0  }
0x35: {  	[tilespmem:s17+$0x2980] =	vst v0  }
0x36: {  	[tilespmem:s17+$0x2990] =	vst v0  }
0x37: {  	[tilespmem:s17+$0x29A0] =	vst v0  }
0x38: {  	[tilespmem:s17+$0x29B0] =	vst v0  }
0x39: {  	[tilespmem:s17+$0x29C0] =	vst v0  }
0x3a: {  	[tilespmem:s17+$0x29D0] =	vst v0  }
0x3b: {  	[tilespmem:s17+$0x29E0] =	vst v0  }
0x3c: {  	[tilespmem:$0x6980] =	vst v0  }
0x3d: {  	[tilespmem:$0x6990] =	vst v0  }
0x3e: {  	[tilespmem:$0x69A0] =	vst v0  }
0x3f: {  	[tilespmem:$0x69B0] =	vst v0  }
0x40: {  	[tilespmem:$0x69C0] =	vst v0  }
0x41: {  	[tilespmem:$0x69D0] =	vst v0  }
0x42: {  	[tilespmem:$0x69E0] =	vst v0  }
0x43: {  	[tilespmem:$0x69F0] =	vst v0  }
0x44: {  	[spmem:s19] =	stream.linear.scatter [tilespmem:s0], [sflag:$0x3], $0x4000, $0x38;
	[tilespmem:$0x1AC80] =	vst v63  }
0x45: {  	_ =	swait.ge [sflag:s1], $0x4000  }
0x46: {  	[sflag:s1] =	ssyncset.done $0x0  }
0x47: {  	[sflag:s1] =	ssyncadd.s32 $0xFFFFC000  }
0x48: {  	[spmem:s20] =	stream.linear.scatter [tilespmem:s2], [sflag:$0x3], $0x80, $0x38;
	[tilespmem:$0x1AC80] =	vst v63  }
0x49: {  	_ =	swait.ge [sflag:s1], $0x80  }
0x4a: {  	[sflag:s1] =	ssyncset.done $0x0  }
0x4b: {  	[sflag:s1] =	ssyncadd.s32 $0xFFFFFF80  }
0x4c: {  	[spmem:s21] =	stream.linear.scatter [tilespmem:s0], [sflag:$0x3], $0x4000, $0x38;
	[tilespmem:$0x1AC80] =	vst v63  }
0x4d: {  	_ =	swait.ge [sflag:s1], $0x4000  }
0x4e: {  	[sflag:s1] =	ssyncset.done $0x0  }
0x4f: {  	[sflag:s1] =	ssyncadd.s32 $0xFFFFC000  }
0x50: {  	[spmem:s22] =	stream.linear.scatter [tilespmem:s2], [sflag:$0x3], $0x80, $0x38;
	[tilespmem:$0x1AC80] =	vst v63  }
0x51: {  	_ =	swait.ge [sflag:s1], $0x80  }
0x52: {  	[sflag:s1] =	ssyncset.done $0x0  }
0x53: {  	s18 =	rddreg [dreg:$0x13];
	[sflag:s1] =	ssyncadd.s32 $0xFFFFFF80  }
0x54: {  	[spmem:s18] =	stream.linear.scatter [tilespmem:s0], [sflag:$0x3], $0x4000, $0x38;
	[tilespmem:$0x1AC80] =	vst v63  }
0x55: {  	_ =	swait.ge [sflag:s1], $0x4000  }
0x56: {  	[sflag:s1] =	ssyncset.done $0x0  }
0x57: {  	s23 =	smov.u32 s19;
	s19 =	rddreg [dreg:$0x14];
	[sflag:s1] =	ssyncadd.s32 $0xFFFFC000  }
0x58: {  	[spmem:s19] =	stream.linear.scatter [tilespmem:s2], [sflag:$0x3], $0x80, $0x38;
	[tilespmem:$0x1AC80] =	vst v63  }
0x59: {  	_ =	swait.ge [sflag:s1], $0x80  }
0x5a: {  	[sflag:s1] =	ssyncset.done $0x0  }
0x5b: {  	s24 =	smov.u32 s20;
	s20 =	rddreg [dreg:$0x15];
	[sflag:s1] =	ssyncadd.s32 $0xFFFFFF80  }
0x5c: {  	[spmem:s20] =	stream.linear.scatter [tilespmem:s0], [sflag:$0x3], $0x4000, $0x38;
	[tilespmem:$0x1AC80] =	vst v63  }
0x5d: {  	_ =	swait.ge [sflag:s1], $0x4000  }
0x5e: {  	[sflag:s1] =	ssyncset.done $0x0  }
0x5f: {  	s25 =	smov.u32 s21;
	s21 =	rddreg [dreg:$0x16];
	[sflag:s1] =	ssyncadd.s32 $0xFFFFC000  }
0x60: {  	[spmem:s21] =	stream.linear.scatter [tilespmem:s2], [sflag:$0x3], $0x80, $0x38;
	[tilespmem:$0x1AC80] =	vst v63  }
0x61: {  	_ =	swait.ge [sflag:s1], $0x80  }
0x62: {  	[sflag:s1] =	ssyncset.done $0x0  }
0x63: {  	[sflag:s1] =	ssyncadd.s32 $0xFFFFFF80  }
0x64: {  	[spmem:s28] =	stream.linear.scatter [tilespmem:s0], [sflag:$0x3], $0x4000, $0x38;
	[tilespmem:$0x1AC80] =	vst v63  }
0x65: {  	_ =	swait.ge [sflag:s1], $0x4000  }
0x66: {  	[sflag:s1] =	ssyncset.done $0x0  }
0x67: {  	[sflag:s1] =	ssyncadd.s32 $0xFFFFC000  }
0x68: {  	[spmem:s29] =	stream.linear.scatter [tilespmem:s2], [sflag:$0x3], $0x80, $0x38;
	[tilespmem:$0x1AC80] =	vst v63  }
0x69: {  	_ =	swait.ge [sflag:s1], $0x80  }
0x6a: {  	[sflag:s1] =	ssyncset.done $0x0  }
0x6b: {  	[sflag:s1] =	ssyncadd.s32 $0xFFFFFF80  }
0x6c: {  	[tilespmem:$0x2900] =	vst v1  }
0x6d: {  	[tilespmem:$0x2910] =	vst v1  }
0x6e: {  	[tilespmem:$0x2918] =	vst v1  }
0x6f: {  	[bflag:$0x0] =	sbarrier.arrive $0xFFFF  }
0x70: {  	s26 =	smov.u32 s22;
	s22 =	simm.s32 $0x0;
	s18 =	rddreg [dreg:$0x11]  }
0x71: {  	[tilespmem:s22], [sflag:$0x1] =	stream.linear.gather [hbm4b:s18+s22], $0x28, $0x38;
	[tilespmem:$0x1AC80] =	vst v63  }
0x72: {  	s19 =	rddreg [dreg:$0x10]  }
0x73: {  	[tilespmem:s3], [sflag:$0x1] =	stream.linear.gather [hbm4b:s19+s22], $0x1400, $0x38;
	[tilespmem:$0x1AC80] =	vst v63  }
0x74: {  	s20 =	sadd.s32 $0x0, s14  }
0x75: {  	[tilespmem:s4], [sflag:$0x2] =	stream.linear.gather [hbm4b:s20+s12], $0x28, $0x38;
	[tilespmem:$0x1AC80] =	vst v63  }
0x76: {  	s21 =	sadd.s32 $0xFFFFFD80, s30  }
0x77: {  	[tilespmem:s5], [sflag:$0x2] =	stream.linear.gather [hbm4b:s21+s12], $0x1400, $0x38;
	[tilespmem:$0x1AC80] =	vst v63  }
0x78: {  	_ =	swait.ge [sflag:s6], $0x28  }
0x79: {  	[sflag:s6] =	ssyncset.done $0x0  }
0x7a: {  	[sflag:s6] =	ssyncadd.s32 $0xFFFFFFD8  }
0x7b: {  	_ =	swait.ge [sflag:s6], $0x1400  }
0x7c: {  	[sflag:s6] =	ssyncset.done $0x0  }
0x7d: {  	[sflag:s6] =	ssyncadd.s32 $0xFFFFEC00  }
0x7e: {  	[spmem:s13] =	stream.indirect.scatter.add.f32 [tilespmem:s3], [sflag:$0x4], $0x80, s12, s7, $0xb8;
	[tilespmem:$0x1AC80] =	vst v63  }
0x7f: {  	_ =	swait.ge [sflag:s8], $0x1400  }
0x80: {  	[sflag:s8] =	ssyncset.done $0x0  }
0x81: {  	[sflag:s8] =	ssyncadd.s32 $0xFFFFEC00  }
0x82: {  	[spmem:s16] =	stream.indirect.scatter.add.f32 [tilespmem:s9], [sflag:$0x4], $0x1, s12, s7, $0xb8;
	[tilespmem:$0x1AC80] =	vst v63  }
0x83: {  	_ =	swait.ge [sflag:s8], $0x28  }
0x84: {  	s22 =	sshrl.u32 s31, $0x3;
	[sflag:s8] =	ssyncset.done $0x0  }
0x85: {  	s17 =	sadd.s32 s15, s22;
	[sflag:s8] =	ssyncadd.s32 $0xFFFFFFD8  }
0x86: {  	[tilespmem:s12], [sflag:$0x1] =	stream.linear.gather [hbm4b:s17+s12], $0x28, $0x38;
	[tilespmem:$0x1AC80] =	vst v63  }
0x87: {  	_ = 	snop  }
0x88: {  	[tilespmem:s3], [sflag:$0x1] =	stream.linear.gather [hbm4b:s30+s12], $0x1400, $0x38;
	[tilespmem:$0x1AC80] =	vst v63  }
0x89: {  	_ =	swait.ge [sflag:s10], $0x28  }
0x8a: {  	[sflag:s10] =	ssyncset.done $0x0  }
0x8b: {  	[sflag:s10] =	ssyncadd.s32 $0xFFFFFFD8  }
0x8c: {  	_ =	swait.ge [sflag:s10], $0x1400  }
0x8d: {  	[sflag:s10] =	ssyncset.done $0x0  }
0x8e: {  	[sflag:s10] =	ssyncadd.s32 $0xFFFFEC00  }
0x8f: {  	[spmem:s13] =	stream.indirect.scatter.add.f32 [tilespmem:s5], [sflag:$0x4], $0x80, s4, s7, $0xb8;
	[tilespmem:$0x1AC80] =	vst v63  }
0x90: {  	_ =	swait.ge [sflag:s8], $0x1400  }
0x91: {  	[sflag:s8] =	ssyncset.done $0x0  }
0x92: {  	[sflag:s8] =	ssyncadd.s32 $0xFFFFEC00  }
0x93: {  	[spmem:s16] =	stream.indirect.scatter.add.f32 [tilespmem:s9], [sflag:$0x3], $0x1, s4, s7, $0xb8;
	[tilespmem:$0x1AC80] =	vst v63  }
0x94: {  	s18 =	simm.s32 $0xA;
	s19 =	sadd.s32 $0x50, s31;
	_ =	swait.ge [sflag:s1], $0x28  }
0x95: {  	s20 =	simm.s32 $0x14;
	s17 =	sadd.s32 $0x500, s30;
	[sflag:s1] =	ssyncset.done $0x0  }
.LBB2_4:
0x96: {  	s22 =	sadd.s32 s18, s14  }
0x97: {  	[sflag:s1] =	ssyncadd.s32 $0xFFFFFFD8;
	s18 =	smov.u32 s20;
	s21 =	sadd.s32 $0xA, s20  }
0x98: {  	[tilespmem:s4], [sflag:$0x2] =	stream.linear.gather [hbm4b:s22+s12], $0x28, $0x38;
	[tilespmem:$0x1AC80] =	vst v63  }
0x99: {  	p0 =	sne.s32 s20, $0x262;
	s20 =	sadd.s32 $0xFFFFFD80, s17  }
0x9a: {  	[tilespmem:s5], [sflag:$0x2] =	stream.linear.gather [hbm4b:s20+s12], $0x1400, $0x38;
	[tilespmem:$0x1AC80] =	vst v63  }
0x9b: {  	_ =	swait.ge [sflag:s6], $0x28  }
0x9c: {  	[sflag:s6] =	ssyncset.done $0x0  }
0x9d: {  	[sflag:s6] =	ssyncadd.s32 $0xFFFFFFD8  }
0x9e: {  	_ =	swait.ge [sflag:s6], $0x1400  }
0x9f: {  	[sflag:s6] =	ssyncset.done $0x0  }
0xa0: {  	[sflag:s6] =	ssyncadd.s32 $0xFFFFEC00  }
0xa1: {  	[spmem:s13] =	stream.indirect.scatter.add.f32 [tilespmem:s3], [sflag:$0x4], $0x80, s12, s7, $0xb8;
	[tilespmem:$0x1AC80] =	vst v63  }
0xa2: {  	_ =	swait.ge [sflag:s8], $0x1400  }
0xa3: {  	[sflag:s8] =	ssyncset.done $0x0  }
0xa4: {  	[sflag:s8] =	ssyncadd.s32 $0xFFFFEC00  }
0xa5: {  	[spmem:s16] =	stream.indirect.scatter.add.f32 [tilespmem:s9], [sflag:$0x4], $0x1, s12, s7, $0xb8;
	[tilespmem:$0x1AC80] =	vst v63  }
0xa6: {  	_ =	swait.ge [sflag:s8], $0x28  }
0xa7: {  	s20 =	sshrl.u32 s19, $0x3;
	[sflag:s8] =	ssyncset.done $0x0  }
0xa8: {  	s20 =	sadd.s32 s15, s20;
	[sflag:s8] =	ssyncadd.s32 $0xFFFFFFD8  }
0xa9: {  	[tilespmem:s12], [sflag:$0x1] =	stream.linear.gather [hbm4b:s20+s12], $0x28, $0x38;
	[tilespmem:$0x1AC80] =	vst v63  }
0xaa: {  	_ = 	snop  }
0xab: {  	[tilespmem:s3], [sflag:$0x1] =	stream.linear.gather [hbm4b:s17+s12], $0x1400, $0x38;
	[tilespmem:$0x1AC80] =	vst v63  }
0xac: {  	_ =	swait.ge [sflag:s10], $0x28  }
0xad: {  	[sflag:s10] =	ssyncset.done $0x0  }
0xae: {  	[sflag:s10] =	ssyncadd.s32 $0xFFFFFFD8  }
0xaf: {  	_ =	swait.ge [sflag:s10], $0x1400  }
0xb0: {  	[sflag:s10] =	ssyncset.done $0x0  }
0xb1: {  	[sflag:s10] =	ssyncadd.s32 $0xFFFFEC00  }
0xb2: {  	[spmem:s13] =	stream.indirect.scatter.add.f32 [tilespmem:s5], [sflag:$0x4], $0x80, s4, s7, $0xb8;
	[tilespmem:$0x1AC80] =	vst v63  }
0xb3: {  	_ =	swait.ge [sflag:s8], $0x1400  }
.Ltmp1:
0xb4: {  	[sflag:s8] =	ssyncset.done $0x0;
	(pc) =	sbr.rel @p0 .LBB2_4-.Ltmp1, $4  }
0xb5: {  	[sflag:s8] =	ssyncadd.s32 $0xFFFFEC00  }
0xb6: {  	[spmem:s16] =	stream.indirect.scatter.add.f32 [tilespmem:s9], [sflag:$0x3], $0x1, s4, s7, $0xb8;
	[tilespmem:$0x1AC80] =	vst v63  }
0xb7: {  	s19 =	sadd.s32 $0x50, s19;
	_ =	swait.ge [sflag:s1], $0x28  }
0xb8: {  	s20 =	smov.u32 s21;
	s17 =	sadd.s32 $0x500, s17;
	[sflag:s1] =	ssyncset.done $0x0  }
0xb9: {  	s18 =	sadd.s32 s18, s14;
	[sflag:s1] =	ssyncadd.s32 $0xFFFFFFD8  }
0xba: {  	[tilespmem:s4], [sflag:$0x2] =	stream.linear.gather [hbm4b:s18+s12], $0x28, $0x38;
	[tilespmem:$0x1AC80] =	vst v63  }
0xbb: {  	s20 =	sadd.s32 $0xFFFFFD80, s17  }
0xbc: {  	[tilespmem:s5], [sflag:$0x2] =	stream.linear.gather [hbm4b:s20+s12], $0x1400, $0x38;
	[tilespmem:$0x1AC80] =	vst v63  }
0xbd: {  	_ =	swait.ge [sflag:s6], $0x28  }
0xbe: {  	[sflag:s6] =	ssyncset.done $0x0  }
0xbf: {  	[sflag:s6] =	ssyncadd.s32 $0xFFFFFFD8  }
0xc0: {  	_ =	swait.ge [sflag:s6], $0x1400  }
0xc1: {  	[sflag:s6] =	ssyncset.done $0x0  }
0xc2: {  	[sflag:s6] =	ssyncadd.s32 $0xFFFFEC00  }
0xc3: {  	[spmem:s13] =	stream.indirect.scatter.add.f32 [tilespmem:s3], [sflag:$0x4], $0x80, s12, s7, $0xb8;
	[tilespmem:$0x1AC80] =	vst v63  }
0xc4: {  	_ =	swait.ge [sflag:s8], $0x1400  }
0xc5: {  	[sflag:s8] =	ssyncset.done $0x0  }
0xc6: {  	[sflag:s8] =	ssyncadd.s32 $0xFFFFEC00  }
0xc7: {  	[spmem:s16] =	stream.indirect.scatter.add.f32 [tilespmem:s9], [sflag:$0x4], $0x1, s12, s7, $0xb8;
	[tilespmem:$0x1AC80] =	vst v63  }
0xc8: {  	_ =	swait.ge [sflag:s8], $0x28  }
0xc9: {  	s21 =	sshrl.u32 s19, $0x3;
	[sflag:s8] =	ssyncset.done $0x0  }
0xca: {  	s18 =	sadd.s32 s15, s21;
	[sflag:s8] =	ssyncadd.s32 $0xFFFFFFD8  }
0xcb: {  	[tilespmem:s12], [sflag:$0x1] =	stream.linear.gather [hbm4b:s18+s12], $0x28, $0x38;
	[tilespmem:$0x1AC80] =	vst v63  }
0xcc: {  	_ = 	snop  }
0xcd: {  	[tilespmem:s3], [sflag:$0x1] =	stream.linear.gather [hbm4b:s17+s12], $0x1400, $0x38;
	[tilespmem:$0x1AC80] =	vst v63  }
0xce: {  	_ =	swait.ge [sflag:s10], $0x28  }
0xcf: {  	[sflag:s10] =	ssyncset.done $0x0  }
0xd0: {  	[sflag:s10] =	ssyncadd.s32 $0xFFFFFFD8  }
0xd1: {  	_ =	swait.ge [sflag:s10], $0x1400  }
0xd2: {  	[sflag:s10] =	ssyncset.done $0x0  }
0xd3: {  	[sflag:s10] =	ssyncadd.s32 $0xFFFFEC00  }
0xd4: {  	[spmem:s13] =	stream.indirect.scatter.add.f32 [tilespmem:s5], [sflag:$0x4], $0x80, s4, s7, $0xb8;
	[tilespmem:$0x1AC80] =	vst v63  }
0xd5: {  	_ =	swait.ge [sflag:s8], $0x1400  }
0xd6: {  	[sflag:s8] =	ssyncset.done $0x0  }
0xd7: {  	[sflag:s8] =	ssyncadd.s32 $0xFFFFEC00  }
0xd8: {  	[spmem:s16] =	stream.indirect.scatter.add.f32 [tilespmem:s9], [sflag:$0x3], $0x1, s4, s7, $0xb8;
	[tilespmem:$0x1AC80] =	vst v63  }
0xd9: {  	_ =	swait.ge [sflag:s1], $0x28  }
0xda: {  	[sflag:s1] =	ssyncset.done $0x0  }
0xdb: {  	[sflag:s1] =	ssyncadd.s32 $0xFFFFFFD8  }
0xdc: {  	_ =	swait.ge [sflag:s6], $0x28  }
0xdd: {  	[sflag:s6] =	ssyncset.done $0x0  }
0xde: {  	[sflag:s6] =	ssyncadd.s32 $0xFFFFFFD8  }
0xdf: {  	_ =	swait.ge [sflag:s6], $0x1400  }
0xe0: {  	[sflag:s6] =	ssyncset.done $0x0  }
0xe1: {  	[sflag:s6] =	ssyncadd.s32 $0xFFFFEC00  }
0xe2: {  	[spmem:s13] =	stream.indirect.scatter.add.f32 [tilespmem:s3], [sflag:$0x4], $0x80, s12, s7, $0xb8;
	[tilespmem:$0x1AC80] =	vst v63  }
0xe3: {  	_ =	swait.ge [sflag:s8], $0x1400  }
0xe4: {  	[sflag:s8] =	ssyncset.done $0x0  }
0xe5: {  	[sflag:s8] =	ssyncadd.s32 $0xFFFFEC00  }
0xe6: {  	[spmem:s16] =	stream.indirect.scatter.add.f32 [tilespmem:s9], [sflag:$0x4], $0x1, s12, s7, $0xb8;
	[tilespmem:$0x1AC80] =	vst v63  }
0xe7: {  	_ =	swait.ge [sflag:s8], $0x28  }
0xe8: {  	[sflag:s8] =	ssyncset.done $0x0  }
0xe9: {  	[sflag:s8] =	ssyncadd.s32 $0xFFFFFFD8  }
0xea: {  	[bflag:$0x0] =	sbarrier.arrive $0xFFFF  }
0xeb: {  	[tilespmem:s0], [sflag:$0x3] =	stream.linear.gather [spmem:s23], $0x4000, $0x38;
	[tilespmem:$0x1AC80] =	vst v63  }
0xec: {  	_ =	swait.ge [sflag:s1], $0x4000  }
0xed: {  	[sflag:s1] =	ssyncset.done $0x0  }
0xee: {  	s22 =	rddreg [dreg:$0x6];
	[sflag:s1] =	ssyncadd.s32 $0xFFFFC000  }
0xef: {  	[hbm4b:s22+s12] =	stream.linear.scatter [tilespmem:s0], [sflag:$0x3], $0x4000, $0x38;
	[tilespmem:$0x1AC80] =	vst v63  }
0xf0: {  	_ =	swait.ge [sflag:s1], $0x4000  }
0xf1: {  	[sflag:s1] =	ssyncset.done $0x0  }
0xf2: {  	[sflag:s1] =	ssyncadd.s32 $0xFFFFC000  }
0xf3: {  	[tilespmem:s2], [sflag:$0x3] =	stream.linear.gather [spmem:s24], $0x80, $0x38;
	[tilespmem:$0x1AC80] =	vst v63  }
0xf4: {  	_ =	swait.ge [sflag:s1], $0x80  }
0xf5: {  	[sflag:s1] =	ssyncset.done $0x0  }
0xf6: {  	s19 =	smov.u32 s23;
	s23 =	rddreg [dreg:$0xb];
	[sflag:s1] =	ssyncadd.s32 $0xFFFFFF80  }
0xf7: {  	[hbm4b:s23+s12] =	stream.linear.scatter [tilespmem:s2], [sflag:$0x3], $0x80, $0x38;
	[tilespmem:$0x1AC80] =	vst v63  }
0xf8: {  	_ =	swait.ge [sflag:s1], $0x80  }
0xf9: {  	[sflag:s1] =	ssyncset.done $0x0  }
0xfa: {  	[sflag:s1] =	ssyncadd.s32 $0xFFFFFF80  }
0xfb: {  	[tilespmem:s0], [sflag:$0x3] =	stream.linear.gather [spmem:s25], $0x4000, $0x38;
	[tilespmem:$0x1AC80] =	vst v63  }
0xfc: {  	_ =	swait.ge [sflag:s1], $0x4000  }
0xfd: {  	[sflag:s1] =	ssyncset.done $0x0  }
0xfe: {  	s20 =	smov.u32 s24;
	s24 =	rddreg [dreg:$0x7];
	[sflag:s1] =	ssyncadd.s32 $0xFFFFC000  }
0xff: {  	[hbm4b:s24+s12] =	stream.linear.scatter [tilespmem:s0], [sflag:$0x3], $0x4000, $0x38;
	[tilespmem:$0x1AC80] =	vst v63  }
0x100: {  	_ =	swait.ge [sflag:s1], $0x4000  }
0x101: {  	[sflag:s1] =	ssyncset.done $0x0  }
0x102: {  	[sflag:s1] =	ssyncadd.s32 $0xFFFFC000  }
0x103: {  	[tilespmem:s2], [sflag:$0x3] =	stream.linear.gather [spmem:s26], $0x80, $0x38;
	[tilespmem:$0x1AC80] =	vst v63  }
0x104: {  	_ =	swait.ge [sflag:s1], $0x80  }
0x105: {  	[sflag:s1] =	ssyncset.done $0x0  }
0x106: {  	s21 =	smov.u32 s25;
	s25 =	rddreg [dreg:$0xc];
	[sflag:s1] =	ssyncadd.s32 $0xFFFFFF80  }
0x107: {  	[hbm4b:s25+s12] =	stream.linear.scatter [tilespmem:s2], [sflag:$0x3], $0x80, $0x38;
	[tilespmem:$0x1AC80] =	vst v63  }
0x108: {  	_ =	swait.ge [sflag:s1], $0x80  }
0x109: {  	[sflag:s1] =	ssyncset.done $0x0  }
0x10a: {  	s22 =	smov.u32 s26;
	s26 =	rddreg [dreg:$0x13];
	[sflag:s1] =	ssyncadd.s32 $0xFFFFFF80  }
0x10b: {  	[tilespmem:s0], [sflag:$0x3] =	stream.linear.gather [spmem:s26], $0x4000, $0x38;
	[tilespmem:$0x1AC80] =	vst v63  }
0x10c: {  	_ =	swait.ge [sflag:s1], $0x4000  }
0x10d: {  	[sflag:s1] =	ssyncset.done $0x0  }
0x10e: {  	s18 =	rddreg [dreg:$0x8];
	[sflag:s1] =	ssyncadd.s32 $0xFFFFC000  }
0x10f: {  	[hbm4b:s18+s12] =	stream.linear.scatter [tilespmem:s0], [sflag:$0x3], $0x4000, $0x38;
	[tilespmem:$0x1AC80] =	vst v63  }
0x110: {  	_ =	swait.ge [sflag:s1], $0x4000  }
0x111: {  	[sflag:s1] =	ssyncset.done $0x0  }
0x112: {  	s23 =	rddreg [dreg:$0x14];
	[sflag:s1] =	ssyncadd.s32 $0xFFFFC000  }
0x113: {  	[tilespmem:s2], [sflag:$0x3] =	stream.linear.gather [spmem:s23], $0x80, $0x38;
	[tilespmem:$0x1AC80] =	vst v63  }
0x114: {  	_ =	swait.ge [sflag:s1], $0x80  }
0x115: {  	[sflag:s1] =	ssyncset.done $0x0  }
0x116: {  	s24 =	rddreg [dreg:$0xd];
	[sflag:s1] =	ssyncadd.s32 $0xFFFFFF80  }
0x117: {  	[hbm4b:s24+s12] =	stream.linear.scatter [tilespmem:s2], [sflag:$0x3], $0x80, $0x38;
	[tilespmem:$0x1AC80] =	vst v63  }
0x118: {  	_ =	swait.ge [sflag:s1], $0x80  }
0x119: {  	[sflag:s1] =	ssyncset.done $0x0  }
0x11a: {  	s25 =	rddreg [dreg:$0x15];
	[sflag:s1] =	ssyncadd.s32 $0xFFFFFF80  }
0x11b: {  	[tilespmem:s0], [sflag:$0x3] =	stream.linear.gather [spmem:s25], $0x4000, $0x38;
	[tilespmem:$0x1AC80] =	vst v63  }
0x11c: {  	_ =	swait.ge [sflag:s1], $0x4000  }
0x11d: {  	[sflag:s1] =	ssyncset.done $0x0  }
0x11e: {  	s26 =	rddreg [dreg:$0x9];
	[sflag:s1] =	ssyncadd.s32 $0xFFFFC000  }
0x11f: {  	[hbm4b:s26+s12] =	stream.linear.scatter [tilespmem:s0], [sflag:$0x3], $0x4000, $0x38;
	[tilespmem:$0x1AC80] =	vst v63  }
0x120: {  	_ =	swait.ge [sflag:s1], $0x4000  }
0x121: {  	[sflag:s1] =	ssyncset.done $0x0  }
0x122: {  	s18 =	rddreg [dreg:$0x16];
	[sflag:s1] =	ssyncadd.s32 $0xFFFFC000  }
0x123: {  	[tilespmem:s2], [sflag:$0x3] =	stream.linear.gather [spmem:s18], $0x80, $0x38;
	[tilespmem:$0x1AC80] =	vst v63  }
0x124: {  	_ =	swait.ge [sflag:s1], $0x80  }
0x125: {  	[sflag:s1] =	ssyncset.done $0x0  }
0x126: {  	s23 =	rddreg [dreg:$0xe];
	[sflag:s1] =	ssyncadd.s32 $0xFFFFFF80  }
0x127: {  	[hbm4b:s23+s12] =	stream.linear.scatter [tilespmem:s2], [sflag:$0x3], $0x80, $0x38;
	[tilespmem:$0x1AC80] =	vst v63  }
0x128: {  	_ =	swait.ge [sflag:s1], $0x80  }
0x129: {  	[sflag:s1] =	ssyncset.done $0x0  }
0x12a: {  	[sflag:s1] =	ssyncadd.s32 $0xFFFFFF80  }
0x12b: {  	[tilespmem:s0], [sflag:$0x3] =	stream.linear.gather [spmem:s28], $0x4000, $0x38;
	[tilespmem:$0x1AC80] =	vst v63  }
0x12c: {  	_ =	swait.ge [sflag:s1], $0x4000  }
0x12d: {  	[sflag:s1] =	ssyncset.done $0x0  }
0x12e: {  	s24 =	rddreg [dreg:$0xa];
	[sflag:s1] =	ssyncadd.s32 $0xFFFFC000  }
0x12f: {  	[hbm4b:s24+s12] =	stream.linear.scatter [tilespmem:s0], [sflag:$0x3], $0x4000, $0x38;
	[tilespmem:$0x1AC80] =	vst v63  }
0x130: {  	_ =	swait.ge [sflag:s1], $0x4000  }
0x131: {  	[sflag:s1] =	ssyncset.done $0x0  }
0x132: {  	[sflag:s1] =	ssyncadd.s32 $0xFFFFC000  }
0x133: {  	[tilespmem:s2], [sflag:$0x3] =	stream.linear.gather [spmem:s29], $0x80, $0x38;
	[tilespmem:$0x1AC80] =	vst v63  }
0x134: {  	_ =	swait.ge [sflag:s1], $0x80  }
0x135: {  	[sflag:s1] =	ssyncset.done $0x0  }
0x136: {  	s25 =	rddreg [dreg:$0xf];
	[sflag:s1] =	ssyncadd.s32 $0xFFFFFF80  }
0x137: {  	[hbm4b:s25+s12] =	stream.linear.scatter [tilespmem:s2], [sflag:$0x3], $0x80, $0x38;
	[tilespmem:$0x1AC80] =	vst v63  }
0x138: {  	_ =	swait.ge [sflag:s1], $0x80  }
0x139: {  	s11 =	sadd.s32 $0x1, s11;
	s26 =	rddreg [dreg:$0x12]  }
0x13a: {  	p0 =	sne.s32 s11, s26  }
.Ltmp2:
0x13b: {  	_ = 	snop;
	(pc) =	sbr.rel @p0 .LBB2_1-.Ltmp2, $3  }
0x13c: {  	_ =	sdelay $0x1  }
0x13d: {  	[sflag:s1] =	ssyncset.done $0x0  }
0x13e: {  	[sflag:s1] =	ssyncadd.s32 $0xFFFFFF80  }
0x13f: {  	_ =	sfence.sel $0x180000  }
0x140: {  	[bflag:$0x0] =	sbarrier.arrive $0xFFFF  }
0x141: {  	_ =	strace $0x9000004D  }
0x142: {  	s0 =	stileid.u32;
	[bflag:$0x2] =	sbarrier.arrive $0xFFFF  }
0x143: {  	p0 =	sne.s32 s0, $0x0;
	s0 =	rddreg [dreg:$0x5]  }
0x144: {  	s0 =	sadd.s32 @!p0 $0x100000, s0  }
0x145: {  	[sflag:s0] =	ssyncadd.tile.s32 @!p0 $0x1;
	_ =	shalt  }
.Lfunc_end2:
_tile_overlayer_lowered:
.L_overlay_start_2:
0x146: {  	(tag) =	ssettag $0x2  }
0x147: {  	s0 =	rddreg [dreg:$0x0];
	s2 =	stileid.u32  }
0x148: {  	s1 =	rddreg [dreg:$0x1];
	p0 =	sne.s32 s2, $0x0  }
0x149: {  	s3 =	rddreg [dreg:$0x2];
	[bflag:$0x3] =	sbarrier.arrive $0xFFFF;
	s2 =	simm.s32 @!p0 $0x1C03  }
0x14a: {  	[timem:s3], [sflag:s2] =	dma.local @!p0 [hbm:s0], s1  }
0x14b: {  	s0 =	simm.s32 @!p0 $0x3  }
0x14c: {  	_ =	swait.ge @!p0 [sflag:s0], s1  }
0x14d: {  	s1 =	ssub.s32 @!p0 $0x0, s1;
	[sflag:s0] =	ssyncset.done @!p0 $0x0  }
0x14e: {  	[sflag:s0] =	ssyncadd.s32 @!p0 s1  }
0x14f: {  	[bflag:$0x3] =	sbarrier.arrive $0xFFFF  }
0x150: {  	_ =	shalt  }

// kernel: kernel.9.cloned.1.call-start
scs
__scs_entry_jumppad:
0x0: {  	(pc) =	sbr.rel $0x88, $3  }
0x1: {  	(tag) =	ssettag $0x0;
	lr =	simm.s32 $0x1  }
0x2: {  	[smem:$0x3F8C] =	sst lr;
	_ =	strace $0xD0000000  }
0x3: {  	_ = 	snop  }
0x4: {  	_ = 	snop  }
0x5: {  	_ = 	snop  }
0x6: {  	_ = 	snop  }
0x7: {  	_ = 	snop  }
__scs_overlays_trampoline_lowered:
0x8: {  	[smem:$0x3F9B] =	sst s0  }
0x9: {  	[smem:$0x3F9C] =	sst s1  }
0xa: {  	[smem:$0x3F9D] =	sst s2  }
0xb: {  	[smem:$0x3F9E] =	sst s3  }
0xc: {  	[smem:$0x3F9F] =	sst s4  }
0xd: {  	[smem:$0x3FA0] =	sst s5  }
0xe: {  	[smem:$0x3FA1] =	sst s6  }
0xf: {  	[smem:$0x3FA2] =	sst s7  }
0x10: {  	[smem:$0x3FA3] =	sst s8  }
0x11: {  	[smem:$0x3FA4] =	sst s9;
	s0 =	simm.s32 @!p0 $0x0  }
0x12: {  	s1 =	sld [smem:$0x3F8A];
	s0 =	simm.s32 @p0 $0x1  }
0x13: {  	[smem:$0x3FA5] =	sst s0;
	s0 =	simm.s32 @!p1 $0x0  }
0x14: {  	s2 =	sld [smem:$0x3F89];
	s0 =	simm.s32 @p1 $0x1  }
0x15: {  	[smem:$0x3FA6] =	sst s0;
	s0 =	simm.s32 @!p2 $0x0  }
0x16: {  	s3 =	sld [smem:$0x3FDB];
	s0 =	simm.s32 @p2 $0x1  }
0x17: {  	s4 =	simm.s32 $0x1BF5;
	[smem:$0x3FA8] =	sst s0  }
0x18: {  	s0 =	sld [smem:$0x3F8B];
	_ =	swait.ge [sflag:s4], $0x0  }
0x19: {  	s7 =	sld [smem:$0x3F8C]  }
0x1a: {  	s8 =	sadd.s32 $0xFFFFE003, lr  }
0x1b: {  	s9 =	sadd.s32 $0xFFFFFEF7, lr;
	s5 =	simm.s32 $0xFFFFFFFF;
	p2 =	slt.u32 s8, $0xFFFFF086  }
0x1c: {  	p1 =	slt.u32 s9, $0xF7A;
	s5 =	simm.s32 @!p2 $0x0  }
0x1d: {  	s5 =	simm.s32 @p1 $0x1;
	p0 =	seq.s32 s7, s2  }
0x1e: {  	s7 =	smul.u32 @!p0 $0xF7A, s2;
	p2 =	seq.s32 @!p0 s5, $0x0  }
0x1f: {  	s9 =	smul.u32 $0xF7A, s1;
	s8 =	simm.s32 @!p0 $0x1BF5;
	p2 =	por !p2, p0  }
0x20: {  	[sflag:s8] =	ssyncset.s32 @!p0 $0xFFFFF086;
	s6 =	sadd.s32 @!p0 s3, s7;
	s7 =	simm.s32 @!p0 $0x108  }
0x21: {  	s3 =	sadd.s32 s3, s9;
	s6 =	sadd.s32 @!p0 $0x88, s6;
	s7 =	simm.s32 @p2 $0x1082  }
0x22: {  	[simem:s7], [sflag:s8] =	dma.local @!p0 [hbm:s6], $0xF7A  }
0x23: {  	s9 =	sor.u32 $0xD0000000, s2;
	s6 =	simm.s32 $0x108;
	_ =	swait.ge @!p0 [sflag:s8], $0x0  }
0x24: {  	s3 =	sadd.s32 $0x88, s3;
	s6 =	simm.s32 @!p1 $0x1082;
	[sflag:s4] =	ssyncset.s32 $0xFFFFF086  }
0x25: {  	[simem:s6], [sflag:s4] =	dma.local [hbm:s3], $0xF7A  }
0x26: {  	[smem:$0x3F8C] =	sst s1;
	(tag) =	ssettag s2;
	_ =	strace s9  }
0x27: {  	s1 =	sld [smem:$0x3F9C]  }
0x28: {  	s2 =	sld [smem:$0x3F9D]  }
0x29: {  	s4 =	sld [smem:$0x3F9F]  }
0x2a: {  	p0 =	seq.s32 s5, $0x0;
	s5 =	sld [smem:$0x3FA0]  }
0x2b: {  	s6 =	sld [smem:$0x3FA1]  }
0x2c: {  	s7 =	sld [smem:$0x3FA2]  }
0x2d: {  	s3 =	simm.s32 $0x108;
	s8 =	sld [smem:$0x3FA3]  }
0x2e: {  	s3 =	simm.s32 @!p0 $0x1082;
	s9 =	sld [smem:$0x3FA4]  }
0x2f: {  	lr =	sadd.s32 s0, s3;
	s0 =	sld [smem:$0x3F9B]  }
0x30: {  	s3 =	sld [smem:$0x3F9E]  }
0x31: {  	[smem:$0x3FA7] =	sst s10  }
0x32: {  	s10 =	sld [smem:$0x3FA5];
	_ =	sdelay $0x3  }
0x33: {  	p0 =	seq.s32 s10, $0x1;
	s10 =	sld [smem:$0x3FA7];
	_ =	sdelay $0x3  }
0x34: {  	[smem:$0x3FA7] =	sst s10  }
0x35: {  	s10 =	sld [smem:$0x3FA6];
	_ =	sdelay $0x3  }
0x36: {  	p1 =	seq.s32 s10, $0x1;
	s10 =	sld [smem:$0x3FA7];
	_ =	sdelay $0x3  }
0x37: {  	[smem:$0x3FA7] =	sst s10  }
0x38: {  	s10 =	sld [smem:$0x3FA8]  }
0x39: {  	_ = 	snop;
	(pc) =	sbr.ind lr, $3  }
0x3a: {  	_ = 	snop  }
0x3b: {  	_ = 	snop  }
0x3c: {  	p2 =	seq.s32 s10, $0x1;
	s10 =	sld [smem:$0x3FA7]  }
0x3d: {  	_ =	shalt  }
0x3e: {  	_ =	shalt  }
0x3f: {  	_ =	shalt  }
0x40: {  	_ =	shalt  }
0x41: {  	_ =	shalt  }
0x42: {  	_ =	shalt  }
0x43: {  	_ =	shalt  }
0x44: {  	_ =	shalt  }
0x45: {  	_ =	shalt  }
0x46: {  	_ =	shalt  }
0x47: {  	_ =	shalt  }
0x48: {  	_ =	shalt  }
0x49: {  	_ =	shalt  }
0x4a: {  	_ =	shalt  }
0x4b: {  	_ =	shalt  }
0x4c: {  	_ =	shalt  }
0x4d: {  	_ =	shalt  }
0x4e: {  	_ =	shalt  }
0x4f: {  	_ =	shalt  }
0x50: {  	_ =	shalt  }
0x51: {  	_ =	shalt  }
0x52: {  	_ =	shalt  }
0x53: {  	_ =	shalt  }
0x54: {  	_ =	shalt  }
0x55: {  	_ =	shalt  }
0x56: {  	_ =	shalt  }
0x57: {  	_ =	shalt  }
0x58: {  	_ =	shalt  }
0x59: {  	_ =	shalt  }
0x5a: {  	_ =	shalt  }
0x5b: {  	_ =	shalt  }
0x5c: {  	_ =	shalt  }
0x5d: {  	_ =	shalt  }
0x5e: {  	_ =	shalt  }
0x5f: {  	_ =	shalt  }
0x60: {  	_ =	shalt  }
0x61: {  	_ =	shalt  }
0x62: {  	_ =	shalt  }
0x63: {  	_ =	shalt  }
0x64: {  	_ =	shalt  }
0x65: {  	_ =	shalt  }
0x66: {  	_ =	shalt  }
0x67: {  	_ =	shalt  }
0x68: {  	_ =	shalt  }
0x69: {  	_ =	shalt  }
0x6a: {  	_ =	shalt  }
0x6b: {  	_ =	shalt  }
0x6c: {  	_ =	shalt  }
0x6d: {  	_ =	shalt  }
0x6e: {  	_ =	shalt  }
0x6f: {  	_ =	shalt  }
0x70: {  	_ =	shalt  }
0x71: {  	_ =	shalt  }
0x72: {  	_ =	shalt  }
0x73: {  	_ =	shalt  }
0x74: {  	_ =	shalt  }
0x75: {  	_ =	shalt  }
0x76: {  	_ =	shalt  }
0x77: {  	_ =	shalt  }
0x78: {  	_ =	shalt  }
0x79: {  	_ =	shalt  }
0x7a: {  	_ =	shalt  }
0x7b: {  	_ =	shalt  }
0x7c: {  	_ =	shalt  }
0x7d: {  	_ =	shalt  }
0x7e: {  	_ =	shalt  }
0x7f: {  	_ =	shalt  }
0x80: {  	_ =	shalt  }
0x81: {  	_ =	shalt  }
0x82: {  	_ =	shalt  }
0x83: {  	_ =	shalt  }
0x84: {  	_ =	shalt  }
0x85: {  	_ =	shalt  }
0x86: {  	_ =	shalt  }
0x87: {  	_ =	shalt  }
.Lfunc_end0:
.L_simem_size_0:
called_computation_lowered:
.L_overlay_start_0:
0x88: {  	s2 =	sld [smem:$0x3FD9]  }
0x89: {  	s3 =	sld [smem:$0x3FFE];
	_ =	sdelay $0x1  }
0x8a: {  	s1 =	srdreg.scid  }
0x8b: {  	s0 =	sand.u32 $0x1, s1  }
0x8c: {  	s14 =	sshll.u32 s0, $0xA;
	s2 =	sadd.s32 s3, s2  }
0x8d: {  	s2 =	sadd.s32 s2, s14  }
0x8e: {  	[smem:$0x3FB3] =	sst s2  }
0x8f: {  	_ = 	snop  }
0x90: {  	s2 =	sld [smem:$0x3FD0];
	_ =	sdelay $0x2  }
0x91: {  	s15 =	simm.s32 $0xA;
	s4 =	simm.s32 $0x10  }
0x92: {  	[smem:s4], [sflag:s15] =	dma.local [hbm:s2], $0x1  }
0x93: {  	_ =	swait.eq [sflag:s15], $0x1  }
0x94: {  	[sflag:s15] =	ssyncset.done $0x0  }
0x95: {  	[sflag:s15] =	ssyncadd.s32 $0xFFFFFFFF  }
0x96: {  	s16 =	sld [smem:$0x10];
	(tm) =	ssettm $0x1  }
0x97: {  	s17 =	sld [smem:$0x3FFB];
	_ =	sdelay $0x3  }
0x98: {  	_ =	strace s17  }
0x99: {  	s3 =	sld [smem:$0x3FFC];
	_ =	sdelay $0x3  }
0x9a: {  	_ =	strace s3  }
0x9b: {  	s3 =	sld [smem:$0x3FFD];
	_ =	sdelay $0x3  }
0x9c: {  	_ =	strace s3  }
0x9d: {  	_ =	strace $0x8FFFFFFF  }
0x9e: {  	s18 =	sld [smem:$0x3FDB];
	_ =	sdelay $0x1  }
0x9f: {  	s19 =	simm.s32 $_scs_section_size  }
0xa0: {  	s5 =	simm.s32 $_size__tile_overlayer_lowered;
	s6 =	simm.s32 $_tile_overlayer_lowered  }
0xa1: {  	s22 =	simm.s32 $0x1BFF;
	s21 =	sshll.u32 s6, $0x1;
	s3 =	sadd.s32 s19, s18  }
0xa2: {  	s7 =	simm.s32 $0x0;
	s20 =	sshll.u32 s5, $0x1;
	s5 =	sadd.s32 s21, s3  }
0xa3: {  	[timem:s7], [sflag:s22] =	dma.local [hbm:s5], s20  }
0xa4: {  	_ =	swait.ge [sflag:s22], s20  }
0xa5: {  	s4 =	ssub.s32 $0x0, s20;
	[sflag:s22] =	ssyncset.done $0x0  }
0xa6: {  	[sflag:s22] =	ssyncadd.s32 s4;
	_ =	sdelay $0x1  }
0xa7: {  	s23 =	simm.s32 $0x1B8B  }
0xa8: {  	_ =	swait.ge [sflag:s23], $0x1  }
0xa9: {  	[sflag:s23] =	ssyncset.done $0x0  }
0xaa: {  	s25 =	simm.s32 $0x1B8E;
	s24 =	sld [smem:$0x3FFE];
	[sflag:s23] =	ssyncadd.s32 $0xFFFFFFFF  }
0xab: {  	s26 =	simm.s32 $execute0_lowered;
	[smem:$0x3FD2] =	sst s25  }
0xac: {  	s5 =	sshll.u32 s26, $0x1;
	_ =	strace $0x80000046;
	[dreg:$0x1] =	wrdreg $0xFFFFFFFF  }
0xad: {  	s28 =	simm.s32 $_size_execute0_lowered;
	s3 =	sadd.s32 s3, s5;
	[dreg:$0x0] =	wrdreg $0x0  }
0xae: {  	s5 =	sshll.u32 s28, $0x1;
	[dreg:$0x2] =	wrdreg s3  }
0xaf: {  	[dreg:$0x3] =	wrdreg s5  }
0xb0: {  	[dreg:$0x4] =	wrdreg $0xC0  }
0xb1: {  	_ =	task [dreg:s7], $0x5FFFF  }
0xb2: {  	[dreg:$0x1] =	wrdreg $0xFFFFFFFF  }
0xb3: {  	[dreg:$0x0] =	wrdreg $0x60  }
0xb4: {  	[dreg:$0x2] =	wrdreg s16  }
0xb5: {  	[dreg:$0x3] =	wrdreg s24  }
0xb6: {  	[dreg:$0x4] =	wrdreg $0x12A800  }
0xb7: {  	[dreg:$0x5] =	wrdreg $0x12D000  }
0xb8: {  	[dreg:$0x6] =	wrdreg $0x9  }
0xb9: {  	_ =	task.clear_ibuf [dreg:s7], $0x7FFFF;
	_ =	strace $0x90000046  }
0xba: {  	s29 =	simm.s32 $0x9;
	_ =	strace $0x80000048  }
0xbb: {  	_ =	swait.ge [sflag:s29], $0x1  }
0xbc: {  	[sflag:s29] =	ssyncadd.s32 $0xFFFFFFFF  }
0xbd: {  	_ =	strace $0x90000048  }
0xbe: {  	_ =	sfence  }
0xbf: {  	s30 =	sld [smem:$0x0];
	_ =	sdelay $0x2  }
0xc0: {  	s31 =	sshll.u32 s1, $0xD;
	s1 =	sshrl.u32 s1, $0x2  }
0xc1: {  	s3 =	sand.u32 $0x4000, s31;
	s1 =	sadd.s32 s1, s30  }
0xc2: {  	s0 =	sor.u32 s3, s0;
	s1 =	sshll.u32 s1, $0x11  }
0xc3: {  	s0 =	sor.u32 s1, s0  }
0xc4: {  	s0 =	sadd.s32 $0x8F2B, s0  }
0xc5: {  	[sflag:s0] =	ssyncadd.remote.s32 $0x1  }
0xc6: {  	_ =	sfence.sel $0xFFFF  }
0xc7: {  	[dreg:$0x0] =	wrdreg $0xFFFFFFFF;
	(pc) =	sbr.abs _section_cstart, $3  }
0xc8: {  	[dreg:$0x1] =	wrdreg $0xFFFFFFFF  }
0xc9: {  	_ =	task.clear_ibuf [dreg:s7], $0x2FFFF;
	_ =	strace $0x9FFFFFFF  }
0xca: {  	(tm) =	ssettm $0x7FFFFFFF  }
0xcb: {  	_ =	shalt  }
tec
execute0_lowered:
.L_overlay_start_1:
0x0: {  	(tag) =	ssettag $0x1  }
0x1: {  	s1 =	rddreg [dreg:$0x0]  }
0x2: {  	s0 =	rddreg [dreg:$0x1]  }
0x3: {  	s3 =	rddreg [dreg:$0x2];
	s2 =	srdreg.scid  }
0x4: {  	s12 =	stileid.u32;
	s4 =	rddreg [dreg:$0x3];
	s5 =	simm.s32 $0x0  }
0x5: {  	s31 =	simm.s32 $0x3;
	s2 =	sand.u32 $0x1, s2;
	s6 =	sshll.u32 s12, $0x1  }
0x6: {  	[smem:$0x7FF] =	sst s5;
	s8 =	sadd.s32 $0x34A00, s0;
	s11 =	smul.u32 $0x5, s12  }
0x7: {  	s23 =	smul.u32 $0xA0, s12;
	s6 =	sor.u32 s2, s6;
	_ =	strace $0x80000047  }
0x8: {  	s9 =	ssub.s32 $0x2, s2;
	s2 =	sshll.u32 s2, $0x4;
	s7 =	smul.u32 $0x271, s6  }
0x9: {  	s6 =	sadd.s32 $0xD800, s0;
	s10 =	sshrl.u32 s9, $0x1;
	s24 =	sadd.s32 $0x1, s11  }
0xa: {  	s13 =	sadd.s32 $0x2, s11;
	s14 =	sadd.s32 $0x3, s11;
	s11 =	sadd.s32 $0x4, s11  }
0xb: {  	s9 =	ssub.s32 s9, s10;
	s10 =	smul.u32 $0x280, s12;
	s15 =	sshll.u32 s24, $0x5  }
0xc: {  	s25 =	sshll.u32 s13, $0x5;
	s17 =	sshll.u32 s14, $0x5;
	s19 =	sshll.u32 s11, $0x5  }
0xd: {  	s12 =	simm.s32 $0x4;
	s7 =	sadd.s32 s7, s0;
	s0 =	sadd.s32 $0x35400, s0  }
0xe: {  	s15 =	sor.u32 s2, s15;
	s29 =	sor.u32 s2, s25;
	s22 =	sadd.s32 $0x8800, s7  }
0xf: {  	s18 =	sor.u32 s2, s17;
	s7 =	sadd.s32 $0x3800, s7;
	[dreg:$0x5] =	wrdreg s22  }
0x10: {  	s25 =	sshll.u32 s14, $0x7;
	s26 =	sadd.s32 s8, s15;
	[dreg:$0x6] =	wrdreg s7  }
0x11: {  	s14 =	simm.s32 $0x2;
	s15 =	sadd.s32 s0, s15;
	[dreg:$0x9] =	wrdreg s26  }
0x12: {  	s20 =	sadd.s32 s8, s18;
	s30 =	sadd.s32 s25, s3;
	[dreg:$0xa] =	wrdreg s15  }
0x13: {  	s7 =	sor.u32 s2, s23;
	s2 =	sor.u32 s2, s19;
	[dreg:$0xd] =	wrdreg s20  }
0x14: {  	s22 =	smax.u32 s9, $0x1;
	s19 =	sadd.s32 s10, s4;
	s23 =	sshll.u32 s24, $0x7  }
0x15: {  	s24 =	sshll.u32 s13, $0x7;
	s9 =	simm.s32 $0x1;
	[dreg:$0x12] =	wrdreg s30  }
0x16: {  	s13 =	simm.s32 $0x12980;
	s16 =	sadd.s32 s8, s7;
	[dreg:$0x11] =	wrdreg s22  }
0x17: {  	s15 =	simm.s32 $0x2880;
	s7 =	sadd.s32 s0, s7;
	[dreg:$0x7] =	wrdreg s16  }
0x18: {  	s21 =	sadd.s32 s8, s2;
	s20 =	sadd.s32 s23, s3;
	[dreg:$0x8] =	wrdreg s7  }
0x19: {  	s26 =	sadd.s32 s24, s3;
	s22 =	sadd.s32 s25, s4;
	[dreg:$0xf] =	wrdreg s21  }
0x1a: {  	s28 =	sadd.s32 s24, s4;
	s25 =	simm.s32 $0x1400;
	[dreg:$0x13] =	wrdreg s22  }
0x1b: {  	s16 =	sadd.s32 s8, s29;
	s7 =	sadd.s32 s0, s29;
	[dreg:$0x14] =	wrdreg s28  }
0x1c: {  	s21 =	sadd.s32 s23, s4;
	s29 =	sshll.u32 s11, $0x7;
	[dreg:$0x17] =	wrdreg s26  }
0x1d: {  	s8 =	simm.s32 $0xA900;
	s11 =	simm.s32 $0x12900;
	[dreg:$0xb] =	wrdreg s16  }
0x1e: {  	vm1 =	vmmov $0xff;
	vm2 =	vmmov $0x1;
	vm3 =	vmmov $0x3;
	[dreg:$0xc] =	wrdreg s7;
	s7 =	sadd.s32 s0, s18;
	s0 =	sadd.s32 s0, s2  }
0x1f: {  	vm4 =	vmmov $0x7;
	vm5 =	vmmov $0xf;
	vm6 =	vmmov $0x1f;
	s18 =	sadd.s32 s10, s3;
	s23 =	sadd.s32 s29, s3;
	[dreg:$0xe] =	wrdreg s7  }
0x20: {  	vm7 =	vmmov $0x3f;
	vm8 =	vmmov $0x7f;
	vm9 =	vmmov $0x1ff;
	s24 =	sadd.s32 s29, s4;
	s2 =	simm.s32 $0xE900;
	[dreg:$0x10] =	wrdreg s0  }
0x21: {  	vm10 =	vmmov $0x3ff;
	vm11 =	vmmov $0x7ff;
	vm12 =	vmmov $0xfff;
	s10 =	simm.s32 $0x2800;
	s16 =	simm.s32 $0x0;
	[dreg:$0x15] =	wrdreg s23  }
0x22: {  	vm13 =	vmmov $0x1fff;
	vm14 =	vmmov $0x3fff;
	vm15 =	vmmov $0x7fff;
	s0 =	simm.s32 $0x12A00;
	s7 =	simm.s32 $0x80;
	[dreg:$0x16] =	wrdreg s24  }
.LBB2_1:
0x23: {  	s17 =	rddreg [dreg:$0x5]  }
0x24: {  	[tilespmem:s5], [sflag:$0x3] =	stream.linear.gather [hbm4b:s17+s5], $0x1388, $0x38;
	[tilespmem:$0x12F80] =	vst v63  }
0x25: {  	_ =	swait.ge [sflag:s31], $0x1388  }
0x26: {  	[sflag:s31] =	ssyncset.done $0x0  }
0x27: {  	s17 =	rddreg [dreg:$0x6];
	[sflag:s31] =	ssyncadd.s32 $0xFFFFEC78  }
0x28: {  	[tilespmem:s25], [sflag:$0x3] =	stream.linear.gather [hbm4b:s17+s5], $0x1388, $0x38;
	[tilespmem:$0x12F80] =	vst v63  }
0x29: {  	_ =	swait.ge [sflag:s31], $0x1388  }
0x2a: {  	[sflag:s31] =	ssyncset.done $0x0  }
0x2b: {  	v0 =	vimm.f32 $1.000000000e+00;
	[sflag:s31] =	ssyncadd.s32 $0xFFFFEC78  }
0x2c: {  	v1 =	vimm.f32 $0.0e+00;
	[tilespmem:$0x12980] =	vst v0  }
0x2d: {  	[tilespmem:$0x12A00] =	vst v1  }
0x2e: {  	[tilespmem:$0x12990] =	vst v0  }
0x2f: {  	[tilespmem:$0x12A10] =	vst v1  }
0x30: {  	[tilespmem:$0x129A0] =	vst v0  }
0x31: {  	[tilespmem:$0x12A20] =	vst v1  }
0x32: {  	[tilespmem:$0x129B0] =	vst v0  }
0x33: {  	[tilespmem:$0x12A30] =	vst v1  }
0x34: {  	[tilespmem:$0x129C0] =	vst v0  }
0x35: {  	[tilespmem:$0x12A40] =	vst v1  }
0x36: {  	[tilespmem:$0x129D0] =	vst v0  }
0x37: {  	[tilespmem:$0x12A50] =	vst v1  }
0x38: {  	[tilespmem:$0x129E0] =	vst v0  }
0x39: {  	[tilespmem:$0x12A60] =	vst v1  }
0x3a: {  	[tilespmem:$0x129F0] =	vst v0  }
0x3b: {  	[tilespmem:$0x12A70] =	vst v1  }
0x3c: {  	[spmem:s18] =	stream.linear.scatter [tilespmem:s0], [sflag:$0x3], $0x80, $0x38;
	[tilespmem:$0x12F80] =	vst v63  }
0x3d: {  	_ =	swait.ge [sflag:s31], $0x80  }
0x3e: {  	[sflag:s31] =	ssyncset.done $0x0  }
0x3f: {  	[sflag:s31] =	ssyncadd.s32 $0xFFFFFF80  }
0x40: {  	[spmem:s19] =	stream.linear.scatter [tilespmem:s0], [sflag:$0x3], $0x80, $0x38;
	[tilespmem:$0x12F80] =	vst v63  }
0x41: {  	_ =	swait.ge [sflag:s31], $0x80  }
0x42: {  	[sflag:s31] =	ssyncset.done $0x0  }
0x43: {  	[sflag:s31] =	ssyncadd.s32 $0xFFFFFF80  }
0x44: {  	[spmem:s20] =	stream.linear.scatter [tilespmem:s0], [sflag:$0x3], $0x80, $0x38;
	[tilespmem:$0x12F80] =	vst v63  }
0x45: {  	_ =	swait.ge [sflag:s31], $0x80  }
0x46: {  	[sflag:s31] =	ssyncset.done $0x0  }
0x47: {  	[sflag:s31] =	ssyncadd.s32 $0xFFFFFF80  }
0x48: {  	[spmem:s21] =	stream.linear.scatter [tilespmem:s0], [sflag:$0x3], $0x80, $0x38;
	[tilespmem:$0x12F80] =	vst v63  }
0x49: {  	_ =	swait.ge [sflag:s31], $0x80  }
0x4a: {  	[sflag:s31] =	ssyncset.done $0x0  }
0x4b: {  	s17 =	smov.u32 s26;
	[sflag:s31] =	ssyncadd.s32 $0xFFFFFF80  }
0x4c: {  	[spmem:s17] =	stream.linear.scatter [tilespmem:s0], [sflag:$0x3], $0x80, $0x38;
	[tilespmem:$0x12F80] =	vst v63  }
0x4d: {  	_ =	swait.ge [sflag:s31], $0x80  }
0x4e: {  	[sflag:s31] =	ssyncset.done $0x0  }
0x4f: {  	[sflag:s31] =	ssyncadd.s32 $0xFFFFFF80  }
0x50: {  	[spmem:s28] =	stream.linear.scatter [tilespmem:s0], [sflag:$0x3], $0x80, $0x38;
	[tilespmem:$0x12F80] =	vst v63  }
0x51: {  	_ =	swait.ge [sflag:s31], $0x80  }
0x52: {  	[sflag:s31] =	ssyncset.done $0x0  }
0x53: {  	[sflag:s31] =	ssyncadd.s32 $0xFFFFFF80  }
0x54: {  	[spmem:s30] =	stream.linear.scatter [tilespmem:s0], [sflag:$0x3], $0x80, $0x38;
	[tilespmem:$0x12F80] =	vst v63  }
0x55: {  	_ =	swait.ge [sflag:s31], $0x80  }
0x56: {  	[sflag:s31] =	ssyncset.done $0x0  }
0x57: {  	[sflag:s31] =	ssyncadd.s32 $0xFFFFFF80  }
0x58: {  	[spmem:s22] =	stream.linear.scatter [tilespmem:s0], [sflag:$0x3], $0x80, $0x38;
	[tilespmem:$0x12F80] =	vst v63  }
0x59: {  	_ =	swait.ge [sflag:s31], $0x80  }
0x5a: {  	[sflag:s31] =	ssyncset.done $0x0  }
0x5b: {  	s29 =	smov.u32 s18;
	s18 =	smov.u32 s23;
	[sflag:s31] =	ssyncadd.s32 $0xFFFFFF80  }
0x5c: {  	[spmem:s18] =	stream.linear.scatter [tilespmem:s0], [sflag:$0x3], $0x80, $0x38;
	[tilespmem:$0x12F80] =	vst v63  }
0x5d: {  	_ =	swait.ge [sflag:s31], $0x80  }
0x5e: {  	[sflag:s31] =	ssyncset.done $0x0  }
0x5f: {  	s23 =	smov.u32 s19;
	s19 =	smov.u32 s24;
	[sflag:s31] =	ssyncadd.s32 $0xFFFFFF80  }
0x60: {  	[spmem:s19] =	stream.linear.scatter [tilespmem:s0], [sflag:$0x3], $0x80, $0x38;
	[tilespmem:$0x12F80] =	vst v63  }
0x61: {  	_ =	swait.ge [sflag:s31], $0x80  }
0x62: {  	[sflag:s31] =	ssyncset.done $0x0  }
0x63: {  	[sflag:s31] =	ssyncadd.s32 $0xFFFFFF80  }
0x64: {  	[bflag:$0x0] =	sbarrier.arrive $0xFFFF  }
0x65: {  	v2 =	vld [tilespmem:$0x0]  }
0x66: {  	v3 =	vld [tilespmem:$0x10]  }
0x67: {  	v4 =	vld [tilespmem:$0x20]  }
0x68: {  	v5 =	vld [tilespmem:$0x30]  }
0x69: {  	v6 =	vld [tilespmem:$0x40]  }
0x6a: {  	v61 =	vld [tilespmem:$0x50];
	[tilespmem:$0x2800] =	vst v2  }
0x6b: {  	v62 =	vld [tilespmem:$0x60];
	[tilespmem:$0x2810] =	vst v3  }
0x6c: {  	v63 =	vld [tilespmem:$0x70];
	[tilespmem:$0x2820] =	vst v4  }
0x6d: {  	[tilespmem:$0x2830] =	vst v5  }
0x6e: {  	[tilespmem:$0x2840] =	vst v6  }
0x6f: {  	[tilespmem:$0x2850] =	vst v61  }
0x70: {  	[tilespmem:$0x2860] =	vst v62  }
0x71: {  	s26 =	smov.u32 s21;
	s28 =	simm.s32 $0x2900;
	[tilespmem:$0x2870] =	vst v63  }
0x72: {  	[tilespmem:s28], [sflag:$0x1] =	stream.indirect.gather [hbm4b:s1+s7], $0x80, s5, s7, $0xb8;
	[tilespmem:$0x12F80] =	vst v63  }
0x73: {  	s24 =	smov.u32 s20;
	s17 =	simm.s32 $0x0;
	s30 =	simm.s32 $0x6900  }
0x74: {  	[tilespmem:s30], [sflag:$0x1] =	stream.indirect.gather [hbm4b:s6+s7], $0x80, s25, s7, $0xb8;
	[tilespmem:$0x12F80] =	vst v63  }
.LBB2_2:
0x75: {  	s18 =	sshll.u32 s17, $0x8  }
0x76: {  	s19 =	sor.u32 $0x80, s18  }
0x77: {  	s19 =	smin.u32 s19, $0x1308  }
0x78: {  	v2 =	vld [tilespmem:s19+$0x0];
	_ =	sdelay $0x3  }
0x79: {  	p0 =	seq.s32 s17, $0x13  }
0x7a: {  	v2 =	vpsel p0, $0x27FF, v2  }
0x7b: {  	[tilespmem:$0x2880] =	vst v2  }
0x7c: {  	v2 =	vld [tilespmem:s19+$0x10];
	_ =	sdelay $0x4  }
0x7d: {  	v2 =	vpsel p0, $0x27FF, v2  }
0x7e: {  	[tilespmem:$0x2890] =	vst v2  }
0x7f: {  	v2 =	vld [tilespmem:s19+$0x20];
	_ =	sdelay $0x4  }
0x80: {  	v2 =	vpsel p0, $0x27FF, v2  }
0x81: {  	[tilespmem:$0x28A0] =	vst v2  }
0x82: {  	v2 =	vld [tilespmem:s19+$0x30];
	_ =	sdelay $0x4  }
0x83: {  	v2 =	vpsel p0, $0x27FF, v2  }
0x84: {  	[tilespmem:$0x28B0] =	vst v2  }
0x85: {  	v2 =	vld [tilespmem:s19+$0x40];
	_ =	sdelay $0x4  }
0x86: {  	v2 =	vpsel p0, $0x27FF, v2  }
0x87: {  	[tilespmem:$0x28C0] =	vst v2  }
0x88: {  	v2 =	vld [tilespmem:s19+$0x50];
	_ =	sdelay $0x4  }
0x89: {  	v2 =	vpsel p0, $0x27FF, v2  }
0x8a: {  	[tilespmem:$0x28D0] =	vst v2  }
0x8b: {  	v2 =	vld [tilespmem:s19+$0x60];
	_ =	sdelay $0x4  }
0x8c: {  	v2 =	vpsel p0, $0x27FF, v2  }
0x8d: {  	[tilespmem:$0x28E0] =	vst v2  }
0x8e: {  	v2 =	vld [tilespmem:s19+$0x70];
	_ =	sdelay $0x1  }
0x8f: {  	vm0 =	vmxor vm0, vm0  }
0x90: {  	vm0 =	vmneg @p0 vm0  }
0x91: {  	vm0 =	vmand vm0, vm1  }
0x92: {  	v2 =	vsel vm0, $0x27FF, v2  }
0x93: {  	[tilespmem:$0x28F0] =	vst v2  }
0x94: {  	[tilespmem:s8], [sflag:$0x2] =	stream.indirect.gather [hbm4b:s1+s7], $0x80, s19, s7, $0xb8;
	[tilespmem:$0x12F80] =	vst v63  }
0x95: {  	s19 =	sadd.s32 $0x1400, s19  }
0x96: {  	[tilespmem:s2], [sflag:$0x2] =	stream.indirect.gather [hbm4b:s6+s7], $0x80, s19, s7, $0xb8;
	[tilespmem:$0x12F80] =	vst v63  }
0x97: {  	_ =	swait.ge [sflag:s9], $0x4000  }
0x98: {  	[sflag:s9] =	ssyncset.done $0x0  }
0x99: {  	[sflag:s9] =	ssyncadd.s32 $0xFFFFC000  }
0x9a: {  	_ =	swait.ge [sflag:s9], $0x4000  }
0x9b: {  	[sflag:s9] =	ssyncset.done $0x0  }
0x9c: {  	s30 =	simm.s32 $0x0;
	[sflag:s9] =	ssyncadd.s32 $0xFFFFC000  }
0x9d: {  	v22 =	vld [tilespmem:s30+$0x3030]  }
0x9e: {  	v23 =	vld [tilespmem:s30+$0x7030]  }
0x9f: {  	v0 =	vld [tilespmem:s30+$0x3090]  }
0xa0: {  	v51 =	vld [tilespmem:s30+$0x7090]  }
0xa1: {  	v24 =	vld [tilespmem:s30+$0x3020]  }
0xa2: {  	v25 =	vld [tilespmem:s30+$0x7020]  }
0xa3: {  	v52 =	vld [tilespmem:s30+$0x3080]  }
0xa4: {  	v53 =	vld [tilespmem:s30+$0x7080]  }
0xa5: {  	v26 =	vld [tilespmem:s30+$0x2F30]  }
0xa6: {  	v27 =	vld [tilespmem:s30+$0x6F30]  }
0xa7: {  	v54 =	vld [tilespmem:s30+$0x2FA0]  }
0xa8: {  	v28 =	vld [tilespmem:s30+$0x3010]  }
0xa9: {  	v29 =	vld [tilespmem:s30+$0x7010]  }
0xaa: {  	v30 =	vld [tilespmem:s30+$0x2EB0]  }
0xab: {  	v31 =	vld [tilespmem:s30+$0x6EB0]  }
0xac: {  	v32 =	vld [tilespmem:s30+$0x2F20]  }
0xad: {  	v33 =	vld [tilespmem:s30+$0x6F20]  }
0xae: {  	v55 =	vld [tilespmem:s30+$0x2F90]  }
0xaf: {  	v56 =	vld [tilespmem:s30+$0x6F90]  }
0xb0: {  	v34 =	vld [tilespmem:s30+$0x3000]  }
0xb1: {  	v35 =	vld [tilespmem:s30+$0x7000]  }
0xb2: {  	v36 =	vld [tilespmem:s30+$0x2EA0]  }
0xb3: {  	v37 =	vld [tilespmem:s30+$0x6EA0]  }
0xb4: {  	v38 =	vld [tilespmem:s30+$0x2F10]  }
0xb5: {  	v39 =	vld [tilespmem:s30+$0x6F10]  }
0xb6: {  	v57 =	vld [tilespmem:s30+$0x2F80]  }
0xb7: {  	v58 =	vld [tilespmem:s30+$0x6F80]  }
0xb8: {  	v40 =	vld [tilespmem:s30+$0x2DB0]  }
0xb9: {  	v41 =	vld [tilespmem:s30+$0x6DB0]  }
0xba: {  	v59 =	vld [tilespmem:s30+$0x2E20]  }
0xbb: {  	v42 =	vld [tilespmem:s30+$0x2E90]  }
0xbc: {  	v43 =	vld [tilespmem:s30+$0x6E90]  }
0xbd: {  	v44 =	vld [tilespmem:s30+$0x2F00]  }
0xbe: {  	v45 =	vld [tilespmem:s30+$0x6F00]  }
0xbf: {  	v46 =	vld [tilespmem:s30+$0x2D30]  }
0xc0: {  	v47 =	vld [tilespmem:s30+$0x6D30]  }
0xc1: {  	v48 =	vld [tilespmem:s30+$0x2DA0]  }
0xc2: {  	v49 =	vld [tilespmem:s30+$0x6DA0]  }
0xc3: {  	v60 =	vld [tilespmem:s30+$0x2E10]  }
0xc4: {  	v61 =	vld [tilespmem:s30+$0x6E10]  }
0xc5: {  	v50 =	vld [tilespmem:s30+$0x2E80]  }
0xc6: {  	v62 =	vld [tilespmem:s30+$0x2E00]  }
0xc7: {  	v63 =	vld [tilespmem:s30+$0x6E00]  }
0xc8: {  	v4 =	vld [tilespmem:s30+$0x2CA0]  }
0xc9: {  	v12 =	vld [tilespmem:s30+$0x2C20]  }
0xca: {  	v10 =	vld [tilespmem:s30+$0x6C20]  }
0xcb: {  	v5 =	vld [tilespmem:s30+$0x2C90]  }
0xcc: {  	v6 =	vld [tilespmem:s30+$0x6C90]  }
0xcd: {  	v3 =	vld [tilespmem:s30+$0x2D00]  }
0xce: {  	v11 =	vld [tilespmem:s30+$0x2BA0]  }
0xcf: {  	v9 =	vld [tilespmem:s30+$0x6BA0]  }
0xd0: {  	v1 =	vld [tilespmem:s30+$0x2C80]  }
0xd1: {  	v7 =	vld [tilespmem:s30+$0x6C80]  }
0xd2: {  	v18 =	vld [tilespmem:s30+$0x2AB0]  }
0xd3: {  	v17 =	vld [tilespmem:s30+$0x6AB0]  }
0xd4: {  	v8 =	vld [tilespmem:s30+$0x2B20]  }
0xd5: {  	v2 =	vld [tilespmem:s30+$0x2C00]  }
0xd6: {  	v16 =	vld [tilespmem:s30+$0x2A30]  }
0xd7: {  	v15 =	vld [tilespmem:s30+$0x6A30]  }
0xd8: {  	v14 =	vld [tilespmem:s30+$0x2AA0]  }
0xd9: {  	v13 =	vld [tilespmem:s30+$0x6AA0]  }
0xda: {  	v21 =	vld [tilespmem:s30+$0x2B10]  }
0xdb: {  	v20 =	vld [tilespmem:s30+$0x6B10]  }
0xdc: {  	v19 =	vld [tilespmem:s30+$0x2930]  }
0xdd: {  	[tilespmem:$0x1FEB0] =	vst v51;
	v51 =	vld [tilespmem:s30+$0x6E80]  }
0xde: {  	[tilespmem:$0x1FE80] =	vst v52;
	v52 =	vld [tilespmem:s30+$0x2D20]  }
0xdf: {  	[tilespmem:$0x1FE90] =	vst v53;
	v53 =	vld [tilespmem:s30+$0x6D20]  }
0xe0: {  	[tilespmem:$0x1FE70] =	vst v54;
	v54 =	vld [tilespmem:s30+$0x2D90]  }
0xe1: {  	[tilespmem:$0x1FE50] =	vst v55;
	v55 =	vld [tilespmem:s30+$0x6D90]  }
0xe2: {  	[tilespmem:$0x1FE60] =	vst v56;
	v56 =	vld [tilespmem:s30+$0x2C30]  }
0xe3: {  	[tilespmem:$0x1FE20] =	vst v57;
	v57 =	vld [tilespmem:s30+$0x6C30]  }
0xe4: {  	[tilespmem:$0x1FE30] =	vst v58;
	v58 =	vld [tilespmem:s30+$0x2D10]  }
0xe5: {  	[tilespmem:$0x1FE40] =	vst v59;
	v59 =	vld [tilespmem:s30+$0x6D10]  }
0xe6: {  	[tilespmem:$0x1FE00] =	vst v60;
	v60 =	vld [tilespmem:s30+$0x2D80]  }
0xe7: {  	[tilespmem:$0x1FE10] =	vst v61;
	v61 =	vld [tilespmem:s30+$0x6D80]  }
0xe8: {  	[tilespmem:$0x1FDD0] =	vst v62;
	v62 =	vld [tilespmem:s30+$0x2BB0]  }
0xe9: {  	[tilespmem:$0x1FDE0] =	vst v63;
	v63 =	vld [tilespmem:s30+$0x6BB0]  }
0xea: {  	[tilespmem:$0x1FEA0] =	vst v0;
	v0 =	vld [tilespmem:s30+$0x6D00]  }
0xeb: {  	[tilespmem:$0x1FDC0] =	vst v6;
	v6 =	vld [tilespmem:s30+$0x2C10]  }
0xec: {  	[tilespmem:$0x1FDB0] =	vst v5;
	v5 =	vld [tilespmem:s30+$0x6C10]  }
0xed: {  	[tilespmem:$0x1FDA0] =	vst v8;
	v8 =	vld [tilespmem:s30+$0x2B90]  }
0xee: {  	[tilespmem:$0x1FD90] =	vst v7;
	v7 =	vld [tilespmem:s30+$0x6B90]  }
0xef: {  	[tilespmem:$0x1FD80] =	vst v1;
	v1 =	vld [tilespmem:s30+$0x6C00]  }
0xf0: {  	[tilespmem:$0x1FDF0] =	vst v4;
	v4 =	vld [tilespmem:s30+$0x2B80]  }
0xf1: {  	v34 =	vmul.f32 v35, v34;
	v35 =	vld [tilespmem:s30+$0x6B80]  }
0xf2: {  	v44 =	vmul.f32 v45, v44;
	v45 =	vld [tilespmem:s30+$0x2A20]  }
0xf3: {  	v28 =	vmul.f32 v29, v28;
	v24 =	vmul.f32 v25, v24;
	v25 =	vld [tilespmem:s30+$0x6A20];
	v29 =	vadd.f32 $0.0e+00, v34  }
0xf4: {  	v34 =	vld [tilespmem:s30+$0x6930]  }
0xf5: {  	v28 =	vadd.f32 v28, v29;
	v29 =	vmul.f32 v39, v38;
	v39 =	vld [tilespmem:s30+$0x2A90]  }
0xf6: {  	v38 =	vadd.f32 $0.0e+00, v44;
	v44 =	vld [tilespmem:s30+$0x6900]  }
0xf7: {  	v50 =	vmul.f32 v51, v50;
	v51 =	vmul.f32 v43, v42;
	v42 =	vld [tilespmem:s30+$0x6B00]  }
0xf8: {  	v43 =	vld [tilespmem:s30+$0x2910]  }
0xf9: {  	v24 =	vadd.f32 v24, v28;
	v28 =	vld [tilespmem:s30+$0x6A90]  }
0xfa: {  	v22 =	vmul.f32 v23, v22;
	v23 =	vadd.f32 v29, v38;
	v29 =	vmul.f32 v33, v32;
	v32 =	vld [tilespmem:s30+$0x2B00]  }
0xfb: {  	v38 =	vld [tilespmem:s30+$0x2CB0]  }
0xfc: {  	v23 =	vadd.f32 v29, v23;
	v29 =	vld [tilespmem:s30+$0x2920]  }
0xfd: {  	v50 =	vadd.f32 $0.0e+00, v50;
	v22 =	vadd.f32 v22, v24;
	v24 =	vmul.f32 v61, v60;
	v61 =	vld [tilespmem:s30+$0x6A10]  }
0xfe: {  	v60 =	vmul.f32 v49, v48;
	v49 =	vld [tilespmem:s30+$0x6910]  }
0xff: {  	v26 =	vmul.f32 v27, v26;
	v27 =	vadd.f32 v51, v50;
	v51 =	vmul.f32 v37, v36;
	v36 =	vld [tilespmem:s30+$0x6920]  }
0x100: {  	v50 =	vmul.f32 v57, v56;
	v56 =	vld [tilespmem:s30+$0x29B0]  }
0x101: {  	v57 =	vmul.f32 v15, v16;
	v16 =	vld [tilespmem:s30+$0x6B20]  }
0x102: {  	v37 =	vld [tilespmem:$0x1FD90]  }
0x103: {  	v54 =	vmul.f32 v55, v54;
	v55 =	vadd.f32 $0.0e+00, v24;
	v24 =	vld [tilespmem:s30+$0x2A10]  }
0x104: {  	v23 =	vadd.f32 v26, v23;
	v26 =	vadd.f32 v51, v27;
	v27 =	vmul.f32 v31, v30;
	v30 =	vld [tilespmem:s30+$0x2A80]  }
0x105: {  	v31 =	vmul.f32 v59, v58;
	v59 =	vld [tilespmem:s30+$0x6A80]  }
0x106: {  	v51 =	vld [tilespmem:s30+$0x2980]  }
0x107: {  	v58 =	vld [tilespmem:s30+$0x69B0]  }
0x108: {  	v0 =	vmul.f32 v0, v3;
	v3 =	vadd.f32 v54, v55;
	v54 =	vld [tilespmem:s30+$0x6990]  }
0x109: {  	v55 =	vmul.f32 v25, v45;
	v45 =	vld [tilespmem:$0x1FDC0]  }
0x10a: {  	v0 =	vadd.f32 $0.0e+00, v0;
	v26 =	vadd.f32 v27, v26;
	v27 =	vmul.f32 v41, v40;
	v40 =	vld [tilespmem:s30+$0x2A00]  }
0x10b: {  	v41 =	vld [tilespmem:s30+$0x6A00]  }
0x10c: {  	v0 =	vadd.f32 v31, v0;
	v31 =	vmul.f32 v53, v52;
	v52 =	vld [tilespmem:s30+$0x6980]  }
0x10d: {  	v48 =	vmul.f32 v9, v11;
	v9 =	vmul.f32 v49, v43;
	v49 =	vld [tilespmem:$0x1FDD0]  }
0x10e: {  	v1 =	vmul.f32 v1, v2;
	v3 =	vadd.f32 v60, v3;
	v60 =	vmul.f32 v42, v32;
	v32 =	vld [tilespmem:s30+$0x6B30]  }
0x10f: {  	v5 =	vmul.f32 v5, v6;
	v15 =	vmul.f32 v36, v29;
	v36 =	vld [tilespmem:$0x1FD80]  }
0x110: {  	v1 =	vadd.f32 $0.0e+00, v1;
	v0 =	vadd.f32 v31, v0;
	v31 =	vmul.f32 v47, v46;
	v47 =	vld [tilespmem:s30+$0x2900]  }
0x111: {  	v4 =	vmul.f32 v35, v4;
	v2 =	vmul.f32 v61, v24;
	v61 =	vld [tilespmem:s30+$0x2B30]  }
0x112: {  	v1 =	vadd.f32 v5, v1;
	v46 =	vmul.f32 v10, v12;
	v12 =	vmul.f32 v59, v30;
	v30 =	vld [tilespmem:s30+$0x2990]  }
0x113: {  	v35 =	vmul.f32 v58, v56;
	v56 =	vld [tilespmem:$0x1FE20]  }
0x114: {  	v7 =	vmul.f32 v7, v8;
	v4 =	vadd.f32 $0.0e+00, v4;
	v1 =	vadd.f32 v46, v1;
	v46 =	vld [tilespmem:s30+$0x6E20]  }
0x115: {  	v6 =	vmul.f32 v41, v40;
	v40 =	vld [tilespmem:$0x1FDA0]  }
0x116: {  	v4 =	vadd.f32 v7, v4;
	v3 =	vadd.f32 v27, v3;
	v41 =	vld [tilespmem:s30+$0x6CB0]  }
0x117: {  	v27 =	vmul.f32 v28, v39;
	v12 =	vadd.f32 $0.0e+00, v12;
	v7 =	vmul.f32 v52, v51;
	v51 =	vld [tilespmem:s30+$0x2E30]  }
0x118: {  	v52 =	vld [tilespmem:$0x1FDF0];
	v6 =	vadd.f32 $0.0e+00, v6  }
0x119: {  	v53 =	vadd.f32 v27, v12;
	v8 =	vmul.f32 v44, v47;
	v12 =	vmul.f32 v13, v14;
	v13 =	vld [tilespmem:s30+$0x29A0]  }
0x11a: {  	v33 =	vmul.f32 v34, v19;
	v4 =	vadd.f32 v48, v4;
	v1 =	vadd.f32 v50, v1;
	v14 =	vld [tilespmem:s30+$0x69A0]  }
0x11b: {  	v28 =	vmul.f32 v63, v62;
	v50 =	vld [tilespmem:$0x1FDE0];
	v2 =	vadd.f32 v2, v6;
	v8 =	vadd.f32 $0.0e+00, v8  }
0x11c: {  	v7 =	vadd.f32 $0.0e+00, v7;
	v44 =	vld [tilespmem:$0x1FDB0];
	v5 =	vadd.f32 v12, v53;
	v12 =	vmul.f32 v17, v18  }
0x11d: {  	v10 =	vmul.f32 v54, v30;
	v53 =	vld [tilespmem:s30+$0x6E30];
	v2 =	vadd.f32 v55, v2;
	v8 =	vadd.f32 v9, v8  }
0x11e: {  	(xrf2) =	vadd.scan.msk.f32 $0xffff, v22;
	v59 =	vadd.f32 v12, v5;
	v5 =	vadd.f32 $0.0e+00, v60;
	v12 =	vmul.f32 v20, v21;
	v55 =	vld [tilespmem:$0x1FE00]  }
0x11f: {  	(xrf2) =	vadd.scan.msk.f32 $0xffff, v23;
	v0 =	vadd.f32 v31, v0;
	v7 =	vadd.f32 v10, v7;
	v63 =	vmul.f32 v14, v13;
	v13 =	vld [tilespmem:s30+$0x6CA0]  }
0x120: {  	(xrf2) =	vadd.scan.msk.f32 $0xffff, v26;
	v62 =	vadd.f32 v15, v8;
	v8 =	vmul.f32 v37, v36;
	v39 =	vadd.f32 v12, v5;
	v12 =	vld [tilespmem:$0x1FE10]  }
0x121: {  	v4 =	vadd.f32 v28, v4;
	(xrf2) =	vadd.scan.msk.f32 $0xffff, v3;
	v3 =	vmul.f32 v16, v40;
	v2 =	vadd.f32 v57, v2;
	v57 =	vld [tilespmem:$0x1FE30]  }
0x122: {  	(xrf2) =	vadd.scan.msk.f32 $0xffff, v0;
	v15 =	vld [tilespmem:$0x1FE60];
	v34 =	vadd.f32 v63, v7;
	v7 =	vmul.f32 v45, v44;
	v43 =	vadd.f32 $0.0e+00, v8  }
0x123: {  	(xrf2) =	vadd.scan.msk.f32 $0xffff, v1;
	v63 =	vld [tilespmem:$0x1FE50];
	v47 =	vadd.f32 v3, v39;
	v3 =	vmul.f32 v50, v49  }
0x124: {  	(xrf2) =	vadd.scan.msk.f32 $0xffff, v4;
	v42 =	vadd.f32 v35, v34;
	v35 =	vld [tilespmem:$0x1FE70];
	v4 =	vadd.f32 v7, v43;
	v7 =	vmul.f32 v13, v52  }
0x125: {  	v54 =	vadd.f32 $0.0e+00, v3;
	v3 =	vmul.f32 v12, v55;
	v12 =	vld [tilespmem:s30+$0x6FA0]  }
0x126: {  	v17 =	vld [tilespmem:$0x1FE90];
	(xrf2) =	vadd.scan.msk.f32 $0xffff, v59;
	v0 =	vadd.f32 v33, v62;
	v4 =	vadd.f32 v7, v4;
	v7 =	vmul.f32 v57, v56  }
0x127: {  	v48 =	vmul.f32 v32, v61;
	v59 =	vld [tilespmem:$0x1FE40];
	(xrf2) =	vadd.scan.msk.f32 $0xffff, v2  }
0x128: {  	v18 =	vld [tilespmem:$0x1FEB0];
	v5 =	vmul.f32 v41, v38;
	(xrf2) =	vadd.scan.msk.f32 $0xffff, v0;
	v62 =	vadd.f32 $0.0e+00, v7;
	v7 =	vmul.f32 v15, v63  }
0x129: {  	v10, _, _ =	vpop (xrf2);
	v37 =	vld [tilespmem:$0x1FEA0];
	v0 =	vadd.f32 v48, v47;
	(xrf2) =	vadd.scan.msk.f32 $0xffff, v42  }
0x12a: {  	v2, _, _ =	vpop (xrf2);
	v4 =	vadd.f32 v5, v4;
	v5 =	vadd.f32 v7, v62;
	v7 =	vmul.f32 v12, v35;
	v12 =	vld [tilespmem:$0x1FE80]  }
0x12b: {  	v58 =	vld [tilespmem:s30+$0x2FB0];
	v13, _, _ =	vpop (xrf2)  }
0x12c: {  	v60 =	vld [tilespmem:s30+$0x6FB0];
	v14, _, _ =	vpop (xrf2);
	(xrf2) =	vadd.scan.msk.f32 $0xffff, v0;
	v1 =	vadd.f32 v3, v54;
	v3 =	vmul.f32 v46, v59  }
0x12d: {  	v33 =	vld [tilespmem:s30+$0x70A0];
	v61, _, _ =	vpop (xrf2)  }
0x12e: {  	v32 =	vmul.f32 v53, v51;
	v15 =	vld [tilespmem:s30+$0x30A0];
	v16, _, _ =	vpop (xrf2);
	v1 =	vadd.f32 v3, v1  }
0x12f: {  	v34, _, _ =	vpop (xrf2);
	v3 =	vmul.f32 v18, v37;
	v18 =	vld [tilespmem:s30+$0x70B0];
	(xrf2) =	vadd.scan.msk.f32 $0xffff, v4;
	v12 =	vmul.f32 v17, v12  }
0x130: {  	v36, _, _ =	vpop (xrf2);
	v1 =	vadd.f32 v32, v1;
	v17 =	vld [tilespmem:s30+$0x30B0]  }
0x131: {  	v38 =	vmul.f32 v60, v58;
	v19, _, _ =	vpop (xrf2);
	v5 =	vadd.f32 v7, v5;
	v39 =	vadd.f32 $0.0e+00, v12  }
0x132: {  	(xrf2) =	vadd.scan.msk.f32 $0xffff, v1;
	v40, _, _ =	vpop (xrf2)  }
0x133: {  	v42 =	vmul.f32 v33, v15;
	v41 =	vadd.f32 v38, v5;
	v43, _, _ =	vpop (xrf2);
	v3 =	vadd.f32 v3, v39  }
0x134: {  	v44 =	vbroadcast v40, $0xF;
	v6 =	vbroadcast v43, $0xF  }
0x135: {  	v45 =	vbroadcast v19, $0xF;
	(xrf2) =	vadd.scan.msk.f32 $0xffff, v41;
	v46 =	vmul.f32 v18, v17;
	v3 =	vadd.f32 v42, v3  }
0x136: {  	v4 =	vbroadcast v36, $0xF;
	v48, _, _ =	vpop (xrf2);
	v47 =	vsel vm2, v44, v6  }
0x137: {  	v6 =	vbroadcast v48, $0xF;
	v1 =	vsel vm3, v47, v45;
	v3 =	vadd.f32 v46, v3  }
0x138: {  	v49 =	vbroadcast v34, $0xF;
	v1 =	vsel vm4, v1, v4  }
0x139: {  	v50 =	vbroadcast v16, $0xF;
	v51, _, _ =	vpop (xrf2);
	v1 =	vsel vm5, v1, v6;
	(xrf2) =	vadd.scan.msk.f32 $0xffff, v3  }
0x13a: {  	v52 =	vbroadcast v51, $0xF;
	v1 =	vsel vm6, v1, v49  }
0x13b: {  	v0 =	vbroadcast v61, $0xF;
	v1 =	vsel vm7, v1, v50  }
0x13c: {  	v53 =	vbroadcast v14, $0xF;
	v54, _, _ =	vpop (xrf2);
	v1 =	vsel vm8, v1, v52  }
0x13d: {  	v55 =	vbroadcast v54, $0xF;
	v0 =	vsel vm1, v1, v0  }
0x13e: {  	v56 =	vbroadcast v13, $0xF;
	v0 =	vsel vm9, v0, v53  }
0x13f: {  	v57 =	vbroadcast v2, $0xF;
	v58, _, _ =	vpop (xrf2);
	v0 =	vsel vm10, v0, v55  }
0x140: {  	v2 =	vbroadcast v58, $0xF;
	v0 =	vsel vm11, v0, v56  }
0x141: {  	v59 =	vbroadcast v10, $0xF;
	v0 =	vsel vm12, v0, v57  }
0x142: {  	v0 =	vsel vm13, v0, v2  }
0x143: {  	v0 =	vsel vm14, v0, v59;
	v60, _, _ =	vpop (xrf2)  }
0x144: {  	v0 =	vsel vm15, v0, v60  }
0x145: {  	v0 =	vmul.f32 $-1.250000000e-01, v0;
	_ =	sdelay $0x1  }
0x146: {  	v0 =	vmul.f32 $1.442695020e+00, v0;
	_ =	sdelay $0x1  }
0x147: {  	(erf) = vpow2.f32 v0;
	_ =	sdelay $0x8  }
0x148: {  	v0 =	vpop (erf)  }
0x149: {  	v0 =	vadd.f32 $1.000000000e+00, v0;
	_ =	sdelay $0x1  }
0x14a: {  	(erf) = vrcp.f32 v0;
	_ =	sdelay $0x8  }
0x14b: {  	s20 =	simm.s32 $0x12900;
	v0 =	vpop (erf)  }
0x14c: {  	s19 =	simm.s32 $0x800;
	[tilespmem:s20+$0x0] =	vst v0  }
0x14d: {  	v0 =	vld [tilespmem:s19+$0x3030]  }
0x14e: {  	v61 =	vld [tilespmem:s19+$0x7030]  }
0x14f: {  	v19 =	vld [tilespmem:s19+$0x3090]  }
0x150: {  	v62 =	vld [tilespmem:s19+$0x7090]  }
0x151: {  	v53 =	vld [tilespmem:s19+$0x3020]  }
0x152: {  	v34 =	vld [tilespmem:s19+$0x7020]  }
0x153: {  	v63 =	vld [tilespmem:s19+$0x3080]  }
0x154: {  	v4 =	vld [tilespmem:s19+$0x7080]  }
0x155: {  	v55 =	vld [tilespmem:s19+$0x2F30]  }
0x156: {  	v5 =	vld [tilespmem:s19+$0x6F30]  }
0x157: {  	v6 =	vld [tilespmem:s19+$0x2FA0]  }
0x158: {  	v29 =	vld [tilespmem:s19+$0x3010]  }
0x159: {  	v31 =	vld [tilespmem:s19+$0x7010]  }
0x15a: {  	v10 =	vld [tilespmem:s19+$0x2EB0]  }
0x15b: {  	v12 =	vld [tilespmem:s19+$0x6EB0]  }
0x15c: {  	v52 =	vld [tilespmem:s19+$0x2F20]  }
0x15d: {  	v39 =	vld [tilespmem:s19+$0x6F20]  }
0x15e: {  	v7 =	vld [tilespmem:s19+$0x2F90]  }
0x15f: {  	v8 =	vld [tilespmem:s19+$0x6F90]  }
0x160: {  	v25 =	vld [tilespmem:s19+$0x3000]  }
0x161: {  	v36 =	vld [tilespmem:s19+$0x7000]  }
0x162: {  	v9 =	vld [tilespmem:s19+$0x2EA0]  }
0x163: {  	v37 =	vld [tilespmem:s19+$0x2F10]  }
0x164: {  	v44 =	vld [tilespmem:s19+$0x6F10]  }
0x165: {  	v11 =	vld [tilespmem:s19+$0x2F80]  }
0x166: {  	v32 =	vld [tilespmem:s19+$0x6F80]  }
0x167: {  	v33 =	vld [tilespmem:s19+$0x2E20]  }
0x168: {  	v47 =	vld [tilespmem:s19+$0x2E90]  }
0x169: {  	v48 =	vld [tilespmem:s19+$0x6E90]  }
0x16a: {  	v49 =	vld [tilespmem:s19+$0x2F00]  }
0x16b: {  	v50 =	vld [tilespmem:s19+$0x6F00]  }
0x16c: {  	v13 =	vld [tilespmem:s19+$0x6D30]  }
0x16d: {  	v35 =	vld [tilespmem:s19+$0x2DA0]  }
0x16e: {  	v38 =	vld [tilespmem:s19+$0x2E10]  }
0x16f: {  	v40 =	vld [tilespmem:s19+$0x6E10]  }
0x170: {  	v41 =	vld [tilespmem:s19+$0x2D20]  }
0x171: {  	v58 =	vld [tilespmem:s19+$0x6D20]  }
0x172: {  	v59 =	vld [tilespmem:s19+$0x2D90]  }
0x173: {  	v60 =	vld [tilespmem:s19+$0x6D90]  }
0x174: {  	v15 =	vld [tilespmem:s19+$0x2E00]  }
0x175: {  	v16 =	vld [tilespmem:s19+$0x6E00]  }
0x176: {  	v23 =	vld [tilespmem:s19+$0x2C30]  }
0x177: {  	v26 =	vld [tilespmem:s19+$0x6C30]  }
0x178: {  	v42 =	vld [tilespmem:s19+$0x2CA0]  }
0x179: {  	v45 =	vld [tilespmem:s19+$0x6D10]  }
0x17a: {  	v57 =	vld [tilespmem:s19+$0x2C20]  }
0x17b: {  	v54 =	vld [tilespmem:s19+$0x6C20]  }
0x17c: {  	v17 =	vld [tilespmem:s19+$0x2C90]  }
0x17d: {  	v18 =	vld [tilespmem:s19+$0x6C90]  }
0x17e: {  	v1 =	vld [tilespmem:s19+$0x2D00]  }
0x17f: {  	v43 =	vld [tilespmem:s19+$0x2BA0]  }
0x180: {  	v46 =	vld [tilespmem:s19+$0x6BA0]  }
0x181: {  	v20 =	vld [tilespmem:s19+$0x2C80]  }
0x182: {  	v21 =	vld [tilespmem:s19+$0x6C80]  }
0x183: {  	v56 =	vld [tilespmem:s19+$0x2AB0]  }
0x184: {  	v28 =	vld [tilespmem:s19+$0x6AB0]  }
0x185: {  	v22 =	vld [tilespmem:s19+$0x2B20]  }
0x186: {  	v51 =	vld [tilespmem:s19+$0x2B90]  }
0x187: {  	v2 =	vld [tilespmem:s19+$0x6C00]  }
0x188: {  	v27 =	vld [tilespmem:s19+$0x2A30]  }
0x189: {  	v30 =	vld [tilespmem:s19+$0x6A30]  }
0x18a: {  	v14 =	vld [tilespmem:s19+$0x2B10]  }
0x18b: {  	v24 =	vld [tilespmem:s19+$0x6B10]  }
0x18c: {  	v3 =	vld [tilespmem:s19+$0x6B80]  }
0x18d: {  	[tilespmem:$0x1FF90] =	vst v61;
	v61 =	vld [tilespmem:s19+$0x6EA0]  }
0x18e: {  	[tilespmem:$0x1FF10] =	vst v8;
	v8 =	vld [tilespmem:s19+$0x2DB0]  }
0x18f: {  	[tilespmem:$0x1FFB0] =	vst v9;
	v9 =	vld [tilespmem:s19+$0x6DB0]  }
0x190: {  	[tilespmem:$0x1FF20] =	vst v11;
	v11 =	vld [tilespmem:s19+$0x2D30]  }
0x191: {  	[tilespmem:$0x1FEC0] =	vst v62;
	v62 =	vld [tilespmem:s19+$0x6DA0]  }
0x192: {  	[tilespmem:$0x1FEE0] =	vst v4;
	v4 =	vld [tilespmem:s19+$0x2E80]  }
0x193: {  	[tilespmem:$0x1FFA0] =	vst v5;
	v5 =	vld [tilespmem:s19+$0x6E80]  }
0x194: {  	[tilespmem:$0x1FED0] =	vst v63;
	v63 =	vld [tilespmem:s19+$0x2D10]  }
0x195: {  	[tilespmem:$0x1FF50] =	vst v38;
	v38 =	vld [tilespmem:s19+$0x2D80]  }
0x196: {  	[tilespmem:$0x1FFC0] =	vst v35;
	v35 =	vld [tilespmem:s19+$0x6D80]  }
0x197: {  	[tilespmem:$0x1FEF0] =	vst v6;
	v6 =	vld [tilespmem:s19+$0x2BB0]  }
0x198: {  	[tilespmem:$0x1FF00] =	vst v7;
	v7 =	vld [tilespmem:s19+$0x6BB0];
	v36 =	vmul.f32 v36, v25  }
0x199: {  	[tilespmem:$0x1FF80] =	vst v0;
	v0 =	vld [tilespmem:s19+$0x6D00]  }
0x19a: {  	[tilespmem:$0x1FFE0] =	vst v43;
	v43 =	vld [tilespmem:s19+$0x2C10];
	v31 =	vmul.f32 v31, v29;
	v36 =	vadd.f32 $0.0e+00, v36  }
0x19b: {  	[tilespmem:$0x1FF70] =	vst v42;
	v42 =	vld [tilespmem:s19+$0x6C10]  }
0x19c: {  	[tilespmem:$0x1FFF0] =	vst v46;
	v46 =	vld [tilespmem:s19+$0x6B90];
	v49 =	vmul.f32 v50, v49;
	v34 =	vmul.f32 v34, v53;
	v50 =	vadd.f32 v31, v36  }
0x19d: {  	v53 =	vmul.f32 v5, v4;
	v4 =	vld [tilespmem:$0x1FF80]  }
0x19e: {  	v34 =	vadd.f32 v34, v50;
	v50 =	vld [tilespmem:$0x1FF90]  }
0x19f: {  	[tilespmem:$0x1FF60] =	vst v40;
	v40 =	vld [tilespmem:s19+$0x2C00]  }
0x1a0: {  	[tilespmem:$0x1FF30] =	vst v32;
	v32 =	vld [tilespmem:s19+$0x2AA0]  }
0x1a1: {  	[tilespmem:$0x1FF40] =	vst v33;
	v33 =	vld [tilespmem:s19+$0x6AA0]  }
0x1a2: {  	[tilespmem:$0x1FFD0] =	vst v41;
	v41 =	vld [tilespmem:s19+$0x2B80]  }
0x1a3: {  	v5 =	vmul.f32 v50, v4;
	v50 =	vld [tilespmem:$0x1FFA0]  }
0x1a4: {  	v29 =	vld [tilespmem:s19+$0x2930];
	v44 =	vmul.f32 v44, v37;
	v49 =	vadd.f32 $0.0e+00, v49  }
0x1a5: {  	v37 =	vld [tilespmem:s19+$0x6A20]  }
0x1a6: {  	v39 =	vmul.f32 v39, v52;
	v52 =	vld [tilespmem:s19+$0x2A90];
	v44 =	vadd.f32 v44, v49  }
0x1a7: {  	v31 =	vld [tilespmem:s19+$0x6930]  }
0x1a8: {  	v39 =	vadd.f32 v39, v44;
	v44 =	vmul.f32 v50, v55;
	v55 =	vld [tilespmem:$0x1FFB0]  }
0x1a9: {  	v36 =	vld [tilespmem:s19+$0x2A20]  }
0x1aa: {  	v4 =	vmul.f32 v60, v59;
	v59 =	vld [tilespmem:$0x1FFC0]  }
0x1ab: {  	v47 =	vmul.f32 v48, v47;
	v3 =	vmul.f32 v3, v41;
	v41 =	vld [tilespmem:s19+$0x6A10];
	v48 =	vadd.f32 $0.0e+00, v53  }
0x1ac: {  	v2 =	vmul.f32 v2, v40;
	v40 =	vld [tilespmem:s19+$0x2910]  }
0x1ad: {  	v42 =	vmul.f32 v42, v43;
	v43 =	vld [tilespmem:s19+$0x6900];
	v47 =	vadd.f32 v47, v48;
	v61 =	vmul.f32 v61, v55  }
0x1ae: {  	v53 =	vld [tilespmem:s19+$0x6A90]  }
0x1af: {  	v10 =	vmul.f32 v12, v10;
	v60 =	vmul.f32 v62, v59;
	v62 =	vld [tilespmem:$0x1FFD0];
	v47 =	vadd.f32 v61, v47  }
0x1b0: {  	v3 =	vadd.f32 $0.0e+00, v3;
	v49 =	vadd.f32 v5, v34;
	v50 =	vmul.f32 v35, v38;
	v61 =	vld [tilespmem:s19+$0x2A80]  }
0x1b1: {  	v46 =	vmul.f32 v46, v51;
	v44 =	vadd.f32 v44, v39;
	v47 =	vadd.f32 v10, v47;
	v10 =	vld [tilespmem:s19+$0x6A80]  }
0x1b2: {  	v0 =	vmul.f32 v0, v1;
	v48 =	vld [tilespmem:s19+$0x2A10];
	(xrf2) =	vadd.scan.msk.f32 $0xffff, v49;
	v5 =	vadd.f32 $0.0e+00, v50  }
0x1b3: {  	v3 =	vadd.f32 v46, v3;
	v46 =	vld [tilespmem:s19+$0x6910];
	(xrf2) =	vadd.scan.msk.f32 $0xffff, v44  }
0x1b4: {  	v0 =	vadd.f32 $0.0e+00, v0;
	v1 =	vadd.f32 v4, v5;
	v4 =	vld [tilespmem:s19+$0x6A00]  }
0x1b5: {  	v2 =	vadd.f32 $0.0e+00, v2;
	v55 =	vmul.f32 v45, v63;
	v63 =	vmul.f32 v58, v62;
	v62 =	vld [tilespmem:$0x1FFF0]  }
0x1b6: {  	v44 =	vmul.f32 v10, v61;
	v61 =	vld [tilespmem:$0x1FFE0]  }
0x1b7: {  	v2 =	vadd.f32 v42, v2;
	v45 =	vld [tilespmem:s19+$0x2A00];
	v0 =	vadd.f32 v55, v0  }
0x1b8: {  	v34 =	vld [tilespmem:s19+$0x2B00];
	v59 =	vmul.f32 v54, v57;
	v1 =	vadd.f32 v60, v1;
	v55 =	vmul.f32 v9, v8  }
0x1b9: {  	v49 =	vld [tilespmem:s19+$0x2900];
	v58 =	vmul.f32 v13, v11;
	v0 =	vadd.f32 v63, v0  }
0x1ba: {  	v35 =	vld [tilespmem:s19+$0x6B00];
	v2 =	vadd.f32 v59, v2;
	v60 =	vmul.f32 v26, v23;
	v1 =	vadd.f32 v55, v1  }
0x1bb: {  	v38 =	vld [tilespmem:s19+$0x2920];
	v0 =	vadd.f32 v58, v0;
	(xrf2) =	vadd.scan.msk.f32 $0xffff, v47;
	v63 =	vmul.f32 v62, v61  }
0x1bc: {  	v39 =	vld [tilespmem:s19+$0x6920];
	v50 =	vmul.f32 v53, v52;
	v42 =	vadd.f32 v60, v2;
	v54, _, _ =	vpop (xrf2);
	v53 =	vmul.f32 v4, v45;
	(xrf2) =	vadd.scan.msk.f32 $0xffff, v1  }
0x1bd: {  	s21 =	simm.s32 $0x4000;
	v47 =	vld [tilespmem:s19+$0x2980];
	(xrf2) =	vadd.scan.msk.f32 $0xffff, v0;
	v23, _, _ =	vpop (xrf2);
	v52 =	vadd.f32 $0.0e+00, v44;
	v44 =	vmul.f32 v7, v6;
	v51 =	vadd.f32 v63, v3  }
.LBB2_3:
0x1be: {  	v0 =	vld [tilespmem:s19+$0x6980]  }
0x1bf: {  	v7 =	vld [tilespmem:s19+$0x2990]  }
0x1c0: {  	v8 =	vld [tilespmem:s19+$0x6990]  }
0x1c1: {  	v11 =	vld [tilespmem:s19+$0x69A0]  }
0x1c2: {  	v25 =	vld [tilespmem:s19+$0x6CA0]  }
0x1c3: {  	v17 =	vmul.f32 v18, v17;
	v18 =	vld [tilespmem:s19+$0x6E20]  }
0x1c4: {  	v58 =	vld [tilespmem:$0x1FF70]  }
0x1c5: {  	v60 =	vld [tilespmem:$0x1FF50]  }
0x1c6: {  	v3 =	vld [tilespmem:$0x1FF60]  }
0x1c7: {  	v13 =	vld [tilespmem:s19+$0x6FA0]  }
0x1c8: {  	v61 =	vld [tilespmem:$0x1FF20]  }
0x1c9: {  	v62 =	vld [tilespmem:$0x1FF30]  }
0x1ca: {  	v1 =	vadd.f32 v50, v52;
	v50 =	vld [tilespmem:s19+$0x6B20];
	v33 =	vmul.f32 v33, v32;
	v41 =	vmul.f32 v41, v48  }
0x1cb: {  	v45 =	vadd.f32 $0.0e+00, v53;
	v52 =	vld [tilespmem:s19+$0x2B30];
	v43 =	vmul.f32 v43, v49;
	v2 =	vmul.f32 v28, v56  }
0x1cc: {  	v44 =	vadd.f32 v44, v51;
	v28 =	vld [tilespmem:s19+$0x29A0];
	v36 =	vmul.f32 v37, v36;
	v40 =	vmul.f32 v46, v40  }
0x1cd: {  	v24 =	vmul.f32 v24, v14;
	v56 =	vmul.f32 v21, v20;
	v21 =	vld [tilespmem:s19+$0x2CB0];
	v1 =	vadd.f32 v33, v1  }
0x1ce: {  	(xrf2) =	vadd.scan.msk.f32 $0xffff, v42;
	v14 =	vmul.f32 v16, v15;
	v15 =	vld [tilespmem:s19+$0x2E30];
	v9 =	vadd.f32 v41, v45;
	v10 =	vadd.f32 $0.0e+00, v43  }
0x1cf: {  	v27 =	vmul.f32 v30, v27;
	v32, _, _ =	vpop (xrf2);
	(xrf2) =	vadd.scan.msk.f32 $0xffff, v44;
	v0 =	vmul.f32 v0, v47;
	v47 =	vld [tilespmem:s19+$0x69B0];
	v1 =	vadd.f32 v2, v1  }
0x1d0: {  	v46 =	vmul.f32 v39, v38;
	v45 =	vld [tilespmem:s19+$0x29B0];
	v33 =	vadd.f32 v36, v9;
	v30 =	vadd.f32 v40, v10  }
0x1d1: {  	v29 =	vmul.f32 v31, v29;
	v37 =	vld [tilespmem:$0x1FF10];
	v49 =	vmul.f32 v8, v7;
	v0 =	vadd.f32 $0.0e+00, v0  }
0x1d2: {  	v31 =	vmul.f32 v35, v34;
	v39 =	vld [tilespmem:$0x1FEF0];
	v26, _, _ =	vpop (xrf2);
	(xrf2) =	vadd.scan.msk.f32 $0xffff, v1;
	v27 =	vadd.f32 v27, v33;
	v51 =	vadd.f32 v46, v30  }
0x1d3: {  	v0 =	vadd.f32 v49, v0;
	v53 =	vmul.f32 v11, v28;
	v28 =	vld [tilespmem:s19+$0x6B30]  }
0x1d4: {  	v44 =	vld [tilespmem:$0x1FEC0];
	v38, _, _ =	vpop (xrf2);
	(xrf2) =	vadd.scan.msk.f32 $0xffff, v27;
	v27 =	vadd.f32 v29, v51;
	v29 =	vadd.f32 $0.0e+00, v31  }
0x1d5: {  	v41 =	vld [tilespmem:$0x1FEE0];
	v0 =	vadd.f32 v53, v0;
	v55 =	vmul.f32 v47, v45  }
0x1d6: {  	v22 =	vmul.f32 v50, v22;
	v24 =	vadd.f32 v24, v29;
	v29 =	vld [tilespmem:s19+$0x6CB0]  }
0x1d7: {  	v57 =	vadd.f32 $0.0e+00, v56;
	v33 =	vld [tilespmem:$0x1FF40];
	v0 =	vadd.f32 v55, v0  }
0x1d8: {  	v36 =	vld [tilespmem:$0x1FF00];
	v30, _, _ =	vpop (xrf2);
	(xrf2) =	vadd.scan.msk.f32 $0xffff, v27;
	v4 =	vadd.f32 v22, v24;
	v24 =	vmul.f32 v28, v52  }
0x1d9: {  	v16 =	vmul.f32 v25, v58;
	v1 =	vadd.f32 v17, v57;
	v17 =	vld [tilespmem:s19+$0x6E30];
	v20, _, _ =	vpop (xrf2);
	(xrf2) =	vadd.scan.msk.f32 $0xffff, v0  }
0x1da: {  	v12 =	vmul.f32 v3, v60;
	v14 =	vadd.f32 $0.0e+00, v14;
	v40 =	vld [tilespmem:$0x1FED0];
	v59 =	vadd.f32 v24, v4  }
0x1db: {  	v63 =	vmul.f32 v62, v61;
	v10 =	vld [tilespmem:s19+$0x2FB0];
	v1 =	vadd.f32 v16, v1;
	v16 =	vmul.f32 v29, v21  }
0x1dc: {  	v12 =	vadd.f32 v12, v14;
	v14 =	vld [tilespmem:s19+$0x6FB0];
	v11 =	vmul.f32 v18, v33;
	v22, _, _ =	vpop (xrf2);
	(xrf2) =	vadd.scan.msk.f32 $0xffff, v59  }
0x1dd: {  	v8 =	vld [tilespmem:s19+$0x30A0];
	v35 =	vadd.f32 $0.0e+00, v63;
	v34 =	vadd.f32 v16, v1;
	v16 =	vmul.f32 v37, v36  }
0x1de: {  	v11 =	vadd.f32 v11, v12;
	v12 =	vmul.f32 v17, v15;
	v15 =	vld [tilespmem:s19+$0x70A0]  }
0x1df: {  	v5 =	vld [tilespmem:s19+$0x30B0];
	v6 =	vmul.f32 v13, v39;
	v42 =	vmul.f32 v41, v40;
	v9, _, _ =	vpop (xrf2);
	v1 =	vadd.f32 v16, v35;
	(xrf2) =	vadd.scan.msk.f32 $0xffff, v34  }
0x1e0: {  	v2 =	vmul.f32 v44, v19;
	v45 =	vld [tilespmem:s19+$0x70B0];
	v43 =	vadd.f32 v12, v11  }
0x1e1: {  	v46 =	vmul.f32 v14, v10;
	v47 =	vadd.f32 $0.0e+00, v42;
	v1 =	vadd.f32 v6, v1  }
0x1e2: {  	v7, _, _ =	vpop (xrf2);
	(xrf2) =	vadd.scan.msk.f32 $0xffff, v43  }
0x1e3: {  	v49 =	vadd.f32 v2, v47;
	v50 =	vmul.f32 v15, v8;
	v51, _, _ =	vpop (xrf2);
	v48 =	vadd.f32 v46, v1  }
0x1e4: {  	v52 =	vbroadcast v7, $0xF;
	v53 =	vbroadcast v51, $0xF  }
0x1e5: {  	v56 =	vmul.f32 v45, v5;
	v55 =	vbroadcast v9, $0xF;
	v1 =	vadd.f32 v50, v49;
	(xrf2) =	vadd.scan.msk.f32 $0xffff, v48  }
0x1e6: {  	v58 =	vbroadcast v22, $0xF;
	v57 =	vsel vm2, v52, v53;
	v59, _, _ =	vpop (xrf2)  }
0x1e7: {  	v0 =	vsel vm3, v57, v55;
	v1 =	vadd.f32 v56, v1;
	v60 =	vbroadcast v59, $0xF  }
0x1e8: {  	v61 =	vbroadcast v20, $0xF;
	v0 =	vsel vm4, v0, v58  }
0x1e9: {  	v62 =	vbroadcast v30, $0xF;
	v0 =	vsel vm5, v0, v60;
	v63, _, _ =	vpop (xrf2);
	(xrf2) =	vadd.scan.msk.f32 $0xffff, v1  }
0x1ea: {  	v0 =	vsel vm6, v0, v61;
	v7 =	vbroadcast v63, $0xF  }
0x1eb: {  	v8 =	vbroadcast v38, $0xF;
	v0 =	vsel vm7, v0, v62  }
0x1ec: {  	v9 =	vbroadcast v26, $0xF;
	v10, _, _ =	vpop (xrf2);
	v0 =	vsel vm8, v0, v7  }
0x1ed: {  	v11 =	vbroadcast v10, $0xF;
	v0 =	vsel vm1, v0, v8  }
0x1ee: {  	v33 =	vbroadcast v32, $0xF;
	v0 =	vsel vm9, v0, v9  }
0x1ef: {  	v34 =	vbroadcast v23, $0xF;
	v0 =	vsel vm10, v0, v11;
	v35, _, _ =	vpop (xrf2)  }
0x1f0: {  	v0 =	vsel vm11, v0, v33;
	v3 =	vbroadcast v35, $0xF  }
0x1f1: {  	v36 =	vbroadcast v54, $0xF;
	v0 =	vsel vm12, v0, v34  }
0x1f2: {  	v0 =	vsel vm13, v0, v3  }
0x1f3: {  	v0 =	vsel vm14, v0, v36;
	v37, _, _ =	vpop (xrf2)  }
0x1f4: {  	v0 =	vsel vm15, v0, v37  }
0x1f5: {  	v0 =	vmul.f32 $-1.250000000e-01, v0;
	_ =	sdelay $0x1  }
0x1f6: {  	v0 =	vmul.f32 $1.442695020e+00, v0;
	_ =	sdelay $0x1  }
0x1f7: {  	(erf) = vpow2.f32 v0;
	_ =	sdelay $0x8  }
0x1f8: {  	v0 =	vpop (erf)  }
0x1f9: {  	v0 =	vadd.f32 $1.000000000e+00, v0;
	_ =	sdelay $0x1  }
0x1fa: {  	(erf) = vrcp.f32 v0;
	_ =	sdelay $0x8  }
0x1fb: {  	s20 =	sadd.s32 $0x10, s20;
	v0 =	vpop (erf)  }
0x1fc: {  	s19 =	sshra.s32 s21, $0x2;
	[tilespmem:s20+$0x0] =	vst v0  }
0x1fd: {  	v34 =	vld [tilespmem:s19+$0x3030]  }
0x1fe: {  	v37 =	vld [tilespmem:s19+$0x7030]  }
0x1ff: {  	v0 =	vld [tilespmem:s19+$0x3090]  }
0x200: {  	v38 =	vld [tilespmem:s19+$0x7090]  }
0x201: {  	v31 =	vld [tilespmem:s19+$0x3020]  }
0x202: {  	v36 =	vld [tilespmem:s19+$0x7020]  }
0x203: {  	v39 =	vld [tilespmem:s19+$0x3080]  }
0x204: {  	v40 =	vld [tilespmem:s19+$0x7080]  }
0x205: {  	v35 =	vld [tilespmem:s19+$0x2F30]  }
0x206: {  	v41 =	vld [tilespmem:s19+$0x2FA0]  }
0x207: {  	v29 =	vld [tilespmem:s19+$0x3010]  }
0x208: {  	v54 =	vld [tilespmem:s19+$0x7010]  }
0x209: {  	v42 =	vld [tilespmem:s19+$0x2EB0]  }
0x20a: {  	v43 =	vld [tilespmem:s19+$0x6EB0]  }
0x20b: {  	v49 =	vld [tilespmem:s19+$0x2F20]  }
0x20c: {  	v50 =	vld [tilespmem:s19+$0x6F20]  }
0x20d: {  	v44 =	vld [tilespmem:s19+$0x2F90]  }
0x20e: {  	v45 =	vld [tilespmem:s19+$0x6F90]  }
0x20f: {  	v1 =	vld [tilespmem:s19+$0x7000]  }
0x210: {  	v48 =	vld [tilespmem:s19+$0x6EA0]  }
0x211: {  	v59 =	vld [tilespmem:s19+$0x2F10]  }
0x212: {  	v62 =	vld [tilespmem:s19+$0x6F10]  }
0x213: {  	v46 =	vld [tilespmem:s19+$0x2F80]  }
0x214: {  	v47 =	vld [tilespmem:s19+$0x6F80]  }
0x215: {  	v51 =	vld [tilespmem:s19+$0x2DB0]  }
0x216: {  	v52 =	vld [tilespmem:s19+$0x2E20]  }
0x217: {  	v60 =	vld [tilespmem:s19+$0x2E90]  }
0x218: {  	v63 =	vld [tilespmem:s19+$0x6E90]  }
0x219: {  	v2 =	vld [tilespmem:s19+$0x2F00]  }
0x21a: {  	v3 =	vld [tilespmem:s19+$0x6F00]  }
0x21b: {  	v53 =	vld [tilespmem:s19+$0x2D30]  }
0x21c: {  	v55 =	vld [tilespmem:s19+$0x6D30]  }
0x21d: {  	v56 =	vld [tilespmem:s19+$0x2E10]  }
0x21e: {  	v57 =	vld [tilespmem:s19+$0x6E10]  }
0x21f: {  	v4 =	vld [tilespmem:s19+$0x2E80]  }
0x220: {  	v5 =	vld [tilespmem:s19+$0x6E80]  }
0x221: {  	v6 =	vld [tilespmem:s19+$0x2D90]  }
0x222: {  	v7 =	vld [tilespmem:s19+$0x6D90]  }
0x223: {  	v58 =	vld [tilespmem:s19+$0x2CA0]  }
0x224: {  	v8 =	vld [tilespmem:s19+$0x2D10]  }
0x225: {  	v9 =	vld [tilespmem:s19+$0x6D10]  }
0x226: {  	v10 =	vld [tilespmem:s19+$0x2D80]  }
0x227: {  	v11 =	vld [tilespmem:s19+$0x6D80]  }
0x228: {  	v12 =	vld [tilespmem:s19+$0x2BB0]  }
0x229: {  	v61 =	vld [tilespmem:s19+$0x6C20]  }
0x22a: {  	v26 =	vld [tilespmem:s19+$0x6C90]  }
0x22b: {  	v13 =	vld [tilespmem:s19+$0x6D00]  }
0x22c: {  	v25 =	vld [tilespmem:s19+$0x2C10]  }
0x22d: {  	v15 =	vld [tilespmem:s19+$0x6C10]  }
0x22e: {  	v23 =	vld [tilespmem:s19+$0x2C80]  }
0x22f: {  	v21 =	vld [tilespmem:s19+$0x6C80]  }
0x230: {  	v28 =	vld [tilespmem:s19+$0x6AB0]  }
0x231: {  	v22 =	vld [tilespmem:s19+$0x2B20]  }
0x232: {  	v16 =	vld [tilespmem:s19+$0x2B90]  }
0x233: {  	v17 =	vld [tilespmem:s19+$0x6B90]  }
0x234: {  	v18 =	vld [tilespmem:s19+$0x2C00]  }
0x235: {  	v20 =	vld [tilespmem:s19+$0x6C00]  }
0x236: {  	v27 =	vld [tilespmem:s19+$0x2A30]  }
0x237: {  	v30 =	vld [tilespmem:s19+$0x6A30]  }
0x238: {  	v32 =	vld [tilespmem:s19+$0x2AA0]  }
0x239: {  	v33 =	vld [tilespmem:s19+$0x6AA0]  }
0x23a: {  	v14 =	vld [tilespmem:s19+$0x2B10]  }
0x23b: {  	v24 =	vld [tilespmem:s19+$0x6B10]  }
0x23c: {  	v19 =	vld [tilespmem:s19+$0x6B80]  }
0x23d: {  	[tilespmem:$0x1FEC0] =	vst v38;
	v38 =	vld [tilespmem:s19+$0x6F30]  }
0x23e: {  	[tilespmem:$0x1FD40] =	vst v0;
	v0 =	vld [tilespmem:s19+$0x3000]  }
0x23f: {  	[tilespmem:$0x1FED0] =	vst v39;
	v39 =	vld [tilespmem:s19+$0x2EA0]  }
0x240: {  	[tilespmem:$0x1FEF0] =	vst v41;
	v41 =	vld [tilespmem:s19+$0x6DB0]  }
0x241: {  	[tilespmem:$0x1FD50] =	vst v53;
	v53 =	vld [tilespmem:s19+$0x2DA0]  }
0x242: {  	[tilespmem:$0x1FEE0] =	vst v40;
	v40 =	vld [tilespmem:s19+$0x6DA0]  }
0x243: {  	[tilespmem:$0x1FD30] =	vst v51;
	v51 =	vld [tilespmem:s19+$0x2D20]  }
0x244: {  	[tilespmem:$0x1FF40] =	vst v52;
	v52 =	vld [tilespmem:s19+$0x6D20]  }
0x245: {  	[tilespmem:$0x1FD20] =	vst v43;
	v43 =	vld [tilespmem:s19+$0x2E00]  }
0x246: {  	[tilespmem:$0x1FF00] =	vst v44;
	v44 =	vld [tilespmem:s19+$0x6E00]  }
0x247: {  	[tilespmem:$0x1FF20] =	vst v46;
	v46 =	vld [tilespmem:s19+$0x2C30]  }
0x248: {  	[tilespmem:$0x1FF30] =	vst v47;
	v47 =	vld [tilespmem:s19+$0x6C30]  }
0x249: {  	[tilespmem:$0x1FF10] =	vst v45;
	v45 =	vld [tilespmem:s19+$0x6BB0]  }
0x24a: {  	[tilespmem:$0x1FF70] =	vst v58;
	v58 =	vld [tilespmem:s19+$0x2C20]  }
0x24b: {  	[tilespmem:$0x1FD60] =	vst v55;
	v55 =	vld [tilespmem:s19+$0x2C90]  }
0x24c: {  	[tilespmem:$0x1FD70] =	vst v12;
	v12 =	vld [tilespmem:s19+$0x2D00]  }
0x24d: {  	[tilespmem:$0x1FD10] =	vst v42;
	v42 =	vld [tilespmem:s19+$0x2BA0]  }
0x24e: {  	[tilespmem:$0x1FF60] =	vst v57;
	v57 =	vld [tilespmem:s19+$0x6BA0]  }
0x24f: {  	[tilespmem:$0x1FF50] =	vst v56;
	v56 =	vld [tilespmem:s19+$0x2AB0]  }
0x250: {  	v54 =	vmul.f32 v54, v29;
	v29 =	vld [tilespmem:s19+$0x2930]  }
0x251: {  	v2 =	vmul.f32 v3, v2;
	v3 =	vmul.f32 v36, v31;
	v31 =	vld [tilespmem:s19+$0x6930]  }
0x252: {  	v36 =	vld [tilespmem:s19+$0x2A20]  }
0x253: {  	v59 =	vmul.f32 v62, v59;
	v62 =	vmul.f32 v37, v34;
	v37 =	vld [tilespmem:s19+$0x6A20];
	v2 =	vadd.f32 $0.0e+00, v2  }
0x254: {  	v34 =	vmul.f32 v50, v49;
	v50 =	vld [tilespmem:s19+$0x2A90];
	v0 =	vmul.f32 v1, v0  }
0x255: {  	v49 =	vld [tilespmem:$0x1FD10];
	v2 =	vadd.f32 v59, v2  }
0x256: {  	v4 =	vmul.f32 v5, v4;
	v1 =	vld [tilespmem:s19+$0x2B80];
	v0 =	vadd.f32 $0.0e+00, v0  }
0x257: {  	v10 =	vmul.f32 v11, v10;
	v59 =	vmul.f32 v38, v35;
	v35 =	vld [tilespmem:s19+$0x6B00];
	v2 =	vadd.f32 v34, v2  }
0x258: {  	v6 =	vmul.f32 v7, v6;
	v4 =	vadd.f32 $0.0e+00, v4;
	v38 =	vld [tilespmem:s19+$0x2920];
	v0 =	vadd.f32 v54, v0  }
0x259: {  	v34 =	vld [tilespmem:s19+$0x2B00];
	v2 =	vadd.f32 v59, v2;
	v59 =	vmul.f32 v40, v53;
	v54 =	vmul.f32 v63, v60  }
0x25a: {  	v40 =	vld [tilespmem:$0x1FD30];
	v53 =	vmul.f32 v52, v51;
	v51 =	vmul.f32 v61, v58;
	v0 =	vadd.f32 v3, v0  }
0x25b: {  	v61 =	vmul.f32 v47, v46;
	v60 =	vmul.f32 v48, v39;
	v4 =	vadd.f32 v54, v4;
	v54 =	vld [tilespmem:$0x1FD20]  }
0x25c: {  	v46 =	vld [tilespmem:s19+$0x6910];
	v63 =	vmul.f32 v13, v12;
	v0 =	vadd.f32 v62, v0;
	v62 =	vadd.f32 $0.0e+00, v10  }
0x25d: {  	v47 =	vld [tilespmem:s19+$0x2980];
	v4 =	vadd.f32 v60, v4  }
0x25e: {  	v39 =	vld [tilespmem:s19+$0x6920];
	v60 =	vadd.f32 $0.0e+00, v63;
	v63 =	vmul.f32 v20, v18;
	(xrf2) =	vadd.scan.msk.f32 $0xffff, v0;
	v0 =	vadd.f32 v6, v62  }
0x25f: {  	v3 =	vld [tilespmem:s19+$0x6A90];
	v62 =	vmul.f32 v9, v8;
	v6 =	vmul.f32 v41, v40  }
0x260: {  	v7 =	vmul.f32 v54, v49;
	v54 =	vadd.f32 $0.0e+00, v63;
	v63 =	vld [tilespmem:s19+$0x6A00];
	v0 =	vadd.f32 v59, v0  }
0x261: {  	(xrf2) =	vadd.scan.msk.f32 $0xffff, v2;
	v2 =	vadd.f32 v62, v60;
	v60 =	vld [tilespmem:$0x1FD50]  }
0x262: {  	v0 =	vadd.f32 v6, v0;
	v6 =	vld [tilespmem:s19+$0x2A00]  }
0x263: {  	v62 =	vld [tilespmem:$0x1FD60]  }
0x264: {  	v1 =	vmul.f32 v19, v1;
	v49 =	vld [tilespmem:s19+$0x6A80]  }
0x265: {  	v59 =	vmul.f32 v15, v25;
	v4 =	vadd.f32 v7, v4;
	v7 =	vld [tilespmem:s19+$0x2A80]  }
0x266: {  	v48 =	vld [tilespmem:s19+$0x2A10];
	v58 =	vadd.f32 $0.0e+00, v1;
	v2 =	vadd.f32 v53, v2  }
0x267: {  	p1 =	sne.s32 s21, $0xE000;
	(xrf2) =	vadd.scan.msk.f32 $0xffff, v4;
	v4 =	vadd.f32 v59, v54;
	v59 =	vmul.f32 v17, v16;
	v53 =	vmul.f32 v63, v6;
	v63 =	vld [tilespmem:$0x1FD70]  }
.Ltmp0:
0x268: {  	v19 =	vld [tilespmem:$0x1FD40];
	v20 =	vmov v23;
	v18 =	vmov v26;
	v5 =	vmul.f32 v62, v60;
	(pc) =	sbr.rel @p1 .LBB2_3-.Ltmp0, $4  }
0x269: {  	v41 =	vld [tilespmem:s19+$0x6A10];
	v50 =	vmul.f32 v3, v50;
	(xrf2) =	vadd.scan.msk.f32 $0xffff, v0;
	v4 =	vadd.f32 v51, v4;
	v0 =	vadd.f32 v59, v58  }
0x26a: {  	v40 =	vld [tilespmem:s19+$0x2910];
	v15 =	vmovc v43;
	v62 =	vmul.f32 v57, v42;
	v60 =	vmul.f32 v49, v7;
	v2 =	vadd.f32 v5, v2  }
0x26b: {  	v43 =	vld [tilespmem:s19+$0x6900];
	v17 =	vmov v55;
	v16 =	vmov v44;
	v42 =	vadd.f32 v61, v4;
	v54, _, _ =	vpop (xrf2)  }
0x26c: {  	s21 =	sadd.s32 $0x2000, s21;
	v49 =	vld [tilespmem:s19+$0x2900];
	v51 =	vadd.f32 v62, v0;
	v52 =	vadd.f32 $0.0e+00, v60;
	(xrf2) =	vadd.scan.msk.f32 $0xffff, v2;
	v23, _, _ =	vpop (xrf2);
	v44 =	vmul.f32 v45, v63  }
0x26d: {  	v0 =	vld [tilespmem:s19+$0x6980]  }
0x26e: {  	v1 =	vld [tilespmem:s19+$0x2990]  }
0x26f: {  	v6 =	vld [tilespmem:s19+$0x6990]  }
0x270: {  	v9 =	vld [tilespmem:s19+$0x29A0]  }
0x271: {  	v11 =	vld [tilespmem:s19+$0x69A0]  }
0x272: {  	v12 =	vld [tilespmem:s19+$0x29B0]  }
0x273: {  	v2 =	vadd.f32 $0.0e+00, v53;
	v53 =	vld [tilespmem:s19+$0x6B30]  }
0x274: {  	v58 =	vld [tilespmem:s19+$0x2CB0]  }
0x275: {  	v61 =	vld [tilespmem:s19+$0x6CB0]  }
0x276: {  	v7 =	vmul.f32 v33, v32;
	v32 =	vld [tilespmem:s19+$0x6E20]  }
0x277: {  	v45 =	vmul.f32 v37, v36;
	v36 =	vld [tilespmem:$0x1FF70]  }
0x278: {  	v37 =	vld [tilespmem:s19+$0x6E30]  }
0x279: {  	(xrf2) =	vadd.scan.msk.f32 $0xffff, v42;
	v42 =	vld [tilespmem:s19+$0x6FA0]  }
0x27a: {  	v13 =	vmul.f32 v39, v38;
	v3 =	vmul.f32 v41, v48;
	v48 =	vld [tilespmem:s19+$0x69B0]  }
0x27b: {  	v55 =	vmul.f32 v31, v29;
	v57 =	vmul.f32 v21, v20;
	v8 =	vadd.f32 v44, v51;
	v51 =	vld [tilespmem:s19+$0x2B30]  }
0x27c: {  	v4 =	vadd.f32 v50, v52;
	v50 =	vmul.f32 v35, v34;
	v34 =	vmul.f32 v16, v15;
	v35 =	vld [tilespmem:s19+$0x2E30]  }
0x27d: {  	v41 =	vld [tilespmem:$0x1FF60];
	v10 =	vmul.f32 v46, v40;
	v5 =	vmul.f32 v43, v49  }
0x27e: {  	v44 =	vld [tilespmem:$0x1FF20];
	v62 =	vadd.f32 $0.0e+00, v57;
	v2 =	vadd.f32 v3, v2;
	v0 =	vmul.f32 v0, v47  }
0x27f: {  	v15 =	vld [tilespmem:$0x1FEE0];
	v46 =	vmul.f32 v28, v56;
	v4 =	vadd.f32 v7, v4;
	v5 =	vadd.f32 $0.0e+00, v5  }
0x280: {  	v3 =	vadd.f32 $0.0e+00, v50;
	v49 =	vld [tilespmem:s19+$0x6B20];
	v1 =	vmul.f32 v6, v1;
	v0 =	vadd.f32 $0.0e+00, v0  }
0x281: {  	v40 =	vld [tilespmem:$0x1FF50];
	v2 =	vadd.f32 v45, v2;
	v47 =	vmul.f32 v30, v27;
	v5 =	vadd.f32 v10, v5  }
0x282: {  	v57 =	vld [tilespmem:$0x1FED0];
	v4 =	vadd.f32 v46, v4;
	v52 =	vmul.f32 v11, v9;
	v0 =	vadd.f32 v1, v0  }
0x283: {  	v56 =	vmul.f32 v48, v12;
	v5 =	vadd.f32 v13, v5;
	v13 =	vmul.f32 v24, v14;
	v14 =	vld [tilespmem:s19+$0x6CA0]  }
0x284: {  	(xrf2) =	vadd.scan.msk.f32 $0xffff, v8;
	v45 =	vld [tilespmem:$0x1FF30];
	v33 =	vmul.f32 v53, v51;
	v2 =	vadd.f32 v47, v2;
	v0 =	vadd.f32 v52, v0  }
0x285: {  	v51 =	vld [tilespmem:$0x1FF00];
	(xrf2) =	vadd.scan.msk.f32 $0xffff, v4;
	v60 =	vmul.f32 v49, v22;
	v59 =	vadd.f32 v55, v5;
	v3 =	vadd.f32 v13, v3  }
0x286: {  	v63 =	vmul.f32 v18, v17;
	v47 =	vld [tilespmem:$0x1FF40];
	(xrf2) =	vadd.scan.msk.f32 $0xffff, v2;
	v0 =	vadd.f32 v56, v0  }
0x287: {  	v13 =	vld [tilespmem:$0x1FF10];
	(xrf2) =	vadd.scan.msk.f32 $0xffff, v59;
	v3 =	vadd.f32 v60, v3  }
0x288: {  	v46 =	vld [tilespmem:s19+$0x2FB0];
	v1 =	vadd.f32 v63, v62;
	v2 =	vmul.f32 v14, v36;
	(xrf2) =	vadd.scan.msk.f32 $0xffff, v0  }
0x289: {  	v39 =	vadd.f32 $0.0e+00, v34;
	v4 =	vmul.f32 v41, v40;
	v56 =	vld [tilespmem:$0x1FEF0];
	v38 =	vadd.f32 v33, v3  }
0x28a: {  	v11, _, _ =	vpop (xrf2);
	v43 =	vmul.f32 v61, v58;
	v48 =	vld [tilespmem:s19+$0x6FB0];
	v6 =	vmul.f32 v45, v44;
	v1 =	vadd.f32 v2, v1  }
0x28b: {  	v12, _, _ =	vpop (xrf2);
	v59 =	vld [tilespmem:$0x1FEC0];
	v3 =	vadd.f32 v4, v39;
	v4 =	vmul.f32 v32, v47;
	(xrf2) =	vadd.scan.msk.f32 $0xffff, v38  }
0x28c: {  	v53 =	vld [tilespmem:s19+$0x70A0];
	v49, _, _ =	vpop (xrf2);
	v50 =	vadd.f32 $0.0e+00, v6;
	v6 =	vmul.f32 v13, v51;
	v1 =	vadd.f32 v43, v1  }
0x28d: {  	v52 =	vmul.f32 v37, v35;
	v14, _, _ =	vpop (xrf2);
	v13 =	vld [tilespmem:s19+$0x30A0];
	v3 =	vadd.f32 v4, v3  }
0x28e: {  	v16 =	vld [tilespmem:s19+$0x70B0];
	v55, _, _ =	vpop (xrf2);
	v5 =	vmul.f32 v42, v56;
	v2 =	vadd.f32 v6, v50;
	v6 =	vmul.f32 v15, v57;
	(xrf2) =	vadd.scan.msk.f32 $0xffff, v1  }
0x28f: {  	v60 =	vmul.f32 v48, v46;
	v58, _, _ =	vpop (xrf2);
	v15 =	vld [tilespmem:s19+$0x30B0];
	v3 =	vadd.f32 v52, v3  }
0x290: {  	v4 =	vmul.f32 v59, v19;
	v17, _, _ =	vpop (xrf2);
	v2 =	vadd.f32 v5, v2;
	v6 =	vadd.f32 $0.0e+00, v6  }
0x291: {  	v61, _, _ =	vpop (xrf2);
	(xrf2) =	vadd.scan.msk.f32 $0xffff, v3  }
0x292: {  	v63 =	vmul.f32 v53, v13;
	v2 =	vadd.f32 v60, v2;
	v62 =	vadd.f32 v4, v6;
	v10, _, _ =	vpop (xrf2)  }
0x293: {  	v32 =	vbroadcast v61, $0xF;
	v5 =	vbroadcast v10, $0xF  }
0x294: {  	v33 =	vbroadcast v17, $0xF;
	v34 =	vmul.f32 v16, v15;
	v3 =	vadd.f32 v63, v62;
	(xrf2) =	vadd.scan.msk.f32 $0xffff, v2  }
0x295: {  	v1 =	vbroadcast v58, $0xF;
	v35 =	vsel vm2, v32, v5;
	v36, _, _ =	vpop (xrf2)  }
0x296: {  	v3 =	vadd.f32 v34, v3;
	v2 =	vsel vm3, v35, v33;
	v5 =	vbroadcast v36, $0xF  }
0x297: {  	v37 =	vbroadcast v55, $0xF;
	v1 =	vsel vm4, v2, v1  }
0x298: {  	v38 =	vbroadcast v14, $0xF;
	(xrf2) =	vadd.scan.msk.f32 $0xffff, v3;
	v1 =	vsel vm5, v1, v5;
	v39, _, _ =	vpop (xrf2)  }
0x299: {  	v1 =	vsel vm6, v1, v37;
	v40 =	vbroadcast v39, $0xF  }
0x29a: {  	v0 =	vbroadcast v49, $0xF;
	v1 =	vsel vm7, v1, v38  }
0x29b: {  	v41 =	vbroadcast v12, $0xF;
	v1 =	vsel vm8, v1, v40;
	v42, _, _ =	vpop (xrf2)  }
0x29c: {  	v0 =	vsel vm1, v1, v0;
	v43 =	vbroadcast v42, $0xF  }
0x29d: {  	v44 =	vbroadcast v11, $0xF;
	v0 =	vsel vm9, v0, v41  }
0x29e: {  	v45 =	vbroadcast v23, $0xF;
	v46, _, _ =	vpop (xrf2);
	v0 =	vsel vm10, v0, v43  }
0x29f: {  	v47 =	vbroadcast v46, $0xF;
	v0 =	vsel vm11, v0, v44  }
0x2a0: {  	v48 =	vbroadcast v54, $0xF;
	v0 =	vsel vm12, v0, v45  }
0x2a1: {  	v0 =	vsel vm13, v0, v47  }
0x2a2: {  	v49, _, _ =	vpop (xrf2);
	v0 =	vsel vm14, v0, v48  }
0x2a3: {  	v0 =	vsel vm15, v0, v49  }
0x2a4: {  	v0 =	vmul.f32 $-1.250000000e-01, v0;
	_ =	sdelay $0x1  }
0x2a5: {  	v0 =	vmul.f32 $1.442695020e+00, v0;
	_ =	sdelay $0x1  }
0x2a6: {  	(erf) = vpow2.f32 v0;
	_ =	sdelay $0x8  }
0x2a7: {  	v0 =	vpop (erf)  }
0x2a8: {  	v0 =	vadd.f32 $1.000000000e+00, v0;
	_ =	sdelay $0x1  }
0x2a9: {  	(erf) = vrcp.f32 v0;
	_ =	sdelay $0x8  }
0x2aa: {  	s28 =	sadd.s32 $0x10, s20;
	v0 =	vpop (erf)  }
0x2ab: {  	[tilespmem:s28+$0x0] =	vst v0  }
0x2ac: {  	[spmem:s3] =	stream.indirect.scatter.add.f32 [tilespmem:s11], [sflag:$0x4], $0x1, s10, s7, $0xb8;
	[tilespmem:$0x12F80] =	vst v63  }
0x2ad: {  	_ =	swait.ge [sflag:s12], $0x80  }
0x2ae: {  	[sflag:s12] =	ssyncset.done $0x0  }
0x2af: {  	[sflag:s12] =	ssyncadd.s32 $0xFFFFFF80  }
0x2b0: {  	[spmem:s4] =	stream.indirect.scatter.add.f32 [tilespmem:s13], [sflag:$0x4], $0x1, s10, s7, $0xb8;
	[tilespmem:$0x12F80] =	vst v63  }
0x2b1: {  	_ =	swait.ge [sflag:s12], $0x80  }
0x2b2: {  	[sflag:s12] =	ssyncset.done $0x0  }
0x2b3: {  	s18 =	smin.u32 @!p0 s18, $0x1208;
	[sflag:s12] =	ssyncadd.s32 $0xFFFFFF80  }
0x2b4: {  	v0 =	vld @!p0 [tilespmem:s18+$0x100];
	_ =	sdelay $0x4  }
0x2b5: {  	[tilespmem:$0x2800] =	vst @!p0 v0  }
0x2b6: {  	v0 =	vld @!p0 [tilespmem:s18+$0x110];
	_ =	sdelay $0x4  }
0x2b7: {  	[tilespmem:$0x2810] =	vst @!p0 v0  }
0x2b8: {  	v0 =	vld @!p0 [tilespmem:s18+$0x120];
	_ =	sdelay $0x4  }
0x2b9: {  	[tilespmem:$0x2820] =	vst @!p0 v0  }
0x2ba: {  	v0 =	vld @!p0 [tilespmem:s18+$0x130];
	_ =	sdelay $0x4  }
0x2bb: {  	[tilespmem:$0x2830] =	vst @!p0 v0  }
0x2bc: {  	v0 =	vld @!p0 [tilespmem:s18+$0x140];
	_ =	sdelay $0x4  }
0x2bd: {  	[tilespmem:$0x2840] =	vst @!p0 v0  }
0x2be: {  	v0 =	vld @!p0 [tilespmem:s18+$0x150];
	_ =	sdelay $0x4  }
0x2bf: {  	[tilespmem:$0x2850] =	vst @!p0 v0  }
0x2c0: {  	v0 =	vld @!p0 [tilespmem:s18+$0x160];
	_ =	sdelay $0x4  }
0x2c1: {  	[tilespmem:$0x2860] =	vst @!p0 v0  }
0x2c2: {  	v0 =	vld @!p0 [tilespmem:s18+$0x170];
	_ =	sdelay $0x4  }
0x2c3: {  	s20 =	simm.s32 @!p0 $0x80;
	s21 =	simm.s32 @!p0 $0x2900;
	s19 =	sadd.s32 @!p0 $0x100, s18;
	[tilespmem:$0x2870] =	vst @!p0 v0  }
0x2c4: {  	[tilespmem:s21], [sflag:$0x1] =	stream.indirect.gather @!p0 [hbm4b:s1+s20], $0x80, s19, s20, $0xb8;
	[tilespmem:$0x12F80] =	vst v63  }
0x2c5: {  	s18 =	sadd.s32 @!p0 $0x1500, s18;
	s19 =	simm.s32 @!p0 $0x6900  }
0x2c6: {  	[tilespmem:s19], [sflag:$0x1] =	stream.indirect.gather @!p0 [hbm4b:s6+s20], $0x80, s18, s20, $0xb8;
	[tilespmem:$0x12F80] =	vst v63  }
0x2c7: {  	_ =	swait.ge [sflag:s14], $0x4000  }
0x2c8: {  	[sflag:s14] =	ssyncset.done $0x0  }
0x2c9: {  	[sflag:s14] =	ssyncadd.s32 $0xFFFFC000  }
0x2ca: {  	_ =	swait.ge [sflag:s14], $0x4000  }
0x2cb: {  	[sflag:s14] =	ssyncset.done $0x0  }
0x2cc: {  	s30 =	simm.s32 $0x0;
	[sflag:s14] =	ssyncadd.s32 $0xFFFFC000  }
0x2cd: {  	v14 =	vld [tilespmem:s30+$0xB030]  }
0x2ce: {  	v13 =	vld [tilespmem:s30+$0xF030]  }
0x2cf: {  	v50 =	vld [tilespmem:s30+$0xB090]  }
0x2d0: {  	v51 =	vld [tilespmem:s30+$0xF090]  }
0x2d1: {  	v22 =	vld [tilespmem:s30+$0xB020]  }
0x2d2: {  	v23 =	vld [tilespmem:s30+$0xF020]  }
0x2d3: {  	v52 =	vld [tilespmem:s30+$0xB080]  }
0x2d4: {  	v53 =	vld [tilespmem:s30+$0xF080]  }
0x2d5: {  	v24 =	vld [tilespmem:s30+$0xAF30]  }
0x2d6: {  	v25 =	vld [tilespmem:s30+$0xEF30]  }
0x2d7: {  	v54 =	vld [tilespmem:s30+$0xAFA0]  }
0x2d8: {  	v26 =	vld [tilespmem:s30+$0xB010]  }
0x2d9: {  	v27 =	vld [tilespmem:s30+$0xF010]  }
0x2da: {  	v28 =	vld [tilespmem:s30+$0xAEB0]  }
0x2db: {  	v29 =	vld [tilespmem:s30+$0xEEB0]  }
0x2dc: {  	v30 =	vld [tilespmem:s30+$0xAF20]  }
0x2dd: {  	v31 =	vld [tilespmem:s30+$0xEF20]  }
0x2de: {  	v55 =	vld [tilespmem:s30+$0xAF90]  }
0x2df: {  	v56 =	vld [tilespmem:s30+$0xEF90]  }
0x2e0: {  	v32 =	vld [tilespmem:s30+$0xB000]  }
0x2e1: {  	v33 =	vld [tilespmem:s30+$0xF000]  }
0x2e2: {  	v34 =	vld [tilespmem:s30+$0xAEA0]  }
0x2e3: {  	v35 =	vld [tilespmem:s30+$0xEEA0]  }
0x2e4: {  	v36 =	vld [tilespmem:s30+$0xAF10]  }
0x2e5: {  	v37 =	vld [tilespmem:s30+$0xEF10]  }
0x2e6: {  	v57 =	vld [tilespmem:s30+$0xAF80]  }
0x2e7: {  	v58 =	vld [tilespmem:s30+$0xEF80]  }
0x2e8: {  	v38 =	vld [tilespmem:s30+$0xADB0]  }
0x2e9: {  	v39 =	vld [tilespmem:s30+$0xEDB0]  }
0x2ea: {  	v59 =	vld [tilespmem:s30+$0xAE20]  }
0x2eb: {  	v40 =	vld [tilespmem:s30+$0xAE90]  }
0x2ec: {  	v41 =	vld [tilespmem:s30+$0xEE90]  }
0x2ed: {  	v42 =	vld [tilespmem:s30+$0xAF00]  }
0x2ee: {  	v43 =	vld [tilespmem:s30+$0xEF00]  }
0x2ef: {  	v44 =	vld [tilespmem:s30+$0xAD30]  }
0x2f0: {  	v45 =	vld [tilespmem:s30+$0xED30]  }
0x2f1: {  	v46 =	vld [tilespmem:s30+$0xADA0]  }
0x2f2: {  	v47 =	vld [tilespmem:s30+$0xEDA0]  }
0x2f3: {  	v60 =	vld [tilespmem:s30+$0xAE10]  }
0x2f4: {  	v61 =	vld [tilespmem:s30+$0xEE10]  }
0x2f5: {  	v48 =	vld [tilespmem:s30+$0xAE80]  }
0x2f6: {  	v49 =	vld [tilespmem:s30+$0xEE80]  }
0x2f7: {  	v62 =	vld [tilespmem:s30+$0xAE00]  }
0x2f8: {  	v63 =	vld [tilespmem:s30+$0xEE00]  }
0x2f9: {  	v4 =	vld [tilespmem:s30+$0xACA0]  }
0x2fa: {  	v5 =	vld [tilespmem:s30+$0xAC90]  }
0x2fb: {  	v6 =	vld [tilespmem:s30+$0xEC90]  }
0x2fc: {  	v3 =	vld [tilespmem:s30+$0xAD00]  }
0x2fd: {  	v0 =	vld [tilespmem:s30+$0xED00]  }
0x2fe: {  	v10 =	vld [tilespmem:s30+$0xABA0]  }
0x2ff: {  	v9 =	vld [tilespmem:s30+$0xEBA0]  }
0x300: {  	v7 =	vld [tilespmem:s30+$0xAC80]  }
0x301: {  	v8 =	vld [tilespmem:s30+$0xEC80]  }
0x302: {  	v18 =	vld [tilespmem:s30+$0xAAB0]  }
0x303: {  	v17 =	vld [tilespmem:s30+$0xEAB0]  }
0x304: {  	v11 =	vld [tilespmem:s30+$0xAB20]  }
0x305: {  	v2 =	vld [tilespmem:s30+$0xAC00]  }
0x306: {  	v1 =	vld [tilespmem:s30+$0xEC00]  }
0x307: {  	v16 =	vld [tilespmem:s30+$0xAA30]  }
0x308: {  	v15 =	vld [tilespmem:s30+$0xEA30]  }
0x309: {  	v12 =	vld [tilespmem:s30+$0xAAA0]  }
0x30a: {  	v21 =	vld [tilespmem:s30+$0xAB10]  }
0x30b: {  	v20 =	vld [tilespmem:s30+$0xEB10]  }
0x30c: {  	v19 =	vld [tilespmem:s30+$0xA930]  }
0x30d: {  	[tilespmem:$0x1FBB0] =	vst v50;
	v50 =	vld [tilespmem:s30+$0xAD20]  }
0x30e: {  	[tilespmem:$0x1FBC0] =	vst v51;
	v51 =	vld [tilespmem:s30+$0xED20]  }
0x30f: {  	[tilespmem:$0x1FB90] =	vst v52;
	v52 =	vld [tilespmem:s30+$0xAD90]  }
0x310: {  	[tilespmem:$0x1FBA0] =	vst v53;
	v53 =	vld [tilespmem:s30+$0xED90]  }
0x311: {  	[tilespmem:$0x1FB80] =	vst v54;
	v54 =	vld [tilespmem:s30+$0xAC30]  }
0x312: {  	[tilespmem:$0x1FB60] =	vst v55;
	v55 =	vld [tilespmem:s30+$0xEC30]  }
0x313: {  	[tilespmem:$0x1FB70] =	vst v56;
	v56 =	vld [tilespmem:s30+$0xAD10]  }
0x314: {  	[tilespmem:$0x1FB30] =	vst v57;
	v57 =	vld [tilespmem:s30+$0xED10]  }
0x315: {  	[tilespmem:$0x1FB40] =	vst v58;
	v58 =	vld [tilespmem:s30+$0xAD80]  }
0x316: {  	[tilespmem:$0x1FB50] =	vst v59;
	v59 =	vld [tilespmem:s30+$0xED80]  }
0x317: {  	[tilespmem:$0x1FB10] =	vst v60;
	v60 =	vld [tilespmem:s30+$0xABB0]  }
0x318: {  	[tilespmem:$0x1FB20] =	vst v61;
	v61 =	vld [tilespmem:s30+$0xEBB0]  }
0x319: {  	[tilespmem:$0x1FAE0] =	vst v62;
	v62 =	vld [tilespmem:s30+$0xAC20]  }
0x31a: {  	[tilespmem:$0x1FAF0] =	vst v63;
	v63 =	vld [tilespmem:s30+$0xEC20]  }
0x31b: {  	[tilespmem:$0x1FAD0] =	vst v6;
	v6 =	vld [tilespmem:s30+$0xAC10]  }
0x31c: {  	[tilespmem:$0x1FAC0] =	vst v5;
	v5 =	vld [tilespmem:s30+$0xEC10]  }
0x31d: {  	[tilespmem:$0x1FAA0] =	vst v8;
	v8 =	vld [tilespmem:s30+$0xAB90]  }
0x31e: {  	[tilespmem:$0x1FA90] =	vst v7;
	v7 =	vld [tilespmem:s30+$0xEB90]  }
0x31f: {  	[tilespmem:$0x1FAB0] =	vst v11;
	v11 =	vld [tilespmem:s30+$0xEAA0]  }
0x320: {  	[tilespmem:$0x1FB00] =	vst v4;
	v4 =	vld [tilespmem:s30+$0xAB80]  }
0x321: {  	v32 =	vmul.f32 v33, v32;
	v33 =	vld [tilespmem:s30+$0xEB80]  }
0x322: {  	v42 =	vmul.f32 v43, v42;
	v43 =	vld [tilespmem:s30+$0xAA20]  }
0x323: {  	v22 =	vmul.f32 v23, v22;
	v23 =	vld [tilespmem:s30+$0xEA20];
	v48 =	vmul.f32 v49, v48  }
0x324: {  	v26 =	vmul.f32 v27, v26;
	v27 =	vadd.f32 $0.0e+00, v32;
	v32 =	vld [tilespmem:s30+$0xE930]  }
0x325: {  	v49 =	vadd.f32 $0.0e+00, v48;
	v48 =	vld [tilespmem:s30+$0xE910]  }
0x326: {  	v26 =	vadd.f32 v26, v27;
	v27 =	vmul.f32 v37, v36;
	v37 =	vld [tilespmem:s30+$0xAA90]  }
0x327: {  	v36 =	vadd.f32 $0.0e+00, v42;
	v42 =	vld [tilespmem:s30+$0xEA00]  }
0x328: {  	v11 =	vmul.f32 v11, v12;
	v12 =	vld [tilespmem:s30+$0xA9A0]  }
0x329: {  	v22 =	vadd.f32 v22, v26;
	v26 =	vld [tilespmem:s30+$0xEA90]  }
0x32a: {  	v13 =	vmul.f32 v13, v14;
	v14 =	vadd.f32 v27, v36;
	v27 =	vmul.f32 v31, v30;
	v30 =	vld [tilespmem:s30+$0xAB00]  }
0x32b: {  	v31 =	vmul.f32 v41, v40;
	v40 =	vld [tilespmem:s30+$0xEB00]  }
0x32c: {  	v41 =	vld [tilespmem:s30+$0xAA00]  }
0x32d: {  	v36 =	vld [tilespmem:$0x1FA90]  }
0x32e: {  	v14 =	vadd.f32 v27, v14;
	v27 =	vld [tilespmem:s30+$0xA920]  }
0x32f: {  	v24 =	vmul.f32 v25, v24;
	v25 =	vadd.f32 v31, v49;
	v31 =	vmul.f32 v35, v34;
	v34 =	vld [tilespmem:s30+$0xE920]  }
0x330: {  	v13 =	vadd.f32 v13, v22;
	v22 =	vmul.f32 v59, v58;
	v59 =	vld [tilespmem:s30+$0xEA10]  }
0x331: {  	v1 =	vmul.f32 v1, v2;
	v49 =	vmul.f32 v55, v54;
	v55 =	vld [tilespmem:s30+$0xA9B0]  }
0x332: {  	v58 =	vmul.f32 v47, v46;
	v46 =	vmul.f32 v63, v62;
	v63 =	vld [tilespmem:s30+$0xEB30]  }
0x333: {  	v54 =	vmul.f32 v17, v18;
	v17 =	vld [tilespmem:$0x1FBA0]  }
0x334: {  	v1 =	vadd.f32 $0.0e+00, v1;
	v18 =	vld [tilespmem:$0x1FBC0]  }
0x335: {  	v52 =	vmul.f32 v53, v52;
	v5 =	vmul.f32 v5, v6;
	v53 =	vadd.f32 $0.0e+00, v22;
	v22 =	vld [tilespmem:s30+$0xAA10]  }
0x336: {  	v14 =	vadd.f32 v24, v14;
	v24 =	vadd.f32 v31, v25;
	v25 =	vmul.f32 v29, v28;
	v28 =	vld [tilespmem:s30+$0xAA80]  }
0x337: {  	v31 =	vld [tilespmem:s30+$0xEA80]  }
0x338: {  	v1 =	vadd.f32 v5, v1;
	v29 =	vmul.f32 v57, v56;
	v57 =	vld [tilespmem:s30+$0xE9B0]  }
0x339: {  	v0 =	vmul.f32 v0, v3;
	v56 =	vmul.f32 v15, v16;
	v15 =	vld [tilespmem:s30+$0xEB20]  }
0x33a: {  	v1 =	vadd.f32 v46, v1;
	v46 =	vld [tilespmem:s30+$0xEE20]  }
0x33b: {  	v0 =	vadd.f32 $0.0e+00, v0;
	v26 =	vmul.f32 v26, v37;
	v37 =	vld [tilespmem:$0x1FAA0]  }
0x33c: {  	v6 =	vmul.f32 v42, v41;
	v41 =	vld [tilespmem:s30+$0xECB0]  }
0x33d: {  	v0 =	vadd.f32 v29, v0;
	v29 =	vmul.f32 v51, v50;
	v50 =	vld [tilespmem:s30+$0xA980]  }
0x33e: {  	v51 =	vld [tilespmem:s30+$0xE980]  }
0x33f: {  	v3 =	vadd.f32 v52, v53;
	v53 =	vmul.f32 v23, v43;
	v23 =	vld [tilespmem:s30+$0xE9A0]  }
0x340: {  	v24 =	vadd.f32 v25, v24;
	v25 =	vmul.f32 v39, v38;
	v38 =	vld [tilespmem:s30+$0xACB0]  }
0x341: {  	v4 =	vmul.f32 v33, v4;
	v1 =	vadd.f32 v49, v1;
	v49 =	vld [tilespmem:$0x1FAE0]  }
0x342: {  	v3 =	vadd.f32 v58, v3;
	v0 =	vadd.f32 v29, v0;
	v29 =	vmul.f32 v45, v44;
	v44 =	vld [tilespmem:s30+$0xA910]  }
0x343: {  	v45 =	vld [tilespmem:s30+$0xE900]  }
0x344: {  	v7 =	vmul.f32 v7, v8;
	v4 =	vadd.f32 $0.0e+00, v4;
	v3 =	vadd.f32 v25, v3;
	v25 =	vld [tilespmem:s30+$0xA900]  }
0x345: {  	v28 =	vmul.f32 v31, v28;
	v31 =	vld [tilespmem:s30+$0xA990]  }
0x346: {  	v47 =	vmul.f32 v9, v10;
	v4 =	vadd.f32 v7, v4;
	v2 =	vmul.f32 v59, v22;
	v22 =	vld [tilespmem:s30+$0xE990]  }
0x347: {  	v59 =	vmul.f32 v40, v30;
	v40 =	vld [tilespmem:$0x1FAB0]  }
0x348: {  	v4 =	vadd.f32 v47, v4;
	v35 =	vmul.f32 v57, v55;
	v55 =	vld [tilespmem:$0x1FB10];
	v28 =	vadd.f32 $0.0e+00, v28  }
0x349: {  	(xrf2) =	vadd.scan.msk.f32 $0xffff, v13;
	v6 =	vadd.f32 $0.0e+00, v6;
	v13 =	vmul.f32 v34, v27;
	v57 =	vld [tilespmem:$0x1FB40];
	v8 =	vmul.f32 v45, v25  }
0x34a: {  	v0 =	vadd.f32 v29, v0;
	v29 =	vmul.f32 v61, v60;
	v60 =	vld [tilespmem:s30+$0xAB30];
	v52 =	vadd.f32 v26, v28  }
0x34b: {  	v7 =	vmul.f32 v51, v50;
	v50 =	vld [tilespmem:$0x1FAF0];
	v9 =	vmul.f32 v48, v44;
	v8 =	vadd.f32 $0.0e+00, v8  }
0x34c: {  	v2 =	vadd.f32 v2, v6;
	v62 =	vmul.f32 v23, v12;
	v44 =	vld [tilespmem:$0x1FAC0];
	v5 =	vadd.f32 v11, v52  }
0x34d: {  	v12 =	vmul.f32 v20, v21;
	v7 =	vadd.f32 $0.0e+00, v7;
	v45 =	vld [tilespmem:$0x1FAD0];
	v8 =	vadd.f32 v9, v8  }
0x34e: {  	(xrf2) =	vadd.scan.msk.f32 $0xffff, v14;
	v14 =	vmul.f32 v22, v31;
	v52 =	vld [tilespmem:$0x1FB00];
	v58 =	vadd.f32 v54, v5;
	v5 =	vadd.f32 $0.0e+00, v59  }
0x34f: {  	v33 =	vmul.f32 v32, v19;
	v2 =	vadd.f32 v53, v2;
	v61 =	vadd.f32 v13, v8;
	v13 =	vld [tilespmem:s30+$0xECA0]  }
0x350: {  	(xrf2) =	vadd.scan.msk.f32 $0xffff, v24;
	v7 =	vadd.f32 v14, v7;
	v39 =	vadd.f32 v12, v5;
	v12 =	vld [tilespmem:$0x1FB20];
	v8 =	vmul.f32 v37, v36  }
0x351: {  	v4 =	vadd.f32 v29, v4;
	(xrf2) =	vadd.scan.msk.f32 $0xffff, v3;
	v3 =	vmul.f32 v15, v40;
	v2 =	vadd.f32 v56, v2;
	v56 =	vld [tilespmem:$0x1FB30]  }
0x352: {  	(xrf2) =	vadd.scan.msk.f32 $0xffff, v0;
	v15 =	vld [tilespmem:$0x1FB70];
	v34 =	vadd.f32 v62, v7;
	v7 =	vmul.f32 v45, v44;
	v43 =	vadd.f32 $0.0e+00, v8  }
0x353: {  	(xrf2) =	vadd.scan.msk.f32 $0xffff, v1;
	v48 =	vmul.f32 v63, v60;
	v63 =	vld [tilespmem:$0x1FB60];
	v47 =	vadd.f32 v3, v39;
	v3 =	vmul.f32 v50, v49  }
0x354: {  	(xrf2) =	vadd.scan.msk.f32 $0xffff, v4;
	v42 =	vadd.f32 v35, v34;
	v35 =	vld [tilespmem:$0x1FB80];
	v4 =	vadd.f32 v7, v43;
	v7 =	vmul.f32 v13, v52  }
0x355: {  	v54 =	vadd.f32 $0.0e+00, v3;
	v3 =	vmul.f32 v12, v55;
	v12 =	vld [tilespmem:s30+$0xEFA0]  }
0x356: {  	v51 =	vld [tilespmem:s30+$0xAE30];
	(xrf2) =	vadd.scan.msk.f32 $0xffff, v58;
	v0 =	vadd.f32 v33, v61;
	v4 =	vadd.f32 v7, v4;
	v7 =	vmul.f32 v57, v56  }
0x357: {  	v59 =	vld [tilespmem:$0x1FB50];
	(xrf2) =	vadd.scan.msk.f32 $0xffff, v2  }
0x358: {  	v53 =	vld [tilespmem:s30+$0xEE30];
	v5 =	vmul.f32 v41, v38;
	(xrf2) =	vadd.scan.msk.f32 $0xffff, v0;
	v62 =	vadd.f32 $0.0e+00, v7;
	v7 =	vmul.f32 v15, v63  }
0x359: {  	v10, _, _ =	vpop (xrf2);
	v37 =	vld [tilespmem:$0x1FBB0];
	v0 =	vadd.f32 v48, v47;
	(xrf2) =	vadd.scan.msk.f32 $0xffff, v42  }
0x35a: {  	v2, _, _ =	vpop (xrf2);
	v4 =	vadd.f32 v5, v4;
	v5 =	vadd.f32 v7, v62;
	v7 =	vmul.f32 v12, v35;
	v12 =	vld [tilespmem:$0x1FB90]  }
0x35b: {  	v60 =	vld [tilespmem:s30+$0xEFB0];
	v13, _, _ =	vpop (xrf2)  }
0x35c: {  	v58 =	vld [tilespmem:s30+$0xAFB0];
	v1 =	vadd.f32 v3, v54;
	v3 =	vmul.f32 v46, v59;
	v14, _, _ =	vpop (xrf2);
	(xrf2) =	vadd.scan.msk.f32 $0xffff, v0  }
0x35d: {  	v33 =	vld [tilespmem:s30+$0xF0A0];
	v61, _, _ =	vpop (xrf2)  }
0x35e: {  	v32 =	vmul.f32 v53, v51;
	v1 =	vadd.f32 v3, v1;
	v16, _, _ =	vpop (xrf2);
	v15 =	vld [tilespmem:s30+$0xB0A0]  }
0x35f: {  	v3 =	vmul.f32 v18, v37;
	v18 =	vld [tilespmem:s30+$0xF0B0];
	v34, _, _ =	vpop (xrf2);
	(xrf2) =	vadd.scan.msk.f32 $0xffff, v4;
	v12 =	vmul.f32 v17, v12  }
0x360: {  	v1 =	vadd.f32 v32, v1;
	v36, _, _ =	vpop (xrf2);
	v17 =	vld [tilespmem:s30+$0xB0B0]  }
0x361: {  	v38 =	vmul.f32 v60, v58;
	v19, _, _ =	vpop (xrf2);
	v5 =	vadd.f32 v7, v5;
	v39 =	vadd.f32 $0.0e+00, v12  }
0x362: {  	(xrf2) =	vadd.scan.msk.f32 $0xffff, v1;
	v40, _, _ =	vpop (xrf2)  }
0x363: {  	v42 =	vmul.f32 v33, v15;
	v41 =	vadd.f32 v38, v5;
	v43, _, _ =	vpop (xrf2);
	v3 =	vadd.f32 v3, v39  }
0x364: {  	v44 =	vbroadcast v40, $0xF;
	v6 =	vbroadcast v43, $0xF  }
0x365: {  	v45 =	vbroadcast v19, $0xF;
	(xrf2) =	vadd.scan.msk.f32 $0xffff, v41;
	v46 =	vmul.f32 v18, v17;
	v3 =	vadd.f32 v42, v3  }
0x366: {  	v4 =	vbroadcast v36, $0xF;
	v48, _, _ =	vpop (xrf2);
	v47 =	vsel vm2, v44, v6  }
0x367: {  	v6 =	vbroadcast v48, $0xF;
	v1 =	vsel vm3, v47, v45;
	v3 =	vadd.f32 v46, v3  }
0x368: {  	v49 =	vbroadcast v34, $0xF;
	v1 =	vsel vm4, v1, v4  }
0x369: {  	v50 =	vbroadcast v16, $0xF;
	v1 =	vsel vm5, v1, v6;
	v51, _, _ =	vpop (xrf2);
	(xrf2) =	vadd.scan.msk.f32 $0xffff, v3  }
0x36a: {  	v1 =	vsel vm6, v1, v49;
	v52 =	vbroadcast v51, $0xF  }
0x36b: {  	v0 =	vbroadcast v61, $0xF;
	v1 =	vsel vm7, v1, v50  }
0x36c: {  	v53 =	vbroadcast v14, $0xF;
	v54, _, _ =	vpop (xrf2);
	v1 =	vsel vm8, v1, v52  }
0x36d: {  	v55 =	vbroadcast v54, $0xF;
	v0 =	vsel vm1, v1, v0  }
0x36e: {  	v56 =	vbroadcast v13, $0xF;
	v0 =	vsel vm9, v0, v53  }
0x36f: {  	v57 =	vbroadcast v2, $0xF;
	v0 =	vsel vm10, v0, v55;
	v58, _, _ =	vpop (xrf2)  }
0x370: {  	v0 =	vsel vm11, v0, v56;
	v2 =	vbroadcast v58, $0xF  }
0x371: {  	v59 =	vbroadcast v10, $0xF;
	v0 =	vsel vm12, v0, v57  }
0x372: {  	v0 =	vsel vm13, v0, v2  }
0x373: {  	v0 =	vsel vm14, v0, v59;
	v60, _, _ =	vpop (xrf2)  }
0x374: {  	v0 =	vsel vm15, v0, v60  }
0x375: {  	v0 =	vmul.f32 $-1.250000000e-01, v0;
	_ =	sdelay $0x1  }
0x376: {  	v0 =	vmul.f32 $1.442695020e+00, v0;
	_ =	sdelay $0x1  }
0x377: {  	(erf) = vpow2.f32 v0;
	_ =	sdelay $0x8  }
0x378: {  	v0 =	vpop (erf)  }
0x379: {  	v0 =	vadd.f32 $1.000000000e+00, v0;
	_ =	sdelay $0x1  }
0x37a: {  	(erf) = vrcp.f32 v0;
	_ =	sdelay $0x8  }
0x37b: {  	s18 =	simm.s32 $0x12900;
	v0 =	vpop (erf)  }
0x37c: {  	s19 =	simm.s32 $0x800;
	[tilespmem:s18+$0x0] =	vst v0  }
0x37d: {  	v0 =	vld [tilespmem:s19+$0xB030]  }
0x37e: {  	v61 =	vld [tilespmem:s19+$0xF030]  }
0x37f: {  	v19 =	vld [tilespmem:s19+$0xB090]  }
0x380: {  	v62 =	vld [tilespmem:s19+$0xF090]  }
0x381: {  	v53 =	vld [tilespmem:s19+$0xB020]  }
0x382: {  	v34 =	vld [tilespmem:s19+$0xF020]  }
0x383: {  	v63 =	vld [tilespmem:s19+$0xB080]  }
0x384: {  	v4 =	vld [tilespmem:s19+$0xF080]  }
0x385: {  	v55 =	vld [tilespmem:s19+$0xAF30]  }
0x386: {  	v5 =	vld [tilespmem:s19+$0xEF30]  }
0x387: {  	v6 =	vld [tilespmem:s19+$0xAFA0]  }
0x388: {  	v29 =	vld [tilespmem:s19+$0xB010]  }
0x389: {  	v31 =	vld [tilespmem:s19+$0xF010]  }
0x38a: {  	v10 =	vld [tilespmem:s19+$0xAEB0]  }
0x38b: {  	v12 =	vld [tilespmem:s19+$0xEEB0]  }
0x38c: {  	v52 =	vld [tilespmem:s19+$0xAF20]  }
0x38d: {  	v39 =	vld [tilespmem:s19+$0xEF20]  }
0x38e: {  	v7 =	vld [tilespmem:s19+$0xAF90]  }
0x38f: {  	v8 =	vld [tilespmem:s19+$0xEF90]  }
0x390: {  	v25 =	vld [tilespmem:s19+$0xB000]  }
0x391: {  	v36 =	vld [tilespmem:s19+$0xF000]  }
0x392: {  	v9 =	vld [tilespmem:s19+$0xAEA0]  }
0x393: {  	v37 =	vld [tilespmem:s19+$0xAF10]  }
0x394: {  	v44 =	vld [tilespmem:s19+$0xEF10]  }
0x395: {  	v11 =	vld [tilespmem:s19+$0xAF80]  }
0x396: {  	v32 =	vld [tilespmem:s19+$0xEF80]  }
0x397: {  	v33 =	vld [tilespmem:s19+$0xAE20]  }
0x398: {  	v47 =	vld [tilespmem:s19+$0xAE90]  }
0x399: {  	v48 =	vld [tilespmem:s19+$0xEE90]  }
0x39a: {  	v49 =	vld [tilespmem:s19+$0xAF00]  }
0x39b: {  	v50 =	vld [tilespmem:s19+$0xEF00]  }
0x39c: {  	v13 =	vld [tilespmem:s19+$0xED30]  }
0x39d: {  	v35 =	vld [tilespmem:s19+$0xADA0]  }
0x39e: {  	v38 =	vld [tilespmem:s19+$0xAE10]  }
0x39f: {  	v40 =	vld [tilespmem:s19+$0xEE10]  }
0x3a0: {  	v41 =	vld [tilespmem:s19+$0xAD20]  }
0x3a1: {  	v58 =	vld [tilespmem:s19+$0xED20]  }
0x3a2: {  	v59 =	vld [tilespmem:s19+$0xAD90]  }
0x3a3: {  	v60 =	vld [tilespmem:s19+$0xED90]  }
0x3a4: {  	v15 =	vld [tilespmem:s19+$0xAE00]  }
0x3a5: {  	v16 =	vld [tilespmem:s19+$0xEE00]  }
0x3a6: {  	v23 =	vld [tilespmem:s19+$0xAC30]  }
0x3a7: {  	v26 =	vld [tilespmem:s19+$0xEC30]  }
0x3a8: {  	v42 =	vld [tilespmem:s19+$0xACA0]  }
0x3a9: {  	v45 =	vld [tilespmem:s19+$0xED10]  }
0x3aa: {  	v57 =	vld [tilespmem:s19+$0xAC20]  }
0x3ab: {  	v54 =	vld [tilespmem:s19+$0xEC20]  }
0x3ac: {  	v17 =	vld [tilespmem:s19+$0xAC90]  }
0x3ad: {  	v18 =	vld [tilespmem:s19+$0xEC90]  }
0x3ae: {  	v1 =	vld [tilespmem:s19+$0xAD00]  }
0x3af: {  	v43 =	vld [tilespmem:s19+$0xABA0]  }
0x3b0: {  	v46 =	vld [tilespmem:s19+$0xEBA0]  }
0x3b1: {  	v20 =	vld [tilespmem:s19+$0xAC80]  }
0x3b2: {  	v21 =	vld [tilespmem:s19+$0xEC80]  }
0x3b3: {  	v56 =	vld [tilespmem:s19+$0xAAB0]  }
0x3b4: {  	v28 =	vld [tilespmem:s19+$0xEAB0]  }
0x3b5: {  	v22 =	vld [tilespmem:s19+$0xAB20]  }
0x3b6: {  	v51 =	vld [tilespmem:s19+$0xAB90]  }
0x3b7: {  	v2 =	vld [tilespmem:s19+$0xEC00]  }
0x3b8: {  	v27 =	vld [tilespmem:s19+$0xAA30]  }
0x3b9: {  	v30 =	vld [tilespmem:s19+$0xEA30]  }
0x3ba: {  	v14 =	vld [tilespmem:s19+$0xAB10]  }
0x3bb: {  	v24 =	vld [tilespmem:s19+$0xEB10]  }
0x3bc: {  	v3 =	vld [tilespmem:s19+$0xEB80]  }
0x3bd: {  	[tilespmem:$0x1FCA0] =	vst v61;
	v61 =	vld [tilespmem:s19+$0xEEA0]  }
0x3be: {  	[tilespmem:$0x1FC20] =	vst v8;
	v8 =	vld [tilespmem:s19+$0xADB0]  }
0x3bf: {  	[tilespmem:$0x1FCC0] =	vst v9;
	v9 =	vld [tilespmem:s19+$0xEDB0]  }
0x3c0: {  	[tilespmem:$0x1FC30] =	vst v11;
	v11 =	vld [tilespmem:s19+$0xAD30]  }
0x3c1: {  	[tilespmem:$0x1FBD0] =	vst v62;
	v62 =	vld [tilespmem:s19+$0xEDA0]  }
0x3c2: {  	[tilespmem:$0x1FBF0] =	vst v4;
	v4 =	vld [tilespmem:s19+$0xAE80]  }
0x3c3: {  	[tilespmem:$0x1FCB0] =	vst v5;
	v5 =	vld [tilespmem:s19+$0xEE80]  }
0x3c4: {  	[tilespmem:$0x1FBE0] =	vst v63;
	v63 =	vld [tilespmem:s19+$0xAD10]  }
0x3c5: {  	[tilespmem:$0x1FC60] =	vst v38;
	v38 =	vld [tilespmem:s19+$0xAD80]  }
0x3c6: {  	[tilespmem:$0x1FCD0] =	vst v35;
	v35 =	vld [tilespmem:s19+$0xED80]  }
0x3c7: {  	[tilespmem:$0x1FC00] =	vst v6;
	v6 =	vld [tilespmem:s19+$0xABB0]  }
0x3c8: {  	[tilespmem:$0x1FC10] =	vst v7;
	v7 =	vld [tilespmem:s19+$0xEBB0];
	v36 =	vmul.f32 v36, v25  }
0x3c9: {  	[tilespmem:$0x1FC90] =	vst v0;
	v0 =	vld [tilespmem:s19+$0xED00]  }
0x3ca: {  	[tilespmem:$0x1FCF0] =	vst v43;
	v43 =	vld [tilespmem:s19+$0xAC10];
	v31 =	vmul.f32 v31, v29;
	v36 =	vadd.f32 $0.0e+00, v36  }
0x3cb: {  	[tilespmem:$0x1FC80] =	vst v42;
	v42 =	vld [tilespmem:s19+$0xEC10]  }
0x3cc: {  	[tilespmem:$0x1FD00] =	vst v46;
	v46 =	vld [tilespmem:s19+$0xEB90];
	v49 =	vmul.f32 v50, v49;
	v34 =	vmul.f32 v34, v53;
	v50 =	vadd.f32 v31, v36  }
0x3cd: {  	v53 =	vmul.f32 v5, v4;
	v4 =	vld [tilespmem:$0x1FC90]  }
0x3ce: {  	v34 =	vadd.f32 v34, v50;
	v50 =	vld [tilespmem:$0x1FCA0]  }
0x3cf: {  	[tilespmem:$0x1FC70] =	vst v40;
	v40 =	vld [tilespmem:s19+$0xAC00]  }
0x3d0: {  	[tilespmem:$0x1FC40] =	vst v32;
	v32 =	vld [tilespmem:s19+$0xAAA0]  }
0x3d1: {  	[tilespmem:$0x1FC50] =	vst v33;
	v33 =	vld [tilespmem:s19+$0xEAA0]  }
0x3d2: {  	[tilespmem:$0x1FCE0] =	vst v41;
	v41 =	vld [tilespmem:s19+$0xAB80]  }
0x3d3: {  	v5 =	vmul.f32 v50, v4;
	v50 =	vld [tilespmem:$0x1FCB0]  }
0x3d4: {  	v29 =	vld [tilespmem:s19+$0xA930];
	v44 =	vmul.f32 v44, v37;
	v49 =	vadd.f32 $0.0e+00, v49  }
0x3d5: {  	v37 =	vld [tilespmem:s19+$0xEA20]  }
0x3d6: {  	v39 =	vmul.f32 v39, v52;
	v52 =	vld [tilespmem:s19+$0xAA90];
	v44 =	vadd.f32 v44, v49  }
0x3d7: {  	v31 =	vld [tilespmem:s19+$0xE930]  }
0x3d8: {  	v39 =	vadd.f32 v39, v44;
	v44 =	vmul.f32 v50, v55;
	v55 =	vld [tilespmem:$0x1FCC0]  }
0x3d9: {  	v36 =	vld [tilespmem:s19+$0xAA20]  }
0x3da: {  	v4 =	vmul.f32 v60, v59;
	v59 =	vld [tilespmem:$0x1FCD0]  }
0x3db: {  	v47 =	vmul.f32 v48, v47;
	v3 =	vmul.f32 v3, v41;
	v41 =	vld [tilespmem:s19+$0xEA10];
	v48 =	vadd.f32 $0.0e+00, v53  }
0x3dc: {  	v2 =	vmul.f32 v2, v40;
	v40 =	vld [tilespmem:s19+$0xA910]  }
0x3dd: {  	v42 =	vmul.f32 v42, v43;
	v43 =	vld [tilespmem:s19+$0xE900];
	v47 =	vadd.f32 v47, v48;
	v61 =	vmul.f32 v61, v55  }
0x3de: {  	v53 =	vld [tilespmem:s19+$0xEA90]  }
0x3df: {  	v10 =	vmul.f32 v12, v10;
	v60 =	vmul.f32 v62, v59;
	v62 =	vld [tilespmem:$0x1FCE0];
	v47 =	vadd.f32 v61, v47  }
0x3e0: {  	v3 =	vadd.f32 $0.0e+00, v3;
	v49 =	vadd.f32 v5, v34;
	v50 =	vmul.f32 v35, v38;
	v61 =	vld [tilespmem:s19+$0xAA80]  }
0x3e1: {  	v46 =	vmul.f32 v46, v51;
	v44 =	vadd.f32 v44, v39;
	v47 =	vadd.f32 v10, v47;
	v10 =	vld [tilespmem:s19+$0xEA80]  }
0x3e2: {  	v0 =	vmul.f32 v0, v1;
	v48 =	vld [tilespmem:s19+$0xAA10];
	(xrf2) =	vadd.scan.msk.f32 $0xffff, v49;
	v5 =	vadd.f32 $0.0e+00, v50  }
0x3e3: {  	v3 =	vadd.f32 v46, v3;
	v46 =	vld [tilespmem:s19+$0xE910];
	(xrf2) =	vadd.scan.msk.f32 $0xffff, v44  }
0x3e4: {  	v0 =	vadd.f32 $0.0e+00, v0;
	v1 =	vadd.f32 v4, v5;
	v4 =	vld [tilespmem:s19+$0xEA00]  }
0x3e5: {  	v2 =	vadd.f32 $0.0e+00, v2;
	v55 =	vmul.f32 v45, v63;
	v63 =	vmul.f32 v58, v62;
	v62 =	vld [tilespmem:$0x1FD00]  }
0x3e6: {  	v44 =	vmul.f32 v10, v61;
	v61 =	vld [tilespmem:$0x1FCF0]  }
0x3e7: {  	v2 =	vadd.f32 v42, v2;
	v45 =	vld [tilespmem:s19+$0xAA00];
	v0 =	vadd.f32 v55, v0  }
0x3e8: {  	v34 =	vld [tilespmem:s19+$0xAB00];
	v59 =	vmul.f32 v54, v57;
	v1 =	vadd.f32 v60, v1;
	v55 =	vmul.f32 v9, v8  }
0x3e9: {  	v49 =	vld [tilespmem:s19+$0xA900];
	v58 =	vmul.f32 v13, v11;
	v0 =	vadd.f32 v63, v0  }
0x3ea: {  	v35 =	vld [tilespmem:s19+$0xEB00];
	v2 =	vadd.f32 v59, v2;
	v60 =	vmul.f32 v26, v23;
	v1 =	vadd.f32 v55, v1  }
0x3eb: {  	v38 =	vld [tilespmem:s19+$0xA920];
	v0 =	vadd.f32 v58, v0;
	(xrf2) =	vadd.scan.msk.f32 $0xffff, v47;
	v63 =	vmul.f32 v62, v61  }
0x3ec: {  	v39 =	vld [tilespmem:s19+$0xE920];
	v50 =	vmul.f32 v53, v52;
	v42 =	vadd.f32 v60, v2;
	v54, _, _ =	vpop (xrf2);
	v52 =	vmul.f32 v4, v45;
	(xrf2) =	vadd.scan.msk.f32 $0xffff, v1  }
0x3ed: {  	s20 =	simm.s32 $0x4000;
	v47 =	vld [tilespmem:s19+$0xA980];
	(xrf2) =	vadd.scan.msk.f32 $0xffff, v0;
	v23, _, _ =	vpop (xrf2);
	v53 =	vadd.f32 $0.0e+00, v44;
	v44 =	vmul.f32 v7, v6;
	v51 =	vadd.f32 v63, v3  }
.LBB2_5:
0x3ee: {  	v0 =	vld [tilespmem:s19+$0xE980]  }
0x3ef: {  	v7 =	vld [tilespmem:s19+$0xA990]  }
0x3f0: {  	v8 =	vld [tilespmem:s19+$0xE990]  }
0x3f1: {  	v11 =	vld [tilespmem:s19+$0xE9A0]  }
0x3f2: {  	v45 =	vadd.f32 $0.0e+00, v52;
	v52 =	vld [tilespmem:s19+$0xAB30]  }
0x3f3: {  	v25 =	vld [tilespmem:s19+$0xECA0]  }
0x3f4: {  	v17 =	vmul.f32 v18, v17;
	v18 =	vld [tilespmem:s19+$0xEE20]  }
0x3f5: {  	v58 =	vld [tilespmem:$0x1FC80]  }
0x3f6: {  	v60 =	vld [tilespmem:$0x1FC60]  }
0x3f7: {  	v3 =	vld [tilespmem:$0x1FC70]  }
0x3f8: {  	v13 =	vld [tilespmem:s19+$0xEFA0]  }
0x3f9: {  	v61 =	vld [tilespmem:$0x1FC30]  }
0x3fa: {  	v62 =	vld [tilespmem:$0x1FC40];
	v33 =	vmul.f32 v33, v32;
	v41 =	vmul.f32 v41, v48  }
0x3fb: {  	v1 =	vadd.f32 v50, v53;
	v50 =	vld [tilespmem:s19+$0xEB20];
	v43 =	vmul.f32 v43, v49;
	v2 =	vmul.f32 v28, v56  }
0x3fc: {  	v44 =	vadd.f32 v44, v51;
	v28 =	vld [tilespmem:s19+$0xA9A0];
	v36 =	vmul.f32 v37, v36;
	v40 =	vmul.f32 v46, v40  }
0x3fd: {  	v24 =	vmul.f32 v24, v14;
	v56 =	vmul.f32 v21, v20;
	v21 =	vld [tilespmem:s19+$0xACB0];
	v1 =	vadd.f32 v33, v1  }
0x3fe: {  	(xrf2) =	vadd.scan.msk.f32 $0xffff, v42;
	v14 =	vmul.f32 v16, v15;
	v15 =	vld [tilespmem:s19+$0xAE30];
	v9 =	vadd.f32 v41, v45;
	v10 =	vadd.f32 $0.0e+00, v43  }
0x3ff: {  	v27 =	vmul.f32 v30, v27;
	v32, _, _ =	vpop (xrf2);
	(xrf2) =	vadd.scan.msk.f32 $0xffff, v44;
	v0 =	vmul.f32 v0, v47;
	v47 =	vld [tilespmem:s19+$0xE9B0];
	v1 =	vadd.f32 v2, v1  }
0x400: {  	v46 =	vmul.f32 v39, v38;
	v45 =	vld [tilespmem:s19+$0xA9B0];
	v33 =	vadd.f32 v36, v9;
	v30 =	vadd.f32 v40, v10  }
0x401: {  	v29 =	vmul.f32 v31, v29;
	v37 =	vld [tilespmem:$0x1FC20];
	v49 =	vmul.f32 v8, v7;
	v0 =	vadd.f32 $0.0e+00, v0  }
0x402: {  	v31 =	vmul.f32 v35, v34;
	v39 =	vld [tilespmem:$0x1FC00];
	v26, _, _ =	vpop (xrf2);
	(xrf2) =	vadd.scan.msk.f32 $0xffff, v1;
	v27 =	vadd.f32 v27, v33;
	v51 =	vadd.f32 v46, v30  }
0x403: {  	v0 =	vadd.f32 v49, v0;
	v53 =	vmul.f32 v11, v28;
	v28 =	vld [tilespmem:s19+$0xEB30]  }
0x404: {  	v44 =	vld [tilespmem:$0x1FBD0];
	v38, _, _ =	vpop (xrf2);
	(xrf2) =	vadd.scan.msk.f32 $0xffff, v27;
	v27 =	vadd.f32 v29, v51;
	v29 =	vadd.f32 $0.0e+00, v31  }
0x405: {  	v41 =	vld [tilespmem:$0x1FBF0];
	v0 =	vadd.f32 v53, v0;
	v55 =	vmul.f32 v47, v45  }
0x406: {  	v22 =	vmul.f32 v50, v22;
	v24 =	vadd.f32 v24, v29;
	v29 =	vld [tilespmem:s19+$0xECB0]  }
0x407: {  	v57 =	vadd.f32 $0.0e+00, v56;
	v33 =	vld [tilespmem:$0x1FC50];
	v0 =	vadd.f32 v55, v0  }
0x408: {  	v36 =	vld [tilespmem:$0x1FC10];
	v30, _, _ =	vpop (xrf2);
	(xrf2) =	vadd.scan.msk.f32 $0xffff, v27;
	v4 =	vadd.f32 v22, v24;
	v24 =	vmul.f32 v28, v52  }
0x409: {  	v16 =	vmul.f32 v25, v58;
	v1 =	vadd.f32 v17, v57;
	v17 =	vld [tilespmem:s19+$0xEE30];
	v20, _, _ =	vpop (xrf2);
	(xrf2) =	vadd.scan.msk.f32 $0xffff, v0  }
0x40a: {  	v12 =	vmul.f32 v3, v60;
	v14 =	vadd.f32 $0.0e+00, v14;
	v40 =	vld [tilespmem:$0x1FBE0];
	v59 =	vadd.f32 v24, v4  }
0x40b: {  	v63 =	vmul.f32 v62, v61;
	v10 =	vld [tilespmem:s19+$0xAFB0];
	v1 =	vadd.f32 v16, v1;
	v16 =	vmul.f32 v29, v21  }
0x40c: {  	v12 =	vadd.f32 v12, v14;
	v14 =	vld [tilespmem:s19+$0xEFB0];
	v11 =	vmul.f32 v18, v33;
	v22, _, _ =	vpop (xrf2);
	(xrf2) =	vadd.scan.msk.f32 $0xffff, v59  }
0x40d: {  	v8 =	vld [tilespmem:s19+$0xB0A0];
	v35 =	vadd.f32 $0.0e+00, v63;
	v34 =	vadd.f32 v16, v1;
	v16 =	vmul.f32 v37, v36  }
0x40e: {  	v11 =	vadd.f32 v11, v12;
	v12 =	vmul.f32 v17, v15;
	v15 =	vld [tilespmem:s19+$0xF0A0]  }
0x40f: {  	v5 =	vld [tilespmem:s19+$0xB0B0];
	v6 =	vmul.f32 v13, v39;
	v42 =	vmul.f32 v41, v40;
	v9, _, _ =	vpop (xrf2);
	v1 =	vadd.f32 v16, v35;
	(xrf2) =	vadd.scan.msk.f32 $0xffff, v34  }
0x410: {  	v2 =	vmul.f32 v44, v19;
	v45 =	vld [tilespmem:s19+$0xF0B0];
	v43 =	vadd.f32 v12, v11  }
0x411: {  	v46 =	vmul.f32 v14, v10;
	v47 =	vadd.f32 $0.0e+00, v42;
	v1 =	vadd.f32 v6, v1  }
0x412: {  	v7, _, _ =	vpop (xrf2);
	(xrf2) =	vadd.scan.msk.f32 $0xffff, v43  }
0x413: {  	v49 =	vadd.f32 v2, v47;
	v50 =	vmul.f32 v15, v8;
	v51, _, _ =	vpop (xrf2);
	v48 =	vadd.f32 v46, v1  }
0x414: {  	v52 =	vbroadcast v7, $0xF;
	v53 =	vbroadcast v51, $0xF  }
0x415: {  	v56 =	vmul.f32 v45, v5;
	v55 =	vbroadcast v9, $0xF;
	v1 =	vadd.f32 v50, v49;
	(xrf2) =	vadd.scan.msk.f32 $0xffff, v48  }
0x416: {  	v58 =	vbroadcast v22, $0xF;
	v57 =	vsel vm2, v52, v53;
	v59, _, _ =	vpop (xrf2)  }
0x417: {  	v0 =	vsel vm3, v57, v55;
	v1 =	vadd.f32 v56, v1;
	v60 =	vbroadcast v59, $0xF  }
0x418: {  	v61 =	vbroadcast v20, $0xF;
	v0 =	vsel vm4, v0, v58  }
0x419: {  	v62 =	vbroadcast v30, $0xF;
	v0 =	vsel vm5, v0, v60;
	v63, _, _ =	vpop (xrf2);
	(xrf2) =	vadd.scan.msk.f32 $0xffff, v1  }
0x41a: {  	v0 =	vsel vm6, v0, v61;
	v7 =	vbroadcast v63, $0xF  }
0x41b: {  	v8 =	vbroadcast v38, $0xF;
	v0 =	vsel vm7, v0, v62  }
0x41c: {  	v9 =	vbroadcast v26, $0xF;
	v10, _, _ =	vpop (xrf2);
	v0 =	vsel vm8, v0, v7  }
0x41d: {  	v11 =	vbroadcast v10, $0xF;
	v0 =	vsel vm1, v0, v8  }
0x41e: {  	v33 =	vbroadcast v32, $0xF;
	v0 =	vsel vm9, v0, v9  }
0x41f: {  	v34 =	vbroadcast v23, $0xF;
	v0 =	vsel vm10, v0, v11;
	v35, _, _ =	vpop (xrf2)  }
0x420: {  	v0 =	vsel vm11, v0, v33;
	v3 =	vbroadcast v35, $0xF  }
0x421: {  	v36 =	vbroadcast v54, $0xF;
	v0 =	vsel vm12, v0, v34  }
0x422: {  	v0 =	vsel vm13, v0, v3  }
0x423: {  	v0 =	vsel vm14, v0, v36;
	v37, _, _ =	vpop (xrf2)  }
0x424: {  	v0 =	vsel vm15, v0, v37  }
0x425: {  	v0 =	vmul.f32 $-1.250000000e-01, v0;
	_ =	sdelay $0x1  }
0x426: {  	v0 =	vmul.f32 $1.442695020e+00, v0;
	_ =	sdelay $0x1  }
0x427: {  	(erf) = vpow2.f32 v0;
	_ =	sdelay $0x8  }
0x428: {  	v0 =	vpop (erf)  }
0x429: {  	v0 =	vadd.f32 $1.000000000e+00, v0;
	_ =	sdelay $0x1  }
0x42a: {  	(erf) = vrcp.f32 v0;
	_ =	sdelay $0x8  }
0x42b: {  	s18 =	sadd.s32 $0x10, s18;
	v0 =	vpop (erf)  }
0x42c: {  	s19 =	sshra.s32 s20, $0x2;
	[tilespmem:s18+$0x0] =	vst v0  }
0x42d: {  	v34 =	vld [tilespmem:s19+$0xB030]  }
0x42e: {  	v37 =	vld [tilespmem:s19+$0xF030]  }
0x42f: {  	v0 =	vld [tilespmem:s19+$0xB090]  }
0x430: {  	v38 =	vld [tilespmem:s19+$0xF090]  }
0x431: {  	v31 =	vld [tilespmem:s19+$0xB020]  }
0x432: {  	v36 =	vld [tilespmem:s19+$0xF020]  }
0x433: {  	v39 =	vld [tilespmem:s19+$0xB080]  }
0x434: {  	v40 =	vld [tilespmem:s19+$0xF080]  }
0x435: {  	v35 =	vld [tilespmem:s19+$0xAF30]  }
0x436: {  	v41 =	vld [tilespmem:s19+$0xAFA0]  }
0x437: {  	v29 =	vld [tilespmem:s19+$0xB010]  }
0x438: {  	v54 =	vld [tilespmem:s19+$0xF010]  }
0x439: {  	v42 =	vld [tilespmem:s19+$0xAEB0]  }
0x43a: {  	v43 =	vld [tilespmem:s19+$0xEEB0]  }
0x43b: {  	v49 =	vld [tilespmem:s19+$0xAF20]  }
0x43c: {  	v50 =	vld [tilespmem:s19+$0xEF20]  }
0x43d: {  	v44 =	vld [tilespmem:s19+$0xAF90]  }
0x43e: {  	v45 =	vld [tilespmem:s19+$0xEF90]  }
0x43f: {  	v1 =	vld [tilespmem:s19+$0xF000]  }
0x440: {  	v48 =	vld [tilespmem:s19+$0xEEA0]  }
0x441: {  	v59 =	vld [tilespmem:s19+$0xAF10]  }
0x442: {  	v62 =	vld [tilespmem:s19+$0xEF10]  }
0x443: {  	v46 =	vld [tilespmem:s19+$0xAF80]  }
0x444: {  	v47 =	vld [tilespmem:s19+$0xEF80]  }
0x445: {  	v51 =	vld [tilespmem:s19+$0xADB0]  }
0x446: {  	v52 =	vld [tilespmem:s19+$0xAE20]  }
0x447: {  	v60 =	vld [tilespmem:s19+$0xAE90]  }
0x448: {  	v63 =	vld [tilespmem:s19+$0xEE90]  }
0x449: {  	v2 =	vld [tilespmem:s19+$0xAF00]  }
0x44a: {  	v3 =	vld [tilespmem:s19+$0xEF00]  }
0x44b: {  	v53 =	vld [tilespmem:s19+$0xAD30]  }
0x44c: {  	v55 =	vld [tilespmem:s19+$0xED30]  }
0x44d: {  	v56 =	vld [tilespmem:s19+$0xAE10]  }
0x44e: {  	v57 =	vld [tilespmem:s19+$0xEE10]  }
0x44f: {  	v4 =	vld [tilespmem:s19+$0xAE80]  }
0x450: {  	v5 =	vld [tilespmem:s19+$0xEE80]  }
0x451: {  	v6 =	vld [tilespmem:s19+$0xAD90]  }
0x452: {  	v7 =	vld [tilespmem:s19+$0xED90]  }
0x453: {  	v58 =	vld [tilespmem:s19+$0xACA0]  }
0x454: {  	v8 =	vld [tilespmem:s19+$0xAD10]  }
0x455: {  	v9 =	vld [tilespmem:s19+$0xED10]  }
0x456: {  	v10 =	vld [tilespmem:s19+$0xAD80]  }
0x457: {  	v11 =	vld [tilespmem:s19+$0xED80]  }
0x458: {  	v12 =	vld [tilespmem:s19+$0xABB0]  }
0x459: {  	v61 =	vld [tilespmem:s19+$0xEC20]  }
0x45a: {  	v26 =	vld [tilespmem:s19+$0xEC90]  }
0x45b: {  	v13 =	vld [tilespmem:s19+$0xED00]  }
0x45c: {  	v25 =	vld [tilespmem:s19+$0xAC10]  }
0x45d: {  	v15 =	vld [tilespmem:s19+$0xEC10]  }
0x45e: {  	v23 =	vld [tilespmem:s19+$0xAC80]  }
0x45f: {  	v21 =	vld [tilespmem:s19+$0xEC80]  }
0x460: {  	v28 =	vld [tilespmem:s19+$0xEAB0]  }
0x461: {  	v22 =	vld [tilespmem:s19+$0xAB20]  }
0x462: {  	v16 =	vld [tilespmem:s19+$0xAB90]  }
0x463: {  	v17 =	vld [tilespmem:s19+$0xEB90]  }
0x464: {  	v18 =	vld [tilespmem:s19+$0xAC00]  }
0x465: {  	v20 =	vld [tilespmem:s19+$0xEC00]  }
0x466: {  	v27 =	vld [tilespmem:s19+$0xAA30]  }
0x467: {  	v30 =	vld [tilespmem:s19+$0xEA30]  }
0x468: {  	v32 =	vld [tilespmem:s19+$0xAAA0]  }
0x469: {  	v33 =	vld [tilespmem:s19+$0xEAA0]  }
0x46a: {  	v14 =	vld [tilespmem:s19+$0xAB10]  }
0x46b: {  	v24 =	vld [tilespmem:s19+$0xEB10]  }
0x46c: {  	v19 =	vld [tilespmem:s19+$0xEB80]  }
0x46d: {  	[tilespmem:$0x1FBD0] =	vst v38;
	v38 =	vld [tilespmem:s19+$0xEF30]  }
0x46e: {  	[tilespmem:$0x1FA50] =	vst v0;
	v0 =	vld [tilespmem:s19+$0xB000]  }
0x46f: {  	[tilespmem:$0x1FBE0] =	vst v39;
	v39 =	vld [tilespmem:s19+$0xAEA0]  }
0x470: {  	[tilespmem:$0x1FC00] =	vst v41;
	v41 =	vld [tilespmem:s19+$0xEDB0]  }
0x471: {  	[tilespmem:$0x1FA60] =	vst v53;
	v53 =	vld [tilespmem:s19+$0xADA0]  }
0x472: {  	[tilespmem:$0x1FBF0] =	vst v40;
	v40 =	vld [tilespmem:s19+$0xEDA0]  }
0x473: {  	[tilespmem:$0x1FA40] =	vst v51;
	v51 =	vld [tilespmem:s19+$0xAD20]  }
0x474: {  	[tilespmem:$0x1FC50] =	vst v52;
	v52 =	vld [tilespmem:s19+$0xED20]  }
0x475: {  	[tilespmem:$0x1FA30] =	vst v43;
	v43 =	vld [tilespmem:s19+$0xAE00]  }
0x476: {  	[tilespmem:$0x1FC10] =	vst v44;
	v44 =	vld [tilespmem:s19+$0xEE00]  }
0x477: {  	[tilespmem:$0x1FC30] =	vst v46;
	v46 =	vld [tilespmem:s19+$0xAC30]  }
0x478: {  	[tilespmem:$0x1FC40] =	vst v47;
	v47 =	vld [tilespmem:s19+$0xEC30]  }
0x479: {  	[tilespmem:$0x1FC20] =	vst v45;
	v45 =	vld [tilespmem:s19+$0xEBB0]  }
0x47a: {  	[tilespmem:$0x1FC80] =	vst v58;
	v58 =	vld [tilespmem:s19+$0xAC20]  }
0x47b: {  	[tilespmem:$0x1FA70] =	vst v55;
	v55 =	vld [tilespmem:s19+$0xAC90]  }
0x47c: {  	[tilespmem:$0x1FA80] =	vst v12;
	v12 =	vld [tilespmem:s19+$0xAD00]  }
0x47d: {  	[tilespmem:$0x1FA20] =	vst v42;
	v42 =	vld [tilespmem:s19+$0xABA0]  }
0x47e: {  	[tilespmem:$0x1FC70] =	vst v57;
	v57 =	vld [tilespmem:s19+$0xEBA0]  }
0x47f: {  	[tilespmem:$0x1FC60] =	vst v56;
	v56 =	vld [tilespmem:s19+$0xAAB0]  }
0x480: {  	v54 =	vmul.f32 v54, v29;
	v29 =	vld [tilespmem:s19+$0xA930]  }
0x481: {  	v2 =	vmul.f32 v3, v2;
	v3 =	vmul.f32 v36, v31;
	v31 =	vld [tilespmem:s19+$0xE930]  }
0x482: {  	v36 =	vld [tilespmem:s19+$0xAA20]  }
0x483: {  	v59 =	vmul.f32 v62, v59;
	v62 =	vmul.f32 v37, v34;
	v37 =	vld [tilespmem:s19+$0xEA20];
	v2 =	vadd.f32 $0.0e+00, v2  }
0x484: {  	v34 =	vmul.f32 v50, v49;
	v50 =	vld [tilespmem:s19+$0xAA90];
	v0 =	vmul.f32 v1, v0  }
0x485: {  	v49 =	vld [tilespmem:$0x1FA20];
	v2 =	vadd.f32 v59, v2  }
0x486: {  	v4 =	vmul.f32 v5, v4;
	v1 =	vld [tilespmem:s19+$0xAB80];
	v0 =	vadd.f32 $0.0e+00, v0  }
0x487: {  	v10 =	vmul.f32 v11, v10;
	v59 =	vmul.f32 v38, v35;
	v35 =	vld [tilespmem:s19+$0xEB00];
	v2 =	vadd.f32 v34, v2  }
0x488: {  	v6 =	vmul.f32 v7, v6;
	v4 =	vadd.f32 $0.0e+00, v4;
	v38 =	vld [tilespmem:s19+$0xA920];
	v0 =	vadd.f32 v54, v0  }
0x489: {  	v34 =	vld [tilespmem:s19+$0xAB00];
	v2 =	vadd.f32 v59, v2;
	v59 =	vmul.f32 v40, v53;
	v54 =	vmul.f32 v63, v60  }
0x48a: {  	v40 =	vld [tilespmem:$0x1FA40];
	v53 =	vmul.f32 v52, v51;
	v51 =	vmul.f32 v61, v58;
	v0 =	vadd.f32 v3, v0  }
0x48b: {  	v61 =	vmul.f32 v47, v46;
	v60 =	vmul.f32 v48, v39;
	v4 =	vadd.f32 v54, v4;
	v54 =	vld [tilespmem:$0x1FA30]  }
0x48c: {  	v46 =	vld [tilespmem:s19+$0xE910];
	v63 =	vmul.f32 v13, v12;
	v0 =	vadd.f32 v62, v0;
	v62 =	vadd.f32 $0.0e+00, v10  }
0x48d: {  	v47 =	vld [tilespmem:s19+$0xA980];
	v4 =	vadd.f32 v60, v4  }
0x48e: {  	v39 =	vld [tilespmem:s19+$0xE920];
	v60 =	vadd.f32 $0.0e+00, v63;
	v63 =	vmul.f32 v20, v18;
	(xrf2) =	vadd.scan.msk.f32 $0xffff, v0;
	v0 =	vadd.f32 v6, v62  }
0x48f: {  	v3 =	vld [tilespmem:s19+$0xEA90];
	v62 =	vmul.f32 v9, v8;
	v6 =	vmul.f32 v41, v40  }
0x490: {  	v7 =	vmul.f32 v54, v49;
	v54 =	vadd.f32 $0.0e+00, v63;
	v63 =	vld [tilespmem:s19+$0xEA00];
	v0 =	vadd.f32 v59, v0  }
0x491: {  	(xrf2) =	vadd.scan.msk.f32 $0xffff, v2;
	v2 =	vadd.f32 v62, v60;
	v60 =	vld [tilespmem:$0x1FA60]  }
0x492: {  	v0 =	vadd.f32 v6, v0;
	v6 =	vld [tilespmem:s19+$0xAA00]  }
0x493: {  	v62 =	vld [tilespmem:$0x1FA70]  }
0x494: {  	v1 =	vmul.f32 v19, v1;
	v49 =	vld [tilespmem:s19+$0xEA80]  }
0x495: {  	v59 =	vmul.f32 v15, v25;
	v4 =	vadd.f32 v7, v4;
	v7 =	vld [tilespmem:s19+$0xAA80]  }
0x496: {  	v48 =	vld [tilespmem:s19+$0xAA10];
	v58 =	vadd.f32 $0.0e+00, v1  }
0x497: {  	p0 =	sne.s32 s20, $0xE000;
	(xrf2) =	vadd.scan.msk.f32 $0xffff, v4;
	v4 =	vadd.f32 v59, v54;
	v59 =	vmul.f32 v17, v16;
	v52 =	vmul.f32 v63, v6;
	v63 =	vld [tilespmem:$0x1FA80]  }
.Ltmp1:
0x498: {  	v19 =	vld [tilespmem:$0x1FA50];
	v20 =	vmovc v23;
	v18 =	vmov v26;
	v2 =	vadd.f32 v53, v2;
	v5 =	vmul.f32 v62, v60;
	(pc) =	sbr.rel @p0 .LBB2_5-.Ltmp1, $4  }
0x499: {  	v41 =	vld [tilespmem:s19+$0xEA10];
	v50 =	vmul.f32 v3, v50;
	(xrf2) =	vadd.scan.msk.f32 $0xffff, v0;
	v4 =	vadd.f32 v51, v4;
	v0 =	vadd.f32 v59, v58  }
0x49a: {  	v40 =	vld [tilespmem:s19+$0xA910];
	v15 =	vmovc v43;
	v62 =	vmul.f32 v57, v42;
	v60 =	vmul.f32 v49, v7;
	v2 =	vadd.f32 v5, v2  }
0x49b: {  	v43 =	vld [tilespmem:s19+$0xE900];
	v17 =	vmov v55;
	v16 =	vmov v44;
	v42 =	vadd.f32 v61, v4;
	v54, _, _ =	vpop (xrf2)  }
0x49c: {  	s20 =	sadd.s32 $0x2000, s20;
	v49 =	vld [tilespmem:s19+$0xA900];
	v51 =	vadd.f32 v62, v0;
	v53 =	vadd.f32 $0.0e+00, v60;
	(xrf2) =	vadd.scan.msk.f32 $0xffff, v2;
	v23, _, _ =	vpop (xrf2);
	v44 =	vmul.f32 v45, v63  }
0x49d: {  	v0 =	vld [tilespmem:s19+$0xE980]  }
0x49e: {  	v2 =	vld [tilespmem:s19+$0xA990]  }
0x49f: {  	v6 =	vld [tilespmem:s19+$0xE990]  }
0x4a0: {  	v9 =	vld [tilespmem:s19+$0xA9A0]  }
0x4a1: {  	v11 =	vld [tilespmem:s19+$0xE9A0]  }
0x4a2: {  	v12 =	vld [tilespmem:s19+$0xA9B0]  }
0x4a3: {  	v26 =	vmul.f32 v30, v27;
	v27 =	vld [tilespmem:s19+$0xE9B0]  }
0x4a4: {  	v25 =	vmul.f32 v28, v56;
	v28 =	vld [tilespmem:s19+$0xEB20]  }
0x4a5: {  	v7 =	vmul.f32 v33, v32;
	v32 =	vld [tilespmem:s19+$0xAB30]  }
0x4a6: {  	v30 =	vmul.f32 v35, v34;
	v34 =	vld [tilespmem:s19+$0xEB30]  }
0x4a7: {  	v63 =	vmul.f32 v37, v36;
	v37 =	vld [tilespmem:s19+$0xECA0]  }
0x4a8: {  	v55 =	vld [tilespmem:$0x1FC60]  }
0x4a9: {  	v56 =	vld [tilespmem:$0x1FC70]  }
0x4aa: {  	v57 =	vld [tilespmem:s19+$0xEFA0]  }
0x4ab: {  	v13 =	vmul.f32 v39, v38;
	v60 =	vld [tilespmem:$0x1FC30]  }
0x4ac: {  	v35 =	vmul.f32 v31, v29;
	v39 =	vmul.f32 v21, v20;
	v61 =	vld [tilespmem:$0x1FC40]  }
0x4ad: {  	v3 =	vadd.f32 $0.0e+00, v52;
	v62 =	vld [tilespmem:s19+$0xAFB0];
	v1 =	vmul.f32 v41, v48;
	v5 =	vmul.f32 v43, v49  }
0x4ae: {  	v20 =	vld [tilespmem:$0x1FC50];
	v4 =	vadd.f32 v50, v53;
	v8 =	vadd.f32 v44, v51;
	v0 =	vmul.f32 v0, v47  }
0x4af: {  	v50 =	vld [tilespmem:$0x1FC80];
	v10 =	vmul.f32 v46, v40;
	v1 =	vadd.f32 v1, v3;
	v5 =	vadd.f32 $0.0e+00, v5  }
0x4b0: {  	v51 =	vld [tilespmem:s19+$0xEE30];
	v4 =	vadd.f32 v7, v4;
	v2 =	vmul.f32 v6, v2;
	v0 =	vadd.f32 $0.0e+00, v0  }
0x4b1: {  	v36 =	vmul.f32 v24, v14;
	v40 =	vld [tilespmem:s19+$0xACB0];
	v3 =	vadd.f32 $0.0e+00, v30;
	v5 =	vadd.f32 v10, v5  }
0x4b2: {  	v46 =	vld [tilespmem:s19+$0xEE20];
	v1 =	vadd.f32 v63, v1;
	v33 =	vmul.f32 v11, v9;
	v0 =	vadd.f32 v2, v0  }
0x4b3: {  	(xrf2) =	vadd.scan.msk.f32 $0xffff, v42;
	v45 =	vmul.f32 v18, v17;
	v43 =	vld [tilespmem:s19+$0xECB0];
	v4 =	vadd.f32 v25, v4;
	v5 =	vadd.f32 v13, v5  }
0x4b4: {  	(xrf2) =	vadd.scan.msk.f32 $0xffff, v8;
	v49 =	vld [tilespmem:s19+$0xAE30];
	v38 =	vmul.f32 v27, v12;
	v1 =	vadd.f32 v26, v1;
	v0 =	vadd.f32 v33, v0  }
0x4b5: {  	v3 =	vadd.f32 v36, v3;
	v42 =	vmul.f32 v28, v22;
	v25 =	vld [tilespmem:$0x1FC10];
	(xrf2) =	vadd.scan.msk.f32 $0xffff, v4;
	v41 =	vadd.f32 v35, v5  }
0x4b6: {  	v44 =	vadd.f32 $0.0e+00, v39;
	v47 =	vmul.f32 v34, v32;
	v32 =	vld [tilespmem:$0x1FC00];
	(xrf2) =	vadd.scan.msk.f32 $0xffff, v1;
	v0 =	vadd.f32 v38, v0  }
0x4b7: {  	v48 =	vmul.f32 v16, v15;
	v3 =	vadd.f32 v42, v3;
	v26 =	vld [tilespmem:$0x1FC20];
	(xrf2) =	vadd.scan.msk.f32 $0xffff, v41  }
0x4b8: {  	v34 =	vld [tilespmem:$0x1FBF0];
	v1 =	vadd.f32 v45, v44;
	v2 =	vmul.f32 v37, v50;
	(xrf2) =	vadd.scan.msk.f32 $0xffff, v0  }
0x4b9: {  	v53 =	vadd.f32 $0.0e+00, v48;
	v4 =	vmul.f32 v56, v55;
	v52 =	vadd.f32 v47, v3;
	v33 =	vld [tilespmem:$0x1FBE0]  }
0x4ba: {  	v21 =	vld [tilespmem:s19+$0xEFB0];
	v58, _, _ =	vpop (xrf2);
	v6 =	vmul.f32 v61, v60;
	v59 =	vmul.f32 v43, v40;
	v1 =	vadd.f32 v2, v1  }
0x4bb: {  	v63, _, _ =	vpop (xrf2);
	v3 =	vadd.f32 v4, v53;
	v4 =	vmul.f32 v46, v20;
	v37 =	vld [tilespmem:$0x1FBD0];
	(xrf2) =	vadd.scan.msk.f32 $0xffff, v52  }
0x4bc: {  	v30 =	vld [tilespmem:s19+$0xF0A0];
	v24 =	vadd.f32 $0.0e+00, v6;
	v22, _, _ =	vpop (xrf2);
	v6 =	vmul.f32 v26, v25;
	v1 =	vadd.f32 v59, v1  }
0x4bd: {  	v27 =	vld [tilespmem:s19+$0xB0A0];
	v29 =	vmul.f32 v51, v49;
	v28, _, _ =	vpop (xrf2);
	v3 =	vadd.f32 v4, v3  }
0x4be: {  	v5 =	vmul.f32 v57, v32;
	v35 =	vld [tilespmem:s19+$0xB0B0];
	v31, _, _ =	vpop (xrf2);
	v2 =	vadd.f32 v6, v24;
	v6 =	vmul.f32 v34, v33;
	(xrf2) =	vadd.scan.msk.f32 $0xffff, v1  }
0x4bf: {  	v40 =	vmul.f32 v21, v62;
	v3 =	vadd.f32 v29, v3;
	v38 =	vld [tilespmem:s19+$0xF0B0];
	v36, _, _ =	vpop (xrf2)  }
0x4c0: {  	v4 =	vmul.f32 v37, v19;
	v2 =	vadd.f32 v5, v2;
	v6 =	vadd.f32 $0.0e+00, v6;
	v39, _, _ =	vpop (xrf2)  }
0x4c1: {  	(xrf2) =	vadd.scan.msk.f32 $0xffff, v3;
	v41, _, _ =	vpop (xrf2)  }
0x4c2: {  	v43 =	vmul.f32 v30, v27;
	v2 =	vadd.f32 v40, v2;
	v42 =	vadd.f32 v4, v6;
	v44, _, _ =	vpop (xrf2)  }
0x4c3: {  	v45 =	vbroadcast v41, $0xF;
	v5 =	vbroadcast v44, $0xF  }
0x4c4: {  	v47 =	vmul.f32 v38, v35;
	v46 =	vbroadcast v39, $0xF;
	(xrf2) =	vadd.scan.msk.f32 $0xffff, v2;
	v3 =	vadd.f32 v43, v42  }
0x4c5: {  	v1 =	vbroadcast v36, $0xF;
	v49, _, _ =	vpop (xrf2);
	v48 =	vsel vm2, v45, v5  }
0x4c6: {  	v3 =	vadd.f32 v47, v3;
	v5 =	vbroadcast v49, $0xF;
	v2 =	vsel vm3, v48, v46  }
0x4c7: {  	v50 =	vbroadcast v31, $0xF;
	v1 =	vsel vm4, v2, v1  }
0x4c8: {  	v51 =	vbroadcast v28, $0xF;
	(xrf2) =	vadd.scan.msk.f32 $0xffff, v3;
	v52, _, _ =	vpop (xrf2);
	v1 =	vsel vm5, v1, v5  }
0x4c9: {  	v53 =	vbroadcast v52, $0xF;
	v1 =	vsel vm6, v1, v50  }
0x4ca: {  	v0 =	vbroadcast v22, $0xF;
	v1 =	vsel vm7, v1, v51  }
0x4cb: {  	v55 =	vbroadcast v63, $0xF;
	v56, _, _ =	vpop (xrf2);
	v1 =	vsel vm8, v1, v53  }
0x4cc: {  	v57 =	vbroadcast v56, $0xF;
	v0 =	vsel vm1, v1, v0  }
0x4cd: {  	v58 =	vbroadcast v58, $0xF;
	v0 =	vsel vm9, v0, v55  }
0x4ce: {  	v59 =	vbroadcast v23, $0xF;
	v60, _, _ =	vpop (xrf2);
	v0 =	vsel vm10, v0, v57  }
0x4cf: {  	v61 =	vbroadcast v60, $0xF;
	v0 =	vsel vm11, v0, v58  }
0x4d0: {  	v62 =	vbroadcast v54, $0xF;
	v0 =	vsel vm12, v0, v59  }
0x4d1: {  	v0 =	vsel vm13, v0, v61  }
0x4d2: {  	v63, _, _ =	vpop (xrf2);
	v0 =	vsel vm14, v0, v62  }
0x4d3: {  	v0 =	vsel vm15, v0, v63  }
0x4d4: {  	v0 =	vmul.f32 $-1.250000000e-01, v0;
	_ =	sdelay $0x1  }
0x4d5: {  	v0 =	vmul.f32 $1.442695020e+00, v0;
	_ =	sdelay $0x1  }
0x4d6: {  	(erf) = vpow2.f32 v0;
	_ =	sdelay $0x8  }
0x4d7: {  	v0 =	vpop (erf)  }
0x4d8: {  	v0 =	vadd.f32 $1.000000000e+00, v0;
	_ =	sdelay $0x1  }
0x4d9: {  	(erf) = vrcp.f32 v0;
	_ =	sdelay $0x8  }
0x4da: {  	s18 =	sadd.s32 $0x10, s18;
	v0 =	vpop (erf)  }
0x4db: {  	[tilespmem:s18+$0x0] =	vst v0  }
0x4dc: {  	[spmem:s3] =	stream.indirect.scatter.add.f32 [tilespmem:s11], [sflag:$0x4], $0x1, s15, s7, $0xb8;
	[tilespmem:$0x12F80] =	vst v63  }
0x4dd: {  	s17 =	sadd.s32 $0x1, s17;
	_ =	swait.ge [sflag:s12], $0x80  }
0x4de: {  	p0 =	sne.s32 s17, $0x14;
	[sflag:s12] =	ssyncset.done $0x0  }
.Ltmp2:
0x4df: {  	[sflag:s12] =	ssyncadd.s32 $0xFFFFFF80;
	(pc) =	sbr.rel @p0 .LBB2_2-.Ltmp2, $4  }
0x4e0: {  	[spmem:s4] =	stream.indirect.scatter.add.f32 [tilespmem:s13], [sflag:$0x3], $0x1, s15, s7, $0xb8;
	[tilespmem:$0x12F80] =	vst v63  }
0x4e1: {  	_ =	swait.ge [sflag:s31], $0x80  }
0x4e2: {  	[sflag:s31] =	ssyncset.done $0x0  }
0x4e3: {  	[sflag:s31] =	ssyncadd.s32 $0xFFFFFF80  }
0x4e4: {  	[bflag:$0x0] =	sbarrier.arrive $0xFFFF  }
0x4e5: {  	[tilespmem:s0], [sflag:$0x3] =	stream.linear.gather [spmem:s29], $0x80, $0x38;
	[tilespmem:$0x12F80] =	vst v63  }
0x4e6: {  	_ =	swait.ge [sflag:s31], $0x80  }
0x4e7: {  	[sflag:s31] =	ssyncset.done $0x0  }
0x4e8: {  	s17 =	rddreg [dreg:$0x7];
	[sflag:s31] =	ssyncadd.s32 $0xFFFFFF80  }
0x4e9: {  	[hbm4b:s17+s5] =	stream.linear.scatter [tilespmem:s0], [sflag:$0x3], $0x80, $0x38;
	[tilespmem:$0x12F80] =	vst v63  }
0x4ea: {  	_ =	swait.ge [sflag:s31], $0x80  }
0x4eb: {  	[sflag:s31] =	ssyncset.done $0x0  }
0x4ec: {  	[sflag:s31] =	ssyncadd.s32 $0xFFFFFF80  }
0x4ed: {  	[tilespmem:s0], [sflag:$0x3] =	stream.linear.gather [spmem:s23], $0x80, $0x38;
	[tilespmem:$0x12F80] =	vst v63  }
0x4ee: {  	_ =	swait.ge [sflag:s31], $0x80  }
0x4ef: {  	[sflag:s31] =	ssyncset.done $0x0  }
0x4f0: {  	s21 =	rddreg [dreg:$0x8];
	[sflag:s31] =	ssyncadd.s32 $0xFFFFFF80  }
0x4f1: {  	[hbm4b:s21+s5] =	stream.linear.scatter [tilespmem:s0], [sflag:$0x3], $0x80, $0x38;
	[tilespmem:$0x12F80] =	vst v63  }
0x4f2: {  	_ =	swait.ge [sflag:s31], $0x80  }
0x4f3: {  	[sflag:s31] =	ssyncset.done $0x0  }
0x4f4: {  	[sflag:s31] =	ssyncadd.s32 $0xFFFFFF80  }
0x4f5: {  	[tilespmem:s0], [sflag:$0x3] =	stream.linear.gather [spmem:s24], $0x80, $0x38;
	[tilespmem:$0x12F80] =	vst v63  }
0x4f6: {  	_ =	swait.ge [sflag:s31], $0x80  }
0x4f7: {  	[sflag:s31] =	ssyncset.done $0x0  }
0x4f8: {  	s22 =	rddreg [dreg:$0x9];
	[sflag:s31] =	ssyncadd.s32 $0xFFFFFF80  }
0x4f9: {  	[hbm4b:s22+s5] =	stream.linear.scatter [tilespmem:s0], [sflag:$0x3], $0x80, $0x38;
	[tilespmem:$0x12F80] =	vst v63  }
0x4fa: {  	_ =	swait.ge [sflag:s31], $0x80  }
0x4fb: {  	[sflag:s31] =	ssyncset.done $0x0  }
0x4fc: {  	[sflag:s31] =	ssyncadd.s32 $0xFFFFFF80  }
0x4fd: {  	[tilespmem:s0], [sflag:$0x3] =	stream.linear.gather [spmem:s26], $0x80, $0x38;
	[tilespmem:$0x12F80] =	vst v63  }
0x4fe: {  	_ =	swait.ge [sflag:s31], $0x80  }
0x4ff: {  	[sflag:s31] =	ssyncset.done $0x0  }
0x500: {  	s19 =	smov.u32 s23;
	s23 =	rddreg [dreg:$0xa];
	[sflag:s31] =	ssyncadd.s32 $0xFFFFFF80  }
0x501: {  	[hbm4b:s23+s5] =	stream.linear.scatter [tilespmem:s0], [sflag:$0x3], $0x80, $0x38;
	[tilespmem:$0x12F80] =	vst v63  }
0x502: {  	_ =	swait.ge [sflag:s31], $0x80  }
0x503: {  	[sflag:s31] =	ssyncset.done $0x0  }
0x504: {  	s21 =	smov.u32 s26;
	s26 =	rddreg [dreg:$0x17];
	[sflag:s31] =	ssyncadd.s32 $0xFFFFFF80  }
0x505: {  	[tilespmem:s0], [sflag:$0x3] =	stream.linear.gather [spmem:s26], $0x80, $0x38;
	[tilespmem:$0x12F80] =	vst v63  }
0x506: {  	_ =	swait.ge [sflag:s31], $0x80  }
0x507: {  	[sflag:s31] =	ssyncset.done $0x0  }
0x508: {  	s20 =	smov.u32 s24;
	s24 =	rddreg [dreg:$0xb];
	[sflag:s31] =	ssyncadd.s32 $0xFFFFFF80  }
0x509: {  	[hbm4b:s24+s5] =	stream.linear.scatter [tilespmem:s0], [sflag:$0x3], $0x80, $0x38;
	[tilespmem:$0x12F80] =	vst v63  }
0x50a: {  	_ =	swait.ge [sflag:s31], $0x80  }
0x50b: {  	[sflag:s31] =	ssyncset.done $0x0  }
0x50c: {  	s28 =	rddreg [dreg:$0x14];
	[sflag:s31] =	ssyncadd.s32 $0xFFFFFF80  }
0x50d: {  	[tilespmem:s0], [sflag:$0x3] =	stream.linear.gather [spmem:s28], $0x80, $0x38;
	[tilespmem:$0x12F80] =	vst v63  }
0x50e: {  	_ =	swait.ge [sflag:s31], $0x80  }
0x50f: {  	[sflag:s31] =	ssyncset.done $0x0  }
0x510: {  	s18 =	smov.u32 s29;
	s29 =	rddreg [dreg:$0xc];
	[sflag:s31] =	ssyncadd.s32 $0xFFFFFF80  }
0x511: {  	[hbm4b:s29+s5] =	stream.linear.scatter [tilespmem:s0], [sflag:$0x3], $0x80, $0x38;
	[tilespmem:$0x12F80] =	vst v63  }
0x512: {  	_ =	swait.ge [sflag:s31], $0x80  }
0x513: {  	[sflag:s31] =	ssyncset.done $0x0  }
0x514: {  	s30 =	rddreg [dreg:$0x12];
	[sflag:s31] =	ssyncadd.s32 $0xFFFFFF80  }
0x515: {  	[tilespmem:s0], [sflag:$0x3] =	stream.linear.gather [spmem:s30], $0x80, $0x38;
	[tilespmem:$0x12F80] =	vst v63  }
0x516: {  	_ =	swait.ge [sflag:s31], $0x80  }
0x517: {  	[sflag:s31] =	ssyncset.done $0x0  }
0x518: {  	s22 =	rddreg [dreg:$0xd];
	[sflag:s31] =	ssyncadd.s32 $0xFFFFFF80  }
0x519: {  	[hbm4b:s22+s5] =	stream.linear.scatter [tilespmem:s0], [sflag:$0x3], $0x80, $0x38;
	[tilespmem:$0x12F80] =	vst v63  }
0x51a: {  	_ =	swait.ge [sflag:s31], $0x80  }
0x51b: {  	[sflag:s31] =	ssyncset.done $0x0  }
0x51c: {  	s22 =	rddreg [dreg:$0x13];
	[sflag:s31] =	ssyncadd.s32 $0xFFFFFF80  }
0x51d: {  	[tilespmem:s0], [sflag:$0x3] =	stream.linear.gather [spmem:s22], $0x80, $0x38;
	[tilespmem:$0x12F80] =	vst v63  }
0x51e: {  	_ =	swait.ge [sflag:s31], $0x80  }
0x51f: {  	[sflag:s31] =	ssyncset.done $0x0  }
0x520: {  	s23 =	rddreg [dreg:$0xe];
	[sflag:s31] =	ssyncadd.s32 $0xFFFFFF80  }
0x521: {  	[hbm4b:s23+s5] =	stream.linear.scatter [tilespmem:s0], [sflag:$0x3], $0x80, $0x38;
	[tilespmem:$0x12F80] =	vst v63  }
0x522: {  	_ =	swait.ge [sflag:s31], $0x80  }
0x523: {  	[sflag:s31] =	ssyncset.done $0x0  }
0x524: {  	s23 =	rddreg [dreg:$0x15];
	[sflag:s31] =	ssyncadd.s32 $0xFFFFFF80  }
0x525: {  	[tilespmem:s0], [sflag:$0x3] =	stream.linear.gather [spmem:s23], $0x80, $0x38;
	[tilespmem:$0x12F80] =	vst v63  }
0x526: {  	_ =	swait.ge [sflag:s31], $0x80  }
0x527: {  	[sflag:s31] =	ssyncset.done $0x0  }
0x528: {  	s24 =	rddreg [dreg:$0xf];
	[sflag:s31] =	ssyncadd.s32 $0xFFFFFF80  }
0x529: {  	[hbm4b:s24+s5] =	stream.linear.scatter [tilespmem:s0], [sflag:$0x3], $0x80, $0x38;
	[tilespmem:$0x12F80] =	vst v63  }
0x52a: {  	_ =	swait.ge [sflag:s31], $0x80  }
0x52b: {  	[sflag:s31] =	ssyncset.done $0x0  }
0x52c: {  	s24 =	rddreg [dreg:$0x16];
	[sflag:s31] =	ssyncadd.s32 $0xFFFFFF80  }
0x52d: {  	[tilespmem:s0], [sflag:$0x3] =	stream.linear.gather [spmem:s24], $0x80, $0x38;
	[tilespmem:$0x12F80] =	vst v63  }
0x52e: {  	_ =	swait.ge [sflag:s31], $0x80  }
0x52f: {  	[sflag:s31] =	ssyncset.done $0x0  }
0x530: {  	s29 =	rddreg [dreg:$0x10];
	[sflag:s31] =	ssyncadd.s32 $0xFFFFFF80  }
0x531: {  	[hbm4b:s29+s5] =	stream.linear.scatter [tilespmem:s0], [sflag:$0x3], $0x80, $0x38;
	[tilespmem:$0x12F80] =	vst v63  }
0x532: {  	_ =	swait.ge [sflag:s31], $0x80  }
0x533: {  	s16 =	sadd.s32 $0x1, s16;
	s29 =	rddreg [dreg:$0x11]  }
0x534: {  	p0 =	sne.s32 s16, s29  }
.Ltmp3:
0x535: {  	_ = 	snop;
	(pc) =	sbr.rel @p0 .LBB2_1-.Ltmp3, $3  }
0x536: {  	_ =	sdelay $0x1  }
0x537: {  	[sflag:s31] =	ssyncset.done $0x0  }
0x538: {  	[sflag:s31] =	ssyncadd.s32 $0xFFFFFF80  }
0x539: {  	_ =	sfence.sel $0x180000  }
0x53a: {  	[bflag:$0x0] =	sbarrier.arrive $0xFFFF  }
0x53b: {  	_ =	strace $0x90000047  }
0x53c: {  	s0 =	stileid.u32;
	[bflag:$0x2] =	sbarrier.arrive $0xFFFF  }
0x53d: {  	p0 =	sne.s32 s0, $0x0;
	s0 =	rddreg [dreg:$0x4]  }
0x53e: {  	s0 =	sadd.s32 @!p0 $0x100000, s0  }
0x53f: {  	[sflag:s0] =	ssyncadd.tile.s32 @!p0 $0x1;
	_ =	shalt  }
.Lfunc_end2:
_tile_overlayer_lowered:
.L_overlay_start_2:
0x540: {  	(tag) =	ssettag $0x2  }
0x541: {  	s0 =	rddreg [dreg:$0x0];
	s2 =	stileid.u32  }
0x542: {  	s1 =	rddreg [dreg:$0x1];
	p0 =	sne.s32 s2, $0x0  }
0x543: {  	s3 =	rddreg [dreg:$0x2];
	[bflag:$0x3] =	sbarrier.arrive $0xFFFF;
	s2 =	simm.s32 @!p0 $0x1C03  }
0x544: {  	[timem:s3], [sflag:s2] =	dma.local @!p0 [hbm:s0], s1  }
0x545: {  	s0 =	simm.s32 @!p0 $0x3  }
0x546: {  	_ =	swait.ge @!p0 [sflag:s0], s1  }
0x547: {  	s1 =	ssub.s32 @!p0 $0x0, s1;
	[sflag:s0] =	ssyncset.done @!p0 $0x0  }
0x548: {  	[sflag:s0] =	ssyncadd.s32 @!p0 s1  }
0x549: {  	[bflag:$0x3] =	sbarrier.arrive $0xFFFF  }
0x54a: {  	_ =	shalt  }

</sc_bundles>
